<compile_context>
chip_gen: v7x
topology: tpu7x:2x2x1
jax: 0.10.2.dev20260603
libtpu: 0.0.44.dev20260713+nightly
codegen_flags: <defaults>
</compile_context>

<pallas_src>
import functools

import jax
import jax.numpy as jnp
from jax import lax
from jax.experimental import pallas as pl
from jax.experimental.pallas import tpu as pltpu
from jax.experimental.pallas import tpu_sc as plsc

_N = 32768
_B = 128
_K = 256
_TEMPERATURE = 0.5

_NT = 16
_NL = _N // _NT
_NV = _NL // 16
_CAP = 64
_PK = 512
_ROWS = _B // _NT
_TOPBUF = 1152
_SENT_IDX = 0x3FFFFFFF


def _lane():
    return lax.iota(jnp.int32, 16)


def _splat(x, dtype=jnp.int32):
    return jnp.full((16,), x, dtype)


def _popcnt(mask):
    return plsc.all_reduce_population_count(mask)


def _bcast(v, i):
    idx = (_splat(0) + i).reshape(16, 1)
    return lax.gather(
        v, idx,
        dimension_numbers=lax.GatherDimensionNumbers(
            offset_dims=(), collapsed_slice_dims=(0,), start_index_map=(0,)),
        slice_sizes=(1,),
        mode=lax.GatherScatterMode.PROMISE_IN_BOUNDS)


def _sc_body(xflat, logits, gnoise, weights, out_ws, out_idx,
             keys_v, bk_v, bi_v, hist, hm, hidx, cand_k, cand_i, pidx, rank16,
             pk_v, pi_v, cnt_v, cntall_v, senti_v,
             idx256, w256, gidx, xg, zeros_v, rowsums_v,
             sem,
             sh_hist, sh_cnt, sh_pk, sh_pi, sh_top, sh_sums):
    wid = lax.axis_index("s")
    lanes = _lane()
    scope = jax.named_scope

    base = wid * _NL
    with scope("p1_load"):
        in_copies = [
            pltpu.async_copy(logits.at[pl.ds(base, _NL)],
                             xg.at[pl.ds(0, _NL)], sem),
            pltpu.async_copy(gnoise.at[pl.ds(base, _NL)],
                             xg.at[pl.ds(_NL, _NL)], sem),
            pltpu.async_copy(weights, w256, sem),
        ]

    def _hzero(j, _):
        for u in range(4):
            hist[pl.ds((j * 4 + u) * 16, 16)] = _splat(0)
        return 0

    lax.fori_loop(0, 65, _hzero, 0)

    def _hidx_step(j, _):
        r = j // 8
        q = j % 8
        hidx[r, pl.ds(q * 16, 16)] = _splat(r * 128 + q * 16) + lanes
        return 0

    lax.fori_loop(0, 64, _hidx_step, 0)

    def _zero_step(j, _):
        zeros_v[pl.ds(j * 16, 16)] = _splat(0)
        return 0

    lax.fori_loop(0, 16, _zero_step, 0)
    senti_v[pl.ds(0, 16)] = _splat(_SENT_IDX)
    senti_v[pl.ds(16, 16)] = _splat(_SENT_IDX)

    @pl.when(wid == 0)
    def _():
        for q in range(4):
            pltpu.sync_copy(zeros_v, sh_hist.at[pl.ds(q * 256, 256)])

    ones = _splat(1)
    with scope("p1_wait"):
        for c in in_copies:
            c.wait()

    def _keys_step(j, _):
        for u in range(2):
            o = (j * 2 + u) * 16
            y = xg[pl.ds(o, 16)] + xg[pl.ds(_NL + o, 16)]
            bits = lax.bitcast_convert_type(y, jnp.int32)
            ubits = plsc.bitcast(bits, jnp.uint32)
            key = jnp.where(bits < 0, ~ubits, ubits | jnp.uint32(0x80000000))
            keys_v[pl.ds(o, 16)] = key
            digit = (key >> jnp.uint32(24)).astype(jnp.int32)
            plsc.addupdate_scatter(hist, [lanes * 257 + digit], ones)
        return 0

    with scope("p1_keys"):
        lax.fori_loop(0, _NV // 2, _keys_step, 0)
    with scope("bar1"):
        plsc.subcore_barrier()

    prefix = _splat(0, jnp.uint32)
    rem = _splat(_K)
    for p, shift in enumerate((24, 16, 8, 0)):
        maskhi = jnp.uint32((0xFFFFFF00 << shift) & 0xFFFFFFFF)

        if p > 0:
            def _hfill(j, _, _prefix=prefix, _shift=shift, _maskhi=maskhi):
                k = bk_v[pl.ds(j * 16, 16)]
                match = (k & _maskhi) == (_prefix & _maskhi)
                digit = ((k >> jnp.uint32(_shift))
                         & jnp.uint32(0xFF)).astype(jnp.int32)
                plsc.addupdate_scatter(hist, [lanes * 257 + digit],
                                       ones, mask=match)
                return 0

            with scope("p2_fill"):
                lax.fori_loop(0, nb_s, _hfill, 0)

        def _hreduce(j, _):
            acc = hist[pl.ds(j * 16, 16)]
            hist[pl.ds(j * 16, 16)] = _splat(0)
            for l in range(1, 16):
                acc = acc + hist[pl.ds(l * 257 + j * 16, 16)]
                hist[pl.ds(l * 257 + j * 16, 16)] = _splat(0)
            hm[pl.ds(j * 16, 16)] = acc
            return 0

        with scope("p2_reduce"):
            lax.fori_loop(0, 16, _hreduce, 0)

        with scope("p2_merge"):
            pltpu.sync_copy(hm.at[pl.ds(0, 128)],
                            sh_hist.at[hidx.at[2 * p]], add=True)
            pltpu.sync_copy(hm.at[pl.ds(128, 128)],
                            sh_hist.at[hidx.at[2 * p + 1]], add=True)
        if p == 3:
            pltpu.sync_copy(zeros_v.at[pl.ds(0, 32)],
                            sh_pk.at[pl.ds(wid * 32, 32)])
            pltpu.sync_copy(senti_v, sh_pi.at[pl.ds(wid * 32, 32)])
        with scope("p2_bar"):
            plsc.subcore_barrier()
        with scope("p2_read"):
            pltpu.sync_copy(sh_hist.at[pl.ds(p * 256, 256)], hm)

        def _select(t, carry):
            B, sfxB, hB, above = carry
            vj = 15 - t
            v = hm[pl.ds(vj * 16, 16)]
            sfx = lax.rev(plsc.cumsum(lax.rev(v, (0,))), (0,)) + above
            cond = sfx >= rem
            cnt = _popcnt(cond)
            first = (B < 0) & (cnt > 0)
            this_b = _splat(vj * 16) + cnt - 1
            sel = jnp.maximum(cnt - 1, 0)
            B = jnp.where(first, this_b, B)
            hB = jnp.where(first, _bcast(v, sel), hB)
            sfxB = jnp.where(first, _bcast(sfx, sel), sfxB)
            above = _bcast(sfx, _splat(0))
            return B, sfxB, hB, above

        with scope("p2_select"):
            B, sfxB, hB, _ = lax.fori_loop(
                0, 16, _select,
                (_splat(-1), _splat(0), _splat(0), _splat(0)))
        rem = rem - (sfxB - hB)
        prefix = prefix | (B.astype(jnp.uint32) << jnp.uint32(shift))

        if p == 0:
            b0 = prefix >> jnp.uint32(24)

            def _bcompact(j, boff):
                k = keys_v[pl.ds(j * 16, 16)]
                m = (k >> jnp.uint32(24)) >= b0
                plsc.store_compressed(bk_v.at[pl.ds(boff, 16)], k, mask=m)
                gi = _splat(j * 16) + lanes + base
                plsc.store_compressed(bi_v.at[pl.ds(boff, 16)], gi, mask=m)
                return boff + _popcnt(m)[0]

            with scope("p2_bcompact"):
                boff_s = lax.fori_loop(0, _NV, _bcompact, wid * 0)
                bk_v[pl.ds(boff_s, 16)] = _splat(0, jnp.uint32)
            nb_s = (boff_s + 15) // 16

    def _compact(j, cnt):
        k = bk_v[pl.ds(j * 16, 16)]
        m = k >= prefix
        pos = cnt + plsc.cumsum(jnp.where(m, 1, 0)) - 1
        pos = jnp.minimum(pos, _CAP - 1)
        plsc.store_scatter(cand_k, [pos],
                           plsc.bitcast(k, jnp.int32), mask=m)
        gi = bi_v[pl.ds(j * 16, 16)]
        plsc.store_scatter(cand_i, [pos], gi, mask=m)
        return cnt + _popcnt(m)

    with scope("p3_compact"):
        cnt = lax.fori_loop(0, nb_s, _compact, _splat(0))
    cnt = jnp.minimum(cnt, _CAP)

    cnt_v[...] = cnt
    with scope("p3_cntx"):
        pltpu.sync_copy(cnt_v, sh_cnt.at[pl.ds(wid * 16, 16)])
        plsc.subcore_barrier()
        pltpu.sync_copy(sh_cnt, cntall_v)

    pbase = _splat(0)
    ntot = _splat(0)
    for t in range(_NT):
        v = cntall_v[pl.ds(t * 16, 16)]
        pbase = pbase + jnp.where(_splat(t) < wid, v, 0)
        ntot = ntot + v

    def _pidx_step(q, _):
        slot = _splat(q * 16) + lanes
        pos = jnp.where(slot < cnt, pbase + slot, _splat(_PK) + wid)
        pidx[pl.ds(q * 16, 16)] = jnp.minimum(pos, _PK + 63)
        return 0

    with scope("p3_pack"):
        lax.fori_loop(0, _CAP // 16, _pidx_step, 0)
        pltpu.sync_copy(cand_k, sh_pk.at[pidx])
        pltpu.sync_copy(cand_i, sh_pi.at[pidx])
        plsc.subcore_barrier()
        pltpu.sync_copy(sh_pk.at[pl.ds(0, _PK)], pk_v)
        pltpu.sync_copy(sh_pi.at[pl.ds(0, _PK)], pi_v)

    ntot_s = ntot[0]

    with scope("p3_rank"):
        for rnd in range(2):
            vsel = wid if rnd == 0 else 16 + (15 - wid)

            @pl.when(ntot_s > vsel * 16)
            def _():
                ck = plsc.bitcast(pk_v[pl.ds(vsel * 16, 16)], jnp.uint32)
                ci = pi_v[pl.ds(vsel * 16, 16)]

                def _rank(e, r):
                    ke = plsc.bitcast(
                        plsc.load_gather(pk_v, [_splat(0) + e]), jnp.uint32)
                    ie = plsc.load_gather(pi_v, [_splat(0) + e])
                    gt = ke > ck
                    tie = (ke == ck) & (ie < ci)
                    return r + gt.astype(jnp.int32) + tie.astype(jnp.int32)

                r = lax.fori_loop(0, ntot_s, _rank, _splat(0))
                rank16[...] = jnp.minimum(r, _TOPBUF - 1)
                pltpu.sync_copy(pi_v.at[pl.ds(vsel * 16, 16)],
                                sh_top.at[rank16])

    with scope("p3_rankbar"):
        plsc.subcore_barrier()

    with scope("p4_idx"):
        pltpu.sync_copy(sh_top.at[pl.ds(0, _K)], idx256)

    def _cphys_step(q, _):
        cj = idx256[pl.ds(q * 16, 16)]
        idx256[pl.ds(q * 16, 16)] = ((cj >> 7) << 10) | (cj & 127)
        return 0

    def _gfill(j, _):
        r = j // 16
        q = j % 16
        b = wid * _ROWS + r
        rb = (b // 8) * (_N * 8) + (b % 8) * 128
        gidx[pl.ds(j * 16, 16)] = idx256[pl.ds(q * 16, 16)] + rb
        return 0

    with scope("p4_gidx"):
        lax.fori_loop(0, _K // 16, _cphys_step, 0)
        lax.fori_loop(0, _ROWS * 16, _gfill, 0)

    copies = []
    for r in range(_ROWS):
        for h in range(2):
            o = r * _K + h * 128
            copies.append(pltpu.async_copy(
                xflat.at[gidx.at[pl.ds(o, 128)]],
                xg.at[pl.ds(o, 128)], sem))
    with scope("p4_gather"):
        for c in copies:
            c.wait()

    def _wsum(r, sums):
        def _acc(q, a):
            a0 = a + xg[pl.ds(r * _K + q * 32, 16)] * w256[pl.ds(q * 32, 16)]
            return a0 + (xg[pl.ds(r * _K + q * 32 + 16, 16)]
                         * w256[pl.ds(q * 32 + 16, 16)])
        acc = lax.fori_loop(0, _K // 32, _acc, jnp.zeros((16,), jnp.float32))
        s = jnp.sum(acc)
        return jnp.where(lanes == r, jnp.full((16,), s, jnp.float32), sums)

    with scope("p4_wsum"):
        sums = lax.fori_loop(0, _ROWS, _wsum, jnp.zeros((16,), jnp.float32))
    rowsums_v[...] = sums
    with scope("p4_out"):
        pltpu.sync_copy(rowsums_v.at[pl.ds(0, _ROWS)],
                        sh_sums.at[pl.ds(wid * _ROWS, _ROWS)])
        plsc.subcore_barrier()

    @pl.when(wid == 0)
    def _():
        pltpu.sync_copy(sh_sums, out_ws)
        pltpu.sync_copy(sh_top.at[pl.ds(0, _K)], out_idx)


@functools.partial(jax.jit, static_argnums=())
def _run(xflat, logits, gnoise, weights):
    mesh = plsc.VectorSubcoreMesh(
        core_axis_name="c", subcore_axis_name="s", num_cores=1)
    kern = pl.kernel(
        _sc_body,
        out_type=(
            jax.ShapeDtypeStruct((_B,), jnp.float32),
            jax.ShapeDtypeStruct((_K,), jnp.int32),
        ),
        mesh=mesh,
        compiler_params=pltpu.CompilerParams(needs_layout_passes=False),
        scratch_types=[
            pltpu.VMEM((_NL,), jnp.uint32),
            pltpu.VMEM((_NL + 16,), jnp.uint32),
            pltpu.VMEM((_NL + 16,), jnp.int32),
            pltpu.VMEM((16 * 257 + 15,), jnp.int32),
            pltpu.VMEM((256,), jnp.int32),
            pltpu.VMEM((8, 128), jnp.int32),
            pltpu.VMEM((_CAP,), jnp.int32),
            pltpu.VMEM((_CAP,), jnp.int32),
            pltpu.VMEM((_CAP,), jnp.int32),
            pltpu.VMEM((16,), jnp.int32),
            pltpu.VMEM((_PK,), jnp.int32),
            pltpu.VMEM((_PK,), jnp.int32),
            pltpu.VMEM((16,), jnp.int32),
            pltpu.VMEM((256,), jnp.int32),
            pltpu.VMEM((32,), jnp.int32),
            pltpu.VMEM((_K,), jnp.int32),
            pltpu.VMEM((_K,), jnp.float32),
            pltpu.VMEM((_ROWS * _K,), jnp.int32),
            pltpu.VMEM((2 * _NL,), jnp.float32),
            pltpu.VMEM((256,), jnp.int32),
            pltpu.VMEM((16,), jnp.float32),
            pltpu.SemaphoreType.DMA,
            pltpu.VMEM_SHARED((1024,), jnp.int32),
            pltpu.VMEM_SHARED((256,), jnp.int32),
            pltpu.VMEM_SHARED((_PK + 64,), jnp.int32),
            pltpu.VMEM_SHARED((_PK + 64,), jnp.int32),
            pltpu.VMEM_SHARED((_TOPBUF,), jnp.int32),
            pltpu.VMEM_SHARED((_B,), jnp.float32),
        ],
    )
    return kern(xflat, logits, gnoise, weights)


def kernel(x, logits, output_weights):
    gkey = jax.random.key(42)
    u = jax.random.uniform(gkey, (1, _N), dtype=jnp.float32)
    eps = 1e-20
    g = (-jnp.log(-jnp.log(u + eps) + eps)).reshape(-1)
    xp = x.reshape(16, 8, 256, 128).transpose(0, 2, 1, 3).reshape(-1)
    ws, idx = _run(xp, logits, g, output_weights)
    return (ws.reshape(_B, 1), idx.reshape(1, _K), output_weights)

# --- scband reference (transcript-rebuilt; emitter-appended) ---
"""Pipeline reference for scband-gumbel-selector-weighted-9345848836651 (READ-ONLY COPY).

The authoritative reference and input builder live on the scoring server;
editing this copy changes nothing except your own understanding.
"""

import jax, jax.numpy as jnp
import numpy as np

INPUT_SIZE = 32768
BATCH = 128
K = 256
TEMPERATURE = 0.5


def setup_inputs(seed: int = 0) -> dict:
    key = jax.random.key(seed)
    k1, k2, k3 = jax.random.split(key, 3)
    x = jax.random.normal(k1, (BATCH, INPUT_SIZE), dtype=jnp.float32)
    logits = jax.random.normal(k2, (INPUT_SIZE,), dtype=jnp.float32)
    output_weights = jax.random.uniform(k3, (K,), dtype=jnp.float32)
    return {"x": x, "logits": logits, "output_weights": output_weights}


def _sample_gumbel(key, shape, eps=1e-20):
    U = jax.random.uniform(key, shape, dtype=jnp.float32)
    return -jnp.log(-jnp.log(U + eps) + eps)


def reference(x, logits, output_weights):
    # gumbel_softmax_sample with hard=False
    gkey = jax.random.key(42)
    g = _sample_gumbel(gkey, (1, INPUT_SIZE))
    y = logits[None, :] + g
    probs = jax.nn.softmax(y / TEMPERATURE, axis=-1)  # [1, INPUT_SIZE]
    # top-k selection over the probability vector
    _, topk_indices = jax.lax.top_k(probs, K)  # [1, K]
    # gather the selected input columns: x[:, topk_indices[0]]
    selected_inputs = jnp.take(x, topk_indices[0], axis=1)  # [BATCH, K]
    weighted_sum = jnp.sum(selected_inputs * output_weights, axis=1, keepdims=True)  # [BATCH, 1]
    return (weighted_sum, topk_indices, output_weights)

if __name__ == "__main__":
    import jax
    _d = setup_inputs()
    print(jax.jit(kernel)(*tuple(_d.values())))

</pallas_src>

<mosaic_0001>
#map = affine_map<(d0, d1) -> (0)>
module attributes {stable_mosaic.version = 14 : i64} {
  func.func @_sc_body(%arg0: i32, %arg1: i32, %arg2: memref<4194304xf32, #tpu.memory_space<hbm>>, %arg3: memref<32768xf32, #tpu.memory_space<hbm>>, %arg4: memref<32768xf32, #tpu.memory_space<hbm>>, %arg5: memref<256xf32, #tpu.memory_space<hbm>>, %arg6: memref<128xf32, #tpu.memory_space<hbm>>, %arg7: memref<256xi32, #tpu.memory_space<hbm>>, %arg8: memref<2048xi32, #tpu.memory_space<vmem>>, %arg9: memref<2064xi32, #tpu.memory_space<vmem>>, %arg10: memref<2064xi32, #tpu.memory_space<vmem>>, %arg11: memref<4127xi32, #tpu.memory_space<vmem>>, %arg12: memref<256xi32, #tpu.memory_space<vmem>>, %arg13: memref<8x128xi32, #tpu.memory_space<vmem>>, %arg14: memref<64xi32, #tpu.memory_space<vmem>>, %arg15: memref<64xi32, #tpu.memory_space<vmem>>, %arg16: memref<64xi32, #tpu.memory_space<vmem>>, %arg17: memref<16xi32, #tpu.memory_space<vmem>>, %arg18: memref<512xi32, #tpu.memory_space<vmem>>, %arg19: memref<512xi32, #tpu.memory_space<vmem>>, %arg20: memref<16xi32, #tpu.memory_space<vmem>>, %arg21: memref<256xi32, #tpu.memory_space<vmem>>, %arg22: memref<32xi32, #tpu.memory_space<vmem>>, %arg23: memref<256xi32, #tpu.memory_space<vmem>>, %arg24: memref<256xf32, #tpu.memory_space<vmem>>, %arg25: memref<2048xi32, #tpu.memory_space<vmem>>, %arg26: memref<4096xf32, #tpu.memory_space<vmem>>, %arg27: memref<256xi32, #tpu.memory_space<vmem>>, %arg28: memref<16xf32, #tpu.memory_space<vmem>>, %arg29: memref<!tpu.dma_semaphore, #tpu.memory_space<semaphore_mem>>, %arg30: memref<1024xi32, #tpu.memory_space<vmem_shared>>, %arg31: memref<256xi32, #tpu.memory_space<vmem_shared>>, %arg32: memref<576xi32, #tpu.memory_space<vmem_shared>>, %arg33: memref<576xi32, #tpu.memory_space<vmem_shared>>, %arg34: memref<1152xi32, #tpu.memory_space<vmem_shared>>, %arg35: memref<128xf32, #tpu.memory_space<vmem_shared>>) attributes {dimension_semantics = [#tpu.dimension_semantics<core_parallel>, #tpu.dimension_semantics<subcore_parallel>], iteration_bounds = array<i64: 1, 16>, scalar_prefetch = 0 : i64, scratch_operands = 28 : i64, tpu.core_type = #tpu.core_type<sc_vector_subcore>, window_params = [{transform_indices = #map}, {transform_indices = #map}, {transform_indices = #map}, {transform_indices = #map}, {transform_indices = #map}, {transform_indices = #map}]} {
    %iota3A = tpu.iota {dimensions = array<i32: 0>} : vector<16xi32>
    %mul3A = arith.constant 2048 : i32
    %mul3A_0 = arith.muli %arg1, %mul3A : i32
    "tpu.trace_start"() <{level = 10 : i32, message = "p1_load"}> : () -> ()
    %dma_start3A = arith.constant 0 : i32
    %dma_start3A_1 = tpu.memref_slice %arg26[%dma_start3A] : memref<4096xf32, #tpu.memory_space<vmem>> -> memref<2048xf32, #tpu.memory_space<vmem>>
    %dma_start3A_2 = tpu.memref_slice %arg3[%mul3A_0] : memref<32768xf32, #tpu.memory_space<hbm>> -> memref<2048xf32, #tpu.memory_space<hbm>>
    %dma_start3A_3 = arith.constant 0 : i32
    %dma_start3A_4 = tpu.memref_slice %arg26[%dma_start3A_3] : memref<4096xf32, #tpu.memory_space<vmem>> -> memref<2048xf32, #tpu.memory_space<vmem>>
    %dma_start3A_5 = tpu.memref_slice %arg3[%mul3A_0] : memref<32768xf32, #tpu.memory_space<hbm>> -> memref<2048xf32, #tpu.memory_space<hbm>>
    tpu.enqueue_dma source(%dma_start3A_5 : memref<2048xf32, #tpu.memory_space<hbm>>) target(%dma_start3A_4 : memref<2048xf32, #tpu.memory_space<vmem>>) target_semaphore(%arg29 : memref<!tpu.dma_semaphore, #tpu.memory_space<semaphore_mem>>)
    %dma_start3A_6 = arith.constant 2048 : i32
    %dma_start3A_7 = tpu.memref_slice %arg26[%dma_start3A_6] : memref<4096xf32, #tpu.memory_space<vmem>> -> memref<2048xf32, #tpu.memory_space<vmem>>
    %dma_start3A_8 = tpu.memref_slice %arg4[%mul3A_0] : memref<32768xf32, #tpu.memory_space<hbm>> -> memref<2048xf32, #tpu.memory_space<hbm>>
    %dma_start3A_9 = arith.constant 2048 : i32
    %dma_start3A_10 = tpu.memref_slice %arg26[%dma_start3A_9] : memref<4096xf32, #tpu.memory_space<vmem>> -> memref<2048xf32, #tpu.memory_space<vmem>>
    %dma_start3A_11 = tpu.memref_slice %arg4[%mul3A_0] : memref<32768xf32, #tpu.memory_space<hbm>> -> memref<2048xf32, #tpu.memory_space<hbm>>
    tpu.enqueue_dma source(%dma_start3A_11 : memref<2048xf32, #tpu.memory_space<hbm>>) target(%dma_start3A_10 : memref<2048xf32, #tpu.memory_space<vmem>>) target_semaphore(%arg29 : memref<!tpu.dma_semaphore, #tpu.memory_space<semaphore_mem>>)
    tpu.enqueue_dma source(%arg5 : memref<256xf32, #tpu.memory_space<hbm>>) target(%arg24 : memref<256xf32, #tpu.memory_space<vmem>>) target_semaphore(%arg29 : memref<!tpu.dma_semaphore, #tpu.memory_space<semaphore_mem>>)
    "tpu.trace_stop"() : () -> ()
    %scan3A = arith.constant 0 : i32
    %scan3A_12 = arith.constant 0 : i32
    %scan3A_13 = arith.constant 65 : i32
    %scan3A_14 = arith.addi %scan3A_12, %scan3A_13 : i32
    %scan3A_15 = arith.constant 1 : i32
    %scan3A_16 = scf.for %scan3A_700 = %scan3A_12 to %scan3A_14 step %scan3A_15 iter_args(%scan3A_701 = %scan3A) -> (i32)  : i32 {
      %broadcast_in_dim3A_702 = arith.constant 0 : i32
      %broadcast_in_dim3A_703 = vector.broadcast %broadcast_in_dim3A_702 : i32 to vector<16xi32>
      %mul3A_704 = arith.constant 4 : i32
      %mul3A_705 = arith.muli %scan3A_700, %mul3A_704 : i32
      %add3A_706 = arith.constant 0 : i32
      %add3A_707 = arith.addi %mul3A_705, %add3A_706 : i32
      %mul3A_708 = arith.constant 16 : i32
      %mul3A_709 = arith.muli %add3A_707, %mul3A_708 : i32
      %swap3A_710 = arith.index_cast %mul3A_709 : i32 to index
      %swap3A_711 = tpu.vector_load %arg11[%swap3A_710] {strides = array<i32>} : memref<4127xi32, #tpu.memory_space<vmem>>, vector<16xi32>,
      tpu.vector_store %arg11[%swap3A_710], %broadcast_in_dim3A_703 {strides = array<i32>} : memref<4127xi32, #tpu.memory_space<vmem>>, vector<16xi32>,
      %broadcast_in_dim3A_712 = arith.constant 0 : i32
      %broadcast_in_dim3A_713 = vector.broadcast %broadcast_in_dim3A_712 : i32 to vector<16xi32>
      %mul3A_714 = arith.constant 4 : i32
      %mul3A_715 = arith.muli %scan3A_700, %mul3A_714 : i32
      %add3A_716 = arith.constant 1 : i32
      %add3A_717 = arith.addi %mul3A_715, %add3A_716 : i32
      %mul3A_718 = arith.constant 16 : i32
      %mul3A_719 = arith.muli %add3A_717, %mul3A_718 : i32
      %swap3A_720 = arith.index_cast %mul3A_719 : i32 to index
      %swap3A_721 = tpu.vector_load %arg11[%swap3A_720] {strides = array<i32>} : memref<4127xi32, #tpu.memory_space<vmem>>, vector<16xi32>,
      tpu.vector_store %arg11[%swap3A_720], %broadcast_in_dim3A_713 {strides = array<i32>} : memref<4127xi32, #tpu.memory_space<vmem>>, vector<16xi32>,
      %broadcast_in_dim3A_722 = arith.constant 0 : i32
      %broadcast_in_dim3A_723 = vector.broadcast %broadcast_in_dim3A_722 : i32 to vector<16xi32>
      %mul3A_724 = arith.constant 4 : i32
      %mul3A_725 = arith.muli %scan3A_700, %mul3A_724 : i32
      %add3A_726 = arith.constant 2 : i32
      %add3A_727 = arith.addi %mul3A_725, %add3A_726 : i32
      %mul3A_728 = arith.constant 16 : i32
      %mul3A_729 = arith.muli %add3A_727, %mul3A_728 : i32
      %swap3A_730 = arith.index_cast %mul3A_729 : i32 to index
      %swap3A_731 = tpu.vector_load %arg11[%swap3A_730] {strides = array<i32>} : memref<4127xi32, #tpu.memory_space<vmem>>, vector<16xi32>,
      tpu.vector_store %arg11[%swap3A_730], %broadcast_in_dim3A_723 {strides = array<i32>} : memref<4127xi32, #tpu.memory_space<vmem>>, vector<16xi32>,
      %broadcast_in_dim3A_732 = arith.constant 0 : i32
      %broadcast_in_dim3A_733 = vector.broadcast %broadcast_in_dim3A_732 : i32 to vector<16xi32>
      %mul3A_734 = arith.constant 4 : i32
      %mul3A_735 = arith.muli %scan3A_700, %mul3A_734 : i32
      %add3A_736 = arith.constant 3 : i32
      %add3A_737 = arith.addi %mul3A_735, %add3A_736 : i32
      %mul3A_738 = arith.constant 16 : i32
      %mul3A_739 = arith.muli %add3A_737, %mul3A_738 : i32
      %swap3A_740 = arith.index_cast %mul3A_739 : i32 to index
      %swap3A_741 = tpu.vector_load %arg11[%swap3A_740] {strides = array<i32>} : memref<4127xi32, #tpu.memory_space<vmem>>, vector<16xi32>,
      tpu.vector_store %arg11[%swap3A_740], %broadcast_in_dim3A_733 {strides = array<i32>} : memref<4127xi32, #tpu.memory_space<vmem>>, vector<16xi32>,
      %scan3A_742 = arith.constant 0 : i32
      scf.yield %scan3A_742 : i32
    }
    %scan3A_17 = arith.constant 65 : i32
    %scan3A_18 = arith.constant 0 : i32
    %scan3A_19 = arith.constant 0 : i32
    %scan3A_20 = arith.constant 64 : i32
    %scan3A_21 = arith.addi %scan3A_19, %scan3A_20 : i32
    %scan3A_22 = arith.constant 1 : i32
    %scan3A_23 = scf.for %scan3A_700 = %scan3A_19 to %scan3A_21 step %scan3A_22 iter_args(%scan3A_701 = %scan3A_18) -> (i32)  : i32 {
      %jit3A_702 = arith.constant 8 : i32
      %div3A_703 = arith.divsi %scan3A_700, %jit3A_702 : i32
      %sign3A_704 = arith.constant 0 : i32
      %sign3A_705 = arith.cmpi sgt, %scan3A_700, %sign3A_704 : i32
      %sign3A_706 = arith.extui %sign3A_705 : i1 to i32
      %sign3A_707 = arith.constant 0 : i32
      %sign3A_708 = arith.cmpi slt, %scan3A_700, %sign3A_707 : i32
      %sign3A_709 = arith.extui %sign3A_708 : i1 to i32
      %sign3A_710 = arith.subi %sign3A_706, %sign3A_709 : i32
      %sign3A_711 = arith.constant 0 : i32
      %sign3A_712 = arith.cmpi sgt, %jit3A_702, %sign3A_711 : i32
      %sign3A_713 = arith.extui %sign3A_712 : i1 to i32
      %sign3A_714 = arith.constant 0 : i32
      %sign3A_715 = arith.cmpi slt, %jit3A_702, %sign3A_714 : i32
      %sign3A_716 = arith.extui %sign3A_715 : i1 to i32
      %sign3A_717 = arith.subi %sign3A_713, %sign3A_716 : i32
      %ne3A_718 = arith.cmpi ne, %sign3A_710, %sign3A_717 : i32
      %rem3A_719 = arith.remsi %scan3A_700, %jit3A_702 : i32
      %ne3A_720 = arith.constant 0 : i32
      %ne3A_721 = arith.cmpi ne, %rem3A_719, %ne3A_720 : i32
      %and3A_722 = arith.andi %ne3A_718, %ne3A_721 : i1
      %sub3A_723 = arith.constant 1 : i32
      %sub3A_724 = arith.subi %div3A_703, %sub3A_723 : i32
      %select_n3A_725 = arith.select %and3A_722, %sub3A_724, %div3A_703 : i32
      %jit3A_726 = arith.constant 8 : i32
      %eq3A_727 = arith.constant 0 : i32
      %eq3A_728 = arith.cmpi eq, %jit3A_726, %eq3A_727 : i32
      %jit3A_729 = arith.constant 1 : i32
      %select_n3A_730 = arith.select %eq3A_728, %jit3A_729, %jit3A_726 : i32
      %rem3A_731 = arith.remsi %scan3A_700, %select_n3A_730 : i32
      %ne3A_732 = arith.constant 0 : i32
      %ne3A_733 = arith.cmpi ne, %rem3A_731, %ne3A_732 : i32
      %lt3A_734 = arith.constant 0 : i32
      %lt3A_735 = arith.cmpi slt, %rem3A_731, %lt3A_734 : i32
      %lt3A_736 = arith.constant 0 : i32
      %lt3A_737 = arith.cmpi slt, %select_n3A_730, %lt3A_736 : i32
      %ne3A_738 = arith.xori %lt3A_735, %lt3A_737 : i1
      %and3A_739 = arith.andi %ne3A_738, %ne3A_733 : i1
      %add3A_740 = arith.addi %rem3A_731, %select_n3A_730 : i32
      %select_n3A_741 = arith.select %and3A_739, %add3A_740, %rem3A_731 : i32
      %mul3A_742 = arith.constant 128 : i32
      %mul3A_743 = arith.muli %select_n3A_725, %mul3A_742 : i32
      %mul3A_744 = arith.constant 16 : i32
      %mul3A_745 = arith.muli %select_n3A_741, %mul3A_744 : i32
      %add3A_746 = arith.addi %mul3A_743, %mul3A_745 : i32
      %broadcast_in_dim3A_747 = vector.broadcast %add3A_746 : i32 to vector<16xi32>
      %add3A_748 = arith.addi %broadcast_in_dim3A_747, %iota3A : vector<16xi32>
      %mul3A_749 = arith.constant 16 : i32
      %mul3A_750 = arith.muli %select_n3A_741, %mul3A_749 : i32
      %swap3A_751 = arith.index_cast %select_n3A_725 : i32 to index
      %swap3A_752 = arith.index_cast %mul3A_750 : i32 to index
      %swap3A_753 = tpu.vector_load %arg13[%swap3A_751, %swap3A_752] {strides = array<i32>} : memref<8x128xi32, #tpu.memory_space<vmem>>, vector<16xi32>,
      tpu.vector_store %arg13[%swap3A_751, %swap3A_752], %add3A_748 {strides = array<i32>} : memref<8x128xi32, #tpu.memory_space<vmem>>, vector<16xi32>,
      %scan3A_754 = arith.constant 0 : i32
      scf.yield %scan3A_754 : i32
    }
    %scan3A_24 = arith.constant 64 : i32
    %scan3A_25 = arith.constant 0 : i32
    %scan3A_26 = arith.constant 0 : i32
    %scan3A_27 = arith.constant 16 : i32
    %scan3A_28 = arith.addi %scan3A_26, %scan3A_27 : i32
    %scan3A_29 = arith.constant 1 : i32
    %scan3A_30 = scf.for %scan3A_700 = %scan3A_26 to %scan3A_28 step %scan3A_29 iter_args(%scan3A_701 = %scan3A_25) -> (i32)  : i32 {
      %broadcast_in_dim3A_702 = arith.constant 0 : i32
      %broadcast_in_dim3A_703 = vector.broadcast %broadcast_in_dim3A_702 : i32 to vector<16xi32>
      %mul3A_704 = arith.constant 16 : i32
      %mul3A_705 = arith.muli %scan3A_700, %mul3A_704 : i32
      %swap3A_706 = arith.index_cast %mul3A_705 : i32 to index
      %swap3A_707 = tpu.vector_load %arg27[%swap3A_706] {strides = array<i32>} : memref<256xi32, #tpu.memory_space<vmem>>, vector<16xi32>,
      tpu.vector_store %arg27[%swap3A_706], %broadcast_in_dim3A_703 {strides = array<i32>} : memref<256xi32, #tpu.memory_space<vmem>>, vector<16xi32>,
      %scan3A_708 = arith.constant 0 : i32
      scf.yield %scan3A_708 : i32
    }
    %scan3A_31 = arith.constant 16 : i32
    %broadcast_in_dim3A = arith.constant 1073741823 : i32
    %broadcast_in_dim3A_32 = vector.broadcast %broadcast_in_dim3A : i32 to vector<16xi32>
    %swap3A = arith.constant 0 : index
    %swap3A_33 = tpu.vector_load %arg22[%swap3A] {strides = array<i32>} : memref<32xi32, #tpu.memory_space<vmem>>, vector<16xi32>,
    tpu.vector_store %arg22[%swap3A], %broadcast_in_dim3A_32 {strides = array<i32>} : memref<32xi32, #tpu.memory_space<vmem>>, vector<16xi32>,
    %broadcast_in_dim3A_34 = arith.constant 1073741823 : i32
    %broadcast_in_dim3A_35 = vector.broadcast %broadcast_in_dim3A_34 : i32 to vector<16xi32>
    %swap3A_36 = arith.constant 16 : index
    %swap3A_37 = tpu.vector_load %arg22[%swap3A_36] {strides = array<i32>} : memref<32xi32, #tpu.memory_space<vmem>>, vector<16xi32>,
    tpu.vector_store %arg22[%swap3A_36], %broadcast_in_dim3A_35 {strides = array<i32>} : memref<32xi32, #tpu.memory_space<vmem>>, vector<16xi32>,
    %eq3A = arith.constant 0 : i32
    %eq3A_38 = arith.cmpi eq, %arg1, %eq3A : i32
    %convert_element_type3A = arith.extui %eq3A_38 : i1 to i32
    %cond3A = arith.constant 0 : i32
    %cond3A_39 = arith.cmpi ne, %convert_element_type3A, %cond3A : i32
    scf.if %cond3A_39 {
      "tpu.region"() ({
        %run_scoped3A_700 = tpu.sem_alloc : memref<!tpu.dma_semaphore, #tpu.memory_space<semaphore_mem>>
        %dma_start3A_701 = arith.constant 0 : i32
        %dma_start3A_702 = tpu.memref_slice %arg30[%dma_start3A_701] : memref<1024xi32, #tpu.memory_space<vmem_shared>> -> memref<256xi32, #tpu.memory_space<vmem_shared>>
        %dma_start3A_703 = arith.constant 0 : i32
        %dma_start3A_704 = tpu.memref_slice %arg30[%dma_start3A_703] : memref<1024xi32, #tpu.memory_space<vmem_shared>> -> memref<256xi32, #tpu.memory_space<vmem_shared>>
        tpu.enqueue_dma source(%arg27 : memref<256xi32, #tpu.memory_space<vmem>>) target(%dma_start3A_704 : memref<256xi32, #tpu.memory_space<vmem_shared>>) target_semaphore(%run_scoped3A_700 : memref<!tpu.dma_semaphore, #tpu.memory_space<semaphore_mem>>)
        %dma_wait3A_705 = arith.constant 0 : i32
        %dma_wait3A_706 = tpu.memref_slice %arg30[%dma_wait3A_705] : memref<1024xi32, #tpu.memory_space<vmem_shared>> -> memref<256xi32, #tpu.memory_space<vmem_shared>>
        %dma_wait3A_707 = arith.constant 0 : i32
        %dma_wait3A_708 = tpu.memref_slice %arg30[%dma_wait3A_707] : memref<1024xi32, #tpu.memory_space<vmem_shared>> -> memref<256xi32, #tpu.memory_space<vmem_shared>>
        tpu.wait_dma2 semaphore(%run_scoped3A_700 : memref<!tpu.dma_semaphore, #tpu.memory_space<semaphore_mem>>) src(%arg27 : memref<256xi32, #tpu.memory_space<vmem>>) dst(%dma_wait3A_708 : memref<256xi32, #tpu.memory_space<vmem_shared>>)
        tpu.yield
      }) : () -> ()
      "tpu.region"() ({
        %run_scoped3A_700 = tpu.sem_alloc : memref<!tpu.dma_semaphore, #tpu.memory_space<semaphore_mem>>
        %dma_start3A_701 = arith.constant 256 : i32
        %dma_start3A_702 = tpu.memref_slice %arg30[%dma_start3A_701] : memref<1024xi32, #tpu.memory_space<vmem_shared>> -> memref<256xi32, #tpu.memory_space<vmem_shared>>
        %dma_start3A_703 = arith.constant 256 : i32
        %dma_start3A_704 = tpu.memref_slice %arg30[%dma_start3A_703] : memref<1024xi32, #tpu.memory_space<vmem_shared>> -> memref<256xi32, #tpu.memory_space<vmem_shared>>
        tpu.enqueue_dma source(%arg27 : memref<256xi32, #tpu.memory_space<vmem>>) target(%dma_start3A_704 : memref<256xi32, #tpu.memory_space<vmem_shared>>) target_semaphore(%run_scoped3A_700 : memref<!tpu.dma_semaphore, #tpu.memory_space<semaphore_mem>>)
        %dma_wait3A_705 = arith.constant 256 : i32
        %dma_wait3A_706 = tpu.memref_slice %arg30[%dma_wait3A_705] : memref<1024xi32, #tpu.memory_space<vmem_shared>> -> memref<256xi32, #tpu.memory_space<vmem_shared>>
        %dma_wait3A_707 = arith.constant 256 : i32
        %dma_wait3A_708 = tpu.memref_slice %arg30[%dma_wait3A_707] : memref<1024xi32, #tpu.memory_space<vmem_shared>> -> memref<256xi32, #tpu.memory_space<vmem_shared>>
        tpu.wait_dma2 semaphore(%run_scoped3A_700 : memref<!tpu.dma_semaphore, #tpu.memory_space<semaphore_mem>>) src(%arg27 : memref<256xi32, #tpu.memory_space<vmem>>) dst(%dma_wait3A_708 : memref<256xi32, #tpu.memory_space<vmem_shared>>)
        tpu.yield
      }) : () -> ()
      "tpu.region"() ({
        %run_scoped3A_700 = tpu.sem_alloc : memref<!tpu.dma_semaphore, #tpu.memory_space<semaphore_mem>>
        %dma_start3A_701 = arith.constant 512 : i32
        %dma_start3A_702 = tpu.memref_slice %arg30[%dma_start3A_701] : memref<1024xi32, #tpu.memory_space<vmem_shared>> -> memref<256xi32, #tpu.memory_space<vmem_shared>>
        %dma_start3A_703 = arith.constant 512 : i32
        %dma_start3A_704 = tpu.memref_slice %arg30[%dma_start3A_703] : memref<1024xi32, #tpu.memory_space<vmem_shared>> -> memref<256xi32, #tpu.memory_space<vmem_shared>>
        tpu.enqueue_dma source(%arg27 : memref<256xi32, #tpu.memory_space<vmem>>) target(%dma_start3A_704 : memref<256xi32, #tpu.memory_space<vmem_shared>>) target_semaphore(%run_scoped3A_700 : memref<!tpu.dma_semaphore, #tpu.memory_space<semaphore_mem>>)
        %dma_wait3A_705 = arith.constant 512 : i32
        %dma_wait3A_706 = tpu.memref_slice %arg30[%dma_wait3A_705] : memref<1024xi32, #tpu.memory_space<vmem_shared>> -> memref<256xi32, #tpu.memory_space<vmem_shared>>
        %dma_wait3A_707 = arith.constant 512 : i32
        %dma_wait3A_708 = tpu.memref_slice %arg30[%dma_wait3A_707] : memref<1024xi32, #tpu.memory_space<vmem_shared>> -> memref<256xi32, #tpu.memory_space<vmem_shared>>
        tpu.wait_dma2 semaphore(%run_scoped3A_700 : memref<!tpu.dma_semaphore, #tpu.memory_space<semaphore_mem>>) src(%arg27 : memref<256xi32, #tpu.memory_space<vmem>>) dst(%dma_wait3A_708 : memref<256xi32, #tpu.memory_space<vmem_shared>>)
        tpu.yield
      }) : () -> ()
      "tpu.region"() ({
        %run_scoped3A_700 = tpu.sem_alloc : memref<!tpu.dma_semaphore, #tpu.memory_space<semaphore_mem>>
        %dma_start3A_701 = arith.constant 768 : i32
        %dma_start3A_702 = tpu.memref_slice %arg30[%dma_start3A_701] : memref<1024xi32, #tpu.memory_space<vmem_shared>> -> memref<256xi32, #tpu.memory_space<vmem_shared>>
        %dma_start3A_703 = arith.constant 768 : i32
        %dma_start3A_704 = tpu.memref_slice %arg30[%dma_start3A_703] : memref<1024xi32, #tpu.memory_space<vmem_shared>> -> memref<256xi32, #tpu.memory_space<vmem_shared>>
        tpu.enqueue_dma source(%arg27 : memref<256xi32, #tpu.memory_space<vmem>>) target(%dma_start3A_704 : memref<256xi32, #tpu.memory_space<vmem_shared>>) target_semaphore(%run_scoped3A_700 : memref<!tpu.dma_semaphore, #tpu.memory_space<semaphore_mem>>)
        %dma_wait3A_705 = arith.constant 768 : i32
        %dma_wait3A_706 = tpu.memref_slice %arg30[%dma_wait3A_705] : memref<1024xi32, #tpu.memory_space<vmem_shared>> -> memref<256xi32, #tpu.memory_space<vmem_shared>>
        %dma_wait3A_707 = arith.constant 768 : i32
        %dma_wait3A_708 = tpu.memref_slice %arg30[%dma_wait3A_707] : memref<1024xi32, #tpu.memory_space<vmem_shared>> -> memref<256xi32, #tpu.memory_space<vmem_shared>>
        tpu.wait_dma2 semaphore(%run_scoped3A_700 : memref<!tpu.dma_semaphore, #tpu.memory_space<semaphore_mem>>) src(%arg27 : memref<256xi32, #tpu.memory_space<vmem>>) dst(%dma_wait3A_708 : memref<256xi32, #tpu.memory_space<vmem_shared>>)
        tpu.yield
      }) : () -> ()
    } else {
    }
    %broadcast_in_dim3A_40 = arith.constant 1 : i32
    %broadcast_in_dim3A_41 = vector.broadcast %broadcast_in_dim3A_40 : i32 to vector<16xi32>
    "tpu.trace_start"() <{level = 10 : i32, message = "p1_wait"}> : () -> ()
    %dma_wait3A = arith.constant 0 : i32
    %dma_wait3A_42 = tpu.memref_slice %arg26[%dma_wait3A] : memref<4096xf32, #tpu.memory_space<vmem>> -> memref<2048xf32, #tpu.memory_space<vmem>>
    %dma_wait3A_43 = tpu.memref_slice %arg3[%mul3A_0] : memref<32768xf32, #tpu.memory_space<hbm>> -> memref<2048xf32, #tpu.memory_space<hbm>>
    %dma_wait3A_44 = arith.constant 0 : i32
    %dma_wait3A_45 = tpu.memref_slice %arg26[%dma_wait3A_44] : memref<4096xf32, #tpu.memory_space<vmem>> -> memref<2048xf32, #tpu.memory_space<vmem>>
    %dma_wait3A_46 = tpu.memref_slice %arg3[%mul3A_0] : memref<32768xf32, #tpu.memory_space<hbm>> -> memref<2048xf32, #tpu.memory_space<hbm>>
    tpu.wait_dma2 semaphore(%arg29 : memref<!tpu.dma_semaphore, #tpu.memory_space<semaphore_mem>>) src(%dma_wait3A_46 : memref<2048xf32, #tpu.memory_space<hbm>>) dst(%dma_wait3A_45 : memref<2048xf32, #tpu.memory_space<vmem>>)
    %dma_wait3A_47 = arith.constant 2048 : i32
    %dma_wait3A_48 = tpu.memref_slice %arg26[%dma_wait3A_47] : memref<4096xf32, #tpu.memory_space<vmem>> -> memref<2048xf32, #tpu.memory_space<vmem>>
    %dma_wait3A_49 = tpu.memref_slice %arg4[%mul3A_0] : memref<32768xf32, #tpu.memory_space<hbm>> -> memref<2048xf32, #tpu.memory_space<hbm>>
    %dma_wait3A_50 = arith.constant 2048 : i32
    %dma_wait3A_51 = tpu.memref_slice %arg26[%dma_wait3A_50] : memref<4096xf32, #tpu.memory_space<vmem>> -> memref<2048xf32, #tpu.memory_space<vmem>>
    %dma_wait3A_52 = tpu.memref_slice %arg4[%mul3A_0] : memref<32768xf32, #tpu.memory_space<hbm>> -> memref<2048xf32, #tpu.memory_space<hbm>>
    tpu.wait_dma2 semaphore(%arg29 : memref<!tpu.dma_semaphore, #tpu.memory_space<semaphore_mem>>) src(%dma_wait3A_52 : memref<2048xf32, #tpu.memory_space<hbm>>) dst(%dma_wait3A_51 : memref<2048xf32, #tpu.memory_space<vmem>>)
    tpu.wait_dma2 semaphore(%arg29 : memref<!tpu.dma_semaphore, #tpu.memory_space<semaphore_mem>>) src(%arg5 : memref<256xf32, #tpu.memory_space<hbm>>) dst(%arg24 : memref<256xf32, #tpu.memory_space<vmem>>)
    "tpu.trace_stop"() : () -> ()
    "tpu.trace_start"() <{level = 10 : i32, message = "p1_keys"}> : () -> ()
    %scan3A_53 = arith.constant 0 : i32
    %scan3A_54 = arith.constant 0 : i32
    %scan3A_55 = arith.constant 64 : i32
    %scan3A_56 = arith.addi %scan3A_54, %scan3A_55 : i32
    %scan3A_57 = arith.constant 1 : i32
    %scan3A_58 = scf.for %scan3A_700 = %scan3A_54 to %scan3A_56 step %scan3A_57 iter_args(%scan3A_701 = %scan3A_53) -> (i32)  : i32 {
      %mul3A_702 = arith.constant 2 : i32
      %mul3A_703 = arith.muli %scan3A_700, %mul3A_702 : i32
      %add3A_704 = arith.constant 0 : i32
      %add3A_705 = arith.addi %mul3A_703, %add3A_704 : i32
      %mul3A_706 = arith.constant 16 : i32
      %mul3A_707 = arith.muli %add3A_705, %mul3A_706 : i32
      %get3A_708 = arith.index_cast %mul3A_707 : i32 to index
      %get3A_709 = tpu.vector_load %arg26[%get3A_708] {strides = array<i32>} : memref<4096xf32, #tpu.memory_space<vmem>>, vector<16xf32>,
      %add3A_710 = arith.constant 2048 : i32
      %add3A_711 = arith.addi %add3A_710, %mul3A_707 : i32
      %get3A_712 = arith.index_cast %add3A_711 : i32 to index
      %get3A_713 = tpu.vector_load %arg26[%get3A_712] {strides = array<i32>} : memref<4096xf32, #tpu.memory_space<vmem>>, vector<16xf32>,
      %add3A_714 = arith.addf %get3A_709, %get3A_713 : vector<16xf32>
      %bitcast_convert_type3A = tpu.bitcast %add3A_714 : vector<16xf32> -> vector<16xi32>
      %bitcast3A = vector.bitcast %bitcast_convert_type3A : vector<16xi32> to vector<16xi32>
      %lt3A_715 = arith.constant 0 : i32
      %lt3A_716 = vector.broadcast %lt3A_715 : i32 to vector<16xi32>
      %lt3A_717 = arith.cmpi slt, %bitcast_convert_type3A, %lt3A_716 : vector<16xi32>
      %not3A = arith.constant dense<-1> : vector<16xi32>
      %not3A_718 = arith.xori %bitcast3A, %not3A : vector<16xi32>
      %or3A_719 = arith.constant -2147483648 : i32
      %or3A_720 = vector.broadcast %or3A_719 : i32 to vector<16xi32>
      %or3A_721 = arith.ori %bitcast3A, %or3A_720 : vector<16xi32>
      %select_n3A_722 = arith.select %lt3A_717, %not3A_718, %or3A_721 : vector<16xi1>, vector<16xi32>
      %swap3A_723 = arith.index_cast %mul3A_707 : i32 to index
      %swap3A_724 = tpu.vector_load %arg8[%swap3A_723] {strides = array<i32>} : memref<2048xi32, #tpu.memory_space<vmem>>, vector<16xi32>,
      tpu.vector_store %arg8[%swap3A_723], %select_n3A_722 {strides = array<i32>} : memref<2048xi32, #tpu.memory_space<vmem>>, vector<16xi32>,
      %shift_right_logical3A_725 = arith.constant 24 : i32
      %shift_right_logical3A_726 = vector.broadcast %shift_right_logical3A_725 : i32 to vector<16xi32>
      %shift_right_logical3A_727 = arith.shrui %select_n3A_722, %shift_right_logical3A_726 : vector<16xi32>
      %mul3A_728 = arith.constant 257 : i32
      %mul3A_729 = vector.broadcast %mul3A_728 : i32 to vector<16xi32>
      %mul3A_730 = arith.muli %iota3A, %mul3A_729 : vector<16xi32>
      %add3A_731 = arith.addi %mul3A_730, %shift_right_logical3A_727 : vector<16xi32>
      tpu.vector_store_idx %arg11[%add3A_731], %broadcast_in_dim3A_41 {add = true} : memref<4127xi32, #tpu.memory_space<vmem>>[vector<16xi32>], vector<16xi32>,
      %mul3A_732 = arith.constant 2 : i32
      %mul3A_733 = arith.muli %scan3A_700, %mul3A_732 : i32
      %add3A_734 = arith.constant 1 : i32
      %add3A_735 = arith.addi %mul3A_733, %add3A_734 : i32
      %mul3A_736 = arith.constant 16 : i32
      %mul3A_737 = arith.muli %add3A_735, %mul3A_736 : i32
      %get3A_738 = arith.index_cast %mul3A_737 : i32 to index
      %get3A_739 = tpu.vector_load %arg26[%get3A_738] {strides = array<i32>} : memref<4096xf32, #tpu.memory_space<vmem>>, vector<16xf32>,
      %add3A_740 = arith.constant 2048 : i32
      %add3A_741 = arith.addi %add3A_740, %mul3A_737 : i32
      %get3A_742 = arith.index_cast %add3A_741 : i32 to index
      %get3A_743 = tpu.vector_load %arg26[%get3A_742] {strides = array<i32>} : memref<4096xf32, #tpu.memory_space<vmem>>, vector<16xf32>,
      %add3A_744 = arith.addf %get3A_739, %get3A_743 : vector<16xf32>
      %bitcast_convert_type3A_745 = tpu.bitcast %add3A_744 : vector<16xf32> -> vector<16xi32>
      %bitcast3A_746 = vector.bitcast %bitcast_convert_type3A_745 : vector<16xi32> to vector<16xi32>
      %lt3A_747 = arith.constant 0 : i32
      %lt3A_748 = vector.broadcast %lt3A_747 : i32 to vector<16xi32>
      %lt3A_749 = arith.cmpi slt, %bitcast_convert_type3A_745, %lt3A_748 : vector<16xi32>
      %not3A_750 = arith.constant dense<-1> : vector<16xi32>
      %not3A_751 = arith.xori %bitcast3A_746, %not3A_750 : vector<16xi32>
      %or3A_752 = arith.constant -2147483648 : i32
      %or3A_753 = vector.broadcast %or3A_752 : i32 to vector<16xi32>
      %or3A_754 = arith.ori %bitcast3A_746, %or3A_753 : vector<16xi32>
      %select_n3A_755 = arith.select %lt3A_749, %not3A_751, %or3A_754 : vector<16xi1>, vector<16xi32>
      %swap3A_756 = arith.index_cast %mul3A_737 : i32 to index
      %swap3A_757 = tpu.vector_load %arg8[%swap3A_756] {strides = array<i32>} : memref<2048xi32, #tpu.memory_space<vmem>>, vector<16xi32>,
      tpu.vector_store %arg8[%swap3A_756], %select_n3A_755 {strides = array<i32>} : memref<2048xi32, #tpu.memory_space<vmem>>, vector<16xi32>,
      %shift_right_logical3A_758 = arith.constant 24 : i32
      %shift_right_logical3A_759 = vector.broadcast %shift_right_logical3A_758 : i32 to vector<16xi32>
      %shift_right_logical3A_760 = arith.shrui %select_n3A_755, %shift_right_logical3A_759 : vector<16xi32>
      %mul3A_761 = arith.constant 257 : i32
      %mul3A_762 = vector.broadcast %mul3A_761 : i32 to vector<16xi32>
      %mul3A_763 = arith.muli %iota3A, %mul3A_762 : vector<16xi32>
      %add3A_764 = arith.addi %mul3A_763, %shift_right_logical3A_760 : vector<16xi32>
      tpu.vector_store_idx %arg11[%add3A_764], %broadcast_in_dim3A_41 {add = true} : memref<4127xi32, #tpu.memory_space<vmem>>[vector<16xi32>], vector<16xi32>,
      %scan3A_765 = arith.constant 0 : i32
      scf.yield %scan3A_765 : i32
    }
    %scan3A_59 = arith.constant 64 : i32
    "tpu.trace_stop"() : () -> ()
    "tpu.trace_start"() <{level = 10 : i32, message = "bar1"}> : () -> ()
    %barrier3A = arith.constant 0 : index
    tpu.barrier barrier_id(%barrier3A)
    %broadcast_in_dim3A_60 = arith.constant 0 : i32
    "tpu.trace_stop"() : () -> ()
    %broadcast_in_dim3A_61 = vector.broadcast %broadcast_in_dim3A_60 : i32 to vector<16xi32>
    %broadcast_in_dim3A_62 = arith.constant 256 : i32
    %broadcast_in_dim3A_63 = vector.broadcast %broadcast_in_dim3A_62 : i32 to vector<16xi32>
    "tpu.trace_start"() <{level = 10 : i32, message = "p2_reduce"}> : () -> ()
    %scan3A_64 = arith.constant 0 : i32
    %scan3A_65 = arith.constant 0 : i32
    %scan3A_66 = arith.constant 16 : i32
    %scan3A_67 = arith.addi %scan3A_65, %scan3A_66 : i32
    %scan3A_68 = arith.constant 1 : i32
    %scan3A_69 = scf.for %scan3A_700 = %scan3A_65 to %scan3A_67 step %scan3A_68 iter_args(%scan3A_701 = %scan3A_64) -> (i32)  : i32 {
      %mul3A_702 = arith.constant 16 : i32
      %mul3A_703 = arith.muli %scan3A_700, %mul3A_702 : i32
      %get3A_704 = arith.index_cast %mul3A_703 : i32 to index
      %get3A_705 = tpu.vector_load %arg11[%get3A_704] {strides = array<i32>} : memref<4127xi32, #tpu.memory_space<vmem>>, vector<16xi32>,
      %broadcast_in_dim3A_706 = arith.constant 0 : i32
      %broadcast_in_dim3A_707 = vector.broadcast %broadcast_in_dim3A_706 : i32 to vector<16xi32>
      %mul3A_708 = arith.constant 16 : i32
      %mul3A_709 = arith.muli %scan3A_700, %mul3A_708 : i32
      %swap3A_710 = arith.index_cast %mul3A_709 : i32 to index
      %swap3A_711 = tpu.vector_load %arg11[%swap3A_710] {strides = array<i32>} : memref<4127xi32, #tpu.memory_space<vmem>>, vector<16xi32>,
      tpu.vector_store %arg11[%swap3A_710], %broadcast_in_dim3A_707 {strides = array<i32>} : memref<4127xi32, #tpu.memory_space<vmem>>, vector<16xi32>,
      %mul3A_712 = arith.constant 16 : i32
      %mul3A_713 = arith.muli %scan3A_700, %mul3A_712 : i32
      %add3A_714 = arith.constant 257 : i32
      %add3A_715 = arith.addi %add3A_714, %mul3A_713 : i32
      %get3A_716 = arith.index_cast %add3A_715 : i32 to index
      %get3A_717 = tpu.vector_load %arg11[%get3A_716] {strides = array<i32>} : memref<4127xi32, #tpu.memory_space<vmem>>, vector<16xi32>,
      %add3A_718 = arith.addi %get3A_705, %get3A_717 : vector<16xi32>
      %broadcast_in_dim3A_719 = arith.constant 0 : i32
      %broadcast_in_dim3A_720 = vector.broadcast %broadcast_in_dim3A_719 : i32 to vector<16xi32>
      %mul3A_721 = arith.constant 16 : i32
      %mul3A_722 = arith.muli %scan3A_700, %mul3A_721 : i32
      %add3A_723 = arith.constant 257 : i32
      %add3A_724 = arith.addi %add3A_723, %mul3A_722 : i32
      %swap3A_725 = arith.index_cast %add3A_724 : i32 to index
      %swap3A_726 = tpu.vector_load %arg11[%swap3A_725] {strides = array<i32>} : memref<4127xi32, #tpu.memory_space<vmem>>, vector<16xi32>,
      tpu.vector_store %arg11[%swap3A_725], %broadcast_in_dim3A_720 {strides = array<i32>} : memref<4127xi32, #tpu.memory_space<vmem>>, vector<16xi32>,
      %mul3A_727 = arith.constant 16 : i32
      %mul3A_728 = arith.muli %scan3A_700, %mul3A_727 : i32
      %add3A_729 = arith.constant 514 : i32
      %add3A_730 = arith.addi %add3A_729, %mul3A_728 : i32
      %get3A_731 = arith.index_cast %add3A_730 : i32 to index
      %get3A_732 = tpu.vector_load %arg11[%get3A_731] {strides = array<i32>} : memref<4127xi32, #tpu.memory_space<vmem>>, vector<16xi32>,
      %add3A_733 = arith.addi %add3A_718, %get3A_732 : vector<16xi32>
      %broadcast_in_dim3A_734 = arith.constant 0 : i32
      %broadcast_in_dim3A_735 = vector.broadcast %broadcast_in_dim3A_734 : i32 to vector<16xi32>
      %mul3A_736 = arith.constant 16 : i32
      %mul3A_737 = arith.muli %scan3A_700, %mul3A_736 : i32
      %add3A_738 = arith.constant 514 : i32
      %add3A_739 = arith.addi %add3A_738, %mul3A_737 : i32
      %swap3A_740 = arith.index_cast %add3A_739 : i32 to index
      %swap3A_741 = tpu.vector_load %arg11[%swap3A_740] {strides = array<i32>} : memref<4127xi32, #tpu.memory_space<vmem>>, vector<16xi32>,
      tpu.vector_store %arg11[%swap3A_740], %broadcast_in_dim3A_735 {strides = array<i32>} : memref<4127xi32, #tpu.memory_space<vmem>>, vector<16xi32>,
      %mul3A_742 = arith.constant 16 : i32
      %mul3A_743 = arith.muli %scan3A_700, %mul3A_742 : i32
      %add3A_744 = arith.constant 771 : i32
      %add3A_745 = arith.addi %add3A_744, %mul3A_743 : i32
      %get3A_746 = arith.index_cast %add3A_745 : i32 to index
      %get3A_747 = tpu.vector_load %arg11[%get3A_746] {strides = array<i32>} : memref<4127xi32, #tpu.memory_space<vmem>>, vector<16xi32>,
      %add3A_748 = arith.addi %add3A_733, %get3A_747 : vector<16xi32>
      %broadcast_in_dim3A_749 = arith.constant 0 : i32
      %broadcast_in_dim3A_750 = vector.broadcast %broadcast_in_dim3A_749 : i32 to vector<16xi32>
      %mul3A_751 = arith.constant 16 : i32
      %mul3A_752 = arith.muli %scan3A_700, %mul3A_751 : i32
      %add3A_753 = arith.constant 771 : i32
      %add3A_754 = arith.addi %add3A_753, %mul3A_752 : i32
      %swap3A_755 = arith.index_cast %add3A_754 : i32 to index
      %swap3A_756 = tpu.vector_load %arg11[%swap3A_755] {strides = array<i32>} : memref<4127xi32, #tpu.memory_space<vmem>>, vector<16xi32>,
      tpu.vector_store %arg11[%swap3A_755], %broadcast_in_dim3A_750 {strides = array<i32>} : memref<4127xi32, #tpu.memory_space<vmem>>, vector<16xi32>,
      %mul3A_757 = arith.constant 16 : i32
      %mul3A_758 = arith.muli %scan3A_700, %mul3A_757 : i32
      %add3A_759 = arith.constant 1028 : i32
      %add3A_760 = arith.addi %add3A_759, %mul3A_758 : i32
      %get3A_761 = arith.index_cast %add3A_760 : i32 to index
      %get3A_762 = tpu.vector_load %arg11[%get3A_761] {strides = array<i32>} : memref<4127xi32, #tpu.memory_space<vmem>>, vector<16xi32>,
      %add3A_763 = arith.addi %add3A_748, %get3A_762 : vector<16xi32>
      %broadcast_in_dim3A_764 = arith.constant 0 : i32
      %broadcast_in_dim3A_765 = vector.broadcast %broadcast_in_dim3A_764 : i32 to vector<16xi32>
      %mul3A_766 = arith.constant 16 : i32
      %mul3A_767 = arith.muli %scan3A_700, %mul3A_766 : i32
      %add3A_768 = arith.constant 1028 : i32
      %add3A_769 = arith.addi %add3A_768, %mul3A_767 : i32
      %swap3A_770 = arith.index_cast %add3A_769 : i32 to index
      %swap3A_771 = tpu.vector_load %arg11[%swap3A_770] {strides = array<i32>} : memref<4127xi32, #tpu.memory_space<vmem>>, vector<16xi32>,
      tpu.vector_store %arg11[%swap3A_770], %broadcast_in_dim3A_765 {strides = array<i32>} : memref<4127xi32, #tpu.memory_space<vmem>>, vector<16xi32>,
      %mul3A_772 = arith.constant 16 : i32
      %mul3A_773 = arith.muli %scan3A_700, %mul3A_772 : i32
      %add3A_774 = arith.constant 1285 : i32
      %add3A_775 = arith.addi %add3A_774, %mul3A_773 : i32
      %get3A_776 = arith.index_cast %add3A_775 : i32 to index
      %get3A_777 = tpu.vector_load %arg11[%get3A_776] {strides = array<i32>} : memref<4127xi32, #tpu.memory_space<vmem>>, vector<16xi32>,
      %add3A_778 = arith.addi %add3A_763, %get3A_777 : vector<16xi32>
      %broadcast_in_dim3A_779 = arith.constant 0 : i32
      %broadcast_in_dim3A_780 = vector.broadcast %broadcast_in_dim3A_779 : i32 to vector<16xi32>
      %mul3A_781 = arith.constant 16 : i32
      %mul3A_782 = arith.muli %scan3A_700, %mul3A_781 : i32
      %add3A_783 = arith.constant 1285 : i32
      %add3A_784 = arith.addi %add3A_783, %mul3A_782 : i32
      %swap3A_785 = arith.index_cast %add3A_784 : i32 to index
      %swap3A_786 = tpu.vector_load %arg11[%swap3A_785] {strides = array<i32>} : memref<4127xi32, #tpu.memory_space<vmem>>, vector<16xi32>,
      tpu.vector_store %arg11[%swap3A_785], %broadcast_in_dim3A_780 {strides = array<i32>} : memref<4127xi32, #tpu.memory_space<vmem>>, vector<16xi32>,
      %mul3A_787 = arith.constant 16 : i32
      %mul3A_788 = arith.muli %scan3A_700, %mul3A_787 : i32
      %add3A_789 = arith.constant 1542 : i32
      %add3A_790 = arith.addi %add3A_789, %mul3A_788 : i32
      %get3A_791 = arith.index_cast %add3A_790 : i32 to index
      %get3A_792 = tpu.vector_load %arg11[%get3A_791] {strides = array<i32>} : memref<4127xi32, #tpu.memory_space<vmem>>, vector<16xi32>,
      %add3A_793 = arith.addi %add3A_778, %get3A_792 : vector<16xi32>
      %broadcast_in_dim3A_794 = arith.constant 0 : i32
      %broadcast_in_dim3A_795 = vector.broadcast %broadcast_in_dim3A_794 : i32 to vector<16xi32>
      %mul3A_796 = arith.constant 16 : i32
      %mul3A_797 = arith.muli %scan3A_700, %mul3A_796 : i32
      %add3A_798 = arith.constant 1542 : i32
      %add3A_799 = arith.addi %add3A_798, %mul3A_797 : i32
      %swap3A_800 = arith.index_cast %add3A_799 : i32 to index
      %swap3A_801 = tpu.vector_load %arg11[%swap3A_800] {strides = array<i32>} : memref<4127xi32, #tpu.memory_space<vmem>>, vector<16xi32>,
      tpu.vector_store %arg11[%swap3A_800], %broadcast_in_dim3A_795 {strides = array<i32>} : memref<4127xi32, #tpu.memory_space<vmem>>, vector<16xi32>,
      %mul3A_802 = arith.constant 16 : i32
      %mul3A_803 = arith.muli %scan3A_700, %mul3A_802 : i32
      %add3A_804 = arith.constant 1799 : i32
      %add3A_805 = arith.addi %add3A_804, %mul3A_803 : i32
      %get3A_806 = arith.index_cast %add3A_805 : i32 to index
      %get3A_807 = tpu.vector_load %arg11[%get3A_806] {strides = array<i32>} : memref<4127xi32, #tpu.memory_space<vmem>>, vector<16xi32>,
      %add3A_808 = arith.addi %add3A_793, %get3A_807 : vector<16xi32>
      %broadcast_in_dim3A_809 = arith.constant 0 : i32
      %broadcast_in_dim3A_810 = vector.broadcast %broadcast_in_dim3A_809 : i32 to vector<16xi32>
      %mul3A_811 = arith.constant 16 : i32
      %mul3A_812 = arith.muli %scan3A_700, %mul3A_811 : i32
      %add3A_813 = arith.constant 1799 : i32
      %add3A_814 = arith.addi %add3A_813, %mul3A_812 : i32
      %swap3A_815 = arith.index_cast %add3A_814 : i32 to index
      %swap3A_816 = tpu.vector_load %arg11[%swap3A_815] {strides = array<i32>} : memref<4127xi32, #tpu.memory_space<vmem>>, vector<16xi32>,
      tpu.vector_store %arg11[%swap3A_815], %broadcast_in_dim3A_810 {strides = array<i32>} : memref<4127xi32, #tpu.memory_space<vmem>>, vector<16xi32>,
      %mul3A_817 = arith.constant 16 : i32
      %mul3A_818 = arith.muli %scan3A_700, %mul3A_817 : i32
      %add3A_819 = arith.constant 2056 : i32
      %add3A_820 = arith.addi %add3A_819, %mul3A_818 : i32
      %get3A_821 = arith.index_cast %add3A_820 : i32 to index
      %get3A_822 = tpu.vector_load %arg11[%get3A_821] {strides = array<i32>} : memref<4127xi32, #tpu.memory_space<vmem>>, vector<16xi32>,
      %add3A_823 = arith.addi %add3A_808, %get3A_822 : vector<16xi32>
      %broadcast_in_dim3A_824 = arith.constant 0 : i32
      %broadcast_in_dim3A_825 = vector.broadcast %broadcast_in_dim3A_824 : i32 to vector<16xi32>
      %mul3A_826 = arith.constant 16 : i32
      %mul3A_827 = arith.muli %scan3A_700, %mul3A_826 : i32
      %add3A_828 = arith.constant 2056 : i32
      %add3A_829 = arith.addi %add3A_828, %mul3A_827 : i32
      %swap3A_830 = arith.index_cast %add3A_829 : i32 to index
      %swap3A_831 = tpu.vector_load %arg11[%swap3A_830] {strides = array<i32>} : memref<4127xi32, #tpu.memory_space<vmem>>, vector<16xi32>,
      tpu.vector_store %arg11[%swap3A_830], %broadcast_in_dim3A_825 {strides = array<i32>} : memref<4127xi32, #tpu.memory_space<vmem>>, vector<16xi32>,
      %mul3A_832 = arith.constant 16 : i32
      %mul3A_833 = arith.muli %scan3A_700, %mul3A_832 : i32
      %add3A_834 = arith.constant 2313 : i32
      %add3A_835 = arith.addi %add3A_834, %mul3A_833 : i32
      %get3A_836 = arith.index_cast %add3A_835 : i32 to index
      %get3A_837 = tpu.vector_load %arg11[%get3A_836] {strides = array<i32>} : memref<4127xi32, #tpu.memory_space<vmem>>, vector<16xi32>,
      %add3A_838 = arith.addi %add3A_823, %get3A_837 : vector<16xi32>
      %broadcast_in_dim3A_839 = arith.constant 0 : i32
      %broadcast_in_dim3A_840 = vector.broadcast %broadcast_in_dim3A_839 : i32 to vector<16xi32>
      %mul3A_841 = arith.constant 16 : i32
      %mul3A_842 = arith.muli %scan3A_700, %mul3A_841 : i32
      %add3A_843 = arith.constant 2313 : i32
      %add3A_844 = arith.addi %add3A_843, %mul3A_842 : i32
      %swap3A_845 = arith.index_cast %add3A_844 : i32 to index
      %swap3A_846 = tpu.vector_load %arg11[%swap3A_845] {strides = array<i32>} : memref<4127xi32, #tpu.memory_space<vmem>>, vector<16xi32>,
      tpu.vector_store %arg11[%swap3A_845], %broadcast_in_dim3A_840 {strides = array<i32>} : memref<4127xi32, #tpu.memory_space<vmem>>, vector<16xi32>,
      %mul3A_847 = arith.constant 16 : i32
      %mul3A_848 = arith.muli %scan3A_700, %mul3A_847 : i32
      %add3A_849 = arith.constant 2570 : i32
      %add3A_850 = arith.addi %add3A_849, %mul3A_848 : i32
      %get3A_851 = arith.index_cast %add3A_850 : i32 to index
      %get3A_852 = tpu.vector_load %arg11[%get3A_851] {strides = array<i32>} : memref<4127xi32, #tpu.memory_space<vmem>>, vector<16xi32>,
      %add3A_853 = arith.addi %add3A_838, %get3A_852 : vector<16xi32>
      %broadcast_in_dim3A_854 = arith.constant 0 : i32
      %broadcast_in_dim3A_855 = vector.broadcast %broadcast_in_dim3A_854 : i32 to vector<16xi32>
      %mul3A_856 = arith.constant 16 : i32
      %mul3A_857 = arith.muli %scan3A_700, %mul3A_856 : i32
      %add3A_858 = arith.constant 2570 : i32
      %add3A_859 = arith.addi %add3A_858, %mul3A_857 : i32
      %swap3A_860 = arith.index_cast %add3A_859 : i32 to index
      %swap3A_861 = tpu.vector_load %arg11[%swap3A_860] {strides = array<i32>} : memref<4127xi32, #tpu.memory_space<vmem>>, vector<16xi32>,
      tpu.vector_store %arg11[%swap3A_860], %broadcast_in_dim3A_855 {strides = array<i32>} : memref<4127xi32, #tpu.memory_space<vmem>>, vector<16xi32>,
      %mul3A_862 = arith.constant 16 : i32
      %mul3A_863 = arith.muli %scan3A_700, %mul3A_862 : i32
      %add3A_864 = arith.constant 2827 : i32
      %add3A_865 = arith.addi %add3A_864, %mul3A_863 : i32
      %get3A_866 = arith.index_cast %add3A_865 : i32 to index
      %get3A_867 = tpu.vector_load %arg11[%get3A_866] {strides = array<i32>} : memref<4127xi32, #tpu.memory_space<vmem>>, vector<16xi32>,
      %add3A_868 = arith.addi %add3A_853, %get3A_867 : vector<16xi32>
      %broadcast_in_dim3A_869 = arith.constant 0 : i32
      %broadcast_in_dim3A_870 = vector.broadcast %broadcast_in_dim3A_869 : i32 to vector<16xi32>
      %mul3A_871 = arith.constant 16 : i32
      %mul3A_872 = arith.muli %scan3A_700, %mul3A_871 : i32
      %add3A_873 = arith.constant 2827 : i32
      %add3A_874 = arith.addi %add3A_873, %mul3A_872 : i32
      %swap3A_875 = arith.index_cast %add3A_874 : i32 to index
      %swap3A_876 = tpu.vector_load %arg11[%swap3A_875] {strides = array<i32>} : memref<4127xi32, #tpu.memory_space<vmem>>, vector<16xi32>,
      tpu.vector_store %arg11[%swap3A_875], %broadcast_in_dim3A_870 {strides = array<i32>} : memref<4127xi32, #tpu.memory_space<vmem>>, vector<16xi32>,
      %mul3A_877 = arith.constant 16 : i32
      %mul3A_878 = arith.muli %scan3A_700, %mul3A_877 : i32
      %add3A_879 = arith.constant 3084 : i32
      %add3A_880 = arith.addi %add3A_879, %mul3A_878 : i32
      %get3A_881 = arith.index_cast %add3A_880 : i32 to index
      %get3A_882 = tpu.vector_load %arg11[%get3A_881] {strides = array<i32>} : memref<4127xi32, #tpu.memory_space<vmem>>, vector<16xi32>,
      %add3A_883 = arith.addi %add3A_868, %get3A_882 : vector<16xi32>
      %broadcast_in_dim3A_884 = arith.constant 0 : i32
      %broadcast_in_dim3A_885 = vector.broadcast %broadcast_in_dim3A_884 : i32 to vector<16xi32>
      %mul3A_886 = arith.constant 16 : i32
      %mul3A_887 = arith.muli %scan3A_700, %mul3A_886 : i32
      %add3A_888 = arith.constant 3084 : i32
      %add3A_889 = arith.addi %add3A_888, %mul3A_887 : i32
      %swap3A_890 = arith.index_cast %add3A_889 : i32 to index
      %swap3A_891 = tpu.vector_load %arg11[%swap3A_890] {strides = array<i32>} : memref<4127xi32, #tpu.memory_space<vmem>>, vector<16xi32>,
      tpu.vector_store %arg11[%swap3A_890], %broadcast_in_dim3A_885 {strides = array<i32>} : memref<4127xi32, #tpu.memory_space<vmem>>, vector<16xi32>,
      %mul3A_892 = arith.constant 16 : i32
      %mul3A_893 = arith.muli %scan3A_700, %mul3A_892 : i32
      %add3A_894 = arith.constant 3341 : i32
      %add3A_895 = arith.addi %add3A_894, %mul3A_893 : i32
      %get3A_896 = arith.index_cast %add3A_895 : i32 to index
      %get3A_897 = tpu.vector_load %arg11[%get3A_896] {strides = array<i32>} : memref<4127xi32, #tpu.memory_space<vmem>>, vector<16xi32>,
      %add3A_898 = arith.addi %add3A_883, %get3A_897 : vector<16xi32>
      %broadcast_in_dim3A_899 = arith.constant 0 : i32
      %broadcast_in_dim3A_900 = vector.broadcast %broadcast_in_dim3A_899 : i32 to vector<16xi32>
      %mul3A_901 = arith.constant 16 : i32
      %mul3A_902 = arith.muli %scan3A_700, %mul3A_901 : i32
      %add3A_903 = arith.constant 3341 : i32
      %add3A_904 = arith.addi %add3A_903, %mul3A_902 : i32
      %swap3A_905 = arith.index_cast %add3A_904 : i32 to index
      %swap3A_906 = tpu.vector_load %arg11[%swap3A_905] {strides = array<i32>} : memref<4127xi32, #tpu.memory_space<vmem>>, vector<16xi32>,
      tpu.vector_store %arg11[%swap3A_905], %broadcast_in_dim3A_900 {strides = array<i32>} : memref<4127xi32, #tpu.memory_space<vmem>>, vector<16xi32>,
      %mul3A_907 = arith.constant 16 : i32
      %mul3A_908 = arith.muli %scan3A_700, %mul3A_907 : i32
      %add3A_909 = arith.constant 3598 : i32
      %add3A_910 = arith.addi %add3A_909, %mul3A_908 : i32
      %get3A_911 = arith.index_cast %add3A_910 : i32 to index
      %get3A_912 = tpu.vector_load %arg11[%get3A_911] {strides = array<i32>} : memref<4127xi32, #tpu.memory_space<vmem>>, vector<16xi32>,
      %add3A_913 = arith.addi %add3A_898, %get3A_912 : vector<16xi32>
      %broadcast_in_dim3A_914 = arith.constant 0 : i32
      %broadcast_in_dim3A_915 = vector.broadcast %broadcast_in_dim3A_914 : i32 to vector<16xi32>
      %mul3A_916 = arith.constant 16 : i32
      %mul3A_917 = arith.muli %scan3A_700, %mul3A_916 : i32
      %add3A_918 = arith.constant 3598 : i32
      %add3A_919 = arith.addi %add3A_918, %mul3A_917 : i32
      %swap3A_920 = arith.index_cast %add3A_919 : i32 to index
      %swap3A_921 = tpu.vector_load %arg11[%swap3A_920] {strides = array<i32>} : memref<4127xi32, #tpu.memory_space<vmem>>, vector<16xi32>,
      tpu.vector_store %arg11[%swap3A_920], %broadcast_in_dim3A_915 {strides = array<i32>} : memref<4127xi32, #tpu.memory_space<vmem>>, vector<16xi32>,
      %mul3A_922 = arith.constant 16 : i32
      %mul3A_923 = arith.muli %scan3A_700, %mul3A_922 : i32
      %add3A_924 = arith.constant 3855 : i32
      %add3A_925 = arith.addi %add3A_924, %mul3A_923 : i32
      %get3A_926 = arith.index_cast %add3A_925 : i32 to index
      %get3A_927 = tpu.vector_load %arg11[%get3A_926] {strides = array<i32>} : memref<4127xi32, #tpu.memory_space<vmem>>, vector<16xi32>,
      %add3A_928 = arith.addi %add3A_913, %get3A_927 : vector<16xi32>
      %broadcast_in_dim3A_929 = arith.constant 0 : i32
      %broadcast_in_dim3A_930 = vector.broadcast %broadcast_in_dim3A_929 : i32 to vector<16xi32>
      %mul3A_931 = arith.constant 16 : i32
      %mul3A_932 = arith.muli %scan3A_700, %mul3A_931 : i32
      %add3A_933 = arith.constant 3855 : i32
      %add3A_934 = arith.addi %add3A_933, %mul3A_932 : i32
      %swap3A_935 = arith.index_cast %add3A_934 : i32 to index
      %swap3A_936 = tpu.vector_load %arg11[%swap3A_935] {strides = array<i32>} : memref<4127xi32, #tpu.memory_space<vmem>>, vector<16xi32>,
      tpu.vector_store %arg11[%swap3A_935], %broadcast_in_dim3A_930 {strides = array<i32>} : memref<4127xi32, #tpu.memory_space<vmem>>, vector<16xi32>,
      %mul3A_937 = arith.constant 16 : i32
      %mul3A_938 = arith.muli %scan3A_700, %mul3A_937 : i32
      %swap3A_939 = arith.index_cast %mul3A_938 : i32 to index
      %swap3A_940 = tpu.vector_load %arg12[%swap3A_939] {strides = array<i32>} : memref<256xi32, #tpu.memory_space<vmem>>, vector<16xi32>,
      tpu.vector_store %arg12[%swap3A_939], %add3A_928 {strides = array<i32>} : memref<256xi32, #tpu.memory_space<vmem>>, vector<16xi32>,
      %scan3A_941 = arith.constant 0 : i32
      scf.yield %scan3A_941 : i32
    }
    %scan3A_70 = arith.constant 16 : i32
    %run_scoped3A = arith.constant 0 : i32
    "tpu.trace_stop"() : () -> ()
    "tpu.trace_start"() <{level = 10 : i32, message = "p2_merge"}> : () -> ()
    "tpu.region"() ({
      %run_scoped3A_700 = tpu.sem_alloc : memref<!tpu.dma_semaphore, #tpu.memory_space<semaphore_mem>>
      %dma_start3A_701 = arith.constant 0 : i32
      %dma_start3A_702 = tpu.memref_slice %arg12[%dma_start3A_701] : memref<256xi32, #tpu.memory_space<vmem>> -> memref<128xi32, #tpu.memory_space<vmem>>
      %dma_start3A_703 = arith.constant 0 : i32
      %dma_start3A_704 = tpu.memref_slice %arg13[%run_scoped3A, %dma_start3A_703] : memref<8x128xi32, #tpu.memory_space<vmem>> -> memref<1x128xi32, #tpu.memory_space<vmem>>
      %dma_start3A_705 = tpu.memref_squeeze %dma_start3A_704 : memref<1x128xi32, #tpu.memory_space<vmem>> -> memref<128xi32, #tpu.memory_space<vmem>>
      %dma_start3A_706 = arith.constant 0 : i32
      %dma_start3A_707 = tpu.memref_slice %arg30[%dma_start3A_706] : memref<1024xi32, #tpu.memory_space<vmem_shared>> -> memref<1024xi32, #tpu.memory_space<vmem_shared>>
      tpu.enqueue_indirect_dma source(%dma_start3A_702 : memref<128xi32, #tpu.memory_space<vmem>>) target(%dma_start3A_707 : memref<1024xi32, #tpu.memory_space<vmem_shared>>) offsets(%dma_start3A_705 : memref<128xi32, #tpu.memory_space<vmem>>) semaphore(%run_scoped3A_700 : memref<!tpu.dma_semaphore, #tpu.memory_space<semaphore_mem>>) {add = true}
      %dma_wait3A_708 = arith.constant 0 : i32
      %dma_wait3A_709 = tpu.memref_slice %arg12[%dma_wait3A_708] : memref<256xi32, #tpu.memory_space<vmem>> -> memref<128xi32, #tpu.memory_space<vmem>>
      %dma_wait3A_710 = arith.constant 0 : i32
      %dma_wait3A_711 = tpu.memref_slice %arg13[%run_scoped3A, %dma_wait3A_710] : memref<8x128xi32, #tpu.memory_space<vmem>> -> memref<1x128xi32, #tpu.memory_space<vmem>>
      %dma_wait3A_712 = tpu.memref_squeeze %dma_wait3A_711 : memref<1x128xi32, #tpu.memory_space<vmem>> -> memref<128xi32, #tpu.memory_space<vmem>>
      %dma_wait3A_713 = arith.constant 0 : i32
      %dma_wait3A_714 = tpu.memref_slice %arg30[%dma_wait3A_713] : memref<1024xi32, #tpu.memory_space<vmem_shared>> -> memref<1024xi32, #tpu.memory_space<vmem_shared>>
      tpu.wait_indirect_dma semaphore(%run_scoped3A_700 : memref<!tpu.dma_semaphore, #tpu.memory_space<semaphore_mem>>) src(%dma_wait3A_709 : memref<128xi32, #tpu.memory_space<vmem>>) dst(%dma_wait3A_714 : memref<1024xi32, #tpu.memory_space<vmem_shared>>)
      tpu.yield
    }) : () -> ()
    %run_scoped3A_71 = arith.constant 1 : i32
    "tpu.region"() ({
      %run_scoped3A_700 = tpu.sem_alloc : memref<!tpu.dma_semaphore, #tpu.memory_space<semaphore_mem>>
      %dma_start3A_701 = arith.constant 128 : i32
      %dma_start3A_702 = tpu.memref_slice %arg12[%dma_start3A_701] : memref<256xi32, #tpu.memory_space<vmem>> -> memref<128xi32, #tpu.memory_space<vmem>>
      %dma_start3A_703 = arith.constant 0 : i32
      %dma_start3A_704 = tpu.memref_slice %arg13[%run_scoped3A_71, %dma_start3A_703] : memref<8x128xi32, #tpu.memory_space<vmem>> -> memref<1x128xi32, #tpu.memory_space<vmem>>
      %dma_start3A_705 = tpu.memref_squeeze %dma_start3A_704 : memref<1x128xi32, #tpu.memory_space<vmem>> -> memref<128xi32, #tpu.memory_space<vmem>>
      %dma_start3A_706 = arith.constant 0 : i32
      %dma_start3A_707 = tpu.memref_slice %arg30[%dma_start3A_706] : memref<1024xi32, #tpu.memory_space<vmem_shared>> -> memref<1024xi32, #tpu.memory_space<vmem_shared>>
      tpu.enqueue_indirect_dma source(%dma_start3A_702 : memref<128xi32, #tpu.memory_space<vmem>>) target(%dma_start3A_707 : memref<1024xi32, #tpu.memory_space<vmem_shared>>) offsets(%dma_start3A_705 : memref<128xi32, #tpu.memory_space<vmem>>) semaphore(%run_scoped3A_700 : memref<!tpu.dma_semaphore, #tpu.memory_space<semaphore_mem>>) {add = true}
      %dma_wait3A_708 = arith.constant 128 : i32
      %dma_wait3A_709 = tpu.memref_slice %arg12[%dma_wait3A_708] : memref<256xi32, #tpu.memory_space<vmem>> -> memref<128xi32, #tpu.memory_space<vmem>>
      %dma_wait3A_710 = arith.constant 0 : i32
      %dma_wait3A_711 = tpu.memref_slice %arg13[%run_scoped3A_71, %dma_wait3A_710] : memref<8x128xi32, #tpu.memory_space<vmem>> -> memref<1x128xi32, #tpu.memory_space<vmem>>
      %dma_wait3A_712 = tpu.memref_squeeze %dma_wait3A_711 : memref<1x128xi32, #tpu.memory_space<vmem>> -> memref<128xi32, #tpu.memory_space<vmem>>
      %dma_wait3A_713 = arith.constant 0 : i32
      %dma_wait3A_714 = tpu.memref_slice %arg30[%dma_wait3A_713] : memref<1024xi32, #tpu.memory_space<vmem_shared>> -> memref<1024xi32, #tpu.memory_space<vmem_shared>>
      tpu.wait_indirect_dma semaphore(%run_scoped3A_700 : memref<!tpu.dma_semaphore, #tpu.memory_space<semaphore_mem>>) src(%dma_wait3A_709 : memref<128xi32, #tpu.memory_space<vmem>>) dst(%dma_wait3A_714 : memref<1024xi32, #tpu.memory_space<vmem_shared>>)
      tpu.yield
    }) : () -> ()
    "tpu.trace_stop"() : () -> ()
    "tpu.trace_start"() <{level = 10 : i32, message = "p2_bar"}> : () -> ()
    %barrier3A_72 = arith.constant 0 : index
    tpu.barrier barrier_id(%barrier3A_72)
    "tpu.trace_stop"() : () -> ()
    "tpu.trace_start"() <{level = 10 : i32, message = "p2_read"}> : () -> ()
    "tpu.region"() ({
      %run_scoped3A_700 = tpu.sem_alloc : memref<!tpu.dma_semaphore, #tpu.memory_space<semaphore_mem>>
      %dma_start3A_701 = arith.constant 0 : i32
      %dma_start3A_702 = tpu.memref_slice %arg30[%dma_start3A_701] : memref<1024xi32, #tpu.memory_space<vmem_shared>> -> memref<256xi32, #tpu.memory_space<vmem_shared>>
      %dma_start3A_703 = arith.constant 0 : i32
      %dma_start3A_704 = tpu.memref_slice %arg30[%dma_start3A_703] : memref<1024xi32, #tpu.memory_space<vmem_shared>> -> memref<256xi32, #tpu.memory_space<vmem_shared>>
      tpu.enqueue_dma source(%dma_start3A_704 : memref<256xi32, #tpu.memory_space<vmem_shared>>) target(%arg12 : memref<256xi32, #tpu.memory_space<vmem>>) target_semaphore(%run_scoped3A_700 : memref<!tpu.dma_semaphore, #tpu.memory_space<semaphore_mem>>)
      %dma_wait3A_705 = arith.constant 0 : i32
      %dma_wait3A_706 = tpu.memref_slice %arg30[%dma_wait3A_705] : memref<1024xi32, #tpu.memory_space<vmem_shared>> -> memref<256xi32, #tpu.memory_space<vmem_shared>>
      %dma_wait3A_707 = arith.constant 0 : i32
      %dma_wait3A_708 = tpu.memref_slice %arg30[%dma_wait3A_707] : memref<1024xi32, #tpu.memory_space<vmem_shared>> -> memref<256xi32, #tpu.memory_space<vmem_shared>>
      tpu.wait_dma2 semaphore(%run_scoped3A_700 : memref<!tpu.dma_semaphore, #tpu.memory_space<semaphore_mem>>) src(%dma_wait3A_708 : memref<256xi32, #tpu.memory_space<vmem_shared>>) dst(%arg12 : memref<256xi32, #tpu.memory_space<vmem>>)
      tpu.yield
    }) : () -> ()
    %broadcast_in_dim3A_73 = arith.constant -1 : i32
    "tpu.trace_stop"() : () -> ()
    "tpu.trace_start"() <{level = 10 : i32, message = "p2_select"}> : () -> ()
    %broadcast_in_dim3A_74 = vector.broadcast %broadcast_in_dim3A_73 : i32 to vector<16xi32>
    %broadcast_in_dim3A_75 = arith.constant 0 : i32
    %broadcast_in_dim3A_76 = vector.broadcast %broadcast_in_dim3A_75 : i32 to vector<16xi32>
    %broadcast_in_dim3A_77 = arith.constant 0 : i32
    %broadcast_in_dim3A_78 = vector.broadcast %broadcast_in_dim3A_77 : i32 to vector<16xi32>
    %broadcast_in_dim3A_79 = arith.constant 0 : i32
    %broadcast_in_dim3A_80 = vector.broadcast %broadcast_in_dim3A_79 : i32 to vector<16xi32>
    %scan3A_81 = arith.constant 0 : i32
    %scan3A_82 = arith.constant 16 : i32
    %scan3A_83 = arith.addi %scan3A_81, %scan3A_82 : i32
    %scan3A_84 = arith.constant 1 : i32
    %scan3A_85:4 = scf.for %scan3A_700 = %scan3A_81 to %scan3A_83 step %scan3A_84 iter_args(%scan3A_701 = %broadcast_in_dim3A_74, %scan3A_702 = %broadcast_in_dim3A_76, %scan3A_703 = %broadcast_in_dim3A_78, %scan3A_704 = %broadcast_in_dim3A_80) -> (vector<16xi32>, vector<16xi32>, vector<16xi32>, vector<16xi32>)  : i32 {
      %sub3A_705 = arith.constant 15 : i32
      %sub3A_706 = arith.subi %sub3A_705, %scan3A_700 : i32
      %mul3A_707 = arith.constant 16 : i32
      %mul3A_708 = arith.muli %sub3A_706, %mul3A_707 : i32
      %get3A_709 = arith.index_cast %mul3A_708 : i32 to index
      %get3A_710 = tpu.vector_load %arg12[%get3A_709] {strides = array<i32>} : memref<256xi32, #tpu.memory_space<vmem>>, vector<16xi32>,
      %rev3A = arith.constant 15 : i32
      %rev3A_711 = vector.broadcast %rev3A : i32 to vector<16xi32>
      %rev3A_712 = tpu.iota {dimensions = array<i32: 0>} : vector<16xi32>
      %rev3A_713 = arith.subi %rev3A_711, %rev3A_712 : vector<16xi32>
      %rev3A_714 = tpu.dynamic_gather %get3A_710[%rev3A_713] in [0] : vector<16xi32>, vector<16xi32> -> vector<16xi32>
      %broadcast_in_dim3A_715 = arith.constant true
      %broadcast_in_dim3A_716 = vector.broadcast %broadcast_in_dim3A_715 : i1 to vector<16xi1>
      %masked_cumsum3A = tpu.scan <sum>, %rev3A_714 masked %broadcast_in_dim3A_716 : vector<16xi32>, vector<16xi1> -> vector<16xi32>
      %rev3A_717 = arith.constant 15 : i32
      %rev3A_718 = vector.broadcast %rev3A_717 : i32 to vector<16xi32>
      %rev3A_719 = tpu.iota {dimensions = array<i32: 0>} : vector<16xi32>
      %rev3A_720 = arith.subi %rev3A_718, %rev3A_719 : vector<16xi32>
      %rev3A_721 = tpu.dynamic_gather %masked_cumsum3A[%rev3A_720] in [0] : vector<16xi32>, vector<16xi32> -> vector<16xi32>
      %add3A_722 = arith.addi %rev3A_721, %scan3A_704 : vector<16xi32>
      %ge3A = arith.cmpi sge, %add3A_722, %broadcast_in_dim3A_63 : vector<16xi32>
      %all_reduce_population_count3A = tpu.all_reduce %ge3A {dim = 0 : i64, kind = #tpu.reduction_kind<sum>} : vector<16xi1> -> vector<16xi32>
      %lt3A_723 = arith.constant 0 : i32
      %lt3A_724 = vector.broadcast %lt3A_723 : i32 to vector<16xi32>
      %lt3A_725 = arith.cmpi slt, %scan3A_701, %lt3A_724 : vector<16xi32>
      %gt3A_726 = arith.constant 0 : i32
      %gt3A_727 = vector.broadcast %gt3A_726 : i32 to vector<16xi32>
      %gt3A_728 = arith.cmpi sgt, %all_reduce_population_count3A, %gt3A_727 : vector<16xi32>
      %and3A_729 = arith.andi %lt3A_725, %gt3A_728 : vector<16xi1>
      %mul3A_730 = arith.constant 16 : i32
      %mul3A_731 = arith.muli %sub3A_706, %mul3A_730 : i32
      %broadcast_in_dim3A_732 = vector.broadcast %mul3A_731 : i32 to vector<16xi32>
      %add3A_733 = arith.addi %broadcast_in_dim3A_732, %all_reduce_population_count3A : vector<16xi32>
      %sub3A_734 = arith.constant 1 : i32
      %sub3A_735 = vector.broadcast %sub3A_734 : i32 to vector<16xi32>
      %sub3A_736 = arith.subi %add3A_733, %sub3A_735 : vector<16xi32>
      %sub3A_737 = arith.constant 1 : i32
      %sub3A_738 = vector.broadcast %sub3A_737 : i32 to vector<16xi32>
      %sub3A_739 = arith.subi %all_reduce_population_count3A, %sub3A_738 : vector<16xi32>
      %max3A = arith.constant 0 : i32
      %max3A_740 = vector.broadcast %max3A : i32 to vector<16xi32>
      %max3A_741 = arith.maxsi %sub3A_739, %max3A_740 : vector<16xi32>
      %select_n3A_742 = arith.select %and3A_729, %sub3A_736, %scan3A_701 : vector<16xi1>, vector<16xi32>
      %broadcast_in_dim3A_743 = arith.constant 0 : i32
      %broadcast_in_dim3A_744 = vector.broadcast %broadcast_in_dim3A_743 : i32 to vector<16xi32>
      %add3A_745 = arith.addi %broadcast_in_dim3A_744, %max3A_741 : vector<16xi32>
      %reshape3A = vector.shape_cast %add3A_745 : vector<16xi32> to vector<16x1xi32>
      %gather3A = vector.shape_cast %reshape3A : vector<16x1xi32> to vector<16xi32>
      %gather3A_746 = tpu.dynamic_gather %get3A_710[%gather3A] in [0] : vector<16xi32>, vector<16xi32> -> vector<16xi32>
      %select_n3A_747 = arith.select %and3A_729, %gather3A_746, %scan3A_703 : vector<16xi1>, vector<16xi32>
      %broadcast_in_dim3A_748 = arith.constant 0 : i32
      %broadcast_in_dim3A_749 = vector.broadcast %broadcast_in_dim3A_748 : i32 to vector<16xi32>
      %add3A_750 = arith.addi %broadcast_in_dim3A_749, %max3A_741 : vector<16xi32>
      %reshape3A_751 = vector.shape_cast %add3A_750 : vector<16xi32> to vector<16x1xi32>
      %gather3A_752 = vector.shape_cast %reshape3A_751 : vector<16x1xi32> to vector<16xi32>
      %gather3A_753 = tpu.dynamic_gather %add3A_722[%gather3A_752] in [0] : vector<16xi32>, vector<16xi32> -> vector<16xi32>
      %select_n3A_754 = arith.select %and3A_729, %gather3A_753, %scan3A_702 : vector<16xi1>, vector<16xi32>
      %broadcast_in_dim3A_755 = arith.constant 0 : i32
      %broadcast_in_dim3A_756 = vector.broadcast %broadcast_in_dim3A_755 : i32 to vector<16xi32>
      %broadcast_in_dim3A_757 = arith.constant 0 : i32
      %broadcast_in_dim3A_758 = vector.broadcast %broadcast_in_dim3A_757 : i32 to vector<16xi32>
      %add3A_759 = arith.addi %broadcast_in_dim3A_758, %broadcast_in_dim3A_756 : vector<16xi32>
      %reshape3A_760 = vector.shape_cast %add3A_759 : vector<16xi32> to vector<16x1xi32>
      %gather3A_761 = vector.shape_cast %reshape3A_760 : vector<16x1xi32> to vector<16xi32>
      %gather3A_762 = tpu.dynamic_gather %add3A_722[%gather3A_761] in [0] : vector<16xi32>, vector<16xi32> -> vector<16xi32>
      scf.yield %select_n3A_742, %select_n3A_754, %select_n3A_747, %gather3A_762 : vector<16xi32>, vector<16xi32>, vector<16xi32>, vector<16xi32>
    }
    %scan3A_86 = arith.constant 16 : i32
    "tpu.trace_stop"() : () -> ()
    %sub3A = arith.subi %scan3A_85#1, %scan3A_85#2 : vector<16xi32>
    %sub3A_87 = arith.subi %broadcast_in_dim3A_63, %sub3A : vector<16xi32>
    %shift_left3A = arith.constant 24 : i32
    %shift_left3A_88 = vector.broadcast %shift_left3A : i32 to vector<16xi32>
    %shift_left3A_89 = arith.shli %scan3A_85#0, %shift_left3A_88 : vector<16xi32>
    %or3A = arith.ori %broadcast_in_dim3A_61, %shift_left3A_89 : vector<16xi32>
    %shift_right_logical3A = arith.constant 24 : i32
    %shift_right_logical3A_90 = vector.broadcast %shift_right_logical3A : i32 to vector<16xi32>
    %shift_right_logical3A_91 = arith.shrui %or3A, %shift_right_logical3A_90 : vector<16xi32>
    "tpu.trace_start"() <{level = 10 : i32, message = "p2_bcompact"}> : () -> ()
    %mul3A_92 = arith.constant 0 : i32
    %mul3A_93 = arith.muli %arg1, %mul3A_92 : i32
    %scan3A_94 = arith.constant 0 : i32
    %scan3A_95 = arith.constant 128 : i32
    %scan3A_96 = arith.addi %scan3A_94, %scan3A_95 : i32
    %scan3A_97 = arith.constant 1 : i32
    %scan3A_98 = scf.for %scan3A_700 = %scan3A_94 to %scan3A_96 step %scan3A_97 iter_args(%scan3A_701 = %mul3A_93) -> (i32)  : i32 {
      %mul3A_702 = arith.constant 16 : i32
      %mul3A_703 = arith.muli %scan3A_700, %mul3A_702 : i32
      %get3A_704 = arith.index_cast %mul3A_703 : i32 to index
      %get3A_705 = tpu.vector_load %arg8[%get3A_704] {strides = array<i32>} : memref<2048xi32, #tpu.memory_space<vmem>>, vector<16xi32>,
      %shift_right_logical3A_706 = arith.constant 24 : i32
      %shift_right_logical3A_707 = vector.broadcast %shift_right_logical3A_706 : i32 to vector<16xi32>
      %shift_right_logical3A_708 = arith.shrui %get3A_705, %shift_right_logical3A_707 : vector<16xi32>
      %ge3A = arith.cmpi uge, %shift_right_logical3A_708, %shift_right_logical3A_91 : vector<16xi32>
      %swap3A_709 = arith.index_cast %scan3A_701 : i32 to index
      %swap3A_710 = tpu.vector_load %arg9[%swap3A_709] masked %ge3A {strides = array<i32>} : memref<2064xi32, #tpu.memory_space<vmem>>, vector<16xi32>, vector<16xi1>
      tpu.vector_store %arg9[%swap3A_709], %get3A_705 masked %ge3A {strides = array<i32>} : memref<2064xi32, #tpu.memory_space<vmem>>, vector<16xi32>, vector<16xi1>
      %mul3A_711 = arith.constant 16 : i32
      %mul3A_712 = arith.muli %scan3A_700, %mul3A_711 : i32
      %broadcast_in_dim3A_713 = vector.broadcast %mul3A_712 : i32 to vector<16xi32>
      %add3A_714 = arith.addi %broadcast_in_dim3A_713, %iota3A : vector<16xi32>
      %add3A_715 = vector.broadcast %mul3A_0 : i32 to vector<16xi32>
      %add3A_716 = arith.addi %add3A_714, %add3A_715 : vector<16xi32>
      %swap3A_717 = arith.index_cast %scan3A_701 : i32 to index
      %swap3A_718 = tpu.vector_load %arg10[%swap3A_717] masked %ge3A {strides = array<i32>} : memref<2064xi32, #tpu.memory_space<vmem>>, vector<16xi32>, vector<16xi1>
      tpu.vector_store %arg10[%swap3A_717], %add3A_716 masked %ge3A {strides = array<i32>} : memref<2064xi32, #tpu.memory_space<vmem>>, vector<16xi32>, vector<16xi1>
      %all_reduce_population_count3A = tpu.all_reduce %ge3A {dim = 0 : i64, kind = #tpu.reduction_kind<sum>} : vector<16xi1> -> vector<16xi32>
      %slice3A_719 = vector.extract_strided_slice %all_reduce_population_count3A {offsets = [0], sizes = [1], strides = [1]} : vector<16xi32> to vector<1xi32>
      %squeeze3A_720 = vector.extract %slice3A_719[0] : i32 from vector<1xi32>
      %add3A_721 = arith.addi %scan3A_701, %squeeze3A_720 : i32
      scf.yield %add3A_721 : i32
    }
    %scan3A_99 = arith.constant 128 : i32
    %broadcast_in_dim3A_100 = arith.constant 0 : i32
    %broadcast_in_dim3A_101 = vector.broadcast %broadcast_in_dim3A_100 : i32 to vector<16xi32>
    %swap3A_102 = arith.index_cast %scan3A_98 : i32 to index
    %swap3A_103 = tpu.vector_load %arg9[%swap3A_102] {strides = array<i32>} : memref<2064xi32, #tpu.memory_space<vmem>>, vector<16xi32>,
    tpu.vector_store %arg9[%swap3A_102], %broadcast_in_dim3A_101 {strides = array<i32>} : memref<2064xi32, #tpu.memory_space<vmem>>, vector<16xi32>,
    "tpu.trace_stop"() : () -> ()
    %add3A = arith.constant 15 : i32
    %add3A_104 = arith.addi %scan3A_98, %add3A : i32
    %jit3A = arith.constant 16 : i32
    %div3A = arith.divsi %add3A_104, %jit3A : i32
    %sign3A = arith.constant 0 : i32
    %sign3A_105 = arith.cmpi sgt, %add3A_104, %sign3A : i32
    %sign3A_106 = arith.extui %sign3A_105 : i1 to i32
    %sign3A_107 = arith.constant 0 : i32
    %sign3A_108 = arith.cmpi slt, %add3A_104, %sign3A_107 : i32
    %sign3A_109 = arith.extui %sign3A_108 : i1 to i32
    %sign3A_110 = arith.subi %sign3A_106, %sign3A_109 : i32
    %sign3A_111 = arith.constant 0 : i32
    %sign3A_112 = arith.cmpi sgt, %jit3A, %sign3A_111 : i32
    %sign3A_113 = arith.extui %sign3A_112 : i1 to i32
    %sign3A_114 = arith.constant 0 : i32
    %sign3A_115 = arith.cmpi slt, %jit3A, %sign3A_114 : i32
    %sign3A_116 = arith.extui %sign3A_115 : i1 to i32
    %sign3A_117 = arith.subi %sign3A_113, %sign3A_116 : i32
    %ne3A = arith.cmpi ne, %sign3A_110, %sign3A_117 : i32
    %rem3A = arith.remsi %add3A_104, %jit3A : i32
    %ne3A_118 = arith.constant 0 : i32
    %ne3A_119 = arith.cmpi ne, %rem3A, %ne3A_118 : i32
    %and3A = arith.andi %ne3A, %ne3A_119 : i1
    %sub3A_120 = arith.constant 1 : i32
    %sub3A_121 = arith.subi %div3A, %sub3A_120 : i32
    %select_n3A = arith.select %and3A, %sub3A_121, %div3A : i32
    %while3A = arith.constant -16777216 : i32
    %while3A_122 = arith.constant 0 : i32
    %while3A_123 = arith.constant 0 : i32
    "tpu.trace_start"() <{level = 10 : i32, message = "p2_fill"}> : () -> ()
    %while3A_124 = arith.subi %select_n3A, %while3A_122 : i32
    %while3A_125 = arith.addi %while3A_122, %while3A_124 : i32
    %while3A_126 = arith.constant 1 : i32
    %while3A_127 = arith.divsi %while3A_124, %while3A_126 : i32
    %while3A_128 = arith.muli %while3A_127, %while3A_126 : i32
    %while3A_129 = arith.addi %while3A_122, %while3A_128 : i32
    %while3A_130 = arith.constant 1 : i32
    %while3A_131 = scf.for %while3A_700 = %while3A_122 to %while3A_129 step %while3A_130 iter_args(%while3A_701 = %while3A_123) -> (i32)  : i32 {
      %mul3A_702 = arith.constant 16 : i32
      %mul3A_703 = arith.muli %while3A_700, %mul3A_702 : i32
      %get3A_704 = arith.index_cast %mul3A_703 : i32 to index
      %get3A_705 = tpu.vector_load %arg9[%get3A_704] {strides = array<i32>} : memref<2064xi32, #tpu.memory_space<vmem>>, vector<16xi32>,
      %and3A_706 = vector.broadcast %while3A : i32 to vector<16xi32>
      %and3A_707 = arith.andi %get3A_705, %and3A_706 : vector<16xi32>
      %and3A_708 = vector.broadcast %while3A : i32 to vector<16xi32>
      %and3A_709 = arith.andi %or3A, %and3A_708 : vector<16xi32>
      %eq3A_710 = arith.cmpi eq, %and3A_707, %and3A_709 : vector<16xi32>
      %shift_right_logical3A_711 = arith.constant 16 : i32
      %shift_right_logical3A_712 = vector.broadcast %shift_right_logical3A_711 : i32 to vector<16xi32>
      %shift_right_logical3A_713 = arith.shrui %get3A_705, %shift_right_logical3A_712 : vector<16xi32>
      %and3A_714 = arith.constant 255 : i32
      %and3A_715 = vector.broadcast %and3A_714 : i32 to vector<16xi32>
      %and3A_716 = arith.andi %shift_right_logical3A_713, %and3A_715 : vector<16xi32>
      %mul3A_717 = arith.constant 257 : i32
      %mul3A_718 = vector.broadcast %mul3A_717 : i32 to vector<16xi32>
      %mul3A_719 = arith.muli %iota3A, %mul3A_718 : vector<16xi32>
      %add3A_720 = arith.addi %mul3A_719, %and3A_716 : vector<16xi32>
      tpu.vector_store_idx %arg11[%add3A_720], %broadcast_in_dim3A_41 masked %eq3A_710 {add = true} : memref<4127xi32, #tpu.memory_space<vmem>>[vector<16xi32>], vector<16xi32>, vector<16xi1>
      %while3A_721 = arith.constant 0 : i32
      scf.yield %while3A_721 : i32
    }
    %while3A_132 = arith.constant 1 : i32
    %while3A_133 = scf.for %while3A_700 = %while3A_129 to %while3A_125 step %while3A_132 iter_args(%while3A_701 = %while3A_131) -> (i32)  : i32 {
      %mul3A_702 = arith.constant 16 : i32
      %mul3A_703 = arith.muli %while3A_700, %mul3A_702 : i32
      %get3A_704 = arith.index_cast %mul3A_703 : i32 to index
      %get3A_705 = tpu.vector_load %arg9[%get3A_704] {strides = array<i32>} : memref<2064xi32, #tpu.memory_space<vmem>>, vector<16xi32>,
      %and3A_706 = vector.broadcast %while3A : i32 to vector<16xi32>
      %and3A_707 = arith.andi %get3A_705, %and3A_706 : vector<16xi32>
      %and3A_708 = vector.broadcast %while3A : i32 to vector<16xi32>
      %and3A_709 = arith.andi %or3A, %and3A_708 : vector<16xi32>
      %eq3A_710 = arith.cmpi eq, %and3A_707, %and3A_709 : vector<16xi32>
      %shift_right_logical3A_711 = arith.constant 16 : i32
      %shift_right_logical3A_712 = vector.broadcast %shift_right_logical3A_711 : i32 to vector<16xi32>
      %shift_right_logical3A_713 = arith.shrui %get3A_705, %shift_right_logical3A_712 : vector<16xi32>
      %and3A_714 = arith.constant 255 : i32
      %and3A_715 = vector.broadcast %and3A_714 : i32 to vector<16xi32>
      %and3A_716 = arith.andi %shift_right_logical3A_713, %and3A_715 : vector<16xi32>
      %mul3A_717 = arith.constant 257 : i32
      %mul3A_718 = vector.broadcast %mul3A_717 : i32 to vector<16xi32>
      %mul3A_719 = arith.muli %iota3A, %mul3A_718 : vector<16xi32>
      %add3A_720 = arith.addi %mul3A_719, %and3A_716 : vector<16xi32>
      tpu.vector_store_idx %arg11[%add3A_720], %broadcast_in_dim3A_41 masked %eq3A_710 {add = true} : memref<4127xi32, #tpu.memory_space<vmem>>[vector<16xi32>], vector<16xi32>, vector<16xi1>
      %while3A_721 = arith.constant 0 : i32
      scf.yield %while3A_721 : i32
    }
    "tpu.trace_stop"() : () -> ()
    "tpu.trace_start"() <{level = 10 : i32, message = "p2_reduce"}> : () -> ()
    %scan3A_134 = arith.constant 0 : i32
    %scan3A_135 = arith.constant 0 : i32
    %scan3A_136 = arith.constant 16 : i32
    %scan3A_137 = arith.addi %scan3A_135, %scan3A_136 : i32
    %scan3A_138 = arith.constant 1 : i32
    %scan3A_139 = scf.for %scan3A_700 = %scan3A_135 to %scan3A_137 step %scan3A_138 iter_args(%scan3A_701 = %scan3A_134) -> (i32)  : i32 {
      %mul3A_702 = arith.constant 16 : i32
      %mul3A_703 = arith.muli %scan3A_700, %mul3A_702 : i32
      %get3A_704 = arith.index_cast %mul3A_703 : i32 to index
      %get3A_705 = tpu.vector_load %arg11[%get3A_704] {strides = array<i32>} : memref<4127xi32, #tpu.memory_space<vmem>>, vector<16xi32>,
      %broadcast_in_dim3A_706 = arith.constant 0 : i32
      %broadcast_in_dim3A_707 = vector.broadcast %broadcast_in_dim3A_706 : i32 to vector<16xi32>
      %mul3A_708 = arith.constant 16 : i32
      %mul3A_709 = arith.muli %scan3A_700, %mul3A_708 : i32
      %swap3A_710 = arith.index_cast %mul3A_709 : i32 to index
      %swap3A_711 = tpu.vector_load %arg11[%swap3A_710] {strides = array<i32>} : memref<4127xi32, #tpu.memory_space<vmem>>, vector<16xi32>,
      tpu.vector_store %arg11[%swap3A_710], %broadcast_in_dim3A_707 {strides = array<i32>} : memref<4127xi32, #tpu.memory_space<vmem>>, vector<16xi32>,
      %mul3A_712 = arith.constant 16 : i32
      %mul3A_713 = arith.muli %scan3A_700, %mul3A_712 : i32
      %add3A_714 = arith.constant 257 : i32
      %add3A_715 = arith.addi %add3A_714, %mul3A_713 : i32
      %get3A_716 = arith.index_cast %add3A_715 : i32 to index
      %get3A_717 = tpu.vector_load %arg11[%get3A_716] {strides = array<i32>} : memref<4127xi32, #tpu.memory_space<vmem>>, vector<16xi32>,
      %add3A_718 = arith.addi %get3A_705, %get3A_717 : vector<16xi32>
      %broadcast_in_dim3A_719 = arith.constant 0 : i32
      %broadcast_in_dim3A_720 = vector.broadcast %broadcast_in_dim3A_719 : i32 to vector<16xi32>
      %mul3A_721 = arith.constant 16 : i32
      %mul3A_722 = arith.muli %scan3A_700, %mul3A_721 : i32
      %add3A_723 = arith.constant 257 : i32
      %add3A_724 = arith.addi %add3A_723, %mul3A_722 : i32
      %swap3A_725 = arith.index_cast %add3A_724 : i32 to index
      %swap3A_726 = tpu.vector_load %arg11[%swap3A_725] {strides = array<i32>} : memref<4127xi32, #tpu.memory_space<vmem>>, vector<16xi32>,
      tpu.vector_store %arg11[%swap3A_725], %broadcast_in_dim3A_720 {strides = array<i32>} : memref<4127xi32, #tpu.memory_space<vmem>>, vector<16xi32>,
      %mul3A_727 = arith.constant 16 : i32
      %mul3A_728 = arith.muli %scan3A_700, %mul3A_727 : i32
      %add3A_729 = arith.constant 514 : i32
      %add3A_730 = arith.addi %add3A_729, %mul3A_728 : i32
      %get3A_731 = arith.index_cast %add3A_730 : i32 to index
      %get3A_732 = tpu.vector_load %arg11[%get3A_731] {strides = array<i32>} : memref<4127xi32, #tpu.memory_space<vmem>>, vector<16xi32>,
      %add3A_733 = arith.addi %add3A_718, %get3A_732 : vector<16xi32>
      %broadcast_in_dim3A_734 = arith.constant 0 : i32
      %broadcast_in_dim3A_735 = vector.broadcast %broadcast_in_dim3A_734 : i32 to vector<16xi32>
      %mul3A_736 = arith.constant 16 : i32
      %mul3A_737 = arith.muli %scan3A_700, %mul3A_736 : i32
      %add3A_738 = arith.constant 514 : i32
      %add3A_739 = arith.addi %add3A_738, %mul3A_737 : i32
      %swap3A_740 = arith.index_cast %add3A_739 : i32 to index
      %swap3A_741 = tpu.vector_load %arg11[%swap3A_740] {strides = array<i32>} : memref<4127xi32, #tpu.memory_space<vmem>>, vector<16xi32>,
      tpu.vector_store %arg11[%swap3A_740], %broadcast_in_dim3A_735 {strides = array<i32>} : memref<4127xi32, #tpu.memory_space<vmem>>, vector<16xi32>,
      %mul3A_742 = arith.constant 16 : i32
      %mul3A_743 = arith.muli %scan3A_700, %mul3A_742 : i32
      %add3A_744 = arith.constant 771 : i32
      %add3A_745 = arith.addi %add3A_744, %mul3A_743 : i32
      %get3A_746 = arith.index_cast %add3A_745 : i32 to index
      %get3A_747 = tpu.vector_load %arg11[%get3A_746] {strides = array<i32>} : memref<4127xi32, #tpu.memory_space<vmem>>, vector<16xi32>,
      %add3A_748 = arith.addi %add3A_733, %get3A_747 : vector<16xi32>
      %broadcast_in_dim3A_749 = arith.constant 0 : i32
      %broadcast_in_dim3A_750 = vector.broadcast %broadcast_in_dim3A_749 : i32 to vector<16xi32>
      %mul3A_751 = arith.constant 16 : i32
      %mul3A_752 = arith.muli %scan3A_700, %mul3A_751 : i32
      %add3A_753 = arith.constant 771 : i32
      %add3A_754 = arith.addi %add3A_753, %mul3A_752 : i32
      %swap3A_755 = arith.index_cast %add3A_754 : i32 to index
      %swap3A_756 = tpu.vector_load %arg11[%swap3A_755] {strides = array<i32>} : memref<4127xi32, #tpu.memory_space<vmem>>, vector<16xi32>,
      tpu.vector_store %arg11[%swap3A_755], %broadcast_in_dim3A_750 {strides = array<i32>} : memref<4127xi32, #tpu.memory_space<vmem>>, vector<16xi32>,
      %mul3A_757 = arith.constant 16 : i32
      %mul3A_758 = arith.muli %scan3A_700, %mul3A_757 : i32
      %add3A_759 = arith.constant 1028 : i32
      %add3A_760 = arith.addi %add3A_759, %mul3A_758 : i32
      %get3A_761 = arith.index_cast %add3A_760 : i32 to index
      %get3A_762 = tpu.vector_load %arg11[%get3A_761] {strides = array<i32>} : memref<4127xi32, #tpu.memory_space<vmem>>, vector<16xi32>,
      %add3A_763 = arith.addi %add3A_748, %get3A_762 : vector<16xi32>
      %broadcast_in_dim3A_764 = arith.constant 0 : i32
      %broadcast_in_dim3A_765 = vector.broadcast %broadcast_in_dim3A_764 : i32 to vector<16xi32>
      %mul3A_766 = arith.constant 16 : i32
      %mul3A_767 = arith.muli %scan3A_700, %mul3A_766 : i32
      %add3A_768 = arith.constant 1028 : i32
      %add3A_769 = arith.addi %add3A_768, %mul3A_767 : i32
      %swap3A_770 = arith.index_cast %add3A_769 : i32 to index
      %swap3A_771 = tpu.vector_load %arg11[%swap3A_770] {strides = array<i32>} : memref<4127xi32, #tpu.memory_space<vmem>>, vector<16xi32>,
      tpu.vector_store %arg11[%swap3A_770], %broadcast_in_dim3A_765 {strides = array<i32>} : memref<4127xi32, #tpu.memory_space<vmem>>, vector<16xi32>,
      %mul3A_772 = arith.constant 16 : i32
      %mul3A_773 = arith.muli %scan3A_700, %mul3A_772 : i32
      %add3A_774 = arith.constant 1285 : i32
      %add3A_775 = arith.addi %add3A_774, %mul3A_773 : i32
      %get3A_776 = arith.index_cast %add3A_775 : i32 to index
      %get3A_777 = tpu.vector_load %arg11[%get3A_776] {strides = array<i32>} : memref<4127xi32, #tpu.memory_space<vmem>>, vector<16xi32>,
      %add3A_778 = arith.addi %add3A_763, %get3A_777 : vector<16xi32>
      %broadcast_in_dim3A_779 = arith.constant 0 : i32
      %broadcast_in_dim3A_780 = vector.broadcast %broadcast_in_dim3A_779 : i32 to vector<16xi32>
      %mul3A_781 = arith.constant 16 : i32
      %mul3A_782 = arith.muli %scan3A_700, %mul3A_781 : i32
      %add3A_783 = arith.constant 1285 : i32
      %add3A_784 = arith.addi %add3A_783, %mul3A_782 : i32
      %swap3A_785 = arith.index_cast %add3A_784 : i32 to index
      %swap3A_786 = tpu.vector_load %arg11[%swap3A_785] {strides = array<i32>} : memref<4127xi32, #tpu.memory_space<vmem>>, vector<16xi32>,
      tpu.vector_store %arg11[%swap3A_785], %broadcast_in_dim3A_780 {strides = array<i32>} : memref<4127xi32, #tpu.memory_space<vmem>>, vector<16xi32>,
      %mul3A_787 = arith.constant 16 : i32
      %mul3A_788 = arith.muli %scan3A_700, %mul3A_787 : i32
      %add3A_789 = arith.constant 1542 : i32
      %add3A_790 = arith.addi %add3A_789, %mul3A_788 : i32
      %get3A_791 = arith.index_cast %add3A_790 : i32 to index
      %get3A_792 = tpu.vector_load %arg11[%get3A_791] {strides = array<i32>} : memref<4127xi32, #tpu.memory_space<vmem>>, vector<16xi32>,
      %add3A_793 = arith.addi %add3A_778, %get3A_792 : vector<16xi32>
      %broadcast_in_dim3A_794 = arith.constant 0 : i32
      %broadcast_in_dim3A_795 = vector.broadcast %broadcast_in_dim3A_794 : i32 to vector<16xi32>
      %mul3A_796 = arith.constant 16 : i32
      %mul3A_797 = arith.muli %scan3A_700, %mul3A_796 : i32
      %add3A_798 = arith.constant 1542 : i32
      %add3A_799 = arith.addi %add3A_798, %mul3A_797 : i32
      %swap3A_800 = arith.index_cast %add3A_799 : i32 to index
      %swap3A_801 = tpu.vector_load %arg11[%swap3A_800] {strides = array<i32>} : memref<4127xi32, #tpu.memory_space<vmem>>, vector<16xi32>,
      tpu.vector_store %arg11[%swap3A_800], %broadcast_in_dim3A_795 {strides = array<i32>} : memref<4127xi32, #tpu.memory_space<vmem>>, vector<16xi32>,
      %mul3A_802 = arith.constant 16 : i32
      %mul3A_803 = arith.muli %scan3A_700, %mul3A_802 : i32
      %add3A_804 = arith.constant 1799 : i32
      %add3A_805 = arith.addi %add3A_804, %mul3A_803 : i32
      %get3A_806 = arith.index_cast %add3A_805 : i32 to index
      %get3A_807 = tpu.vector_load %arg11[%get3A_806] {strides = array<i32>} : memref<4127xi32, #tpu.memory_space<vmem>>, vector<16xi32>,
      %add3A_808 = arith.addi %add3A_793, %get3A_807 : vector<16xi32>
      %broadcast_in_dim3A_809 = arith.constant 0 : i32
      %broadcast_in_dim3A_810 = vector.broadcast %broadcast_in_dim3A_809 : i32 to vector<16xi32>
      %mul3A_811 = arith.constant 16 : i32
      %mul3A_812 = arith.muli %scan3A_700, %mul3A_811 : i32
      %add3A_813 = arith.constant 1799 : i32
      %add3A_814 = arith.addi %add3A_813, %mul3A_812 : i32
      %swap3A_815 = arith.index_cast %add3A_814 : i32 to index
      %swap3A_816 = tpu.vector_load %arg11[%swap3A_815] {strides = array<i32>} : memref<4127xi32, #tpu.memory_space<vmem>>, vector<16xi32>,
      tpu.vector_store %arg11[%swap3A_815], %broadcast_in_dim3A_810 {strides = array<i32>} : memref<4127xi32, #tpu.memory_space<vmem>>, vector<16xi32>,
      %mul3A_817 = arith.constant 16 : i32
      %mul3A_818 = arith.muli %scan3A_700, %mul3A_817 : i32
      %add3A_819 = arith.constant 2056 : i32
      %add3A_820 = arith.addi %add3A_819, %mul3A_818 : i32
      %get3A_821 = arith.index_cast %add3A_820 : i32 to index
      %get3A_822 = tpu.vector_load %arg11[%get3A_821] {strides = array<i32>} : memref<4127xi32, #tpu.memory_space<vmem>>, vector<16xi32>,
      %add3A_823 = arith.addi %add3A_808, %get3A_822 : vector<16xi32>
      %broadcast_in_dim3A_824 = arith.constant 0 : i32
      %broadcast_in_dim3A_825 = vector.broadcast %broadcast_in_dim3A_824 : i32 to vector<16xi32>
      %mul3A_826 = arith.constant 16 : i32
      %mul3A_827 = arith.muli %scan3A_700, %mul3A_826 : i32
      %add3A_828 = arith.constant 2056 : i32
      %add3A_829 = arith.addi %add3A_828, %mul3A_827 : i32
      %swap3A_830 = arith.index_cast %add3A_829 : i32 to index
      %swap3A_831 = tpu.vector_load %arg11[%swap3A_830] {strides = array<i32>} : memref<4127xi32, #tpu.memory_space<vmem>>, vector<16xi32>,
      tpu.vector_store %arg11[%swap3A_830], %broadcast_in_dim3A_825 {strides = array<i32>} : memref<4127xi32, #tpu.memory_space<vmem>>, vector<16xi32>,
      %mul3A_832 = arith.constant 16 : i32
      %mul3A_833 = arith.muli %scan3A_700, %mul3A_832 : i32
      %add3A_834 = arith.constant 2313 : i32
      %add3A_835 = arith.addi %add3A_834, %mul3A_833 : i32
      %get3A_836 = arith.index_cast %add3A_835 : i32 to index
      %get3A_837 = tpu.vector_load %arg11[%get3A_836] {strides = array<i32>} : memref<4127xi32, #tpu.memory_space<vmem>>, vector<16xi32>,
      %add3A_838 = arith.addi %add3A_823, %get3A_837 : vector<16xi32>
      %broadcast_in_dim3A_839 = arith.constant 0 : i32
      %broadcast_in_dim3A_840 = vector.broadcast %broadcast_in_dim3A_839 : i32 to vector<16xi32>
      %mul3A_841 = arith.constant 16 : i32
      %mul3A_842 = arith.muli %scan3A_700, %mul3A_841 : i32
      %add3A_843 = arith.constant 2313 : i32
      %add3A_844 = arith.addi %add3A_843, %mul3A_842 : i32
      %swap3A_845 = arith.index_cast %add3A_844 : i32 to index
      %swap3A_846 = tpu.vector_load %arg11[%swap3A_845] {strides = array<i32>} : memref<4127xi32, #tpu.memory_space<vmem>>, vector<16xi32>,
      tpu.vector_store %arg11[%swap3A_845], %broadcast_in_dim3A_840 {strides = array<i32>} : memref<4127xi32, #tpu.memory_space<vmem>>, vector<16xi32>,
      %mul3A_847 = arith.constant 16 : i32
      %mul3A_848 = arith.muli %scan3A_700, %mul3A_847 : i32
      %add3A_849 = arith.constant 2570 : i32
      %add3A_850 = arith.addi %add3A_849, %mul3A_848 : i32
      %get3A_851 = arith.index_cast %add3A_850 : i32 to index
      %get3A_852 = tpu.vector_load %arg11[%get3A_851] {strides = array<i32>} : memref<4127xi32, #tpu.memory_space<vmem>>, vector<16xi32>,
      %add3A_853 = arith.addi %add3A_838, %get3A_852 : vector<16xi32>
      %broadcast_in_dim3A_854 = arith.constant 0 : i32
      %broadcast_in_dim3A_855 = vector.broadcast %broadcast_in_dim3A_854 : i32 to vector<16xi32>
      %mul3A_856 = arith.constant 16 : i32
      %mul3A_857 = arith.muli %scan3A_700, %mul3A_856 : i32
      %add3A_858 = arith.constant 2570 : i32
      %add3A_859 = arith.addi %add3A_858, %mul3A_857 : i32
      %swap3A_860 = arith.index_cast %add3A_859 : i32 to index
      %swap3A_861 = tpu.vector_load %arg11[%swap3A_860] {strides = array<i32>} : memref<4127xi32, #tpu.memory_space<vmem>>, vector<16xi32>,
      tpu.vector_store %arg11[%swap3A_860], %broadcast_in_dim3A_855 {strides = array<i32>} : memref<4127xi32, #tpu.memory_space<vmem>>, vector<16xi32>,
      %mul3A_862 = arith.constant 16 : i32
      %mul3A_863 = arith.muli %scan3A_700, %mul3A_862 : i32
      %add3A_864 = arith.constant 2827 : i32
      %add3A_865 = arith.addi %add3A_864, %mul3A_863 : i32
      %get3A_866 = arith.index_cast %add3A_865 : i32 to index
      %get3A_867 = tpu.vector_load %arg11[%get3A_866] {strides = array<i32>} : memref<4127xi32, #tpu.memory_space<vmem>>, vector<16xi32>,
      %add3A_868 = arith.addi %add3A_853, %get3A_867 : vector<16xi32>
      %broadcast_in_dim3A_869 = arith.constant 0 : i32
      %broadcast_in_dim3A_870 = vector.broadcast %broadcast_in_dim3A_869 : i32 to vector<16xi32>
      %mul3A_871 = arith.constant 16 : i32
      %mul3A_872 = arith.muli %scan3A_700, %mul3A_871 : i32
      %add3A_873 = arith.constant 2827 : i32
      %add3A_874 = arith.addi %add3A_873, %mul3A_872 : i32
      %swap3A_875 = arith.index_cast %add3A_874 : i32 to index
      %swap3A_876 = tpu.vector_load %arg11[%swap3A_875] {strides = array<i32>} : memref<4127xi32, #tpu.memory_space<vmem>>, vector<16xi32>,
      tpu.vector_store %arg11[%swap3A_875], %broadcast_in_dim3A_870 {strides = array<i32>} : memref<4127xi32, #tpu.memory_space<vmem>>, vector<16xi32>,
      %mul3A_877 = arith.constant 16 : i32
      %mul3A_878 = arith.muli %scan3A_700, %mul3A_877 : i32
      %add3A_879 = arith.constant 3084 : i32
      %add3A_880 = arith.addi %add3A_879, %mul3A_878 : i32
      %get3A_881 = arith.index_cast %add3A_880 : i32 to index
      %get3A_882 = tpu.vector_load %arg11[%get3A_881] {strides = array<i32>} : memref<4127xi32, #tpu.memory_space<vmem>>, vector<16xi32>,
      %add3A_883 = arith.addi %add3A_868, %get3A_882 : vector<16xi32>
      %broadcast_in_dim3A_884 = arith.constant 0 : i32
      %broadcast_in_dim3A_885 = vector.broadcast %broadcast_in_dim3A_884 : i32 to vector<16xi32>
      %mul3A_886 = arith.constant 16 : i32
      %mul3A_887 = arith.muli %scan3A_700, %mul3A_886 : i32
      %add3A_888 = arith.constant 3084 : i32
      %add3A_889 = arith.addi %add3A_888, %mul3A_887 : i32
      %swap3A_890 = arith.index_cast %add3A_889 : i32 to index
      %swap3A_891 = tpu.vector_load %arg11[%swap3A_890] {strides = array<i32>} : memref<4127xi32, #tpu.memory_space<vmem>>, vector<16xi32>,
      tpu.vector_store %arg11[%swap3A_890], %broadcast_in_dim3A_885 {strides = array<i32>} : memref<4127xi32, #tpu.memory_space<vmem>>, vector<16xi32>,
      %mul3A_892 = arith.constant 16 : i32
      %mul3A_893 = arith.muli %scan3A_700, %mul3A_892 : i32
      %add3A_894 = arith.constant 3341 : i32
      %add3A_895 = arith.addi %add3A_894, %mul3A_893 : i32
      %get3A_896 = arith.index_cast %add3A_895 : i32 to index
      %get3A_897 = tpu.vector_load %arg11[%get3A_896] {strides = array<i32>} : memref<4127xi32, #tpu.memory_space<vmem>>, vector<16xi32>,
      %add3A_898 = arith.addi %add3A_883, %get3A_897 : vector<16xi32>
      %broadcast_in_dim3A_899 = arith.constant 0 : i32
      %broadcast_in_dim3A_900 = vector.broadcast %broadcast_in_dim3A_899 : i32 to vector<16xi32>
      %mul3A_901 = arith.constant 16 : i32
      %mul3A_902 = arith.muli %scan3A_700, %mul3A_901 : i32
      %add3A_903 = arith.constant 3341 : i32
      %add3A_904 = arith.addi %add3A_903, %mul3A_902 : i32
      %swap3A_905 = arith.index_cast %add3A_904 : i32 to index
      %swap3A_906 = tpu.vector_load %arg11[%swap3A_905] {strides = array<i32>} : memref<4127xi32, #tpu.memory_space<vmem>>, vector<16xi32>,
      tpu.vector_store %arg11[%swap3A_905], %broadcast_in_dim3A_900 {strides = array<i32>} : memref<4127xi32, #tpu.memory_space<vmem>>, vector<16xi32>,
      %mul3A_907 = arith.constant 16 : i32
      %mul3A_908 = arith.muli %scan3A_700, %mul3A_907 : i32
      %add3A_909 = arith.constant 3598 : i32
      %add3A_910 = arith.addi %add3A_909, %mul3A_908 : i32
      %get3A_911 = arith.index_cast %add3A_910 : i32 to index
      %get3A_912 = tpu.vector_load %arg11[%get3A_911] {strides = array<i32>} : memref<4127xi32, #tpu.memory_space<vmem>>, vector<16xi32>,
      %add3A_913 = arith.addi %add3A_898, %get3A_912 : vector<16xi32>
      %broadcast_in_dim3A_914 = arith.constant 0 : i32
      %broadcast_in_dim3A_915 = vector.broadcast %broadcast_in_dim3A_914 : i32 to vector<16xi32>
      %mul3A_916 = arith.constant 16 : i32
      %mul3A_917 = arith.muli %scan3A_700, %mul3A_916 : i32
      %add3A_918 = arith.constant 3598 : i32
      %add3A_919 = arith.addi %add3A_918, %mul3A_917 : i32
      %swap3A_920 = arith.index_cast %add3A_919 : i32 to index
      %swap3A_921 = tpu.vector_load %arg11[%swap3A_920] {strides = array<i32>} : memref<4127xi32, #tpu.memory_space<vmem>>, vector<16xi32>,
      tpu.vector_store %arg11[%swap3A_920], %broadcast_in_dim3A_915 {strides = array<i32>} : memref<4127xi32, #tpu.memory_space<vmem>>, vector<16xi32>,
      %mul3A_922 = arith.constant 16 : i32
      %mul3A_923 = arith.muli %scan3A_700, %mul3A_922 : i32
      %add3A_924 = arith.constant 3855 : i32
      %add3A_925 = arith.addi %add3A_924, %mul3A_923 : i32
      %get3A_926 = arith.index_cast %add3A_925 : i32 to index
      %get3A_927 = tpu.vector_load %arg11[%get3A_926] {strides = array<i32>} : memref<4127xi32, #tpu.memory_space<vmem>>, vector<16xi32>,
      %add3A_928 = arith.addi %add3A_913, %get3A_927 : vector<16xi32>
      %broadcast_in_dim3A_929 = arith.constant 0 : i32
      %broadcast_in_dim3A_930 = vector.broadcast %broadcast_in_dim3A_929 : i32 to vector<16xi32>
      %mul3A_931 = arith.constant 16 : i32
      %mul3A_932 = arith.muli %scan3A_700, %mul3A_931 : i32
      %add3A_933 = arith.constant 3855 : i32
      %add3A_934 = arith.addi %add3A_933, %mul3A_932 : i32
      %swap3A_935 = arith.index_cast %add3A_934 : i32 to index
      %swap3A_936 = tpu.vector_load %arg11[%swap3A_935] {strides = array<i32>} : memref<4127xi32, #tpu.memory_space<vmem>>, vector<16xi32>,
      tpu.vector_store %arg11[%swap3A_935], %broadcast_in_dim3A_930 {strides = array<i32>} : memref<4127xi32, #tpu.memory_space<vmem>>, vector<16xi32>,
      %mul3A_937 = arith.constant 16 : i32
      %mul3A_938 = arith.muli %scan3A_700, %mul3A_937 : i32
      %swap3A_939 = arith.index_cast %mul3A_938 : i32 to index
      %swap3A_940 = tpu.vector_load %arg12[%swap3A_939] {strides = array<i32>} : memref<256xi32, #tpu.memory_space<vmem>>, vector<16xi32>,
      tpu.vector_store %arg12[%swap3A_939], %add3A_928 {strides = array<i32>} : memref<256xi32, #tpu.memory_space<vmem>>, vector<16xi32>,
      %scan3A_941 = arith.constant 0 : i32
      scf.yield %scan3A_941 : i32
    }
    %scan3A_140 = arith.constant 16 : i32
    %run_scoped3A_141 = arith.constant 2 : i32
    "tpu.trace_stop"() : () -> ()
    "tpu.trace_start"() <{level = 10 : i32, message = "p2_merge"}> : () -> ()
    "tpu.region"() ({
      %run_scoped3A_700 = tpu.sem_alloc : memref<!tpu.dma_semaphore, #tpu.memory_space<semaphore_mem>>
      %dma_start3A_701 = arith.constant 0 : i32
      %dma_start3A_702 = tpu.memref_slice %arg12[%dma_start3A_701] : memref<256xi32, #tpu.memory_space<vmem>> -> memref<128xi32, #tpu.memory_space<vmem>>
      %dma_start3A_703 = arith.constant 0 : i32
      %dma_start3A_704 = tpu.memref_slice %arg13[%run_scoped3A_141, %dma_start3A_703] : memref<8x128xi32, #tpu.memory_space<vmem>> -> memref<1x128xi32, #tpu.memory_space<vmem>>
      %dma_start3A_705 = tpu.memref_squeeze %dma_start3A_704 : memref<1x128xi32, #tpu.memory_space<vmem>> -> memref<128xi32, #tpu.memory_space<vmem>>
      %dma_start3A_706 = arith.constant 0 : i32
      %dma_start3A_707 = tpu.memref_slice %arg30[%dma_start3A_706] : memref<1024xi32, #tpu.memory_space<vmem_shared>> -> memref<1024xi32, #tpu.memory_space<vmem_shared>>
      tpu.enqueue_indirect_dma source(%dma_start3A_702 : memref<128xi32, #tpu.memory_space<vmem>>) target(%dma_start3A_707 : memref<1024xi32, #tpu.memory_space<vmem_shared>>) offsets(%dma_start3A_705 : memref<128xi32, #tpu.memory_space<vmem>>) semaphore(%run_scoped3A_700 : memref<!tpu.dma_semaphore, #tpu.memory_space<semaphore_mem>>) {add = true}
      %dma_wait3A_708 = arith.constant 0 : i32
      %dma_wait3A_709 = tpu.memref_slice %arg12[%dma_wait3A_708] : memref<256xi32, #tpu.memory_space<vmem>> -> memref<128xi32, #tpu.memory_space<vmem>>
      %dma_wait3A_710 = arith.constant 0 : i32
      %dma_wait3A_711 = tpu.memref_slice %arg13[%run_scoped3A_141, %dma_wait3A_710] : memref<8x128xi32, #tpu.memory_space<vmem>> -> memref<1x128xi32, #tpu.memory_space<vmem>>
      %dma_wait3A_712 = tpu.memref_squeeze %dma_wait3A_711 : memref<1x128xi32, #tpu.memory_space<vmem>> -> memref<128xi32, #tpu.memory_space<vmem>>
      %dma_wait3A_713 = arith.constant 0 : i32
      %dma_wait3A_714 = tpu.memref_slice %arg30[%dma_wait3A_713] : memref<1024xi32, #tpu.memory_space<vmem_shared>> -> memref<1024xi32, #tpu.memory_space<vmem_shared>>
      tpu.wait_indirect_dma semaphore(%run_scoped3A_700 : memref<!tpu.dma_semaphore, #tpu.memory_space<semaphore_mem>>) src(%dma_wait3A_709 : memref<128xi32, #tpu.memory_space<vmem>>) dst(%dma_wait3A_714 : memref<1024xi32, #tpu.memory_space<vmem_shared>>)
      tpu.yield
    }) : () -> ()
    %run_scoped3A_142 = arith.constant 3 : i32
    "tpu.region"() ({
      %run_scoped3A_700 = tpu.sem_alloc : memref<!tpu.dma_semaphore, #tpu.memory_space<semaphore_mem>>
      %dma_start3A_701 = arith.constant 128 : i32
      %dma_start3A_702 = tpu.memref_slice %arg12[%dma_start3A_701] : memref<256xi32, #tpu.memory_space<vmem>> -> memref<128xi32, #tpu.memory_space<vmem>>
      %dma_start3A_703 = arith.constant 0 : i32
      %dma_start3A_704 = tpu.memref_slice %arg13[%run_scoped3A_142, %dma_start3A_703] : memref<8x128xi32, #tpu.memory_space<vmem>> -> memref<1x128xi32, #tpu.memory_space<vmem>>
      %dma_start3A_705 = tpu.memref_squeeze %dma_start3A_704 : memref<1x128xi32, #tpu.memory_space<vmem>> -> memref<128xi32, #tpu.memory_space<vmem>>
      %dma_start3A_706 = arith.constant 0 : i32
      %dma_start3A_707 = tpu.memref_slice %arg30[%dma_start3A_706] : memref<1024xi32, #tpu.memory_space<vmem_shared>> -> memref<1024xi32, #tpu.memory_space<vmem_shared>>
      tpu.enqueue_indirect_dma source(%dma_start3A_702 : memref<128xi32, #tpu.memory_space<vmem>>) target(%dma_start3A_707 : memref<1024xi32, #tpu.memory_space<vmem_shared>>) offsets(%dma_start3A_705 : memref<128xi32, #tpu.memory_space<vmem>>) semaphore(%run_scoped3A_700 : memref<!tpu.dma_semaphore, #tpu.memory_space<semaphore_mem>>) {add = true}
      %dma_wait3A_708 = arith.constant 128 : i32
      %dma_wait3A_709 = tpu.memref_slice %arg12[%dma_wait3A_708] : memref<256xi32, #tpu.memory_space<vmem>> -> memref<128xi32, #tpu.memory_space<vmem>>
      %dma_wait3A_710 = arith.constant 0 : i32
      %dma_wait3A_711 = tpu.memref_slice %arg13[%run_scoped3A_142, %dma_wait3A_710] : memref<8x128xi32, #tpu.memory_space<vmem>> -> memref<1x128xi32, #tpu.memory_space<vmem>>
      %dma_wait3A_712 = tpu.memref_squeeze %dma_wait3A_711 : memref<1x128xi32, #tpu.memory_space<vmem>> -> memref<128xi32, #tpu.memory_space<vmem>>
      %dma_wait3A_713 = arith.constant 0 : i32
      %dma_wait3A_714 = tpu.memref_slice %arg30[%dma_wait3A_713] : memref<1024xi32, #tpu.memory_space<vmem_shared>> -> memref<1024xi32, #tpu.memory_space<vmem_shared>>
      tpu.wait_indirect_dma semaphore(%run_scoped3A_700 : memref<!tpu.dma_semaphore, #tpu.memory_space<semaphore_mem>>) src(%dma_wait3A_709 : memref<128xi32, #tpu.memory_space<vmem>>) dst(%dma_wait3A_714 : memref<1024xi32, #tpu.memory_space<vmem_shared>>)
      tpu.yield
    }) : () -> ()
    "tpu.trace_stop"() : () -> ()
    "tpu.trace_start"() <{level = 10 : i32, message = "p2_bar"}> : () -> ()
    %barrier3A_143 = arith.constant 0 : index
    tpu.barrier barrier_id(%barrier3A_143)
    "tpu.trace_stop"() : () -> ()
    "tpu.trace_start"() <{level = 10 : i32, message = "p2_read"}> : () -> ()
    "tpu.region"() ({
      %run_scoped3A_700 = tpu.sem_alloc : memref<!tpu.dma_semaphore, #tpu.memory_space<semaphore_mem>>
      %dma_start3A_701 = arith.constant 256 : i32
      %dma_start3A_702 = tpu.memref_slice %arg30[%dma_start3A_701] : memref<1024xi32, #tpu.memory_space<vmem_shared>> -> memref<256xi32, #tpu.memory_space<vmem_shared>>
      %dma_start3A_703 = arith.constant 256 : i32
      %dma_start3A_704 = tpu.memref_slice %arg30[%dma_start3A_703] : memref<1024xi32, #tpu.memory_space<vmem_shared>> -> memref<256xi32, #tpu.memory_space<vmem_shared>>
      tpu.enqueue_dma source(%dma_start3A_704 : memref<256xi32, #tpu.memory_space<vmem_shared>>) target(%arg12 : memref<256xi32, #tpu.memory_space<vmem>>) target_semaphore(%run_scoped3A_700 : memref<!tpu.dma_semaphore, #tpu.memory_space<semaphore_mem>>)
      %dma_wait3A_705 = arith.constant 256 : i32
      %dma_wait3A_706 = tpu.memref_slice %arg30[%dma_wait3A_705] : memref<1024xi32, #tpu.memory_space<vmem_shared>> -> memref<256xi32, #tpu.memory_space<vmem_shared>>
      %dma_wait3A_707 = arith.constant 256 : i32
      %dma_wait3A_708 = tpu.memref_slice %arg30[%dma_wait3A_707] : memref<1024xi32, #tpu.memory_space<vmem_shared>> -> memref<256xi32, #tpu.memory_space<vmem_shared>>
      tpu.wait_dma2 semaphore(%run_scoped3A_700 : memref<!tpu.dma_semaphore, #tpu.memory_space<semaphore_mem>>) src(%dma_wait3A_708 : memref<256xi32, #tpu.memory_space<vmem_shared>>) dst(%arg12 : memref<256xi32, #tpu.memory_space<vmem>>)
      tpu.yield
    }) : () -> ()
    %broadcast_in_dim3A_144 = arith.constant -1 : i32
    "tpu.trace_stop"() : () -> ()
    "tpu.trace_start"() <{level = 10 : i32, message = "p2_select"}> : () -> ()
    %broadcast_in_dim3A_145 = vector.broadcast %broadcast_in_dim3A_144 : i32 to vector<16xi32>
    %broadcast_in_dim3A_146 = arith.constant 0 : i32
    %broadcast_in_dim3A_147 = vector.broadcast %broadcast_in_dim3A_146 : i32 to vector<16xi32>
    %broadcast_in_dim3A_148 = arith.constant 0 : i32
    %broadcast_in_dim3A_149 = vector.broadcast %broadcast_in_dim3A_148 : i32 to vector<16xi32>
    %broadcast_in_dim3A_150 = arith.constant 0 : i32
    %broadcast_in_dim3A_151 = vector.broadcast %broadcast_in_dim3A_150 : i32 to vector<16xi32>
    %scan3A_152 = arith.constant 0 : i32
    %scan3A_153 = arith.constant 16 : i32
    %scan3A_154 = arith.addi %scan3A_152, %scan3A_153 : i32
    %scan3A_155 = arith.constant 1 : i32
    %scan3A_156:4 = scf.for %scan3A_700 = %scan3A_152 to %scan3A_154 step %scan3A_155 iter_args(%scan3A_701 = %broadcast_in_dim3A_145, %scan3A_702 = %broadcast_in_dim3A_147, %scan3A_703 = %broadcast_in_dim3A_149, %scan3A_704 = %broadcast_in_dim3A_151) -> (vector<16xi32>, vector<16xi32>, vector<16xi32>, vector<16xi32>)  : i32 {
      %sub3A_705 = arith.constant 15 : i32
      %sub3A_706 = arith.subi %sub3A_705, %scan3A_700 : i32
      %mul3A_707 = arith.constant 16 : i32
      %mul3A_708 = arith.muli %sub3A_706, %mul3A_707 : i32
      %get3A_709 = arith.index_cast %mul3A_708 : i32 to index
      %get3A_710 = tpu.vector_load %arg12[%get3A_709] {strides = array<i32>} : memref<256xi32, #tpu.memory_space<vmem>>, vector<16xi32>,
      %rev3A = arith.constant 15 : i32
      %rev3A_711 = vector.broadcast %rev3A : i32 to vector<16xi32>
      %rev3A_712 = tpu.iota {dimensions = array<i32: 0>} : vector<16xi32>
      %rev3A_713 = arith.subi %rev3A_711, %rev3A_712 : vector<16xi32>
      %rev3A_714 = tpu.dynamic_gather %get3A_710[%rev3A_713] in [0] : vector<16xi32>, vector<16xi32> -> vector<16xi32>
      %broadcast_in_dim3A_715 = arith.constant true
      %broadcast_in_dim3A_716 = vector.broadcast %broadcast_in_dim3A_715 : i1 to vector<16xi1>
      %masked_cumsum3A = tpu.scan <sum>, %rev3A_714 masked %broadcast_in_dim3A_716 : vector<16xi32>, vector<16xi1> -> vector<16xi32>
      %rev3A_717 = arith.constant 15 : i32
      %rev3A_718 = vector.broadcast %rev3A_717 : i32 to vector<16xi32>
      %rev3A_719 = tpu.iota {dimensions = array<i32: 0>} : vector<16xi32>
      %rev3A_720 = arith.subi %rev3A_718, %rev3A_719 : vector<16xi32>
      %rev3A_721 = tpu.dynamic_gather %masked_cumsum3A[%rev3A_720] in [0] : vector<16xi32>, vector<16xi32> -> vector<16xi32>
      %add3A_722 = arith.addi %rev3A_721, %scan3A_704 : vector<16xi32>
      %ge3A = arith.cmpi sge, %add3A_722, %sub3A_87 : vector<16xi32>
      %all_reduce_population_count3A = tpu.all_reduce %ge3A {dim = 0 : i64, kind = #tpu.reduction_kind<sum>} : vector<16xi1> -> vector<16xi32>
      %lt3A_723 = arith.constant 0 : i32
      %lt3A_724 = vector.broadcast %lt3A_723 : i32 to vector<16xi32>
      %lt3A_725 = arith.cmpi slt, %scan3A_701, %lt3A_724 : vector<16xi32>
      %gt3A_726 = arith.constant 0 : i32
      %gt3A_727 = vector.broadcast %gt3A_726 : i32 to vector<16xi32>
      %gt3A_728 = arith.cmpi sgt, %all_reduce_population_count3A, %gt3A_727 : vector<16xi32>
      %and3A_729 = arith.andi %lt3A_725, %gt3A_728 : vector<16xi1>
      %mul3A_730 = arith.constant 16 : i32
      %mul3A_731 = arith.muli %sub3A_706, %mul3A_730 : i32
      %broadcast_in_dim3A_732 = vector.broadcast %mul3A_731 : i32 to vector<16xi32>
      %add3A_733 = arith.addi %broadcast_in_dim3A_732, %all_reduce_population_count3A : vector<16xi32>
      %sub3A_734 = arith.constant 1 : i32
      %sub3A_735 = vector.broadcast %sub3A_734 : i32 to vector<16xi32>
      %sub3A_736 = arith.subi %add3A_733, %sub3A_735 : vector<16xi32>
      %sub3A_737 = arith.constant 1 : i32
      %sub3A_738 = vector.broadcast %sub3A_737 : i32 to vector<16xi32>
      %sub3A_739 = arith.subi %all_reduce_population_count3A, %sub3A_738 : vector<16xi32>
      %max3A = arith.constant 0 : i32
      %max3A_740 = vector.broadcast %max3A : i32 to vector<16xi32>
      %max3A_741 = arith.maxsi %sub3A_739, %max3A_740 : vector<16xi32>
      %select_n3A_742 = arith.select %and3A_729, %sub3A_736, %scan3A_701 : vector<16xi1>, vector<16xi32>
      %broadcast_in_dim3A_743 = arith.constant 0 : i32
      %broadcast_in_dim3A_744 = vector.broadcast %broadcast_in_dim3A_743 : i32 to vector<16xi32>
      %add3A_745 = arith.addi %broadcast_in_dim3A_744, %max3A_741 : vector<16xi32>
      %reshape3A = vector.shape_cast %add3A_745 : vector<16xi32> to vector<16x1xi32>
      %gather3A = vector.shape_cast %reshape3A : vector<16x1xi32> to vector<16xi32>
      %gather3A_746 = tpu.dynamic_gather %get3A_710[%gather3A] in [0] : vector<16xi32>, vector<16xi32> -> vector<16xi32>
      %select_n3A_747 = arith.select %and3A_729, %gather3A_746, %scan3A_703 : vector<16xi1>, vector<16xi32>
      %broadcast_in_dim3A_748 = arith.constant 0 : i32
      %broadcast_in_dim3A_749 = vector.broadcast %broadcast_in_dim3A_748 : i32 to vector<16xi32>
      %add3A_750 = arith.addi %broadcast_in_dim3A_749, %max3A_741 : vector<16xi32>
      %reshape3A_751 = vector.shape_cast %add3A_750 : vector<16xi32> to vector<16x1xi32>
      %gather3A_752 = vector.shape_cast %reshape3A_751 : vector<16x1xi32> to vector<16xi32>
      %gather3A_753 = tpu.dynamic_gather %add3A_722[%gather3A_752] in [0] : vector<16xi32>, vector<16xi32> -> vector<16xi32>
      %select_n3A_754 = arith.select %and3A_729, %gather3A_753, %scan3A_702 : vector<16xi1>, vector<16xi32>
      %broadcast_in_dim3A_755 = arith.constant 0 : i32
      %broadcast_in_dim3A_756 = vector.broadcast %broadcast_in_dim3A_755 : i32 to vector<16xi32>
      %broadcast_in_dim3A_757 = arith.constant 0 : i32
      %broadcast_in_dim3A_758 = vector.broadcast %broadcast_in_dim3A_757 : i32 to vector<16xi32>
      %add3A_759 = arith.addi %broadcast_in_dim3A_758, %broadcast_in_dim3A_756 : vector<16xi32>
      %reshape3A_760 = vector.shape_cast %add3A_759 : vector<16xi32> to vector<16x1xi32>
      %gather3A_761 = vector.shape_cast %reshape3A_760 : vector<16x1xi32> to vector<16xi32>
      %gather3A_762 = tpu.dynamic_gather %add3A_722[%gather3A_761] in [0] : vector<16xi32>, vector<16xi32> -> vector<16xi32>
      scf.yield %select_n3A_742, %select_n3A_754, %select_n3A_747, %gather3A_762 : vector<16xi32>, vector<16xi32>, vector<16xi32>, vector<16xi32>
    }
    %scan3A_157 = arith.constant 16 : i32
    "tpu.trace_stop"() : () -> ()
    %sub3A_158 = arith.subi %scan3A_156#1, %scan3A_156#2 : vector<16xi32>
    %sub3A_159 = arith.subi %sub3A_87, %sub3A_158 : vector<16xi32>
    %shift_left3A_160 = arith.constant 16 : i32
    %shift_left3A_161 = vector.broadcast %shift_left3A_160 : i32 to vector<16xi32>
    %shift_left3A_162 = arith.shli %scan3A_156#0, %shift_left3A_161 : vector<16xi32>
    %or3A_163 = arith.ori %or3A, %shift_left3A_162 : vector<16xi32>
    %while3A_164 = arith.constant -65536 : i32
    %while3A_165 = arith.constant 0 : i32
    %while3A_166 = arith.constant 0 : i32
    "tpu.trace_start"() <{level = 10 : i32, message = "p2_fill"}> : () -> ()
    %while3A_167 = arith.subi %select_n3A, %while3A_165 : i32
    %while3A_168 = arith.addi %while3A_165, %while3A_167 : i32
    %while3A_169 = arith.constant 1 : i32
    %while3A_170 = arith.divsi %while3A_167, %while3A_169 : i32
    %while3A_171 = arith.muli %while3A_170, %while3A_169 : i32
    %while3A_172 = arith.addi %while3A_165, %while3A_171 : i32
    %while3A_173 = arith.constant 1 : i32
    %while3A_174 = scf.for %while3A_700 = %while3A_165 to %while3A_172 step %while3A_173 iter_args(%while3A_701 = %while3A_166) -> (i32)  : i32 {
      %mul3A_702 = arith.constant 16 : i32
      %mul3A_703 = arith.muli %while3A_700, %mul3A_702 : i32
      %get3A_704 = arith.index_cast %mul3A_703 : i32 to index
      %get3A_705 = tpu.vector_load %arg9[%get3A_704] {strides = array<i32>} : memref<2064xi32, #tpu.memory_space<vmem>>, vector<16xi32>,
      %and3A_706 = vector.broadcast %while3A_164 : i32 to vector<16xi32>
      %and3A_707 = arith.andi %get3A_705, %and3A_706 : vector<16xi32>
      %and3A_708 = vector.broadcast %while3A_164 : i32 to vector<16xi32>
      %and3A_709 = arith.andi %or3A_163, %and3A_708 : vector<16xi32>
      %eq3A_710 = arith.cmpi eq, %and3A_707, %and3A_709 : vector<16xi32>
      %shift_right_logical3A_711 = arith.constant 8 : i32
      %shift_right_logical3A_712 = vector.broadcast %shift_right_logical3A_711 : i32 to vector<16xi32>
      %shift_right_logical3A_713 = arith.shrui %get3A_705, %shift_right_logical3A_712 : vector<16xi32>
      %and3A_714 = arith.constant 255 : i32
      %and3A_715 = vector.broadcast %and3A_714 : i32 to vector<16xi32>
      %and3A_716 = arith.andi %shift_right_logical3A_713, %and3A_715 : vector<16xi32>
      %mul3A_717 = arith.constant 257 : i32
      %mul3A_718 = vector.broadcast %mul3A_717 : i32 to vector<16xi32>
      %mul3A_719 = arith.muli %iota3A, %mul3A_718 : vector<16xi32>
      %add3A_720 = arith.addi %mul3A_719, %and3A_716 : vector<16xi32>
      tpu.vector_store_idx %arg11[%add3A_720], %broadcast_in_dim3A_41 masked %eq3A_710 {add = true} : memref<4127xi32, #tpu.memory_space<vmem>>[vector<16xi32>], vector<16xi32>, vector<16xi1>
      %while3A_721 = arith.constant 0 : i32
      scf.yield %while3A_721 : i32
    }
    %while3A_175 = arith.constant 1 : i32
    %while3A_176 = scf.for %while3A_700 = %while3A_172 to %while3A_168 step %while3A_175 iter_args(%while3A_701 = %while3A_174) -> (i32)  : i32 {
      %mul3A_702 = arith.constant 16 : i32
      %mul3A_703 = arith.muli %while3A_700, %mul3A_702 : i32
      %get3A_704 = arith.index_cast %mul3A_703 : i32 to index
      %get3A_705 = tpu.vector_load %arg9[%get3A_704] {strides = array<i32>} : memref<2064xi32, #tpu.memory_space<vmem>>, vector<16xi32>,
      %and3A_706 = vector.broadcast %while3A_164 : i32 to vector<16xi32>
      %and3A_707 = arith.andi %get3A_705, %and3A_706 : vector<16xi32>
      %and3A_708 = vector.broadcast %while3A_164 : i32 to vector<16xi32>
      %and3A_709 = arith.andi %or3A_163, %and3A_708 : vector<16xi32>
      %eq3A_710 = arith.cmpi eq, %and3A_707, %and3A_709 : vector<16xi32>
      %shift_right_logical3A_711 = arith.constant 8 : i32
      %shift_right_logical3A_712 = vector.broadcast %shift_right_logical3A_711 : i32 to vector<16xi32>
      %shift_right_logical3A_713 = arith.shrui %get3A_705, %shift_right_logical3A_712 : vector<16xi32>
      %and3A_714 = arith.constant 255 : i32
      %and3A_715 = vector.broadcast %and3A_714 : i32 to vector<16xi32>
      %and3A_716 = arith.andi %shift_right_logical3A_713, %and3A_715 : vector<16xi32>
      %mul3A_717 = arith.constant 257 : i32
      %mul3A_718 = vector.broadcast %mul3A_717 : i32 to vector<16xi32>
      %mul3A_719 = arith.muli %iota3A, %mul3A_718 : vector<16xi32>
      %add3A_720 = arith.addi %mul3A_719, %and3A_716 : vector<16xi32>
      tpu.vector_store_idx %arg11[%add3A_720], %broadcast_in_dim3A_41 masked %eq3A_710 {add = true} : memref<4127xi32, #tpu.memory_space<vmem>>[vector<16xi32>], vector<16xi32>, vector<16xi1>
      %while3A_721 = arith.constant 0 : i32
      scf.yield %while3A_721 : i32
    }
    "tpu.trace_stop"() : () -> ()
    "tpu.trace_start"() <{level = 10 : i32, message = "p2_reduce"}> : () -> ()
    %scan3A_177 = arith.constant 0 : i32
    %scan3A_178 = arith.constant 0 : i32
    %scan3A_179 = arith.constant 16 : i32
    %scan3A_180 = arith.addi %scan3A_178, %scan3A_179 : i32
    %scan3A_181 = arith.constant 1 : i32
    %scan3A_182 = scf.for %scan3A_700 = %scan3A_178 to %scan3A_180 step %scan3A_181 iter_args(%scan3A_701 = %scan3A_177) -> (i32)  : i32 {
      %mul3A_702 = arith.constant 16 : i32
      %mul3A_703 = arith.muli %scan3A_700, %mul3A_702 : i32
      %get3A_704 = arith.index_cast %mul3A_703 : i32 to index
      %get3A_705 = tpu.vector_load %arg11[%get3A_704] {strides = array<i32>} : memref<4127xi32, #tpu.memory_space<vmem>>, vector<16xi32>,
      %broadcast_in_dim3A_706 = arith.constant 0 : i32
      %broadcast_in_dim3A_707 = vector.broadcast %broadcast_in_dim3A_706 : i32 to vector<16xi32>
      %mul3A_708 = arith.constant 16 : i32
      %mul3A_709 = arith.muli %scan3A_700, %mul3A_708 : i32
      %swap3A_710 = arith.index_cast %mul3A_709 : i32 to index
      %swap3A_711 = tpu.vector_load %arg11[%swap3A_710] {strides = array<i32>} : memref<4127xi32, #tpu.memory_space<vmem>>, vector<16xi32>,
      tpu.vector_store %arg11[%swap3A_710], %broadcast_in_dim3A_707 {strides = array<i32>} : memref<4127xi32, #tpu.memory_space<vmem>>, vector<16xi32>,
      %mul3A_712 = arith.constant 16 : i32
      %mul3A_713 = arith.muli %scan3A_700, %mul3A_712 : i32
      %add3A_714 = arith.constant 257 : i32
      %add3A_715 = arith.addi %add3A_714, %mul3A_713 : i32
      %get3A_716 = arith.index_cast %add3A_715 : i32 to index
      %get3A_717 = tpu.vector_load %arg11[%get3A_716] {strides = array<i32>} : memref<4127xi32, #tpu.memory_space<vmem>>, vector<16xi32>,
      %add3A_718 = arith.addi %get3A_705, %get3A_717 : vector<16xi32>
      %broadcast_in_dim3A_719 = arith.constant 0 : i32
      %broadcast_in_dim3A_720 = vector.broadcast %broadcast_in_dim3A_719 : i32 to vector<16xi32>
      %mul3A_721 = arith.constant 16 : i32
      %mul3A_722 = arith.muli %scan3A_700, %mul3A_721 : i32
      %add3A_723 = arith.constant 257 : i32
      %add3A_724 = arith.addi %add3A_723, %mul3A_722 : i32
      %swap3A_725 = arith.index_cast %add3A_724 : i32 to index
      %swap3A_726 = tpu.vector_load %arg11[%swap3A_725] {strides = array<i32>} : memref<4127xi32, #tpu.memory_space<vmem>>, vector<16xi32>,
      tpu.vector_store %arg11[%swap3A_725], %broadcast_in_dim3A_720 {strides = array<i32>} : memref<4127xi32, #tpu.memory_space<vmem>>, vector<16xi32>,
      %mul3A_727 = arith.constant 16 : i32
      %mul3A_728 = arith.muli %scan3A_700, %mul3A_727 : i32
      %add3A_729 = arith.constant 514 : i32
      %add3A_730 = arith.addi %add3A_729, %mul3A_728 : i32
      %get3A_731 = arith.index_cast %add3A_730 : i32 to index
      %get3A_732 = tpu.vector_load %arg11[%get3A_731] {strides = array<i32>} : memref<4127xi32, #tpu.memory_space<vmem>>, vector<16xi32>,
      %add3A_733 = arith.addi %add3A_718, %get3A_732 : vector<16xi32>
      %broadcast_in_dim3A_734 = arith.constant 0 : i32
      %broadcast_in_dim3A_735 = vector.broadcast %broadcast_in_dim3A_734 : i32 to vector<16xi32>
      %mul3A_736 = arith.constant 16 : i32
      %mul3A_737 = arith.muli %scan3A_700, %mul3A_736 : i32
      %add3A_738 = arith.constant 514 : i32
      %add3A_739 = arith.addi %add3A_738, %mul3A_737 : i32
      %swap3A_740 = arith.index_cast %add3A_739 : i32 to index
      %swap3A_741 = tpu.vector_load %arg11[%swap3A_740] {strides = array<i32>} : memref<4127xi32, #tpu.memory_space<vmem>>, vector<16xi32>,
      tpu.vector_store %arg11[%swap3A_740], %broadcast_in_dim3A_735 {strides = array<i32>} : memref<4127xi32, #tpu.memory_space<vmem>>, vector<16xi32>,
      %mul3A_742 = arith.constant 16 : i32
      %mul3A_743 = arith.muli %scan3A_700, %mul3A_742 : i32
      %add3A_744 = arith.constant 771 : i32
      %add3A_745 = arith.addi %add3A_744, %mul3A_743 : i32
      %get3A_746 = arith.index_cast %add3A_745 : i32 to index
      %get3A_747 = tpu.vector_load %arg11[%get3A_746] {strides = array<i32>} : memref<4127xi32, #tpu.memory_space<vmem>>, vector<16xi32>,
      %add3A_748 = arith.addi %add3A_733, %get3A_747 : vector<16xi32>
      %broadcast_in_dim3A_749 = arith.constant 0 : i32
      %broadcast_in_dim3A_750 = vector.broadcast %broadcast_in_dim3A_749 : i32 to vector<16xi32>
      %mul3A_751 = arith.constant 16 : i32
      %mul3A_752 = arith.muli %scan3A_700, %mul3A_751 : i32
      %add3A_753 = arith.constant 771 : i32
      %add3A_754 = arith.addi %add3A_753, %mul3A_752 : i32
      %swap3A_755 = arith.index_cast %add3A_754 : i32 to index
      %swap3A_756 = tpu.vector_load %arg11[%swap3A_755] {strides = array<i32>} : memref<4127xi32, #tpu.memory_space<vmem>>, vector<16xi32>,
      tpu.vector_store %arg11[%swap3A_755], %broadcast_in_dim3A_750 {strides = array<i32>} : memref<4127xi32, #tpu.memory_space<vmem>>, vector<16xi32>,
      %mul3A_757 = arith.constant 16 : i32
      %mul3A_758 = arith.muli %scan3A_700, %mul3A_757 : i32
      %add3A_759 = arith.constant 1028 : i32
      %add3A_760 = arith.addi %add3A_759, %mul3A_758 : i32
      %get3A_761 = arith.index_cast %add3A_760 : i32 to index
      %get3A_762 = tpu.vector_load %arg11[%get3A_761] {strides = array<i32>} : memref<4127xi32, #tpu.memory_space<vmem>>, vector<16xi32>,
      %add3A_763 = arith.addi %add3A_748, %get3A_762 : vector<16xi32>
      %broadcast_in_dim3A_764 = arith.constant 0 : i32
      %broadcast_in_dim3A_765 = vector.broadcast %broadcast_in_dim3A_764 : i32 to vector<16xi32>
      %mul3A_766 = arith.constant 16 : i32
      %mul3A_767 = arith.muli %scan3A_700, %mul3A_766 : i32
      %add3A_768 = arith.constant 1028 : i32
      %add3A_769 = arith.addi %add3A_768, %mul3A_767 : i32
      %swap3A_770 = arith.index_cast %add3A_769 : i32 to index
      %swap3A_771 = tpu.vector_load %arg11[%swap3A_770] {strides = array<i32>} : memref<4127xi32, #tpu.memory_space<vmem>>, vector<16xi32>,
      tpu.vector_store %arg11[%swap3A_770], %broadcast_in_dim3A_765 {strides = array<i32>} : memref<4127xi32, #tpu.memory_space<vmem>>, vector<16xi32>,
      %mul3A_772 = arith.constant 16 : i32
      %mul3A_773 = arith.muli %scan3A_700, %mul3A_772 : i32
      %add3A_774 = arith.constant 1285 : i32
      %add3A_775 = arith.addi %add3A_774, %mul3A_773 : i32
      %get3A_776 = arith.index_cast %add3A_775 : i32 to index
      %get3A_777 = tpu.vector_load %arg11[%get3A_776] {strides = array<i32>} : memref<4127xi32, #tpu.memory_space<vmem>>, vector<16xi32>,
      %add3A_778 = arith.addi %add3A_763, %get3A_777 : vector<16xi32>
      %broadcast_in_dim3A_779 = arith.constant 0 : i32
      %broadcast_in_dim3A_780 = vector.broadcast %broadcast_in_dim3A_779 : i32 to vector<16xi32>
      %mul3A_781 = arith.constant 16 : i32
      %mul3A_782 = arith.muli %scan3A_700, %mul3A_781 : i32
      %add3A_783 = arith.constant 1285 : i32
      %add3A_784 = arith.addi %add3A_783, %mul3A_782 : i32
      %swap3A_785 = arith.index_cast %add3A_784 : i32 to index
      %swap3A_786 = tpu.vector_load %arg11[%swap3A_785] {strides = array<i32>} : memref<4127xi32, #tpu.memory_space<vmem>>, vector<16xi32>,
      tpu.vector_store %arg11[%swap3A_785], %broadcast_in_dim3A_780 {strides = array<i32>} : memref<4127xi32, #tpu.memory_space<vmem>>, vector<16xi32>,
      %mul3A_787 = arith.constant 16 : i32
      %mul3A_788 = arith.muli %scan3A_700, %mul3A_787 : i32
      %add3A_789 = arith.constant 1542 : i32
      %add3A_790 = arith.addi %add3A_789, %mul3A_788 : i32
      %get3A_791 = arith.index_cast %add3A_790 : i32 to index
      %get3A_792 = tpu.vector_load %arg11[%get3A_791] {strides = array<i32>} : memref<4127xi32, #tpu.memory_space<vmem>>, vector<16xi32>,
      %add3A_793 = arith.addi %add3A_778, %get3A_792 : vector<16xi32>
      %broadcast_in_dim3A_794 = arith.constant 0 : i32
      %broadcast_in_dim3A_795 = vector.broadcast %broadcast_in_dim3A_794 : i32 to vector<16xi32>
      %mul3A_796 = arith.constant 16 : i32
      %mul3A_797 = arith.muli %scan3A_700, %mul3A_796 : i32
      %add3A_798 = arith.constant 1542 : i32
      %add3A_799 = arith.addi %add3A_798, %mul3A_797 : i32
      %swap3A_800 = arith.index_cast %add3A_799 : i32 to index
      %swap3A_801 = tpu.vector_load %arg11[%swap3A_800] {strides = array<i32>} : memref<4127xi32, #tpu.memory_space<vmem>>, vector<16xi32>,
      tpu.vector_store %arg11[%swap3A_800], %broadcast_in_dim3A_795 {strides = array<i32>} : memref<4127xi32, #tpu.memory_space<vmem>>, vector<16xi32>,
      %mul3A_802 = arith.constant 16 : i32
      %mul3A_803 = arith.muli %scan3A_700, %mul3A_802 : i32
      %add3A_804 = arith.constant 1799 : i32
      %add3A_805 = arith.addi %add3A_804, %mul3A_803 : i32
      %get3A_806 = arith.index_cast %add3A_805 : i32 to index
      %get3A_807 = tpu.vector_load %arg11[%get3A_806] {strides = array<i32>} : memref<4127xi32, #tpu.memory_space<vmem>>, vector<16xi32>,
      %add3A_808 = arith.addi %add3A_793, %get3A_807 : vector<16xi32>
      %broadcast_in_dim3A_809 = arith.constant 0 : i32
      %broadcast_in_dim3A_810 = vector.broadcast %broadcast_in_dim3A_809 : i32 to vector<16xi32>
      %mul3A_811 = arith.constant 16 : i32
      %mul3A_812 = arith.muli %scan3A_700, %mul3A_811 : i32
      %add3A_813 = arith.constant 1799 : i32
      %add3A_814 = arith.addi %add3A_813, %mul3A_812 : i32
      %swap3A_815 = arith.index_cast %add3A_814 : i32 to index
      %swap3A_816 = tpu.vector_load %arg11[%swap3A_815] {strides = array<i32>} : memref<4127xi32, #tpu.memory_space<vmem>>, vector<16xi32>,
      tpu.vector_store %arg11[%swap3A_815], %broadcast_in_dim3A_810 {strides = array<i32>} : memref<4127xi32, #tpu.memory_space<vmem>>, vector<16xi32>,
      %mul3A_817 = arith.constant 16 : i32
      %mul3A_818 = arith.muli %scan3A_700, %mul3A_817 : i32
      %add3A_819 = arith.constant 2056 : i32
      %add3A_820 = arith.addi %add3A_819, %mul3A_818 : i32
      %get3A_821 = arith.index_cast %add3A_820 : i32 to index
      %get3A_822 = tpu.vector_load %arg11[%get3A_821] {strides = array<i32>} : memref<4127xi32, #tpu.memory_space<vmem>>, vector<16xi32>,
      %add3A_823 = arith.addi %add3A_808, %get3A_822 : vector<16xi32>
      %broadcast_in_dim3A_824 = arith.constant 0 : i32
      %broadcast_in_dim3A_825 = vector.broadcast %broadcast_in_dim3A_824 : i32 to vector<16xi32>
      %mul3A_826 = arith.constant 16 : i32
      %mul3A_827 = arith.muli %scan3A_700, %mul3A_826 : i32
      %add3A_828 = arith.constant 2056 : i32
      %add3A_829 = arith.addi %add3A_828, %mul3A_827 : i32
      %swap3A_830 = arith.index_cast %add3A_829 : i32 to index
      %swap3A_831 = tpu.vector_load %arg11[%swap3A_830] {strides = array<i32>} : memref<4127xi32, #tpu.memory_space<vmem>>, vector<16xi32>,
      tpu.vector_store %arg11[%swap3A_830], %broadcast_in_dim3A_825 {strides = array<i32>} : memref<4127xi32, #tpu.memory_space<vmem>>, vector<16xi32>,
      %mul3A_832 = arith.constant 16 : i32
      %mul3A_833 = arith.muli %scan3A_700, %mul3A_832 : i32
      %add3A_834 = arith.constant 2313 : i32
      %add3A_835 = arith.addi %add3A_834, %mul3A_833 : i32
      %get3A_836 = arith.index_cast %add3A_835 : i32 to index
      %get3A_837 = tpu.vector_load %arg11[%get3A_836] {strides = array<i32>} : memref<4127xi32, #tpu.memory_space<vmem>>, vector<16xi32>,
      %add3A_838 = arith.addi %add3A_823, %get3A_837 : vector<16xi32>
      %broadcast_in_dim3A_839 = arith.constant 0 : i32
      %broadcast_in_dim3A_840 = vector.broadcast %broadcast_in_dim3A_839 : i32 to vector<16xi32>
      %mul3A_841 = arith.constant 16 : i32
      %mul3A_842 = arith.muli %scan3A_700, %mul3A_841 : i32
      %add3A_843 = arith.constant 2313 : i32
      %add3A_844 = arith.addi %add3A_843, %mul3A_842 : i32
      %swap3A_845 = arith.index_cast %add3A_844 : i32 to index
      %swap3A_846 = tpu.vector_load %arg11[%swap3A_845] {strides = array<i32>} : memref<4127xi32, #tpu.memory_space<vmem>>, vector<16xi32>,
      tpu.vector_store %arg11[%swap3A_845], %broadcast_in_dim3A_840 {strides = array<i32>} : memref<4127xi32, #tpu.memory_space<vmem>>, vector<16xi32>,
      %mul3A_847 = arith.constant 16 : i32
      %mul3A_848 = arith.muli %scan3A_700, %mul3A_847 : i32
      %add3A_849 = arith.constant 2570 : i32
      %add3A_850 = arith.addi %add3A_849, %mul3A_848 : i32
      %get3A_851 = arith.index_cast %add3A_850 : i32 to index
      %get3A_852 = tpu.vector_load %arg11[%get3A_851] {strides = array<i32>} : memref<4127xi32, #tpu.memory_space<vmem>>, vector<16xi32>,
      %add3A_853 = arith.addi %add3A_838, %get3A_852 : vector<16xi32>
      %broadcast_in_dim3A_854 = arith.constant 0 : i32
      %broadcast_in_dim3A_855 = vector.broadcast %broadcast_in_dim3A_854 : i32 to vector<16xi32>
      %mul3A_856 = arith.constant 16 : i32
      %mul3A_857 = arith.muli %scan3A_700, %mul3A_856 : i32
      %add3A_858 = arith.constant 2570 : i32
      %add3A_859 = arith.addi %add3A_858, %mul3A_857 : i32
      %swap3A_860 = arith.index_cast %add3A_859 : i32 to index
      %swap3A_861 = tpu.vector_load %arg11[%swap3A_860] {strides = array<i32>} : memref<4127xi32, #tpu.memory_space<vmem>>, vector<16xi32>,
      tpu.vector_store %arg11[%swap3A_860], %broadcast_in_dim3A_855 {strides = array<i32>} : memref<4127xi32, #tpu.memory_space<vmem>>, vector<16xi32>,
      %mul3A_862 = arith.constant 16 : i32
      %mul3A_863 = arith.muli %scan3A_700, %mul3A_862 : i32
      %add3A_864 = arith.constant 2827 : i32
      %add3A_865 = arith.addi %add3A_864, %mul3A_863 : i32
      %get3A_866 = arith.index_cast %add3A_865 : i32 to index
      %get3A_867 = tpu.vector_load %arg11[%get3A_866] {strides = array<i32>} : memref<4127xi32, #tpu.memory_space<vmem>>, vector<16xi32>,
      %add3A_868 = arith.addi %add3A_853, %get3A_867 : vector<16xi32>
      %broadcast_in_dim3A_869 = arith.constant 0 : i32
      %broadcast_in_dim3A_870 = vector.broadcast %broadcast_in_dim3A_869 : i32 to vector<16xi32>
      %mul3A_871 = arith.constant 16 : i32
      %mul3A_872 = arith.muli %scan3A_700, %mul3A_871 : i32
      %add3A_873 = arith.constant 2827 : i32
      %add3A_874 = arith.addi %add3A_873, %mul3A_872 : i32
      %swap3A_875 = arith.index_cast %add3A_874 : i32 to index
      %swap3A_876 = tpu.vector_load %arg11[%swap3A_875] {strides = array<i32>} : memref<4127xi32, #tpu.memory_space<vmem>>, vector<16xi32>,
      tpu.vector_store %arg11[%swap3A_875], %broadcast_in_dim3A_870 {strides = array<i32>} : memref<4127xi32, #tpu.memory_space<vmem>>, vector<16xi32>,
      %mul3A_877 = arith.constant 16 : i32
      %mul3A_878 = arith.muli %scan3A_700, %mul3A_877 : i32
      %add3A_879 = arith.constant 3084 : i32
      %add3A_880 = arith.addi %add3A_879, %mul3A_878 : i32
      %get3A_881 = arith.index_cast %add3A_880 : i32 to index
      %get3A_882 = tpu.vector_load %arg11[%get3A_881] {strides = array<i32>} : memref<4127xi32, #tpu.memory_space<vmem>>, vector<16xi32>,
      %add3A_883 = arith.addi %add3A_868, %get3A_882 : vector<16xi32>
      %broadcast_in_dim3A_884 = arith.constant 0 : i32
      %broadcast_in_dim3A_885 = vector.broadcast %broadcast_in_dim3A_884 : i32 to vector<16xi32>
      %mul3A_886 = arith.constant 16 : i32
      %mul3A_887 = arith.muli %scan3A_700, %mul3A_886 : i32
      %add3A_888 = arith.constant 3084 : i32
      %add3A_889 = arith.addi %add3A_888, %mul3A_887 : i32
      %swap3A_890 = arith.index_cast %add3A_889 : i32 to index
      %swap3A_891 = tpu.vector_load %arg11[%swap3A_890] {strides = array<i32>} : memref<4127xi32, #tpu.memory_space<vmem>>, vector<16xi32>,
      tpu.vector_store %arg11[%swap3A_890], %broadcast_in_dim3A_885 {strides = array<i32>} : memref<4127xi32, #tpu.memory_space<vmem>>, vector<16xi32>,
      %mul3A_892 = arith.constant 16 : i32
      %mul3A_893 = arith.muli %scan3A_700, %mul3A_892 : i32
      %add3A_894 = arith.constant 3341 : i32
      %add3A_895 = arith.addi %add3A_894, %mul3A_893 : i32
      %get3A_896 = arith.index_cast %add3A_895 : i32 to index
      %get3A_897 = tpu.vector_load %arg11[%get3A_896] {strides = array<i32>} : memref<4127xi32, #tpu.memory_space<vmem>>, vector<16xi32>,
      %add3A_898 = arith.addi %add3A_883, %get3A_897 : vector<16xi32>
      %broadcast_in_dim3A_899 = arith.constant 0 : i32
      %broadcast_in_dim3A_900 = vector.broadcast %broadcast_in_dim3A_899 : i32 to vector<16xi32>
      %mul3A_901 = arith.constant 16 : i32
      %mul3A_902 = arith.muli %scan3A_700, %mul3A_901 : i32
      %add3A_903 = arith.constant 3341 : i32
      %add3A_904 = arith.addi %add3A_903, %mul3A_902 : i32
      %swap3A_905 = arith.index_cast %add3A_904 : i32 to index
      %swap3A_906 = tpu.vector_load %arg11[%swap3A_905] {strides = array<i32>} : memref<4127xi32, #tpu.memory_space<vmem>>, vector<16xi32>,
      tpu.vector_store %arg11[%swap3A_905], %broadcast_in_dim3A_900 {strides = array<i32>} : memref<4127xi32, #tpu.memory_space<vmem>>, vector<16xi32>,
      %mul3A_907 = arith.constant 16 : i32
      %mul3A_908 = arith.muli %scan3A_700, %mul3A_907 : i32
      %add3A_909 = arith.constant 3598 : i32
      %add3A_910 = arith.addi %add3A_909, %mul3A_908 : i32
      %get3A_911 = arith.index_cast %add3A_910 : i32 to index
      %get3A_912 = tpu.vector_load %arg11[%get3A_911] {strides = array<i32>} : memref<4127xi32, #tpu.memory_space<vmem>>, vector<16xi32>,
      %add3A_913 = arith.addi %add3A_898, %get3A_912 : vector<16xi32>
      %broadcast_in_dim3A_914 = arith.constant 0 : i32
      %broadcast_in_dim3A_915 = vector.broadcast %broadcast_in_dim3A_914 : i32 to vector<16xi32>
      %mul3A_916 = arith.constant 16 : i32
      %mul3A_917 = arith.muli %scan3A_700, %mul3A_916 : i32
      %add3A_918 = arith.constant 3598 : i32
      %add3A_919 = arith.addi %add3A_918, %mul3A_917 : i32
      %swap3A_920 = arith.index_cast %add3A_919 : i32 to index
      %swap3A_921 = tpu.vector_load %arg11[%swap3A_920] {strides = array<i32>} : memref<4127xi32, #tpu.memory_space<vmem>>, vector<16xi32>,
      tpu.vector_store %arg11[%swap3A_920], %broadcast_in_dim3A_915 {strides = array<i32>} : memref<4127xi32, #tpu.memory_space<vmem>>, vector<16xi32>,
      %mul3A_922 = arith.constant 16 : i32
      %mul3A_923 = arith.muli %scan3A_700, %mul3A_922 : i32
      %add3A_924 = arith.constant 3855 : i32
      %add3A_925 = arith.addi %add3A_924, %mul3A_923 : i32
      %get3A_926 = arith.index_cast %add3A_925 : i32 to index
      %get3A_927 = tpu.vector_load %arg11[%get3A_926] {strides = array<i32>} : memref<4127xi32, #tpu.memory_space<vmem>>, vector<16xi32>,
      %add3A_928 = arith.addi %add3A_913, %get3A_927 : vector<16xi32>
      %broadcast_in_dim3A_929 = arith.constant 0 : i32
      %broadcast_in_dim3A_930 = vector.broadcast %broadcast_in_dim3A_929 : i32 to vector<16xi32>
      %mul3A_931 = arith.constant 16 : i32
      %mul3A_932 = arith.muli %scan3A_700, %mul3A_931 : i32
      %add3A_933 = arith.constant 3855 : i32
      %add3A_934 = arith.addi %add3A_933, %mul3A_932 : i32
      %swap3A_935 = arith.index_cast %add3A_934 : i32 to index
      %swap3A_936 = tpu.vector_load %arg11[%swap3A_935] {strides = array<i32>} : memref<4127xi32, #tpu.memory_space<vmem>>, vector<16xi32>,
      tpu.vector_store %arg11[%swap3A_935], %broadcast_in_dim3A_930 {strides = array<i32>} : memref<4127xi32, #tpu.memory_space<vmem>>, vector<16xi32>,
      %mul3A_937 = arith.constant 16 : i32
      %mul3A_938 = arith.muli %scan3A_700, %mul3A_937 : i32
      %swap3A_939 = arith.index_cast %mul3A_938 : i32 to index
      %swap3A_940 = tpu.vector_load %arg12[%swap3A_939] {strides = array<i32>} : memref<256xi32, #tpu.memory_space<vmem>>, vector<16xi32>,
      tpu.vector_store %arg12[%swap3A_939], %add3A_928 {strides = array<i32>} : memref<256xi32, #tpu.memory_space<vmem>>, vector<16xi32>,
      %scan3A_941 = arith.constant 0 : i32
      scf.yield %scan3A_941 : i32
    }
    %scan3A_183 = arith.constant 16 : i32
    %run_scoped3A_184 = arith.constant 4 : i32
    "tpu.trace_stop"() : () -> ()
    "tpu.trace_start"() <{level = 10 : i32, message = "p2_merge"}> : () -> ()
    "tpu.region"() ({
      %run_scoped3A_700 = tpu.sem_alloc : memref<!tpu.dma_semaphore, #tpu.memory_space<semaphore_mem>>
      %dma_start3A_701 = arith.constant 0 : i32
      %dma_start3A_702 = tpu.memref_slice %arg12[%dma_start3A_701] : memref<256xi32, #tpu.memory_space<vmem>> -> memref<128xi32, #tpu.memory_space<vmem>>
      %dma_start3A_703 = arith.constant 0 : i32
      %dma_start3A_704 = tpu.memref_slice %arg13[%run_scoped3A_184, %dma_start3A_703] : memref<8x128xi32, #tpu.memory_space<vmem>> -> memref<1x128xi32, #tpu.memory_space<vmem>>
      %dma_start3A_705 = tpu.memref_squeeze %dma_start3A_704 : memref<1x128xi32, #tpu.memory_space<vmem>> -> memref<128xi32, #tpu.memory_space<vmem>>
      %dma_start3A_706 = arith.constant 0 : i32
      %dma_start3A_707 = tpu.memref_slice %arg30[%dma_start3A_706] : memref<1024xi32, #tpu.memory_space<vmem_shared>> -> memref<1024xi32, #tpu.memory_space<vmem_shared>>
      tpu.enqueue_indirect_dma source(%dma_start3A_702 : memref<128xi32, #tpu.memory_space<vmem>>) target(%dma_start3A_707 : memref<1024xi32, #tpu.memory_space<vmem_shared>>) offsets(%dma_start3A_705 : memref<128xi32, #tpu.memory_space<vmem>>) semaphore(%run_scoped3A_700 : memref<!tpu.dma_semaphore, #tpu.memory_space<semaphore_mem>>) {add = true}
      %dma_wait3A_708 = arith.constant 0 : i32
      %dma_wait3A_709 = tpu.memref_slice %arg12[%dma_wait3A_708] : memref<256xi32, #tpu.memory_space<vmem>> -> memref<128xi32, #tpu.memory_space<vmem>>
      %dma_wait3A_710 = arith.constant 0 : i32
      %dma_wait3A_711 = tpu.memref_slice %arg13[%run_scoped3A_184, %dma_wait3A_710] : memref<8x128xi32, #tpu.memory_space<vmem>> -> memref<1x128xi32, #tpu.memory_space<vmem>>
      %dma_wait3A_712 = tpu.memref_squeeze %dma_wait3A_711 : memref<1x128xi32, #tpu.memory_space<vmem>> -> memref<128xi32, #tpu.memory_space<vmem>>
      %dma_wait3A_713 = arith.constant 0 : i32
      %dma_wait3A_714 = tpu.memref_slice %arg30[%dma_wait3A_713] : memref<1024xi32, #tpu.memory_space<vmem_shared>> -> memref<1024xi32, #tpu.memory_space<vmem_shared>>
      tpu.wait_indirect_dma semaphore(%run_scoped3A_700 : memref<!tpu.dma_semaphore, #tpu.memory_space<semaphore_mem>>) src(%dma_wait3A_709 : memref<128xi32, #tpu.memory_space<vmem>>) dst(%dma_wait3A_714 : memref<1024xi32, #tpu.memory_space<vmem_shared>>)
      tpu.yield
    }) : () -> ()
    %run_scoped3A_185 = arith.constant 5 : i32
    "tpu.region"() ({
      %run_scoped3A_700 = tpu.sem_alloc : memref<!tpu.dma_semaphore, #tpu.memory_space<semaphore_mem>>
      %dma_start3A_701 = arith.constant 128 : i32
      %dma_start3A_702 = tpu.memref_slice %arg12[%dma_start3A_701] : memref<256xi32, #tpu.memory_space<vmem>> -> memref<128xi32, #tpu.memory_space<vmem>>
      %dma_start3A_703 = arith.constant 0 : i32
      %dma_start3A_704 = tpu.memref_slice %arg13[%run_scoped3A_185, %dma_start3A_703] : memref<8x128xi32, #tpu.memory_space<vmem>> -> memref<1x128xi32, #tpu.memory_space<vmem>>
      %dma_start3A_705 = tpu.memref_squeeze %dma_start3A_704 : memref<1x128xi32, #tpu.memory_space<vmem>> -> memref<128xi32, #tpu.memory_space<vmem>>
      %dma_start3A_706 = arith.constant 0 : i32
      %dma_start3A_707 = tpu.memref_slice %arg30[%dma_start3A_706] : memref<1024xi32, #tpu.memory_space<vmem_shared>> -> memref<1024xi32, #tpu.memory_space<vmem_shared>>
      tpu.enqueue_indirect_dma source(%dma_start3A_702 : memref<128xi32, #tpu.memory_space<vmem>>) target(%dma_start3A_707 : memref<1024xi32, #tpu.memory_space<vmem_shared>>) offsets(%dma_start3A_705 : memref<128xi32, #tpu.memory_space<vmem>>) semaphore(%run_scoped3A_700 : memref<!tpu.dma_semaphore, #tpu.memory_space<semaphore_mem>>) {add = true}
      %dma_wait3A_708 = arith.constant 128 : i32
      %dma_wait3A_709 = tpu.memref_slice %arg12[%dma_wait3A_708] : memref<256xi32, #tpu.memory_space<vmem>> -> memref<128xi32, #tpu.memory_space<vmem>>
      %dma_wait3A_710 = arith.constant 0 : i32
      %dma_wait3A_711 = tpu.memref_slice %arg13[%run_scoped3A_185, %dma_wait3A_710] : memref<8x128xi32, #tpu.memory_space<vmem>> -> memref<1x128xi32, #tpu.memory_space<vmem>>
      %dma_wait3A_712 = tpu.memref_squeeze %dma_wait3A_711 : memref<1x128xi32, #tpu.memory_space<vmem>> -> memref<128xi32, #tpu.memory_space<vmem>>
      %dma_wait3A_713 = arith.constant 0 : i32
      %dma_wait3A_714 = tpu.memref_slice %arg30[%dma_wait3A_713] : memref<1024xi32, #tpu.memory_space<vmem_shared>> -> memref<1024xi32, #tpu.memory_space<vmem_shared>>
      tpu.wait_indirect_dma semaphore(%run_scoped3A_700 : memref<!tpu.dma_semaphore, #tpu.memory_space<semaphore_mem>>) src(%dma_wait3A_709 : memref<128xi32, #tpu.memory_space<vmem>>) dst(%dma_wait3A_714 : memref<1024xi32, #tpu.memory_space<vmem_shared>>)
      tpu.yield
    }) : () -> ()
    "tpu.trace_stop"() : () -> ()
    "tpu.trace_start"() <{level = 10 : i32, message = "p2_bar"}> : () -> ()
    %barrier3A_186 = arith.constant 0 : index
    tpu.barrier barrier_id(%barrier3A_186)
    "tpu.trace_stop"() : () -> ()
    "tpu.trace_start"() <{level = 10 : i32, message = "p2_read"}> : () -> ()
    "tpu.region"() ({
      %run_scoped3A_700 = tpu.sem_alloc : memref<!tpu.dma_semaphore, #tpu.memory_space<semaphore_mem>>
      %dma_start3A_701 = arith.constant 512 : i32
      %dma_start3A_702 = tpu.memref_slice %arg30[%dma_start3A_701] : memref<1024xi32, #tpu.memory_space<vmem_shared>> -> memref<256xi32, #tpu.memory_space<vmem_shared>>
      %dma_start3A_703 = arith.constant 512 : i32
      %dma_start3A_704 = tpu.memref_slice %arg30[%dma_start3A_703] : memref<1024xi32, #tpu.memory_space<vmem_shared>> -> memref<256xi32, #tpu.memory_space<vmem_shared>>
      tpu.enqueue_dma source(%dma_start3A_704 : memref<256xi32, #tpu.memory_space<vmem_shared>>) target(%arg12 : memref<256xi32, #tpu.memory_space<vmem>>) target_semaphore(%run_scoped3A_700 : memref<!tpu.dma_semaphore, #tpu.memory_space<semaphore_mem>>)
      %dma_wait3A_705 = arith.constant 512 : i32
      %dma_wait3A_706 = tpu.memref_slice %arg30[%dma_wait3A_705] : memref<1024xi32, #tpu.memory_space<vmem_shared>> -> memref<256xi32, #tpu.memory_space<vmem_shared>>
      %dma_wait3A_707 = arith.constant 512 : i32
      %dma_wait3A_708 = tpu.memref_slice %arg30[%dma_wait3A_707] : memref<1024xi32, #tpu.memory_space<vmem_shared>> -> memref<256xi32, #tpu.memory_space<vmem_shared>>
      tpu.wait_dma2 semaphore(%run_scoped3A_700 : memref<!tpu.dma_semaphore, #tpu.memory_space<semaphore_mem>>) src(%dma_wait3A_708 : memref<256xi32, #tpu.memory_space<vmem_shared>>) dst(%arg12 : memref<256xi32, #tpu.memory_space<vmem>>)
      tpu.yield
    }) : () -> ()
    %broadcast_in_dim3A_187 = arith.constant -1 : i32
    "tpu.trace_stop"() : () -> ()
    "tpu.trace_start"() <{level = 10 : i32, message = "p2_select"}> : () -> ()
    %broadcast_in_dim3A_188 = vector.broadcast %broadcast_in_dim3A_187 : i32 to vector<16xi32>
    %broadcast_in_dim3A_189 = arith.constant 0 : i32
    %broadcast_in_dim3A_190 = vector.broadcast %broadcast_in_dim3A_189 : i32 to vector<16xi32>
    %broadcast_in_dim3A_191 = arith.constant 0 : i32
    %broadcast_in_dim3A_192 = vector.broadcast %broadcast_in_dim3A_191 : i32 to vector<16xi32>
    %broadcast_in_dim3A_193 = arith.constant 0 : i32
    %broadcast_in_dim3A_194 = vector.broadcast %broadcast_in_dim3A_193 : i32 to vector<16xi32>
    %scan3A_195 = arith.constant 0 : i32
    %scan3A_196 = arith.constant 16 : i32
    %scan3A_197 = arith.addi %scan3A_195, %scan3A_196 : i32
    %scan3A_198 = arith.constant 1 : i32
    %scan3A_199:4 = scf.for %scan3A_700 = %scan3A_195 to %scan3A_197 step %scan3A_198 iter_args(%scan3A_701 = %broadcast_in_dim3A_188, %scan3A_702 = %broadcast_in_dim3A_190, %scan3A_703 = %broadcast_in_dim3A_192, %scan3A_704 = %broadcast_in_dim3A_194) -> (vector<16xi32>, vector<16xi32>, vector<16xi32>, vector<16xi32>)  : i32 {
      %sub3A_705 = arith.constant 15 : i32
      %sub3A_706 = arith.subi %sub3A_705, %scan3A_700 : i32
      %mul3A_707 = arith.constant 16 : i32
      %mul3A_708 = arith.muli %sub3A_706, %mul3A_707 : i32
      %get3A_709 = arith.index_cast %mul3A_708 : i32 to index
      %get3A_710 = tpu.vector_load %arg12[%get3A_709] {strides = array<i32>} : memref<256xi32, #tpu.memory_space<vmem>>, vector<16xi32>,
      %rev3A = arith.constant 15 : i32
      %rev3A_711 = vector.broadcast %rev3A : i32 to vector<16xi32>
      %rev3A_712 = tpu.iota {dimensions = array<i32: 0>} : vector<16xi32>
      %rev3A_713 = arith.subi %rev3A_711, %rev3A_712 : vector<16xi32>
      %rev3A_714 = tpu.dynamic_gather %get3A_710[%rev3A_713] in [0] : vector<16xi32>, vector<16xi32> -> vector<16xi32>
      %broadcast_in_dim3A_715 = arith.constant true
      %broadcast_in_dim3A_716 = vector.broadcast %broadcast_in_dim3A_715 : i1 to vector<16xi1>
      %masked_cumsum3A = tpu.scan <sum>, %rev3A_714 masked %broadcast_in_dim3A_716 : vector<16xi32>, vector<16xi1> -> vector<16xi32>
      %rev3A_717 = arith.constant 15 : i32
      %rev3A_718 = vector.broadcast %rev3A_717 : i32 to vector<16xi32>
      %rev3A_719 = tpu.iota {dimensions = array<i32: 0>} : vector<16xi32>
      %rev3A_720 = arith.subi %rev3A_718, %rev3A_719 : vector<16xi32>
      %rev3A_721 = tpu.dynamic_gather %masked_cumsum3A[%rev3A_720] in [0] : vector<16xi32>, vector<16xi32> -> vector<16xi32>
      %add3A_722 = arith.addi %rev3A_721, %scan3A_704 : vector<16xi32>
      %ge3A = arith.cmpi sge, %add3A_722, %sub3A_159 : vector<16xi32>
      %all_reduce_population_count3A = tpu.all_reduce %ge3A {dim = 0 : i64, kind = #tpu.reduction_kind<sum>} : vector<16xi1> -> vector<16xi32>
      %lt3A_723 = arith.constant 0 : i32
      %lt3A_724 = vector.broadcast %lt3A_723 : i32 to vector<16xi32>
      %lt3A_725 = arith.cmpi slt, %scan3A_701, %lt3A_724 : vector<16xi32>
      %gt3A_726 = arith.constant 0 : i32
      %gt3A_727 = vector.broadcast %gt3A_726 : i32 to vector<16xi32>
      %gt3A_728 = arith.cmpi sgt, %all_reduce_population_count3A, %gt3A_727 : vector<16xi32>
      %and3A_729 = arith.andi %lt3A_725, %gt3A_728 : vector<16xi1>
      %mul3A_730 = arith.constant 16 : i32
      %mul3A_731 = arith.muli %sub3A_706, %mul3A_730 : i32
      %broadcast_in_dim3A_732 = vector.broadcast %mul3A_731 : i32 to vector<16xi32>
      %add3A_733 = arith.addi %broadcast_in_dim3A_732, %all_reduce_population_count3A : vector<16xi32>
      %sub3A_734 = arith.constant 1 : i32
      %sub3A_735 = vector.broadcast %sub3A_734 : i32 to vector<16xi32>
      %sub3A_736 = arith.subi %add3A_733, %sub3A_735 : vector<16xi32>
      %sub3A_737 = arith.constant 1 : i32
      %sub3A_738 = vector.broadcast %sub3A_737 : i32 to vector<16xi32>
      %sub3A_739 = arith.subi %all_reduce_population_count3A, %sub3A_738 : vector<16xi32>
      %max3A = arith.constant 0 : i32
      %max3A_740 = vector.broadcast %max3A : i32 to vector<16xi32>
      %max3A_741 = arith.maxsi %sub3A_739, %max3A_740 : vector<16xi32>
      %select_n3A_742 = arith.select %and3A_729, %sub3A_736, %scan3A_701 : vector<16xi1>, vector<16xi32>
      %broadcast_in_dim3A_743 = arith.constant 0 : i32
      %broadcast_in_dim3A_744 = vector.broadcast %broadcast_in_dim3A_743 : i32 to vector<16xi32>
      %add3A_745 = arith.addi %broadcast_in_dim3A_744, %max3A_741 : vector<16xi32>
      %reshape3A = vector.shape_cast %add3A_745 : vector<16xi32> to vector<16x1xi32>
      %gather3A = vector.shape_cast %reshape3A : vector<16x1xi32> to vector<16xi32>
      %gather3A_746 = tpu.dynamic_gather %get3A_710[%gather3A] in [0] : vector<16xi32>, vector<16xi32> -> vector<16xi32>
      %select_n3A_747 = arith.select %and3A_729, %gather3A_746, %scan3A_703 : vector<16xi1>, vector<16xi32>
      %broadcast_in_dim3A_748 = arith.constant 0 : i32
      %broadcast_in_dim3A_749 = vector.broadcast %broadcast_in_dim3A_748 : i32 to vector<16xi32>
      %add3A_750 = arith.addi %broadcast_in_dim3A_749, %max3A_741 : vector<16xi32>
      %reshape3A_751 = vector.shape_cast %add3A_750 : vector<16xi32> to vector<16x1xi32>
      %gather3A_752 = vector.shape_cast %reshape3A_751 : vector<16x1xi32> to vector<16xi32>
      %gather3A_753 = tpu.dynamic_gather %add3A_722[%gather3A_752] in [0] : vector<16xi32>, vector<16xi32> -> vector<16xi32>
      %select_n3A_754 = arith.select %and3A_729, %gather3A_753, %scan3A_702 : vector<16xi1>, vector<16xi32>
      %broadcast_in_dim3A_755 = arith.constant 0 : i32
      %broadcast_in_dim3A_756 = vector.broadcast %broadcast_in_dim3A_755 : i32 to vector<16xi32>
      %broadcast_in_dim3A_757 = arith.constant 0 : i32
      %broadcast_in_dim3A_758 = vector.broadcast %broadcast_in_dim3A_757 : i32 to vector<16xi32>
      %add3A_759 = arith.addi %broadcast_in_dim3A_758, %broadcast_in_dim3A_756 : vector<16xi32>
      %reshape3A_760 = vector.shape_cast %add3A_759 : vector<16xi32> to vector<16x1xi32>
      %gather3A_761 = vector.shape_cast %reshape3A_760 : vector<16x1xi32> to vector<16xi32>
      %gather3A_762 = tpu.dynamic_gather %add3A_722[%gather3A_761] in [0] : vector<16xi32>, vector<16xi32> -> vector<16xi32>
      scf.yield %select_n3A_742, %select_n3A_754, %select_n3A_747, %gather3A_762 : vector<16xi32>, vector<16xi32>, vector<16xi32>, vector<16xi32>
    }
    %scan3A_200 = arith.constant 16 : i32
    "tpu.trace_stop"() : () -> ()
    %sub3A_201 = arith.subi %scan3A_199#1, %scan3A_199#2 : vector<16xi32>
    %sub3A_202 = arith.subi %sub3A_159, %sub3A_201 : vector<16xi32>
    %shift_left3A_203 = arith.constant 8 : i32
    %shift_left3A_204 = vector.broadcast %shift_left3A_203 : i32 to vector<16xi32>
    %shift_left3A_205 = arith.shli %scan3A_199#0, %shift_left3A_204 : vector<16xi32>
    %or3A_206 = arith.ori %or3A_163, %shift_left3A_205 : vector<16xi32>
    %while3A_207 = arith.constant -256 : i32
    %while3A_208 = arith.constant 0 : i32
    %while3A_209 = arith.constant 0 : i32
    "tpu.trace_start"() <{level = 10 : i32, message = "p2_fill"}> : () -> ()
    %while3A_210 = arith.subi %select_n3A, %while3A_208 : i32
    %while3A_211 = arith.addi %while3A_208, %while3A_210 : i32
    %while3A_212 = arith.constant 1 : i32
    %while3A_213 = arith.divsi %while3A_210, %while3A_212 : i32
    %while3A_214 = arith.muli %while3A_213, %while3A_212 : i32
    %while3A_215 = arith.addi %while3A_208, %while3A_214 : i32
    %while3A_216 = arith.constant 1 : i32
    %while3A_217 = scf.for %while3A_700 = %while3A_208 to %while3A_215 step %while3A_216 iter_args(%while3A_701 = %while3A_209) -> (i32)  : i32 {
      %mul3A_702 = arith.constant 16 : i32
      %mul3A_703 = arith.muli %while3A_700, %mul3A_702 : i32
      %get3A_704 = arith.index_cast %mul3A_703 : i32 to index
      %get3A_705 = tpu.vector_load %arg9[%get3A_704] {strides = array<i32>} : memref<2064xi32, #tpu.memory_space<vmem>>, vector<16xi32>,
      %and3A_706 = vector.broadcast %while3A_207 : i32 to vector<16xi32>
      %and3A_707 = arith.andi %get3A_705, %and3A_706 : vector<16xi32>
      %and3A_708 = vector.broadcast %while3A_207 : i32 to vector<16xi32>
      %and3A_709 = arith.andi %or3A_206, %and3A_708 : vector<16xi32>
      %eq3A_710 = arith.cmpi eq, %and3A_707, %and3A_709 : vector<16xi32>
      %shift_right_logical3A_711 = arith.constant 0 : i32
      %shift_right_logical3A_712 = vector.broadcast %shift_right_logical3A_711 : i32 to vector<16xi32>
      %shift_right_logical3A_713 = arith.shrui %get3A_705, %shift_right_logical3A_712 : vector<16xi32>
      %and3A_714 = arith.constant 255 : i32
      %and3A_715 = vector.broadcast %and3A_714 : i32 to vector<16xi32>
      %and3A_716 = arith.andi %shift_right_logical3A_713, %and3A_715 : vector<16xi32>
      %mul3A_717 = arith.constant 257 : i32
      %mul3A_718 = vector.broadcast %mul3A_717 : i32 to vector<16xi32>
      %mul3A_719 = arith.muli %iota3A, %mul3A_718 : vector<16xi32>
      %add3A_720 = arith.addi %mul3A_719, %and3A_716 : vector<16xi32>
      tpu.vector_store_idx %arg11[%add3A_720], %broadcast_in_dim3A_41 masked %eq3A_710 {add = true} : memref<4127xi32, #tpu.memory_space<vmem>>[vector<16xi32>], vector<16xi32>, vector<16xi1>
      %while3A_721 = arith.constant 0 : i32
      scf.yield %while3A_721 : i32
    }
    %while3A_218 = arith.constant 1 : i32
    %while3A_219 = scf.for %while3A_700 = %while3A_215 to %while3A_211 step %while3A_218 iter_args(%while3A_701 = %while3A_217) -> (i32)  : i32 {
      %mul3A_702 = arith.constant 16 : i32
      %mul3A_703 = arith.muli %while3A_700, %mul3A_702 : i32
      %get3A_704 = arith.index_cast %mul3A_703 : i32 to index
      %get3A_705 = tpu.vector_load %arg9[%get3A_704] {strides = array<i32>} : memref<2064xi32, #tpu.memory_space<vmem>>, vector<16xi32>,
      %and3A_706 = vector.broadcast %while3A_207 : i32 to vector<16xi32>
      %and3A_707 = arith.andi %get3A_705, %and3A_706 : vector<16xi32>
      %and3A_708 = vector.broadcast %while3A_207 : i32 to vector<16xi32>
      %and3A_709 = arith.andi %or3A_206, %and3A_708 : vector<16xi32>
      %eq3A_710 = arith.cmpi eq, %and3A_707, %and3A_709 : vector<16xi32>
      %shift_right_logical3A_711 = arith.constant 0 : i32
      %shift_right_logical3A_712 = vector.broadcast %shift_right_logical3A_711 : i32 to vector<16xi32>
      %shift_right_logical3A_713 = arith.shrui %get3A_705, %shift_right_logical3A_712 : vector<16xi32>
      %and3A_714 = arith.constant 255 : i32
      %and3A_715 = vector.broadcast %and3A_714 : i32 to vector<16xi32>
      %and3A_716 = arith.andi %shift_right_logical3A_713, %and3A_715 : vector<16xi32>
      %mul3A_717 = arith.constant 257 : i32
      %mul3A_718 = vector.broadcast %mul3A_717 : i32 to vector<16xi32>
      %mul3A_719 = arith.muli %iota3A, %mul3A_718 : vector<16xi32>
      %add3A_720 = arith.addi %mul3A_719, %and3A_716 : vector<16xi32>
      tpu.vector_store_idx %arg11[%add3A_720], %broadcast_in_dim3A_41 masked %eq3A_710 {add = true} : memref<4127xi32, #tpu.memory_space<vmem>>[vector<16xi32>], vector<16xi32>, vector<16xi1>
      %while3A_721 = arith.constant 0 : i32
      scf.yield %while3A_721 : i32
    }
    "tpu.trace_stop"() : () -> ()
    "tpu.trace_start"() <{level = 10 : i32, message = "p2_reduce"}> : () -> ()
    %scan3A_220 = arith.constant 0 : i32
    %scan3A_221 = arith.constant 0 : i32
    %scan3A_222 = arith.constant 16 : i32
    %scan3A_223 = arith.addi %scan3A_221, %scan3A_222 : i32
    %scan3A_224 = arith.constant 1 : i32
    %scan3A_225 = scf.for %scan3A_700 = %scan3A_221 to %scan3A_223 step %scan3A_224 iter_args(%scan3A_701 = %scan3A_220) -> (i32)  : i32 {
      %mul3A_702 = arith.constant 16 : i32
      %mul3A_703 = arith.muli %scan3A_700, %mul3A_702 : i32
      %get3A_704 = arith.index_cast %mul3A_703 : i32 to index
      %get3A_705 = tpu.vector_load %arg11[%get3A_704] {strides = array<i32>} : memref<4127xi32, #tpu.memory_space<vmem>>, vector<16xi32>,
      %broadcast_in_dim3A_706 = arith.constant 0 : i32
      %broadcast_in_dim3A_707 = vector.broadcast %broadcast_in_dim3A_706 : i32 to vector<16xi32>
      %mul3A_708 = arith.constant 16 : i32
      %mul3A_709 = arith.muli %scan3A_700, %mul3A_708 : i32
      %swap3A_710 = arith.index_cast %mul3A_709 : i32 to index
      %swap3A_711 = tpu.vector_load %arg11[%swap3A_710] {strides = array<i32>} : memref<4127xi32, #tpu.memory_space<vmem>>, vector<16xi32>,
      tpu.vector_store %arg11[%swap3A_710], %broadcast_in_dim3A_707 {strides = array<i32>} : memref<4127xi32, #tpu.memory_space<vmem>>, vector<16xi32>,
      %mul3A_712 = arith.constant 16 : i32
      %mul3A_713 = arith.muli %scan3A_700, %mul3A_712 : i32
      %add3A_714 = arith.constant 257 : i32
      %add3A_715 = arith.addi %add3A_714, %mul3A_713 : i32
      %get3A_716 = arith.index_cast %add3A_715 : i32 to index
      %get3A_717 = tpu.vector_load %arg11[%get3A_716] {strides = array<i32>} : memref<4127xi32, #tpu.memory_space<vmem>>, vector<16xi32>,
      %add3A_718 = arith.addi %get3A_705, %get3A_717 : vector<16xi32>
      %broadcast_in_dim3A_719 = arith.constant 0 : i32
      %broadcast_in_dim3A_720 = vector.broadcast %broadcast_in_dim3A_719 : i32 to vector<16xi32>
      %mul3A_721 = arith.constant 16 : i32
      %mul3A_722 = arith.muli %scan3A_700, %mul3A_721 : i32
      %add3A_723 = arith.constant 257 : i32
      %add3A_724 = arith.addi %add3A_723, %mul3A_722 : i32
      %swap3A_725 = arith.index_cast %add3A_724 : i32 to index
      %swap3A_726 = tpu.vector_load %arg11[%swap3A_725] {strides = array<i32>} : memref<4127xi32, #tpu.memory_space<vmem>>, vector<16xi32>,
      tpu.vector_store %arg11[%swap3A_725], %broadcast_in_dim3A_720 {strides = array<i32>} : memref<4127xi32, #tpu.memory_space<vmem>>, vector<16xi32>,
      %mul3A_727 = arith.constant 16 : i32
      %mul3A_728 = arith.muli %scan3A_700, %mul3A_727 : i32
      %add3A_729 = arith.constant 514 : i32
      %add3A_730 = arith.addi %add3A_729, %mul3A_728 : i32
      %get3A_731 = arith.index_cast %add3A_730 : i32 to index
      %get3A_732 = tpu.vector_load %arg11[%get3A_731] {strides = array<i32>} : memref<4127xi32, #tpu.memory_space<vmem>>, vector<16xi32>,
      %add3A_733 = arith.addi %add3A_718, %get3A_732 : vector<16xi32>
      %broadcast_in_dim3A_734 = arith.constant 0 : i32
      %broadcast_in_dim3A_735 = vector.broadcast %broadcast_in_dim3A_734 : i32 to vector<16xi32>
      %mul3A_736 = arith.constant 16 : i32
      %mul3A_737 = arith.muli %scan3A_700, %mul3A_736 : i32
      %add3A_738 = arith.constant 514 : i32
      %add3A_739 = arith.addi %add3A_738, %mul3A_737 : i32
      %swap3A_740 = arith.index_cast %add3A_739 : i32 to index
      %swap3A_741 = tpu.vector_load %arg11[%swap3A_740] {strides = array<i32>} : memref<4127xi32, #tpu.memory_space<vmem>>, vector<16xi32>,
      tpu.vector_store %arg11[%swap3A_740], %broadcast_in_dim3A_735 {strides = array<i32>} : memref<4127xi32, #tpu.memory_space<vmem>>, vector<16xi32>,
      %mul3A_742 = arith.constant 16 : i32
      %mul3A_743 = arith.muli %scan3A_700, %mul3A_742 : i32
      %add3A_744 = arith.constant 771 : i32
      %add3A_745 = arith.addi %add3A_744, %mul3A_743 : i32
      %get3A_746 = arith.index_cast %add3A_745 : i32 to index
      %get3A_747 = tpu.vector_load %arg11[%get3A_746] {strides = array<i32>} : memref<4127xi32, #tpu.memory_space<vmem>>, vector<16xi32>,
      %add3A_748 = arith.addi %add3A_733, %get3A_747 : vector<16xi32>
      %broadcast_in_dim3A_749 = arith.constant 0 : i32
      %broadcast_in_dim3A_750 = vector.broadcast %broadcast_in_dim3A_749 : i32 to vector<16xi32>
      %mul3A_751 = arith.constant 16 : i32
      %mul3A_752 = arith.muli %scan3A_700, %mul3A_751 : i32
      %add3A_753 = arith.constant 771 : i32
      %add3A_754 = arith.addi %add3A_753, %mul3A_752 : i32
      %swap3A_755 = arith.index_cast %add3A_754 : i32 to index
      %swap3A_756 = tpu.vector_load %arg11[%swap3A_755] {strides = array<i32>} : memref<4127xi32, #tpu.memory_space<vmem>>, vector<16xi32>,
      tpu.vector_store %arg11[%swap3A_755], %broadcast_in_dim3A_750 {strides = array<i32>} : memref<4127xi32, #tpu.memory_space<vmem>>, vector<16xi32>,
      %mul3A_757 = arith.constant 16 : i32
      %mul3A_758 = arith.muli %scan3A_700, %mul3A_757 : i32
      %add3A_759 = arith.constant 1028 : i32
      %add3A_760 = arith.addi %add3A_759, %mul3A_758 : i32
      %get3A_761 = arith.index_cast %add3A_760 : i32 to index
      %get3A_762 = tpu.vector_load %arg11[%get3A_761] {strides = array<i32>} : memref<4127xi32, #tpu.memory_space<vmem>>, vector<16xi32>,
      %add3A_763 = arith.addi %add3A_748, %get3A_762 : vector<16xi32>
      %broadcast_in_dim3A_764 = arith.constant 0 : i32
      %broadcast_in_dim3A_765 = vector.broadcast %broadcast_in_dim3A_764 : i32 to vector<16xi32>
      %mul3A_766 = arith.constant 16 : i32
      %mul3A_767 = arith.muli %scan3A_700, %mul3A_766 : i32
      %add3A_768 = arith.constant 1028 : i32
      %add3A_769 = arith.addi %add3A_768, %mul3A_767 : i32
      %swap3A_770 = arith.index_cast %add3A_769 : i32 to index
      %swap3A_771 = tpu.vector_load %arg11[%swap3A_770] {strides = array<i32>} : memref<4127xi32, #tpu.memory_space<vmem>>, vector<16xi32>,
      tpu.vector_store %arg11[%swap3A_770], %broadcast_in_dim3A_765 {strides = array<i32>} : memref<4127xi32, #tpu.memory_space<vmem>>, vector<16xi32>,
      %mul3A_772 = arith.constant 16 : i32
      %mul3A_773 = arith.muli %scan3A_700, %mul3A_772 : i32
      %add3A_774 = arith.constant 1285 : i32
      %add3A_775 = arith.addi %add3A_774, %mul3A_773 : i32
      %get3A_776 = arith.index_cast %add3A_775 : i32 to index
      %get3A_777 = tpu.vector_load %arg11[%get3A_776] {strides = array<i32>} : memref<4127xi32, #tpu.memory_space<vmem>>, vector<16xi32>,
      %add3A_778 = arith.addi %add3A_763, %get3A_777 : vector<16xi32>
      %broadcast_in_dim3A_779 = arith.constant 0 : i32
      %broadcast_in_dim3A_780 = vector.broadcast %broadcast_in_dim3A_779 : i32 to vector<16xi32>
      %mul3A_781 = arith.constant 16 : i32
      %mul3A_782 = arith.muli %scan3A_700, %mul3A_781 : i32
      %add3A_783 = arith.constant 1285 : i32
      %add3A_784 = arith.addi %add3A_783, %mul3A_782 : i32
      %swap3A_785 = arith.index_cast %add3A_784 : i32 to index
      %swap3A_786 = tpu.vector_load %arg11[%swap3A_785] {strides = array<i32>} : memref<4127xi32, #tpu.memory_space<vmem>>, vector<16xi32>,
      tpu.vector_store %arg11[%swap3A_785], %broadcast_in_dim3A_780 {strides = array<i32>} : memref<4127xi32, #tpu.memory_space<vmem>>, vector<16xi32>,
      %mul3A_787 = arith.constant 16 : i32
      %mul3A_788 = arith.muli %scan3A_700, %mul3A_787 : i32
      %add3A_789 = arith.constant 1542 : i32
      %add3A_790 = arith.addi %add3A_789, %mul3A_788 : i32
      %get3A_791 = arith.index_cast %add3A_790 : i32 to index
      %get3A_792 = tpu.vector_load %arg11[%get3A_791] {strides = array<i32>} : memref<4127xi32, #tpu.memory_space<vmem>>, vector<16xi32>,
      %add3A_793 = arith.addi %add3A_778, %get3A_792 : vector<16xi32>
      %broadcast_in_dim3A_794 = arith.constant 0 : i32
      %broadcast_in_dim3A_795 = vector.broadcast %broadcast_in_dim3A_794 : i32 to vector<16xi32>
      %mul3A_796 = arith.constant 16 : i32
      %mul3A_797 = arith.muli %scan3A_700, %mul3A_796 : i32
      %add3A_798 = arith.constant 1542 : i32
      %add3A_799 = arith.addi %add3A_798, %mul3A_797 : i32
      %swap3A_800 = arith.index_cast %add3A_799 : i32 to index
      %swap3A_801 = tpu.vector_load %arg11[%swap3A_800] {strides = array<i32>} : memref<4127xi32, #tpu.memory_space<vmem>>, vector<16xi32>,
      tpu.vector_store %arg11[%swap3A_800], %broadcast_in_dim3A_795 {strides = array<i32>} : memref<4127xi32, #tpu.memory_space<vmem>>, vector<16xi32>,
      %mul3A_802 = arith.constant 16 : i32
      %mul3A_803 = arith.muli %scan3A_700, %mul3A_802 : i32
      %add3A_804 = arith.constant 1799 : i32
      %add3A_805 = arith.addi %add3A_804, %mul3A_803 : i32
      %get3A_806 = arith.index_cast %add3A_805 : i32 to index
      %get3A_807 = tpu.vector_load %arg11[%get3A_806] {strides = array<i32>} : memref<4127xi32, #tpu.memory_space<vmem>>, vector<16xi32>,
      %add3A_808 = arith.addi %add3A_793, %get3A_807 : vector<16xi32>
      %broadcast_in_dim3A_809 = arith.constant 0 : i32
      %broadcast_in_dim3A_810 = vector.broadcast %broadcast_in_dim3A_809 : i32 to vector<16xi32>
      %mul3A_811 = arith.constant 16 : i32
      %mul3A_812 = arith.muli %scan3A_700, %mul3A_811 : i32
      %add3A_813 = arith.constant 1799 : i32
      %add3A_814 = arith.addi %add3A_813, %mul3A_812 : i32
      %swap3A_815 = arith.index_cast %add3A_814 : i32 to index
      %swap3A_816 = tpu.vector_load %arg11[%swap3A_815] {strides = array<i32>} : memref<4127xi32, #tpu.memory_space<vmem>>, vector<16xi32>,
      tpu.vector_store %arg11[%swap3A_815], %broadcast_in_dim3A_810 {strides = array<i32>} : memref<4127xi32, #tpu.memory_space<vmem>>, vector<16xi32>,
      %mul3A_817 = arith.constant 16 : i32
      %mul3A_818 = arith.muli %scan3A_700, %mul3A_817 : i32
      %add3A_819 = arith.constant 2056 : i32
      %add3A_820 = arith.addi %add3A_819, %mul3A_818 : i32
      %get3A_821 = arith.index_cast %add3A_820 : i32 to index
      %get3A_822 = tpu.vector_load %arg11[%get3A_821] {strides = array<i32>} : memref<4127xi32, #tpu.memory_space<vmem>>, vector<16xi32>,
      %add3A_823 = arith.addi %add3A_808, %get3A_822 : vector<16xi32>
      %broadcast_in_dim3A_824 = arith.constant 0 : i32
      %broadcast_in_dim3A_825 = vector.broadcast %broadcast_in_dim3A_824 : i32 to vector<16xi32>
      %mul3A_826 = arith.constant 16 : i32
      %mul3A_827 = arith.muli %scan3A_700, %mul3A_826 : i32
      %add3A_828 = arith.constant 2056 : i32
      %add3A_829 = arith.addi %add3A_828, %mul3A_827 : i32
      %swap3A_830 = arith.index_cast %add3A_829 : i32 to index
      %swap3A_831 = tpu.vector_load %arg11[%swap3A_830] {strides = array<i32>} : memref<4127xi32, #tpu.memory_space<vmem>>, vector<16xi32>,
      tpu.vector_store %arg11[%swap3A_830], %broadcast_in_dim3A_825 {strides = array<i32>} : memref<4127xi32, #tpu.memory_space<vmem>>, vector<16xi32>,
      %mul3A_832 = arith.constant 16 : i32
      %mul3A_833 = arith.muli %scan3A_700, %mul3A_832 : i32
      %add3A_834 = arith.constant 2313 : i32
      %add3A_835 = arith.addi %add3A_834, %mul3A_833 : i32
      %get3A_836 = arith.index_cast %add3A_835 : i32 to index
      %get3A_837 = tpu.vector_load %arg11[%get3A_836] {strides = array<i32>} : memref<4127xi32, #tpu.memory_space<vmem>>, vector<16xi32>,
      %add3A_838 = arith.addi %add3A_823, %get3A_837 : vector<16xi32>
      %broadcast_in_dim3A_839 = arith.constant 0 : i32
      %broadcast_in_dim3A_840 = vector.broadcast %broadcast_in_dim3A_839 : i32 to vector<16xi32>
      %mul3A_841 = arith.constant 16 : i32
      %mul3A_842 = arith.muli %scan3A_700, %mul3A_841 : i32
      %add3A_843 = arith.constant 2313 : i32
      %add3A_844 = arith.addi %add3A_843, %mul3A_842 : i32
      %swap3A_845 = arith.index_cast %add3A_844 : i32 to index
      %swap3A_846 = tpu.vector_load %arg11[%swap3A_845] {strides = array<i32>} : memref<4127xi32, #tpu.memory_space<vmem>>, vector<16xi32>,
      tpu.vector_store %arg11[%swap3A_845], %broadcast_in_dim3A_840 {strides = array<i32>} : memref<4127xi32, #tpu.memory_space<vmem>>, vector<16xi32>,
      %mul3A_847 = arith.constant 16 : i32
      %mul3A_848 = arith.muli %scan3A_700, %mul3A_847 : i32
      %add3A_849 = arith.constant 2570 : i32
      %add3A_850 = arith.addi %add3A_849, %mul3A_848 : i32
      %get3A_851 = arith.index_cast %add3A_850 : i32 to index
      %get3A_852 = tpu.vector_load %arg11[%get3A_851] {strides = array<i32>} : memref<4127xi32, #tpu.memory_space<vmem>>, vector<16xi32>,
      %add3A_853 = arith.addi %add3A_838, %get3A_852 : vector<16xi32>
      %broadcast_in_dim3A_854 = arith.constant 0 : i32
      %broadcast_in_dim3A_855 = vector.broadcast %broadcast_in_dim3A_854 : i32 to vector<16xi32>
      %mul3A_856 = arith.constant 16 : i32
      %mul3A_857 = arith.muli %scan3A_700, %mul3A_856 : i32
      %add3A_858 = arith.constant 2570 : i32
      %add3A_859 = arith.addi %add3A_858, %mul3A_857 : i32
      %swap3A_860 = arith.index_cast %add3A_859 : i32 to index
      %swap3A_861 = tpu.vector_load %arg11[%swap3A_860] {strides = array<i32>} : memref<4127xi32, #tpu.memory_space<vmem>>, vector<16xi32>,
      tpu.vector_store %arg11[%swap3A_860], %broadcast_in_dim3A_855 {strides = array<i32>} : memref<4127xi32, #tpu.memory_space<vmem>>, vector<16xi32>,
      %mul3A_862 = arith.constant 16 : i32
      %mul3A_863 = arith.muli %scan3A_700, %mul3A_862 : i32
      %add3A_864 = arith.constant 2827 : i32
      %add3A_865 = arith.addi %add3A_864, %mul3A_863 : i32
      %get3A_866 = arith.index_cast %add3A_865 : i32 to index
      %get3A_867 = tpu.vector_load %arg11[%get3A_866] {strides = array<i32>} : memref<4127xi32, #tpu.memory_space<vmem>>, vector<16xi32>,
      %add3A_868 = arith.addi %add3A_853, %get3A_867 : vector<16xi32>
      %broadcast_in_dim3A_869 = arith.constant 0 : i32
      %broadcast_in_dim3A_870 = vector.broadcast %broadcast_in_dim3A_869 : i32 to vector<16xi32>
      %mul3A_871 = arith.constant 16 : i32
      %mul3A_872 = arith.muli %scan3A_700, %mul3A_871 : i32
      %add3A_873 = arith.constant 2827 : i32
      %add3A_874 = arith.addi %add3A_873, %mul3A_872 : i32
      %swap3A_875 = arith.index_cast %add3A_874 : i32 to index
      %swap3A_876 = tpu.vector_load %arg11[%swap3A_875] {strides = array<i32>} : memref<4127xi32, #tpu.memory_space<vmem>>, vector<16xi32>,
      tpu.vector_store %arg11[%swap3A_875], %broadcast_in_dim3A_870 {strides = array<i32>} : memref<4127xi32, #tpu.memory_space<vmem>>, vector<16xi32>,
      %mul3A_877 = arith.constant 16 : i32
      %mul3A_878 = arith.muli %scan3A_700, %mul3A_877 : i32
      %add3A_879 = arith.constant 3084 : i32
      %add3A_880 = arith.addi %add3A_879, %mul3A_878 : i32
      %get3A_881 = arith.index_cast %add3A_880 : i32 to index
      %get3A_882 = tpu.vector_load %arg11[%get3A_881] {strides = array<i32>} : memref<4127xi32, #tpu.memory_space<vmem>>, vector<16xi32>,
      %add3A_883 = arith.addi %add3A_868, %get3A_882 : vector<16xi32>
      %broadcast_in_dim3A_884 = arith.constant 0 : i32
      %broadcast_in_dim3A_885 = vector.broadcast %broadcast_in_dim3A_884 : i32 to vector<16xi32>
      %mul3A_886 = arith.constant 16 : i32
      %mul3A_887 = arith.muli %scan3A_700, %mul3A_886 : i32
      %add3A_888 = arith.constant 3084 : i32
      %add3A_889 = arith.addi %add3A_888, %mul3A_887 : i32
      %swap3A_890 = arith.index_cast %add3A_889 : i32 to index
      %swap3A_891 = tpu.vector_load %arg11[%swap3A_890] {strides = array<i32>} : memref<4127xi32, #tpu.memory_space<vmem>>, vector<16xi32>,
      tpu.vector_store %arg11[%swap3A_890], %broadcast_in_dim3A_885 {strides = array<i32>} : memref<4127xi32, #tpu.memory_space<vmem>>, vector<16xi32>,
      %mul3A_892 = arith.constant 16 : i32
      %mul3A_893 = arith.muli %scan3A_700, %mul3A_892 : i32
      %add3A_894 = arith.constant 3341 : i32
      %add3A_895 = arith.addi %add3A_894, %mul3A_893 : i32
      %get3A_896 = arith.index_cast %add3A_895 : i32 to index
      %get3A_897 = tpu.vector_load %arg11[%get3A_896] {strides = array<i32>} : memref<4127xi32, #tpu.memory_space<vmem>>, vector<16xi32>,
      %add3A_898 = arith.addi %add3A_883, %get3A_897 : vector<16xi32>
      %broadcast_in_dim3A_899 = arith.constant 0 : i32
      %broadcast_in_dim3A_900 = vector.broadcast %broadcast_in_dim3A_899 : i32 to vector<16xi32>
      %mul3A_901 = arith.constant 16 : i32
      %mul3A_902 = arith.muli %scan3A_700, %mul3A_901 : i32
      %add3A_903 = arith.constant 3341 : i32
      %add3A_904 = arith.addi %add3A_903, %mul3A_902 : i32
      %swap3A_905 = arith.index_cast %add3A_904 : i32 to index
      %swap3A_906 = tpu.vector_load %arg11[%swap3A_905] {strides = array<i32>} : memref<4127xi32, #tpu.memory_space<vmem>>, vector<16xi32>,
      tpu.vector_store %arg11[%swap3A_905], %broadcast_in_dim3A_900 {strides = array<i32>} : memref<4127xi32, #tpu.memory_space<vmem>>, vector<16xi32>,
      %mul3A_907 = arith.constant 16 : i32
      %mul3A_908 = arith.muli %scan3A_700, %mul3A_907 : i32
      %add3A_909 = arith.constant 3598 : i32
      %add3A_910 = arith.addi %add3A_909, %mul3A_908 : i32
      %get3A_911 = arith.index_cast %add3A_910 : i32 to index
      %get3A_912 = tpu.vector_load %arg11[%get3A_911] {strides = array<i32>} : memref<4127xi32, #tpu.memory_space<vmem>>, vector<16xi32>,
      %add3A_913 = arith.addi %add3A_898, %get3A_912 : vector<16xi32>
      %broadcast_in_dim3A_914 = arith.constant 0 : i32
      %broadcast_in_dim3A_915 = vector.broadcast %broadcast_in_dim3A_914 : i32 to vector<16xi32>
      %mul3A_916 = arith.constant 16 : i32
      %mul3A_917 = arith.muli %scan3A_700, %mul3A_916 : i32
      %add3A_918 = arith.constant 3598 : i32
      %add3A_919 = arith.addi %add3A_918, %mul3A_917 : i32
      %swap3A_920 = arith.index_cast %add3A_919 : i32 to index
      %swap3A_921 = tpu.vector_load %arg11[%swap3A_920] {strides = array<i32>} : memref<4127xi32, #tpu.memory_space<vmem>>, vector<16xi32>,
      tpu.vector_store %arg11[%swap3A_920], %broadcast_in_dim3A_915 {strides = array<i32>} : memref<4127xi32, #tpu.memory_space<vmem>>, vector<16xi32>,
      %mul3A_922 = arith.constant 16 : i32
      %mul3A_923 = arith.muli %scan3A_700, %mul3A_922 : i32
      %add3A_924 = arith.constant 3855 : i32
      %add3A_925 = arith.addi %add3A_924, %mul3A_923 : i32
      %get3A_926 = arith.index_cast %add3A_925 : i32 to index
      %get3A_927 = tpu.vector_load %arg11[%get3A_926] {strides = array<i32>} : memref<4127xi32, #tpu.memory_space<vmem>>, vector<16xi32>,
      %add3A_928 = arith.addi %add3A_913, %get3A_927 : vector<16xi32>
      %broadcast_in_dim3A_929 = arith.constant 0 : i32
      %broadcast_in_dim3A_930 = vector.broadcast %broadcast_in_dim3A_929 : i32 to vector<16xi32>
      %mul3A_931 = arith.constant 16 : i32
      %mul3A_932 = arith.muli %scan3A_700, %mul3A_931 : i32
      %add3A_933 = arith.constant 3855 : i32
      %add3A_934 = arith.addi %add3A_933, %mul3A_932 : i32
      %swap3A_935 = arith.index_cast %add3A_934 : i32 to index
      %swap3A_936 = tpu.vector_load %arg11[%swap3A_935] {strides = array<i32>} : memref<4127xi32, #tpu.memory_space<vmem>>, vector<16xi32>,
      tpu.vector_store %arg11[%swap3A_935], %broadcast_in_dim3A_930 {strides = array<i32>} : memref<4127xi32, #tpu.memory_space<vmem>>, vector<16xi32>,
      %mul3A_937 = arith.constant 16 : i32
      %mul3A_938 = arith.muli %scan3A_700, %mul3A_937 : i32
      %swap3A_939 = arith.index_cast %mul3A_938 : i32 to index
      %swap3A_940 = tpu.vector_load %arg12[%swap3A_939] {strides = array<i32>} : memref<256xi32, #tpu.memory_space<vmem>>, vector<16xi32>,
      tpu.vector_store %arg12[%swap3A_939], %add3A_928 {strides = array<i32>} : memref<256xi32, #tpu.memory_space<vmem>>, vector<16xi32>,
      %scan3A_941 = arith.constant 0 : i32
      scf.yield %scan3A_941 : i32
    }
    %scan3A_226 = arith.constant 16 : i32
    %run_scoped3A_227 = arith.constant 6 : i32
    "tpu.trace_stop"() : () -> ()
    "tpu.trace_start"() <{level = 10 : i32, message = "p2_merge"}> : () -> ()
    "tpu.region"() ({
      %run_scoped3A_700 = tpu.sem_alloc : memref<!tpu.dma_semaphore, #tpu.memory_space<semaphore_mem>>
      %dma_start3A_701 = arith.constant 0 : i32
      %dma_start3A_702 = tpu.memref_slice %arg12[%dma_start3A_701] : memref<256xi32, #tpu.memory_space<vmem>> -> memref<128xi32, #tpu.memory_space<vmem>>
      %dma_start3A_703 = arith.constant 0 : i32
      %dma_start3A_704 = tpu.memref_slice %arg13[%run_scoped3A_227, %dma_start3A_703] : memref<8x128xi32, #tpu.memory_space<vmem>> -> memref<1x128xi32, #tpu.memory_space<vmem>>
      %dma_start3A_705 = tpu.memref_squeeze %dma_start3A_704 : memref<1x128xi32, #tpu.memory_space<vmem>> -> memref<128xi32, #tpu.memory_space<vmem>>
      %dma_start3A_706 = arith.constant 0 : i32
      %dma_start3A_707 = tpu.memref_slice %arg30[%dma_start3A_706] : memref<1024xi32, #tpu.memory_space<vmem_shared>> -> memref<1024xi32, #tpu.memory_space<vmem_shared>>
      tpu.enqueue_indirect_dma source(%dma_start3A_702 : memref<128xi32, #tpu.memory_space<vmem>>) target(%dma_start3A_707 : memref<1024xi32, #tpu.memory_space<vmem_shared>>) offsets(%dma_start3A_705 : memref<128xi32, #tpu.memory_space<vmem>>) semaphore(%run_scoped3A_700 : memref<!tpu.dma_semaphore, #tpu.memory_space<semaphore_mem>>) {add = true}
      %dma_wait3A_708 = arith.constant 0 : i32
      %dma_wait3A_709 = tpu.memref_slice %arg12[%dma_wait3A_708] : memref<256xi32, #tpu.memory_space<vmem>> -> memref<128xi32, #tpu.memory_space<vmem>>
      %dma_wait3A_710 = arith.constant 0 : i32
      %dma_wait3A_711 = tpu.memref_slice %arg13[%run_scoped3A_227, %dma_wait3A_710] : memref<8x128xi32, #tpu.memory_space<vmem>> -> memref<1x128xi32, #tpu.memory_space<vmem>>
      %dma_wait3A_712 = tpu.memref_squeeze %dma_wait3A_711 : memref<1x128xi32, #tpu.memory_space<vmem>> -> memref<128xi32, #tpu.memory_space<vmem>>
      %dma_wait3A_713 = arith.constant 0 : i32
      %dma_wait3A_714 = tpu.memref_slice %arg30[%dma_wait3A_713] : memref<1024xi32, #tpu.memory_space<vmem_shared>> -> memref<1024xi32, #tpu.memory_space<vmem_shared>>
      tpu.wait_indirect_dma semaphore(%run_scoped3A_700 : memref<!tpu.dma_semaphore, #tpu.memory_space<semaphore_mem>>) src(%dma_wait3A_709 : memref<128xi32, #tpu.memory_space<vmem>>) dst(%dma_wait3A_714 : memref<1024xi32, #tpu.memory_space<vmem_shared>>)
      tpu.yield
    }) : () -> ()
    %run_scoped3A_228 = arith.constant 7 : i32
    "tpu.region"() ({
      %run_scoped3A_700 = tpu.sem_alloc : memref<!tpu.dma_semaphore, #tpu.memory_space<semaphore_mem>>
      %dma_start3A_701 = arith.constant 128 : i32
      %dma_start3A_702 = tpu.memref_slice %arg12[%dma_start3A_701] : memref<256xi32, #tpu.memory_space<vmem>> -> memref<128xi32, #tpu.memory_space<vmem>>
      %dma_start3A_703 = arith.constant 0 : i32
      %dma_start3A_704 = tpu.memref_slice %arg13[%run_scoped3A_228, %dma_start3A_703] : memref<8x128xi32, #tpu.memory_space<vmem>> -> memref<1x128xi32, #tpu.memory_space<vmem>>
      %dma_start3A_705 = tpu.memref_squeeze %dma_start3A_704 : memref<1x128xi32, #tpu.memory_space<vmem>> -> memref<128xi32, #tpu.memory_space<vmem>>
      %dma_start3A_706 = arith.constant 0 : i32
      %dma_start3A_707 = tpu.memref_slice %arg30[%dma_start3A_706] : memref<1024xi32, #tpu.memory_space<vmem_shared>> -> memref<1024xi32, #tpu.memory_space<vmem_shared>>
      tpu.enqueue_indirect_dma source(%dma_start3A_702 : memref<128xi32, #tpu.memory_space<vmem>>) target(%dma_start3A_707 : memref<1024xi32, #tpu.memory_space<vmem_shared>>) offsets(%dma_start3A_705 : memref<128xi32, #tpu.memory_space<vmem>>) semaphore(%run_scoped3A_700 : memref<!tpu.dma_semaphore, #tpu.memory_space<semaphore_mem>>) {add = true}
      %dma_wait3A_708 = arith.constant 128 : i32
      %dma_wait3A_709 = tpu.memref_slice %arg12[%dma_wait3A_708] : memref<256xi32, #tpu.memory_space<vmem>> -> memref<128xi32, #tpu.memory_space<vmem>>
      %dma_wait3A_710 = arith.constant 0 : i32
      %dma_wait3A_711 = tpu.memref_slice %arg13[%run_scoped3A_228, %dma_wait3A_710] : memref<8x128xi32, #tpu.memory_space<vmem>> -> memref<1x128xi32, #tpu.memory_space<vmem>>
      %dma_wait3A_712 = tpu.memref_squeeze %dma_wait3A_711 : memref<1x128xi32, #tpu.memory_space<vmem>> -> memref<128xi32, #tpu.memory_space<vmem>>
      %dma_wait3A_713 = arith.constant 0 : i32
      %dma_wait3A_714 = tpu.memref_slice %arg30[%dma_wait3A_713] : memref<1024xi32, #tpu.memory_space<vmem_shared>> -> memref<1024xi32, #tpu.memory_space<vmem_shared>>
      tpu.wait_indirect_dma semaphore(%run_scoped3A_700 : memref<!tpu.dma_semaphore, #tpu.memory_space<semaphore_mem>>) src(%dma_wait3A_709 : memref<128xi32, #tpu.memory_space<vmem>>) dst(%dma_wait3A_714 : memref<1024xi32, #tpu.memory_space<vmem_shared>>)
      tpu.yield
    }) : () -> ()
    "tpu.trace_stop"() : () -> ()
    %mul3A_229 = arith.constant 32 : i32
    %mul3A_230 = arith.muli %arg1, %mul3A_229 : i32
    "tpu.region"() ({
      %run_scoped3A_700 = tpu.sem_alloc : memref<!tpu.dma_semaphore, #tpu.memory_space<semaphore_mem>>
      %dma_start3A_701 = arith.constant 0 : i32
      %dma_start3A_702 = tpu.memref_slice %arg27[%dma_start3A_701] : memref<256xi32, #tpu.memory_space<vmem>> -> memref<32xi32, #tpu.memory_space<vmem>>
      %dma_start3A_703 = tpu.memref_slice %arg32[%mul3A_230] : memref<576xi32, #tpu.memory_space<vmem_shared>> -> memref<32xi32, #tpu.memory_space<vmem_shared>>
      %dma_start3A_704 = tpu.memref_slice %arg32[%mul3A_230] : memref<576xi32, #tpu.memory_space<vmem_shared>> -> memref<32xi32, #tpu.memory_space<vmem_shared>>
      %dma_start3A_705 = arith.constant 0 : i32
      %dma_start3A_706 = tpu.memref_slice %arg27[%dma_start3A_705] : memref<256xi32, #tpu.memory_space<vmem>> -> memref<32xi32, #tpu.memory_space<vmem>>
      tpu.enqueue_dma source(%dma_start3A_706 : memref<32xi32, #tpu.memory_space<vmem>>) target(%dma_start3A_704 : memref<32xi32, #tpu.memory_space<vmem_shared>>) target_semaphore(%run_scoped3A_700 : memref<!tpu.dma_semaphore, #tpu.memory_space<semaphore_mem>>)
      %dma_wait3A_707 = arith.constant 0 : i32
      %dma_wait3A_708 = tpu.memref_slice %arg27[%dma_wait3A_707] : memref<256xi32, #tpu.memory_space<vmem>> -> memref<32xi32, #tpu.memory_space<vmem>>
      %dma_wait3A_709 = tpu.memref_slice %arg32[%mul3A_230] : memref<576xi32, #tpu.memory_space<vmem_shared>> -> memref<32xi32, #tpu.memory_space<vmem_shared>>
      %dma_wait3A_710 = tpu.memref_slice %arg32[%mul3A_230] : memref<576xi32, #tpu.memory_space<vmem_shared>> -> memref<32xi32, #tpu.memory_space<vmem_shared>>
      %dma_wait3A_711 = arith.constant 0 : i32
      %dma_wait3A_712 = tpu.memref_slice %arg27[%dma_wait3A_711] : memref<256xi32, #tpu.memory_space<vmem>> -> memref<32xi32, #tpu.memory_space<vmem>>
      tpu.wait_dma2 semaphore(%run_scoped3A_700 : memref<!tpu.dma_semaphore, #tpu.memory_space<semaphore_mem>>) src(%dma_wait3A_712 : memref<32xi32, #tpu.memory_space<vmem>>) dst(%dma_wait3A_710 : memref<32xi32, #tpu.memory_space<vmem_shared>>)
      tpu.yield
    }) : () -> ()
    %mul3A_231 = arith.constant 32 : i32
    %mul3A_232 = arith.muli %arg1, %mul3A_231 : i32
    "tpu.region"() ({
      %run_scoped3A_700 = tpu.sem_alloc : memref<!tpu.dma_semaphore, #tpu.memory_space<semaphore_mem>>
      %dma_start3A_701 = tpu.memref_slice %arg33[%mul3A_232] : memref<576xi32, #tpu.memory_space<vmem_shared>> -> memref<32xi32, #tpu.memory_space<vmem_shared>>
      %dma_start3A_702 = tpu.memref_slice %arg33[%mul3A_232] : memref<576xi32, #tpu.memory_space<vmem_shared>> -> memref<32xi32, #tpu.memory_space<vmem_shared>>
      tpu.enqueue_dma source(%arg22 : memref<32xi32, #tpu.memory_space<vmem>>) target(%dma_start3A_702 : memref<32xi32, #tpu.memory_space<vmem_shared>>) target_semaphore(%run_scoped3A_700 : memref<!tpu.dma_semaphore, #tpu.memory_space<semaphore_mem>>)
      %dma_wait3A_703 = tpu.memref_slice %arg33[%mul3A_232] : memref<576xi32, #tpu.memory_space<vmem_shared>> -> memref<32xi32, #tpu.memory_space<vmem_shared>>
      %dma_wait3A_704 = tpu.memref_slice %arg33[%mul3A_232] : memref<576xi32, #tpu.memory_space<vmem_shared>> -> memref<32xi32, #tpu.memory_space<vmem_shared>>
      tpu.wait_dma2 semaphore(%run_scoped3A_700 : memref<!tpu.dma_semaphore, #tpu.memory_space<semaphore_mem>>) src(%arg22 : memref<32xi32, #tpu.memory_space<vmem>>) dst(%dma_wait3A_704 : memref<32xi32, #tpu.memory_space<vmem_shared>>)
      tpu.yield
    }) : () -> ()
    "tpu.trace_start"() <{level = 10 : i32, message = "p2_bar"}> : () -> ()
    %barrier3A_233 = arith.constant 0 : index
    tpu.barrier barrier_id(%barrier3A_233)
    "tpu.trace_stop"() : () -> ()
    "tpu.trace_start"() <{level = 10 : i32, message = "p2_read"}> : () -> ()
    "tpu.region"() ({
      %run_scoped3A_700 = tpu.sem_alloc : memref<!tpu.dma_semaphore, #tpu.memory_space<semaphore_mem>>
      %dma_start3A_701 = arith.constant 768 : i32
      %dma_start3A_702 = tpu.memref_slice %arg30[%dma_start3A_701] : memref<1024xi32, #tpu.memory_space<vmem_shared>> -> memref<256xi32, #tpu.memory_space<vmem_shared>>
      %dma_start3A_703 = arith.constant 768 : i32
      %dma_start3A_704 = tpu.memref_slice %arg30[%dma_start3A_703] : memref<1024xi32, #tpu.memory_space<vmem_shared>> -> memref<256xi32, #tpu.memory_space<vmem_shared>>
      tpu.enqueue_dma source(%dma_start3A_704 : memref<256xi32, #tpu.memory_space<vmem_shared>>) target(%arg12 : memref<256xi32, #tpu.memory_space<vmem>>) target_semaphore(%run_scoped3A_700 : memref<!tpu.dma_semaphore, #tpu.memory_space<semaphore_mem>>)
      %dma_wait3A_705 = arith.constant 768 : i32
      %dma_wait3A_706 = tpu.memref_slice %arg30[%dma_wait3A_705] : memref<1024xi32, #tpu.memory_space<vmem_shared>> -> memref<256xi32, #tpu.memory_space<vmem_shared>>
      %dma_wait3A_707 = arith.constant 768 : i32
      %dma_wait3A_708 = tpu.memref_slice %arg30[%dma_wait3A_707] : memref<1024xi32, #tpu.memory_space<vmem_shared>> -> memref<256xi32, #tpu.memory_space<vmem_shared>>
      tpu.wait_dma2 semaphore(%run_scoped3A_700 : memref<!tpu.dma_semaphore, #tpu.memory_space<semaphore_mem>>) src(%dma_wait3A_708 : memref<256xi32, #tpu.memory_space<vmem_shared>>) dst(%arg12 : memref<256xi32, #tpu.memory_space<vmem>>)
      tpu.yield
    }) : () -> ()
    %broadcast_in_dim3A_234 = arith.constant -1 : i32
    "tpu.trace_stop"() : () -> ()
    "tpu.trace_start"() <{level = 10 : i32, message = "p2_select"}> : () -> ()
    %broadcast_in_dim3A_235 = vector.broadcast %broadcast_in_dim3A_234 : i32 to vector<16xi32>
    %broadcast_in_dim3A_236 = arith.constant 0 : i32
    %broadcast_in_dim3A_237 = vector.broadcast %broadcast_in_dim3A_236 : i32 to vector<16xi32>
    %broadcast_in_dim3A_238 = arith.constant 0 : i32
    %broadcast_in_dim3A_239 = vector.broadcast %broadcast_in_dim3A_238 : i32 to vector<16xi32>
    %broadcast_in_dim3A_240 = arith.constant 0 : i32
    %broadcast_in_dim3A_241 = vector.broadcast %broadcast_in_dim3A_240 : i32 to vector<16xi32>
    %scan3A_242 = arith.constant 0 : i32
    %scan3A_243 = arith.constant 16 : i32
    %scan3A_244 = arith.addi %scan3A_242, %scan3A_243 : i32
    %scan3A_245 = arith.constant 1 : i32
    %scan3A_246:4 = scf.for %scan3A_700 = %scan3A_242 to %scan3A_244 step %scan3A_245 iter_args(%scan3A_701 = %broadcast_in_dim3A_235, %scan3A_702 = %broadcast_in_dim3A_237, %scan3A_703 = %broadcast_in_dim3A_239, %scan3A_704 = %broadcast_in_dim3A_241) -> (vector<16xi32>, vector<16xi32>, vector<16xi32>, vector<16xi32>)  : i32 {
      %sub3A_705 = arith.constant 15 : i32
      %sub3A_706 = arith.subi %sub3A_705, %scan3A_700 : i32
      %mul3A_707 = arith.constant 16 : i32
      %mul3A_708 = arith.muli %sub3A_706, %mul3A_707 : i32
      %get3A_709 = arith.index_cast %mul3A_708 : i32 to index
      %get3A_710 = tpu.vector_load %arg12[%get3A_709] {strides = array<i32>} : memref<256xi32, #tpu.memory_space<vmem>>, vector<16xi32>,
      %rev3A = arith.constant 15 : i32
      %rev3A_711 = vector.broadcast %rev3A : i32 to vector<16xi32>
      %rev3A_712 = tpu.iota {dimensions = array<i32: 0>} : vector<16xi32>
      %rev3A_713 = arith.subi %rev3A_711, %rev3A_712 : vector<16xi32>
      %rev3A_714 = tpu.dynamic_gather %get3A_710[%rev3A_713] in [0] : vector<16xi32>, vector<16xi32> -> vector<16xi32>
      %broadcast_in_dim3A_715 = arith.constant true
      %broadcast_in_dim3A_716 = vector.broadcast %broadcast_in_dim3A_715 : i1 to vector<16xi1>
      %masked_cumsum3A = tpu.scan <sum>, %rev3A_714 masked %broadcast_in_dim3A_716 : vector<16xi32>, vector<16xi1> -> vector<16xi32>
      %rev3A_717 = arith.constant 15 : i32
      %rev3A_718 = vector.broadcast %rev3A_717 : i32 to vector<16xi32>
      %rev3A_719 = tpu.iota {dimensions = array<i32: 0>} : vector<16xi32>
      %rev3A_720 = arith.subi %rev3A_718, %rev3A_719 : vector<16xi32>
      %rev3A_721 = tpu.dynamic_gather %masked_cumsum3A[%rev3A_720] in [0] : vector<16xi32>, vector<16xi32> -> vector<16xi32>
      %add3A_722 = arith.addi %rev3A_721, %scan3A_704 : vector<16xi32>
      %ge3A = arith.cmpi sge, %add3A_722, %sub3A_202 : vector<16xi32>
      %all_reduce_population_count3A = tpu.all_reduce %ge3A {dim = 0 : i64, kind = #tpu.reduction_kind<sum>} : vector<16xi1> -> vector<16xi32>
      %lt3A_723 = arith.constant 0 : i32
      %lt3A_724 = vector.broadcast %lt3A_723 : i32 to vector<16xi32>
      %lt3A_725 = arith.cmpi slt, %scan3A_701, %lt3A_724 : vector<16xi32>
      %gt3A_726 = arith.constant 0 : i32
      %gt3A_727 = vector.broadcast %gt3A_726 : i32 to vector<16xi32>
      %gt3A_728 = arith.cmpi sgt, %all_reduce_population_count3A, %gt3A_727 : vector<16xi32>
      %and3A_729 = arith.andi %lt3A_725, %gt3A_728 : vector<16xi1>
      %mul3A_730 = arith.constant 16 : i32
      %mul3A_731 = arith.muli %sub3A_706, %mul3A_730 : i32
      %broadcast_in_dim3A_732 = vector.broadcast %mul3A_731 : i32 to vector<16xi32>
      %add3A_733 = arith.addi %broadcast_in_dim3A_732, %all_reduce_population_count3A : vector<16xi32>
      %sub3A_734 = arith.constant 1 : i32
      %sub3A_735 = vector.broadcast %sub3A_734 : i32 to vector<16xi32>
      %sub3A_736 = arith.subi %add3A_733, %sub3A_735 : vector<16xi32>
      %sub3A_737 = arith.constant 1 : i32
      %sub3A_738 = vector.broadcast %sub3A_737 : i32 to vector<16xi32>
      %sub3A_739 = arith.subi %all_reduce_population_count3A, %sub3A_738 : vector<16xi32>
      %max3A = arith.constant 0 : i32
      %max3A_740 = vector.broadcast %max3A : i32 to vector<16xi32>
      %max3A_741 = arith.maxsi %sub3A_739, %max3A_740 : vector<16xi32>
      %select_n3A_742 = arith.select %and3A_729, %sub3A_736, %scan3A_701 : vector<16xi1>, vector<16xi32>
      %broadcast_in_dim3A_743 = arith.constant 0 : i32
      %broadcast_in_dim3A_744 = vector.broadcast %broadcast_in_dim3A_743 : i32 to vector<16xi32>
      %add3A_745 = arith.addi %broadcast_in_dim3A_744, %max3A_741 : vector<16xi32>
      %reshape3A = vector.shape_cast %add3A_745 : vector<16xi32> to vector<16x1xi32>
      %gather3A = vector.shape_cast %reshape3A : vector<16x1xi32> to vector<16xi32>
      %gather3A_746 = tpu.dynamic_gather %get3A_710[%gather3A] in [0] : vector<16xi32>, vector<16xi32> -> vector<16xi32>
      %select_n3A_747 = arith.select %and3A_729, %gather3A_746, %scan3A_703 : vector<16xi1>, vector<16xi32>
      %broadcast_in_dim3A_748 = arith.constant 0 : i32
      %broadcast_in_dim3A_749 = vector.broadcast %broadcast_in_dim3A_748 : i32 to vector<16xi32>
      %add3A_750 = arith.addi %broadcast_in_dim3A_749, %max3A_741 : vector<16xi32>
      %reshape3A_751 = vector.shape_cast %add3A_750 : vector<16xi32> to vector<16x1xi32>
      %gather3A_752 = vector.shape_cast %reshape3A_751 : vector<16x1xi32> to vector<16xi32>
      %gather3A_753 = tpu.dynamic_gather %add3A_722[%gather3A_752] in [0] : vector<16xi32>, vector<16xi32> -> vector<16xi32>
      %select_n3A_754 = arith.select %and3A_729, %gather3A_753, %scan3A_702 : vector<16xi1>, vector<16xi32>
      %broadcast_in_dim3A_755 = arith.constant 0 : i32
      %broadcast_in_dim3A_756 = vector.broadcast %broadcast_in_dim3A_755 : i32 to vector<16xi32>
      %broadcast_in_dim3A_757 = arith.constant 0 : i32
      %broadcast_in_dim3A_758 = vector.broadcast %broadcast_in_dim3A_757 : i32 to vector<16xi32>
      %add3A_759 = arith.addi %broadcast_in_dim3A_758, %broadcast_in_dim3A_756 : vector<16xi32>
      %reshape3A_760 = vector.shape_cast %add3A_759 : vector<16xi32> to vector<16x1xi32>
      %gather3A_761 = vector.shape_cast %reshape3A_760 : vector<16x1xi32> to vector<16xi32>
      %gather3A_762 = tpu.dynamic_gather %add3A_722[%gather3A_761] in [0] : vector<16xi32>, vector<16xi32> -> vector<16xi32>
      scf.yield %select_n3A_742, %select_n3A_754, %select_n3A_747, %gather3A_762 : vector<16xi32>, vector<16xi32>, vector<16xi32>, vector<16xi32>
    }
    %scan3A_247 = arith.constant 16 : i32
    "tpu.trace_stop"() : () -> ()
    %sub3A_248 = arith.subi %scan3A_246#1, %scan3A_246#2 : vector<16xi32>
    %sub3A_249 = arith.subi %sub3A_202, %sub3A_248 : vector<16xi32>
    %shift_left3A_250 = arith.constant 0 : i32
    %shift_left3A_251 = vector.broadcast %shift_left3A_250 : i32 to vector<16xi32>
    %shift_left3A_252 = arith.shli %scan3A_246#0, %shift_left3A_251 : vector<16xi32>
    %or3A_253 = arith.ori %or3A_206, %shift_left3A_252 : vector<16xi32>
    %broadcast_in_dim3A_254 = arith.constant 0 : i32
    "tpu.trace_start"() <{level = 10 : i32, message = "p3_compact"}> : () -> ()
    %broadcast_in_dim3A_255 = vector.broadcast %broadcast_in_dim3A_254 : i32 to vector<16xi32>
    %while3A_256 = arith.constant 0 : i32
    %while3A_257 = arith.subi %select_n3A, %while3A_256 : i32
    %while3A_258 = arith.addi %while3A_256, %while3A_257 : i32
    %while3A_259 = arith.constant 1 : i32
    %while3A_260 = arith.divsi %while3A_257, %while3A_259 : i32
    %while3A_261 = arith.muli %while3A_260, %while3A_259 : i32
    %while3A_262 = arith.addi %while3A_256, %while3A_261 : i32
    %while3A_263 = arith.constant 1 : i32
    %while3A_264 = scf.for %while3A_700 = %while3A_256 to %while3A_262 step %while3A_263 iter_args(%while3A_701 = %broadcast_in_dim3A_255) -> (vector<16xi32>)  : i32 {
      %mul3A_702 = arith.constant 16 : i32
      %mul3A_703 = arith.muli %while3A_700, %mul3A_702 : i32
      %get3A_704 = arith.index_cast %mul3A_703 : i32 to index
      %get3A_705 = tpu.vector_load %arg9[%get3A_704] {strides = array<i32>} : memref<2064xi32, #tpu.memory_space<vmem>>, vector<16xi32>,
      %ge3A = arith.cmpi uge, %get3A_705, %or3A_253 : vector<16xi32>
      %jit3A_706 = arith.constant 1 : i32
      %jit3A_707 = arith.constant 0 : i32
      %broadcast_in_dim3A_708 = vector.broadcast %jit3A_706 : i32 to vector<16xi32>
      %broadcast_in_dim3A_709 = vector.broadcast %jit3A_707 : i32 to vector<16xi32>
      %select_n3A_710 = arith.select %ge3A, %broadcast_in_dim3A_708, %broadcast_in_dim3A_709 : vector<16xi1>, vector<16xi32>
      %broadcast_in_dim3A_711 = arith.constant true
      %broadcast_in_dim3A_712 = vector.broadcast %broadcast_in_dim3A_711 : i1 to vector<16xi1>
      %masked_cumsum3A = tpu.scan <sum>, %select_n3A_710 masked %broadcast_in_dim3A_712 : vector<16xi32>, vector<16xi1> -> vector<16xi32>
      %add3A_713 = arith.addi %while3A_701, %masked_cumsum3A : vector<16xi32>
      %sub3A_714 = arith.constant 1 : i32
      %sub3A_715 = vector.broadcast %sub3A_714 : i32 to vector<16xi32>
      %sub3A_716 = arith.subi %add3A_713, %sub3A_715 : vector<16xi32>
      %min3A_717 = arith.constant 63 : i32
      %min3A_718 = vector.broadcast %min3A_717 : i32 to vector<16xi32>
      %min3A_719 = arith.minsi %sub3A_716, %min3A_718 : vector<16xi32>
      %bitcast3A = vector.bitcast %get3A_705 : vector<16xi32> to vector<16xi32>
      tpu.vector_store_idx %arg14[%min3A_719], %bitcast3A masked %ge3A : memref<64xi32, #tpu.memory_space<vmem>>[vector<16xi32>], vector<16xi32>, vector<16xi1>
      %mul3A_720 = arith.constant 16 : i32
      %mul3A_721 = arith.muli %while3A_700, %mul3A_720 : i32
      %get3A_722 = arith.index_cast %mul3A_721 : i32 to index
      %get3A_723 = tpu.vector_load %arg10[%get3A_722] {strides = array<i32>} : memref<2064xi32, #tpu.memory_space<vmem>>, vector<16xi32>,
      tpu.vector_store_idx %arg15[%min3A_719], %get3A_723 masked %ge3A : memref<64xi32, #tpu.memory_space<vmem>>[vector<16xi32>], vector<16xi32>, vector<16xi1>
      %all_reduce_population_count3A = tpu.all_reduce %ge3A {dim = 0 : i64, kind = #tpu.reduction_kind<sum>} : vector<16xi1> -> vector<16xi32>
      %add3A_724 = arith.addi %while3A_701, %all_reduce_population_count3A : vector<16xi32>
      scf.yield %add3A_724 : vector<16xi32>
    }
    %while3A_265 = arith.constant 1 : i32
    %while3A_266 = scf.for %while3A_700 = %while3A_262 to %while3A_258 step %while3A_265 iter_args(%while3A_701 = %while3A_264) -> (vector<16xi32>)  : i32 {
      %mul3A_702 = arith.constant 16 : i32
      %mul3A_703 = arith.muli %while3A_700, %mul3A_702 : i32
      %get3A_704 = arith.index_cast %mul3A_703 : i32 to index
      %get3A_705 = tpu.vector_load %arg9[%get3A_704] {strides = array<i32>} : memref<2064xi32, #tpu.memory_space<vmem>>, vector<16xi32>,
      %ge3A = arith.cmpi uge, %get3A_705, %or3A_253 : vector<16xi32>
      %jit3A_706 = arith.constant 1 : i32
      %jit3A_707 = arith.constant 0 : i32
      %broadcast_in_dim3A_708 = vector.broadcast %jit3A_706 : i32 to vector<16xi32>
      %broadcast_in_dim3A_709 = vector.broadcast %jit3A_707 : i32 to vector<16xi32>
      %select_n3A_710 = arith.select %ge3A, %broadcast_in_dim3A_708, %broadcast_in_dim3A_709 : vector<16xi1>, vector<16xi32>
      %broadcast_in_dim3A_711 = arith.constant true
      %broadcast_in_dim3A_712 = vector.broadcast %broadcast_in_dim3A_711 : i1 to vector<16xi1>
      %masked_cumsum3A = tpu.scan <sum>, %select_n3A_710 masked %broadcast_in_dim3A_712 : vector<16xi32>, vector<16xi1> -> vector<16xi32>
      %add3A_713 = arith.addi %while3A_701, %masked_cumsum3A : vector<16xi32>
      %sub3A_714 = arith.constant 1 : i32
      %sub3A_715 = vector.broadcast %sub3A_714 : i32 to vector<16xi32>
      %sub3A_716 = arith.subi %add3A_713, %sub3A_715 : vector<16xi32>
      %min3A_717 = arith.constant 63 : i32
      %min3A_718 = vector.broadcast %min3A_717 : i32 to vector<16xi32>
      %min3A_719 = arith.minsi %sub3A_716, %min3A_718 : vector<16xi32>
      %bitcast3A = vector.bitcast %get3A_705 : vector<16xi32> to vector<16xi32>
      tpu.vector_store_idx %arg14[%min3A_719], %bitcast3A masked %ge3A : memref<64xi32, #tpu.memory_space<vmem>>[vector<16xi32>], vector<16xi32>, vector<16xi1>
      %mul3A_720 = arith.constant 16 : i32
      %mul3A_721 = arith.muli %while3A_700, %mul3A_720 : i32
      %get3A_722 = arith.index_cast %mul3A_721 : i32 to index
      %get3A_723 = tpu.vector_load %arg10[%get3A_722] {strides = array<i32>} : memref<2064xi32, #tpu.memory_space<vmem>>, vector<16xi32>,
      tpu.vector_store_idx %arg15[%min3A_719], %get3A_723 masked %ge3A : memref<64xi32, #tpu.memory_space<vmem>>[vector<16xi32>], vector<16xi32>, vector<16xi1>
      %all_reduce_population_count3A = tpu.all_reduce %ge3A {dim = 0 : i64, kind = #tpu.reduction_kind<sum>} : vector<16xi1> -> vector<16xi32>
      %add3A_724 = arith.addi %while3A_701, %all_reduce_population_count3A : vector<16xi32>
      scf.yield %add3A_724 : vector<16xi32>
    }
    "tpu.trace_stop"() : () -> ()
    %min3A = arith.constant 64 : i32
    %min3A_267 = vector.broadcast %min3A : i32 to vector<16xi32>
    %min3A_268 = arith.minsi %while3A_266, %min3A_267 : vector<16xi32>
    %swap3A_269 = arith.constant 0 : index
    %swap3A_270 = tpu.vector_load %arg20[%swap3A_269] {strides = array<i32>} : memref<16xi32, #tpu.memory_space<vmem>>, vector<16xi32>,
    tpu.vector_store %arg20[%swap3A_269], %min3A_268 {strides = array<i32>} : memref<16xi32, #tpu.memory_space<vmem>>, vector<16xi32>,
    "tpu.trace_start"() <{level = 10 : i32, message = "p3_cntx"}> : () -> ()
    %mul3A_271 = arith.constant 16 : i32
    %mul3A_272 = arith.muli %arg1, %mul3A_271 : i32
    "tpu.region"() ({
      %run_scoped3A_700 = tpu.sem_alloc : memref<!tpu.dma_semaphore, #tpu.memory_space<semaphore_mem>>
      %dma_start3A_701 = tpu.memref_slice %arg31[%mul3A_272] : memref<256xi32, #tpu.memory_space<vmem_shared>> -> memref<16xi32, #tpu.memory_space<vmem_shared>>
      %dma_start3A_702 = tpu.memref_slice %arg31[%mul3A_272] : memref<256xi32, #tpu.memory_space<vmem_shared>> -> memref<16xi32, #tpu.memory_space<vmem_shared>>
      tpu.enqueue_dma source(%arg20 : memref<16xi32, #tpu.memory_space<vmem>>) target(%dma_start3A_702 : memref<16xi32, #tpu.memory_space<vmem_shared>>) target_semaphore(%run_scoped3A_700 : memref<!tpu.dma_semaphore, #tpu.memory_space<semaphore_mem>>)
      %dma_wait3A_703 = tpu.memref_slice %arg31[%mul3A_272] : memref<256xi32, #tpu.memory_space<vmem_shared>> -> memref<16xi32, #tpu.memory_space<vmem_shared>>
      %dma_wait3A_704 = tpu.memref_slice %arg31[%mul3A_272] : memref<256xi32, #tpu.memory_space<vmem_shared>> -> memref<16xi32, #tpu.memory_space<vmem_shared>>
      tpu.wait_dma2 semaphore(%run_scoped3A_700 : memref<!tpu.dma_semaphore, #tpu.memory_space<semaphore_mem>>) src(%arg20 : memref<16xi32, #tpu.memory_space<vmem>>) dst(%dma_wait3A_704 : memref<16xi32, #tpu.memory_space<vmem_shared>>)
      tpu.yield
    }) : () -> ()
    %barrier3A_273 = arith.constant 0 : index
    tpu.barrier barrier_id(%barrier3A_273)
    "tpu.region"() ({
      %run_scoped3A_700 = tpu.sem_alloc : memref<!tpu.dma_semaphore, #tpu.memory_space<semaphore_mem>>
      tpu.enqueue_dma source(%arg31 : memref<256xi32, #tpu.memory_space<vmem_shared>>) target(%arg21 : memref<256xi32, #tpu.memory_space<vmem>>) target_semaphore(%run_scoped3A_700 : memref<!tpu.dma_semaphore, #tpu.memory_space<semaphore_mem>>)
      tpu.wait_dma2 semaphore(%run_scoped3A_700 : memref<!tpu.dma_semaphore, #tpu.memory_space<semaphore_mem>>) src(%arg31 : memref<256xi32, #tpu.memory_space<vmem_shared>>) dst(%arg21 : memref<256xi32, #tpu.memory_space<vmem>>)
      tpu.yield
    }) : () -> ()
    %broadcast_in_dim3A_274 = arith.constant 0 : i32
    "tpu.trace_stop"() : () -> ()
    %broadcast_in_dim3A_275 = vector.broadcast %broadcast_in_dim3A_274 : i32 to vector<16xi32>
    %broadcast_in_dim3A_276 = arith.constant 0 : i32
    %broadcast_in_dim3A_277 = vector.broadcast %broadcast_in_dim3A_276 : i32 to vector<16xi32>
    %get3A = arith.constant 0 : index
    %get3A_278 = tpu.vector_load %arg21[%get3A] {strides = array<i32>} : memref<256xi32, #tpu.memory_space<vmem>>, vector<16xi32>,
    %broadcast_in_dim3A_279 = arith.constant 0 : i32
    %broadcast_in_dim3A_280 = vector.broadcast %broadcast_in_dim3A_279 : i32 to vector<16xi32>
    %lt3A = vector.broadcast %arg1 : i32 to vector<16xi32>
    %lt3A_281 = arith.cmpi slt, %broadcast_in_dim3A_280, %lt3A : vector<16xi32>
    %jit3A_282 = arith.constant 0 : i32
    %broadcast_in_dim3A_283 = vector.broadcast %jit3A_282 : i32 to vector<16xi32>
    %select_n3A_284 = arith.select %lt3A_281, %get3A_278, %broadcast_in_dim3A_283 : vector<16xi1>, vector<16xi32>
    %add3A_285 = arith.addi %broadcast_in_dim3A_275, %select_n3A_284 : vector<16xi32>
    %add3A_286 = arith.addi %broadcast_in_dim3A_277, %get3A_278 : vector<16xi32>
    %get3A_287 = arith.constant 16 : index
    %get3A_288 = tpu.vector_load %arg21[%get3A_287] {strides = array<i32>} : memref<256xi32, #tpu.memory_space<vmem>>, vector<16xi32>,
    %broadcast_in_dim3A_289 = arith.constant 1 : i32
    %broadcast_in_dim3A_290 = vector.broadcast %broadcast_in_dim3A_289 : i32 to vector<16xi32>
    %lt3A_291 = vector.broadcast %arg1 : i32 to vector<16xi32>
    %lt3A_292 = arith.cmpi slt, %broadcast_in_dim3A_290, %lt3A_291 : vector<16xi32>
    %jit3A_293 = arith.constant 0 : i32
    %broadcast_in_dim3A_294 = vector.broadcast %jit3A_293 : i32 to vector<16xi32>
    %select_n3A_295 = arith.select %lt3A_292, %get3A_288, %broadcast_in_dim3A_294 : vector<16xi1>, vector<16xi32>
    %add3A_296 = arith.addi %add3A_285, %select_n3A_295 : vector<16xi32>
    %add3A_297 = arith.addi %add3A_286, %get3A_288 : vector<16xi32>
    %get3A_298 = arith.constant 32 : index
    %get3A_299 = tpu.vector_load %arg21[%get3A_298] {strides = array<i32>} : memref<256xi32, #tpu.memory_space<vmem>>, vector<16xi32>,
    %broadcast_in_dim3A_300 = arith.constant 2 : i32
    %broadcast_in_dim3A_301 = vector.broadcast %broadcast_in_dim3A_300 : i32 to vector<16xi32>
    %lt3A_302 = vector.broadcast %arg1 : i32 to vector<16xi32>
    %lt3A_303 = arith.cmpi slt, %broadcast_in_dim3A_301, %lt3A_302 : vector<16xi32>
    %jit3A_304 = arith.constant 0 : i32
    %broadcast_in_dim3A_305 = vector.broadcast %jit3A_304 : i32 to vector<16xi32>
    %select_n3A_306 = arith.select %lt3A_303, %get3A_299, %broadcast_in_dim3A_305 : vector<16xi1>, vector<16xi32>
    %add3A_307 = arith.addi %add3A_296, %select_n3A_306 : vector<16xi32>
    %add3A_308 = arith.addi %add3A_297, %get3A_299 : vector<16xi32>
    %get3A_309 = arith.constant 48 : index
    %get3A_310 = tpu.vector_load %arg21[%get3A_309] {strides = array<i32>} : memref<256xi32, #tpu.memory_space<vmem>>, vector<16xi32>,
    %broadcast_in_dim3A_311 = arith.constant 3 : i32
    %broadcast_in_dim3A_312 = vector.broadcast %broadcast_in_dim3A_311 : i32 to vector<16xi32>
    %lt3A_313 = vector.broadcast %arg1 : i32 to vector<16xi32>
    %lt3A_314 = arith.cmpi slt, %broadcast_in_dim3A_312, %lt3A_313 : vector<16xi32>
    %jit3A_315 = arith.constant 0 : i32
    %broadcast_in_dim3A_316 = vector.broadcast %jit3A_315 : i32 to vector<16xi32>
    %select_n3A_317 = arith.select %lt3A_314, %get3A_310, %broadcast_in_dim3A_316 : vector<16xi1>, vector<16xi32>
    %add3A_318 = arith.addi %add3A_307, %select_n3A_317 : vector<16xi32>
    %add3A_319 = arith.addi %add3A_308, %get3A_310 : vector<16xi32>
    %get3A_320 = arith.constant 64 : index
    %get3A_321 = tpu.vector_load %arg21[%get3A_320] {strides = array<i32>} : memref<256xi32, #tpu.memory_space<vmem>>, vector<16xi32>,
    %broadcast_in_dim3A_322 = arith.constant 4 : i32
    %broadcast_in_dim3A_323 = vector.broadcast %broadcast_in_dim3A_322 : i32 to vector<16xi32>
    %lt3A_324 = vector.broadcast %arg1 : i32 to vector<16xi32>
    %lt3A_325 = arith.cmpi slt, %broadcast_in_dim3A_323, %lt3A_324 : vector<16xi32>
    %jit3A_326 = arith.constant 0 : i32
    %broadcast_in_dim3A_327 = vector.broadcast %jit3A_326 : i32 to vector<16xi32>
    %select_n3A_328 = arith.select %lt3A_325, %get3A_321, %broadcast_in_dim3A_327 : vector<16xi1>, vector<16xi32>
    %add3A_329 = arith.addi %add3A_318, %select_n3A_328 : vector<16xi32>
    %add3A_330 = arith.addi %add3A_319, %get3A_321 : vector<16xi32>
    %get3A_331 = arith.constant 80 : index
    %get3A_332 = tpu.vector_load %arg21[%get3A_331] {strides = array<i32>} : memref<256xi32, #tpu.memory_space<vmem>>, vector<16xi32>,
    %broadcast_in_dim3A_333 = arith.constant 5 : i32
    %broadcast_in_dim3A_334 = vector.broadcast %broadcast_in_dim3A_333 : i32 to vector<16xi32>
    %lt3A_335 = vector.broadcast %arg1 : i32 to vector<16xi32>
    %lt3A_336 = arith.cmpi slt, %broadcast_in_dim3A_334, %lt3A_335 : vector<16xi32>
    %jit3A_337 = arith.constant 0 : i32
    %broadcast_in_dim3A_338 = vector.broadcast %jit3A_337 : i32 to vector<16xi32>
    %select_n3A_339 = arith.select %lt3A_336, %get3A_332, %broadcast_in_dim3A_338 : vector<16xi1>, vector<16xi32>
    %add3A_340 = arith.addi %add3A_329, %select_n3A_339 : vector<16xi32>
    %add3A_341 = arith.addi %add3A_330, %get3A_332 : vector<16xi32>
    %get3A_342 = arith.constant 96 : index
    %get3A_343 = tpu.vector_load %arg21[%get3A_342] {strides = array<i32>} : memref<256xi32, #tpu.memory_space<vmem>>, vector<16xi32>,
    %broadcast_in_dim3A_344 = arith.constant 6 : i32
    %broadcast_in_dim3A_345 = vector.broadcast %broadcast_in_dim3A_344 : i32 to vector<16xi32>
    %lt3A_346 = vector.broadcast %arg1 : i32 to vector<16xi32>
    %lt3A_347 = arith.cmpi slt, %broadcast_in_dim3A_345, %lt3A_346 : vector<16xi32>
    %jit3A_348 = arith.constant 0 : i32
    %broadcast_in_dim3A_349 = vector.broadcast %jit3A_348 : i32 to vector<16xi32>
    %select_n3A_350 = arith.select %lt3A_347, %get3A_343, %broadcast_in_dim3A_349 : vector<16xi1>, vector<16xi32>
    %add3A_351 = arith.addi %add3A_340, %select_n3A_350 : vector<16xi32>
    %add3A_352 = arith.addi %add3A_341, %get3A_343 : vector<16xi32>
    %get3A_353 = arith.constant 112 : index
    %get3A_354 = tpu.vector_load %arg21[%get3A_353] {strides = array<i32>} : memref<256xi32, #tpu.memory_space<vmem>>, vector<16xi32>,
    %broadcast_in_dim3A_355 = arith.constant 7 : i32
    %broadcast_in_dim3A_356 = vector.broadcast %broadcast_in_dim3A_355 : i32 to vector<16xi32>
    %lt3A_357 = vector.broadcast %arg1 : i32 to vector<16xi32>
    %lt3A_358 = arith.cmpi slt, %broadcast_in_dim3A_356, %lt3A_357 : vector<16xi32>
    %jit3A_359 = arith.constant 0 : i32
    %broadcast_in_dim3A_360 = vector.broadcast %jit3A_359 : i32 to vector<16xi32>
    %select_n3A_361 = arith.select %lt3A_358, %get3A_354, %broadcast_in_dim3A_360 : vector<16xi1>, vector<16xi32>
    %add3A_362 = arith.addi %add3A_351, %select_n3A_361 : vector<16xi32>
    %add3A_363 = arith.addi %add3A_352, %get3A_354 : vector<16xi32>
    %get3A_364 = arith.constant 128 : index
    %get3A_365 = tpu.vector_load %arg21[%get3A_364] {strides = array<i32>} : memref<256xi32, #tpu.memory_space<vmem>>, vector<16xi32>,
    %broadcast_in_dim3A_366 = arith.constant 8 : i32
    %broadcast_in_dim3A_367 = vector.broadcast %broadcast_in_dim3A_366 : i32 to vector<16xi32>
    %lt3A_368 = vector.broadcast %arg1 : i32 to vector<16xi32>
    %lt3A_369 = arith.cmpi slt, %broadcast_in_dim3A_367, %lt3A_368 : vector<16xi32>
    %jit3A_370 = arith.constant 0 : i32
    %broadcast_in_dim3A_371 = vector.broadcast %jit3A_370 : i32 to vector<16xi32>
    %select_n3A_372 = arith.select %lt3A_369, %get3A_365, %broadcast_in_dim3A_371 : vector<16xi1>, vector<16xi32>
    %add3A_373 = arith.addi %add3A_362, %select_n3A_372 : vector<16xi32>
    %add3A_374 = arith.addi %add3A_363, %get3A_365 : vector<16xi32>
    %get3A_375 = arith.constant 144 : index
    %get3A_376 = tpu.vector_load %arg21[%get3A_375] {strides = array<i32>} : memref<256xi32, #tpu.memory_space<vmem>>, vector<16xi32>,
    %broadcast_in_dim3A_377 = arith.constant 9 : i32
    %broadcast_in_dim3A_378 = vector.broadcast %broadcast_in_dim3A_377 : i32 to vector<16xi32>
    %lt3A_379 = vector.broadcast %arg1 : i32 to vector<16xi32>
    %lt3A_380 = arith.cmpi slt, %broadcast_in_dim3A_378, %lt3A_379 : vector<16xi32>
    %jit3A_381 = arith.constant 0 : i32
    %broadcast_in_dim3A_382 = vector.broadcast %jit3A_381 : i32 to vector<16xi32>
    %select_n3A_383 = arith.select %lt3A_380, %get3A_376, %broadcast_in_dim3A_382 : vector<16xi1>, vector<16xi32>
    %add3A_384 = arith.addi %add3A_373, %select_n3A_383 : vector<16xi32>
    %add3A_385 = arith.addi %add3A_374, %get3A_376 : vector<16xi32>
    %get3A_386 = arith.constant 160 : index
    %get3A_387 = tpu.vector_load %arg21[%get3A_386] {strides = array<i32>} : memref<256xi32, #tpu.memory_space<vmem>>, vector<16xi32>,
    %broadcast_in_dim3A_388 = arith.constant 10 : i32
    %broadcast_in_dim3A_389 = vector.broadcast %broadcast_in_dim3A_388 : i32 to vector<16xi32>
    %lt3A_390 = vector.broadcast %arg1 : i32 to vector<16xi32>
    %lt3A_391 = arith.cmpi slt, %broadcast_in_dim3A_389, %lt3A_390 : vector<16xi32>
    %jit3A_392 = arith.constant 0 : i32
    %broadcast_in_dim3A_393 = vector.broadcast %jit3A_392 : i32 to vector<16xi32>
    %select_n3A_394 = arith.select %lt3A_391, %get3A_387, %broadcast_in_dim3A_393 : vector<16xi1>, vector<16xi32>
    %add3A_395 = arith.addi %add3A_384, %select_n3A_394 : vector<16xi32>
    %add3A_396 = arith.addi %add3A_385, %get3A_387 : vector<16xi32>
    %get3A_397 = arith.constant 176 : index
    %get3A_398 = tpu.vector_load %arg21[%get3A_397] {strides = array<i32>} : memref<256xi32, #tpu.memory_space<vmem>>, vector<16xi32>,
    %broadcast_in_dim3A_399 = arith.constant 11 : i32
    %broadcast_in_dim3A_400 = vector.broadcast %broadcast_in_dim3A_399 : i32 to vector<16xi32>
    %lt3A_401 = vector.broadcast %arg1 : i32 to vector<16xi32>
    %lt3A_402 = arith.cmpi slt, %broadcast_in_dim3A_400, %lt3A_401 : vector<16xi32>
    %jit3A_403 = arith.constant 0 : i32
    %broadcast_in_dim3A_404 = vector.broadcast %jit3A_403 : i32 to vector<16xi32>
    %select_n3A_405 = arith.select %lt3A_402, %get3A_398, %broadcast_in_dim3A_404 : vector<16xi1>, vector<16xi32>
    %add3A_406 = arith.addi %add3A_395, %select_n3A_405 : vector<16xi32>
    %add3A_407 = arith.addi %add3A_396, %get3A_398 : vector<16xi32>
    %get3A_408 = arith.constant 192 : index
    %get3A_409 = tpu.vector_load %arg21[%get3A_408] {strides = array<i32>} : memref<256xi32, #tpu.memory_space<vmem>>, vector<16xi32>,
    %broadcast_in_dim3A_410 = arith.constant 12 : i32
    %broadcast_in_dim3A_411 = vector.broadcast %broadcast_in_dim3A_410 : i32 to vector<16xi32>
    %lt3A_412 = vector.broadcast %arg1 : i32 to vector<16xi32>
    %lt3A_413 = arith.cmpi slt, %broadcast_in_dim3A_411, %lt3A_412 : vector<16xi32>
    %jit3A_414 = arith.constant 0 : i32
    %broadcast_in_dim3A_415 = vector.broadcast %jit3A_414 : i32 to vector<16xi32>
    %select_n3A_416 = arith.select %lt3A_413, %get3A_409, %broadcast_in_dim3A_415 : vector<16xi1>, vector<16xi32>
    %add3A_417 = arith.addi %add3A_406, %select_n3A_416 : vector<16xi32>
    %add3A_418 = arith.addi %add3A_407, %get3A_409 : vector<16xi32>
    %get3A_419 = arith.constant 208 : index
    %get3A_420 = tpu.vector_load %arg21[%get3A_419] {strides = array<i32>} : memref<256xi32, #tpu.memory_space<vmem>>, vector<16xi32>,
    %broadcast_in_dim3A_421 = arith.constant 13 : i32
    %broadcast_in_dim3A_422 = vector.broadcast %broadcast_in_dim3A_421 : i32 to vector<16xi32>
    %lt3A_423 = vector.broadcast %arg1 : i32 to vector<16xi32>
    %lt3A_424 = arith.cmpi slt, %broadcast_in_dim3A_422, %lt3A_423 : vector<16xi32>
    %jit3A_425 = arith.constant 0 : i32
    %broadcast_in_dim3A_426 = vector.broadcast %jit3A_425 : i32 to vector<16xi32>
    %select_n3A_427 = arith.select %lt3A_424, %get3A_420, %broadcast_in_dim3A_426 : vector<16xi1>, vector<16xi32>
    %add3A_428 = arith.addi %add3A_417, %select_n3A_427 : vector<16xi32>
    %add3A_429 = arith.addi %add3A_418, %get3A_420 : vector<16xi32>
    %get3A_430 = arith.constant 224 : index
    %get3A_431 = tpu.vector_load %arg21[%get3A_430] {strides = array<i32>} : memref<256xi32, #tpu.memory_space<vmem>>, vector<16xi32>,
    %broadcast_in_dim3A_432 = arith.constant 14 : i32
    %broadcast_in_dim3A_433 = vector.broadcast %broadcast_in_dim3A_432 : i32 to vector<16xi32>
    %lt3A_434 = vector.broadcast %arg1 : i32 to vector<16xi32>
    %lt3A_435 = arith.cmpi slt, %broadcast_in_dim3A_433, %lt3A_434 : vector<16xi32>
    %jit3A_436 = arith.constant 0 : i32
    %broadcast_in_dim3A_437 = vector.broadcast %jit3A_436 : i32 to vector<16xi32>
    %select_n3A_438 = arith.select %lt3A_435, %get3A_431, %broadcast_in_dim3A_437 : vector<16xi1>, vector<16xi32>
    %add3A_439 = arith.addi %add3A_428, %select_n3A_438 : vector<16xi32>
    %add3A_440 = arith.addi %add3A_429, %get3A_431 : vector<16xi32>
    %get3A_441 = arith.constant 240 : index
    %get3A_442 = tpu.vector_load %arg21[%get3A_441] {strides = array<i32>} : memref<256xi32, #tpu.memory_space<vmem>>, vector<16xi32>,
    %broadcast_in_dim3A_443 = arith.constant 15 : i32
    %broadcast_in_dim3A_444 = vector.broadcast %broadcast_in_dim3A_443 : i32 to vector<16xi32>
    %lt3A_445 = vector.broadcast %arg1 : i32 to vector<16xi32>
    %lt3A_446 = arith.cmpi slt, %broadcast_in_dim3A_444, %lt3A_445 : vector<16xi32>
    %jit3A_447 = arith.constant 0 : i32
    %broadcast_in_dim3A_448 = vector.broadcast %jit3A_447 : i32 to vector<16xi32>
    %select_n3A_449 = arith.select %lt3A_446, %get3A_442, %broadcast_in_dim3A_448 : vector<16xi1>, vector<16xi32>
    %add3A_450 = arith.addi %add3A_439, %select_n3A_449 : vector<16xi32>
    %add3A_451 = arith.addi %add3A_440, %get3A_442 : vector<16xi32>
    "tpu.trace_start"() <{level = 10 : i32, message = "p3_pack"}> : () -> ()
    %scan3A_452 = arith.constant 0 : i32
    %scan3A_453 = arith.constant 0 : i32
    %scan3A_454 = arith.constant 4 : i32
    %scan3A_455 = arith.addi %scan3A_453, %scan3A_454 : i32
    %scan3A_456 = arith.constant 1 : i32
    %scan3A_457 = scf.for %scan3A_700 = %scan3A_453 to %scan3A_455 step %scan3A_456 iter_args(%scan3A_701 = %scan3A_452) -> (i32)  : i32 {
      %mul3A_702 = arith.constant 16 : i32
      %mul3A_703 = arith.muli %scan3A_700, %mul3A_702 : i32
      %broadcast_in_dim3A_704 = vector.broadcast %mul3A_703 : i32 to vector<16xi32>
      %add3A_705 = arith.addi %broadcast_in_dim3A_704, %iota3A : vector<16xi32>
      %lt3A_706 = arith.cmpi slt, %add3A_705, %min3A_268 : vector<16xi32>
      %add3A_707 = arith.addi %add3A_450, %add3A_705 : vector<16xi32>
      %broadcast_in_dim3A_708 = arith.constant 512 : i32
      %broadcast_in_dim3A_709 = vector.broadcast %broadcast_in_dim3A_708 : i32 to vector<16xi32>
      %add3A_710 = vector.broadcast %arg1 : i32 to vector<16xi32>
      %add3A_711 = arith.addi %broadcast_in_dim3A_709, %add3A_710 : vector<16xi32>
      %select_n3A_712 = arith.select %lt3A_706, %add3A_707, %add3A_711 : vector<16xi1>, vector<16xi32>
      %min3A_713 = arith.constant 575 : i32
      %min3A_714 = vector.broadcast %min3A_713 : i32 to vector<16xi32>
      %min3A_715 = arith.minsi %select_n3A_712, %min3A_714 : vector<16xi32>
      %mul3A_716 = arith.constant 16 : i32
      %mul3A_717 = arith.muli %scan3A_700, %mul3A_716 : i32
      %swap3A_718 = arith.index_cast %mul3A_717 : i32 to index
      %swap3A_719 = tpu.vector_load %arg16[%swap3A_718] {strides = array<i32>} : memref<64xi32, #tpu.memory_space<vmem>>, vector<16xi32>,
      tpu.vector_store %arg16[%swap3A_718], %min3A_715 {strides = array<i32>} : memref<64xi32, #tpu.memory_space<vmem>>, vector<16xi32>,
      %scan3A_720 = arith.constant 0 : i32
      scf.yield %scan3A_720 : i32
    }
    %scan3A_458 = arith.constant 4 : i32
    "tpu.region"() ({
      %run_scoped3A_700 = tpu.sem_alloc : memref<!tpu.dma_semaphore, #tpu.memory_space<semaphore_mem>>
      %dma_start3A_701 = arith.constant 0 : i32
      %dma_start3A_702 = tpu.memref_slice %arg32[%dma_start3A_701] : memref<576xi32, #tpu.memory_space<vmem_shared>> -> memref<576xi32, #tpu.memory_space<vmem_shared>>
      tpu.enqueue_indirect_dma source(%arg14 : memref<64xi32, #tpu.memory_space<vmem>>) target(%dma_start3A_702 : memref<576xi32, #tpu.memory_space<vmem_shared>>) offsets(%arg16 : memref<64xi32, #tpu.memory_space<vmem>>) semaphore(%run_scoped3A_700 : memref<!tpu.dma_semaphore, #tpu.memory_space<semaphore_mem>>)
      %dma_wait3A_703 = arith.constant 0 : i32
      %dma_wait3A_704 = tpu.memref_slice %arg32[%dma_wait3A_703] : memref<576xi32, #tpu.memory_space<vmem_shared>> -> memref<576xi32, #tpu.memory_space<vmem_shared>>
      tpu.wait_indirect_dma semaphore(%run_scoped3A_700 : memref<!tpu.dma_semaphore, #tpu.memory_space<semaphore_mem>>) src(%arg14 : memref<64xi32, #tpu.memory_space<vmem>>) dst(%dma_wait3A_704 : memref<576xi32, #tpu.memory_space<vmem_shared>>)
      tpu.yield
    }) : () -> ()
    "tpu.region"() ({
      %run_scoped3A_700 = tpu.sem_alloc : memref<!tpu.dma_semaphore, #tpu.memory_space<semaphore_mem>>
      %dma_start3A_701 = arith.constant 0 : i32
      %dma_start3A_702 = tpu.memref_slice %arg33[%dma_start3A_701] : memref<576xi32, #tpu.memory_space<vmem_shared>> -> memref<576xi32, #tpu.memory_space<vmem_shared>>
      tpu.enqueue_indirect_dma source(%arg15 : memref<64xi32, #tpu.memory_space<vmem>>) target(%dma_start3A_702 : memref<576xi32, #tpu.memory_space<vmem_shared>>) offsets(%arg16 : memref<64xi32, #tpu.memory_space<vmem>>) semaphore(%run_scoped3A_700 : memref<!tpu.dma_semaphore, #tpu.memory_space<semaphore_mem>>)
      %dma_wait3A_703 = arith.constant 0 : i32
      %dma_wait3A_704 = tpu.memref_slice %arg33[%dma_wait3A_703] : memref<576xi32, #tpu.memory_space<vmem_shared>> -> memref<576xi32, #tpu.memory_space<vmem_shared>>
      tpu.wait_indirect_dma semaphore(%run_scoped3A_700 : memref<!tpu.dma_semaphore, #tpu.memory_space<semaphore_mem>>) src(%arg15 : memref<64xi32, #tpu.memory_space<vmem>>) dst(%dma_wait3A_704 : memref<576xi32, #tpu.memory_space<vmem_shared>>)
      tpu.yield
    }) : () -> ()
    %barrier3A_459 = arith.constant 0 : index
    tpu.barrier barrier_id(%barrier3A_459)
    "tpu.region"() ({
      %run_scoped3A_700 = tpu.sem_alloc : memref<!tpu.dma_semaphore, #tpu.memory_space<semaphore_mem>>
      %dma_start3A_701 = arith.constant 0 : i32
      %dma_start3A_702 = tpu.memref_slice %arg32[%dma_start3A_701] : memref<576xi32, #tpu.memory_space<vmem_shared>> -> memref<512xi32, #tpu.memory_space<vmem_shared>>
      %dma_start3A_703 = arith.constant 0 : i32
      %dma_start3A_704 = tpu.memref_slice %arg32[%dma_start3A_703] : memref<576xi32, #tpu.memory_space<vmem_shared>> -> memref<512xi32, #tpu.memory_space<vmem_shared>>
      tpu.enqueue_dma source(%dma_start3A_704 : memref<512xi32, #tpu.memory_space<vmem_shared>>) target(%arg18 : memref<512xi32, #tpu.memory_space<vmem>>) target_semaphore(%run_scoped3A_700 : memref<!tpu.dma_semaphore, #tpu.memory_space<semaphore_mem>>)
      %dma_wait3A_705 = arith.constant 0 : i32
      %dma_wait3A_706 = tpu.memref_slice %arg32[%dma_wait3A_705] : memref<576xi32, #tpu.memory_space<vmem_shared>> -> memref<512xi32, #tpu.memory_space<vmem_shared>>
      %dma_wait3A_707 = arith.constant 0 : i32
      %dma_wait3A_708 = tpu.memref_slice %arg32[%dma_wait3A_707] : memref<576xi32, #tpu.memory_space<vmem_shared>> -> memref<512xi32, #tpu.memory_space<vmem_shared>>
      tpu.wait_dma2 semaphore(%run_scoped3A_700 : memref<!tpu.dma_semaphore, #tpu.memory_space<semaphore_mem>>) src(%dma_wait3A_708 : memref<512xi32, #tpu.memory_space<vmem_shared>>) dst(%arg18 : memref<512xi32, #tpu.memory_space<vmem>>)
      tpu.yield
    }) : () -> ()
    "tpu.region"() ({
      %run_scoped3A_700 = tpu.sem_alloc : memref<!tpu.dma_semaphore, #tpu.memory_space<semaphore_mem>>
      %dma_start3A_701 = arith.constant 0 : i32
      %dma_start3A_702 = tpu.memref_slice %arg33[%dma_start3A_701] : memref<576xi32, #tpu.memory_space<vmem_shared>> -> memref<512xi32, #tpu.memory_space<vmem_shared>>
      %dma_start3A_703 = arith.constant 0 : i32
      %dma_start3A_704 = tpu.memref_slice %arg33[%dma_start3A_703] : memref<576xi32, #tpu.memory_space<vmem_shared>> -> memref<512xi32, #tpu.memory_space<vmem_shared>>
      tpu.enqueue_dma source(%dma_start3A_704 : memref<512xi32, #tpu.memory_space<vmem_shared>>) target(%arg19 : memref<512xi32, #tpu.memory_space<vmem>>) target_semaphore(%run_scoped3A_700 : memref<!tpu.dma_semaphore, #tpu.memory_space<semaphore_mem>>)
      %dma_wait3A_705 = arith.constant 0 : i32
      %dma_wait3A_706 = tpu.memref_slice %arg33[%dma_wait3A_705] : memref<576xi32, #tpu.memory_space<vmem_shared>> -> memref<512xi32, #tpu.memory_space<vmem_shared>>
      %dma_wait3A_707 = arith.constant 0 : i32
      %dma_wait3A_708 = tpu.memref_slice %arg33[%dma_wait3A_707] : memref<576xi32, #tpu.memory_space<vmem_shared>> -> memref<512xi32, #tpu.memory_space<vmem_shared>>
      tpu.wait_dma2 semaphore(%run_scoped3A_700 : memref<!tpu.dma_semaphore, #tpu.memory_space<semaphore_mem>>) src(%dma_wait3A_708 : memref<512xi32, #tpu.memory_space<vmem_shared>>) dst(%arg19 : memref<512xi32, #tpu.memory_space<vmem>>)
      tpu.yield
    }) : () -> ()
    "tpu.trace_stop"() : () -> ()
    %slice3A = vector.extract_strided_slice %add3A_451 {offsets = [0], sizes = [1], strides = [1]} : vector<16xi32> to vector<1xi32>
    %squeeze3A = vector.extract %slice3A[0] : i32 from vector<1xi32>
    "tpu.trace_start"() <{level = 10 : i32, message = "p3_rank"}> : () -> ()
    %mul3A_460 = arith.constant 16 : i32
    %mul3A_461 = arith.muli %arg1, %mul3A_460 : i32
    %gt3A = arith.cmpi sgt, %squeeze3A, %mul3A_461 : i32
    %convert_element_type3A_462 = arith.extui %gt3A : i1 to i32
    %cond3A_463 = arith.constant 0 : i32
    %cond3A_464 = arith.cmpi ne, %convert_element_type3A_462, %cond3A_463 : i32
    scf.if %cond3A_464 {
      %mul3A_700 = arith.constant 16 : i32
      %mul3A_701 = arith.muli %arg1, %mul3A_700 : i32
      %get3A_702 = arith.index_cast %mul3A_701 : i32 to index
      %get3A_703 = tpu.vector_load %arg18[%get3A_702] {strides = array<i32>} : memref<512xi32, #tpu.memory_space<vmem>>, vector<16xi32>,
      %bitcast3A = vector.bitcast %get3A_703 : vector<16xi32> to vector<16xi32>
      %mul3A_704 = arith.constant 16 : i32
      %mul3A_705 = arith.muli %arg1, %mul3A_704 : i32
      %get3A_706 = arith.index_cast %mul3A_705 : i32 to index
      %get3A_707 = tpu.vector_load %arg19[%get3A_706] {strides = array<i32>} : memref<512xi32, #tpu.memory_space<vmem>>, vector<16xi32>,
      %broadcast_in_dim3A_708 = arith.constant 0 : i32
      %broadcast_in_dim3A_709 = vector.broadcast %broadcast_in_dim3A_708 : i32 to vector<16xi32>
      %while3A_710 = arith.constant 0 : i32
      %while3A_711 = arith.subi %squeeze3A, %while3A_710 : i32
      %while3A_712 = arith.addi %while3A_710, %while3A_711 : i32
      %while3A_713 = arith.constant 1 : i32
      %while3A_714 = arith.divsi %while3A_711, %while3A_713 : i32
      %while3A_715 = arith.muli %while3A_714, %while3A_713 : i32
      %while3A_716 = arith.addi %while3A_710, %while3A_715 : i32
      %while3A_717 = arith.constant 1 : i32
      %while3A_718 = scf.for %while3A_728 = %while3A_710 to %while3A_716 step %while3A_717 iter_args(%while3A_729 = %broadcast_in_dim3A_709) -> (vector<16xi32>)  : i32 {
        %broadcast_in_dim3A_730 = arith.constant 0 : i32
        %broadcast_in_dim3A_731 = vector.broadcast %broadcast_in_dim3A_730 : i32 to vector<16xi32>
        %add3A_732 = vector.broadcast %while3A_728 : i32 to vector<16xi32>
        %add3A_733 = arith.addi %broadcast_in_dim3A_731, %add3A_732 : vector<16xi32>
        %gather3A = tpu.vector_load_idx %arg18[%add3A_733] : memref<512xi32, #tpu.memory_space<vmem>>[vector<16xi32>], vector<16xi32>,
        %bitcast3A_734 = vector.bitcast %gather3A : vector<16xi32> to vector<16xi32>
        %broadcast_in_dim3A_735 = arith.constant 0 : i32
        %broadcast_in_dim3A_736 = vector.broadcast %broadcast_in_dim3A_735 : i32 to vector<16xi32>
        %add3A_737 = vector.broadcast %while3A_728 : i32 to vector<16xi32>
        %add3A_738 = arith.addi %broadcast_in_dim3A_736, %add3A_737 : vector<16xi32>
        %gather3A_739 = tpu.vector_load_idx %arg19[%add3A_738] : memref<512xi32, #tpu.memory_space<vmem>>[vector<16xi32>], vector<16xi32>,
        %gt3A_740 = arith.cmpi ugt, %bitcast3A_734, %bitcast3A : vector<16xi32>
        %eq3A_741 = arith.cmpi eq, %bitcast3A_734, %bitcast3A : vector<16xi32>
        %lt3A_742 = arith.cmpi slt, %gather3A_739, %get3A_707 : vector<16xi32>
        %and3A_743 = arith.andi %eq3A_741, %lt3A_742 : vector<16xi1>
        %convert_element_type3A_744 = arith.extui %gt3A_740 : vector<16xi1> to vector<16xi32>
        %add3A_745 = arith.addi %while3A_729, %convert_element_type3A_744 : vector<16xi32>
        %convert_element_type3A_746 = arith.extui %and3A_743 : vector<16xi1> to vector<16xi32>
        %add3A_747 = arith.addi %add3A_745, %convert_element_type3A_746 : vector<16xi32>
        scf.yield %add3A_747 : vector<16xi32>
      }
      %while3A_719 = arith.constant 1 : i32
      %while3A_720 = scf.for %while3A_728 = %while3A_716 to %while3A_712 step %while3A_719 iter_args(%while3A_729 = %while3A_718) -> (vector<16xi32>)  : i32 {
        %broadcast_in_dim3A_730 = arith.constant 0 : i32
        %broadcast_in_dim3A_731 = vector.broadcast %broadcast_in_dim3A_730 : i32 to vector<16xi32>
        %add3A_732 = vector.broadcast %while3A_728 : i32 to vector<16xi32>
        %add3A_733 = arith.addi %broadcast_in_dim3A_731, %add3A_732 : vector<16xi32>
        %gather3A = tpu.vector_load_idx %arg18[%add3A_733] : memref<512xi32, #tpu.memory_space<vmem>>[vector<16xi32>], vector<16xi32>,
        %bitcast3A_734 = vector.bitcast %gather3A : vector<16xi32> to vector<16xi32>
        %broadcast_in_dim3A_735 = arith.constant 0 : i32
        %broadcast_in_dim3A_736 = vector.broadcast %broadcast_in_dim3A_735 : i32 to vector<16xi32>
        %add3A_737 = vector.broadcast %while3A_728 : i32 to vector<16xi32>
        %add3A_738 = arith.addi %broadcast_in_dim3A_736, %add3A_737 : vector<16xi32>
        %gather3A_739 = tpu.vector_load_idx %arg19[%add3A_738] : memref<512xi32, #tpu.memory_space<vmem>>[vector<16xi32>], vector<16xi32>,
        %gt3A_740 = arith.cmpi ugt, %bitcast3A_734, %bitcast3A : vector<16xi32>
        %eq3A_741 = arith.cmpi eq, %bitcast3A_734, %bitcast3A : vector<16xi32>
        %lt3A_742 = arith.cmpi slt, %gather3A_739, %get3A_707 : vector<16xi32>
        %and3A_743 = arith.andi %eq3A_741, %lt3A_742 : vector<16xi1>
        %convert_element_type3A_744 = arith.extui %gt3A_740 : vector<16xi1> to vector<16xi32>
        %add3A_745 = arith.addi %while3A_729, %convert_element_type3A_744 : vector<16xi32>
        %convert_element_type3A_746 = arith.extui %and3A_743 : vector<16xi1> to vector<16xi32>
        %add3A_747 = arith.addi %add3A_745, %convert_element_type3A_746 : vector<16xi32>
        scf.yield %add3A_747 : vector<16xi32>
      }
      %min3A_721 = arith.constant 1151 : i32
      %min3A_722 = vector.broadcast %min3A_721 : i32 to vector<16xi32>
      %min3A_723 = arith.minsi %while3A_720, %min3A_722 : vector<16xi32>
      %swap3A_724 = arith.constant 0 : index
      %swap3A_725 = tpu.vector_load %arg17[%swap3A_724] {strides = array<i32>} : memref<16xi32, #tpu.memory_space<vmem>>, vector<16xi32>,
      tpu.vector_store %arg17[%swap3A_724], %min3A_723 {strides = array<i32>} : memref<16xi32, #tpu.memory_space<vmem>>, vector<16xi32>,
      %mul3A_726 = arith.constant 16 : i32
      %mul3A_727 = arith.muli %arg1, %mul3A_726 : i32
      "tpu.region"() ({
        %run_scoped3A_728 = tpu.sem_alloc : memref<!tpu.dma_semaphore, #tpu.memory_space<semaphore_mem>>
        %dma_start3A_729 = tpu.memref_slice %arg19[%mul3A_727] : memref<512xi32, #tpu.memory_space<vmem>> -> memref<16xi32, #tpu.memory_space<vmem>>
        %dma_start3A_730 = arith.constant 0 : i32
        %dma_start3A_731 = tpu.memref_slice %arg34[%dma_start3A_730] : memref<1152xi32, #tpu.memory_space<vmem_shared>> -> memref<1152xi32, #tpu.memory_space<vmem_shared>>
        tpu.enqueue_indirect_dma source(%dma_start3A_729 : memref<16xi32, #tpu.memory_space<vmem>>) target(%dma_start3A_731 : memref<1152xi32, #tpu.memory_space<vmem_shared>>) offsets(%arg17 : memref<16xi32, #tpu.memory_space<vmem>>) semaphore(%run_scoped3A_728 : memref<!tpu.dma_semaphore, #tpu.memory_space<semaphore_mem>>)
        %dma_wait3A_732 = tpu.memref_slice %arg19[%mul3A_727] : memref<512xi32, #tpu.memory_space<vmem>> -> memref<16xi32, #tpu.memory_space<vmem>>
        %dma_wait3A_733 = arith.constant 0 : i32
        %dma_wait3A_734 = tpu.memref_slice %arg34[%dma_wait3A_733] : memref<1152xi32, #tpu.memory_space<vmem_shared>> -> memref<1152xi32, #tpu.memory_space<vmem_shared>>
        tpu.wait_indirect_dma semaphore(%run_scoped3A_728 : memref<!tpu.dma_semaphore, #tpu.memory_space<semaphore_mem>>) src(%dma_wait3A_732 : memref<16xi32, #tpu.memory_space<vmem>>) dst(%dma_wait3A_734 : memref<1152xi32, #tpu.memory_space<vmem_shared>>)
        tpu.yield
      }) : () -> ()
    } else {
    }
    %sub3A_465 = arith.constant 15 : i32
    %sub3A_466 = arith.subi %sub3A_465, %arg1 : i32
    %add3A_467 = arith.constant 16 : i32
    %add3A_468 = arith.addi %add3A_467, %sub3A_466 : i32
    %mul3A_469 = arith.constant 16 : i32
    %mul3A_470 = arith.muli %add3A_468, %mul3A_469 : i32
    %gt3A_471 = arith.cmpi sgt, %squeeze3A, %mul3A_470 : i32
    %convert_element_type3A_472 = arith.extui %gt3A_471 : i1 to i32
    %cond3A_473 = arith.constant 0 : i32
    %cond3A_474 = arith.cmpi ne, %convert_element_type3A_472, %cond3A_473 : i32
    scf.if %cond3A_474 {
      %mul3A_700 = arith.constant 16 : i32
      %mul3A_701 = arith.muli %add3A_468, %mul3A_700 : i32
      %get3A_702 = arith.index_cast %mul3A_701 : i32 to index
      %get3A_703 = tpu.vector_load %arg18[%get3A_702] {strides = array<i32>} : memref<512xi32, #tpu.memory_space<vmem>>, vector<16xi32>,
      %bitcast3A = vector.bitcast %get3A_703 : vector<16xi32> to vector<16xi32>
      %mul3A_704 = arith.constant 16 : i32
      %mul3A_705 = arith.muli %add3A_468, %mul3A_704 : i32
      %get3A_706 = arith.index_cast %mul3A_705 : i32 to index
      %get3A_707 = tpu.vector_load %arg19[%get3A_706] {strides = array<i32>} : memref<512xi32, #tpu.memory_space<vmem>>, vector<16xi32>,
      %broadcast_in_dim3A_708 = arith.constant 0 : i32
      %broadcast_in_dim3A_709 = vector.broadcast %broadcast_in_dim3A_708 : i32 to vector<16xi32>
      %while3A_710 = arith.constant 0 : i32
      %while3A_711 = arith.subi %squeeze3A, %while3A_710 : i32
      %while3A_712 = arith.addi %while3A_710, %while3A_711 : i32
      %while3A_713 = arith.constant 1 : i32
      %while3A_714 = arith.divsi %while3A_711, %while3A_713 : i32
      %while3A_715 = arith.muli %while3A_714, %while3A_713 : i32
      %while3A_716 = arith.addi %while3A_710, %while3A_715 : i32
      %while3A_717 = arith.constant 1 : i32
      %while3A_718 = scf.for %while3A_728 = %while3A_710 to %while3A_716 step %while3A_717 iter_args(%while3A_729 = %broadcast_in_dim3A_709) -> (vector<16xi32>)  : i32 {
        %broadcast_in_dim3A_730 = arith.constant 0 : i32
        %broadcast_in_dim3A_731 = vector.broadcast %broadcast_in_dim3A_730 : i32 to vector<16xi32>
        %add3A_732 = vector.broadcast %while3A_728 : i32 to vector<16xi32>
        %add3A_733 = arith.addi %broadcast_in_dim3A_731, %add3A_732 : vector<16xi32>
        %gather3A = tpu.vector_load_idx %arg18[%add3A_733] : memref<512xi32, #tpu.memory_space<vmem>>[vector<16xi32>], vector<16xi32>,
        %bitcast3A_734 = vector.bitcast %gather3A : vector<16xi32> to vector<16xi32>
        %broadcast_in_dim3A_735 = arith.constant 0 : i32
        %broadcast_in_dim3A_736 = vector.broadcast %broadcast_in_dim3A_735 : i32 to vector<16xi32>
        %add3A_737 = vector.broadcast %while3A_728 : i32 to vector<16xi32>
        %add3A_738 = arith.addi %broadcast_in_dim3A_736, %add3A_737 : vector<16xi32>
        %gather3A_739 = tpu.vector_load_idx %arg19[%add3A_738] : memref<512xi32, #tpu.memory_space<vmem>>[vector<16xi32>], vector<16xi32>,
        %gt3A_740 = arith.cmpi ugt, %bitcast3A_734, %bitcast3A : vector<16xi32>
        %eq3A_741 = arith.cmpi eq, %bitcast3A_734, %bitcast3A : vector<16xi32>
        %lt3A_742 = arith.cmpi slt, %gather3A_739, %get3A_707 : vector<16xi32>
        %and3A_743 = arith.andi %eq3A_741, %lt3A_742 : vector<16xi1>
        %convert_element_type3A_744 = arith.extui %gt3A_740 : vector<16xi1> to vector<16xi32>
        %add3A_745 = arith.addi %while3A_729, %convert_element_type3A_744 : vector<16xi32>
        %convert_element_type3A_746 = arith.extui %and3A_743 : vector<16xi1> to vector<16xi32>
        %add3A_747 = arith.addi %add3A_745, %convert_element_type3A_746 : vector<16xi32>
        scf.yield %add3A_747 : vector<16xi32>
      }
      %while3A_719 = arith.constant 1 : i32
      %while3A_720 = scf.for %while3A_728 = %while3A_716 to %while3A_712 step %while3A_719 iter_args(%while3A_729 = %while3A_718) -> (vector<16xi32>)  : i32 {
        %broadcast_in_dim3A_730 = arith.constant 0 : i32
        %broadcast_in_dim3A_731 = vector.broadcast %broadcast_in_dim3A_730 : i32 to vector<16xi32>
        %add3A_732 = vector.broadcast %while3A_728 : i32 to vector<16xi32>
        %add3A_733 = arith.addi %broadcast_in_dim3A_731, %add3A_732 : vector<16xi32>
        %gather3A = tpu.vector_load_idx %arg18[%add3A_733] : memref<512xi32, #tpu.memory_space<vmem>>[vector<16xi32>], vector<16xi32>,
        %bitcast3A_734 = vector.bitcast %gather3A : vector<16xi32> to vector<16xi32>
        %broadcast_in_dim3A_735 = arith.constant 0 : i32
        %broadcast_in_dim3A_736 = vector.broadcast %broadcast_in_dim3A_735 : i32 to vector<16xi32>
        %add3A_737 = vector.broadcast %while3A_728 : i32 to vector<16xi32>
        %add3A_738 = arith.addi %broadcast_in_dim3A_736, %add3A_737 : vector<16xi32>
        %gather3A_739 = tpu.vector_load_idx %arg19[%add3A_738] : memref<512xi32, #tpu.memory_space<vmem>>[vector<16xi32>], vector<16xi32>,
        %gt3A_740 = arith.cmpi ugt, %bitcast3A_734, %bitcast3A : vector<16xi32>
        %eq3A_741 = arith.cmpi eq, %bitcast3A_734, %bitcast3A : vector<16xi32>
        %lt3A_742 = arith.cmpi slt, %gather3A_739, %get3A_707 : vector<16xi32>
        %and3A_743 = arith.andi %eq3A_741, %lt3A_742 : vector<16xi1>
        %convert_element_type3A_744 = arith.extui %gt3A_740 : vector<16xi1> to vector<16xi32>
        %add3A_745 = arith.addi %while3A_729, %convert_element_type3A_744 : vector<16xi32>
        %convert_element_type3A_746 = arith.extui %and3A_743 : vector<16xi1> to vector<16xi32>
        %add3A_747 = arith.addi %add3A_745, %convert_element_type3A_746 : vector<16xi32>
        scf.yield %add3A_747 : vector<16xi32>
      }
      %min3A_721 = arith.constant 1151 : i32
      %min3A_722 = vector.broadcast %min3A_721 : i32 to vector<16xi32>
      %min3A_723 = arith.minsi %while3A_720, %min3A_722 : vector<16xi32>
      %swap3A_724 = arith.constant 0 : index
      %swap3A_725 = tpu.vector_load %arg17[%swap3A_724] {strides = array<i32>} : memref<16xi32, #tpu.memory_space<vmem>>, vector<16xi32>,
      tpu.vector_store %arg17[%swap3A_724], %min3A_723 {strides = array<i32>} : memref<16xi32, #tpu.memory_space<vmem>>, vector<16xi32>,
      %mul3A_726 = arith.constant 16 : i32
      %mul3A_727 = arith.muli %add3A_468, %mul3A_726 : i32
      "tpu.region"() ({
        %run_scoped3A_728 = tpu.sem_alloc : memref<!tpu.dma_semaphore, #tpu.memory_space<semaphore_mem>>
        %dma_start3A_729 = tpu.memref_slice %arg19[%mul3A_727] : memref<512xi32, #tpu.memory_space<vmem>> -> memref<16xi32, #tpu.memory_space<vmem>>
        %dma_start3A_730 = arith.constant 0 : i32
        %dma_start3A_731 = tpu.memref_slice %arg34[%dma_start3A_730] : memref<1152xi32, #tpu.memory_space<vmem_shared>> -> memref<1152xi32, #tpu.memory_space<vmem_shared>>
        tpu.enqueue_indirect_dma source(%dma_start3A_729 : memref<16xi32, #tpu.memory_space<vmem>>) target(%dma_start3A_731 : memref<1152xi32, #tpu.memory_space<vmem_shared>>) offsets(%arg17 : memref<16xi32, #tpu.memory_space<vmem>>) semaphore(%run_scoped3A_728 : memref<!tpu.dma_semaphore, #tpu.memory_space<semaphore_mem>>)
        %dma_wait3A_732 = tpu.memref_slice %arg19[%mul3A_727] : memref<512xi32, #tpu.memory_space<vmem>> -> memref<16xi32, #tpu.memory_space<vmem>>
        %dma_wait3A_733 = arith.constant 0 : i32
        %dma_wait3A_734 = tpu.memref_slice %arg34[%dma_wait3A_733] : memref<1152xi32, #tpu.memory_space<vmem_shared>> -> memref<1152xi32, #tpu.memory_space<vmem_shared>>
        tpu.wait_indirect_dma semaphore(%run_scoped3A_728 : memref<!tpu.dma_semaphore, #tpu.memory_space<semaphore_mem>>) src(%dma_wait3A_732 : memref<16xi32, #tpu.memory_space<vmem>>) dst(%dma_wait3A_734 : memref<1152xi32, #tpu.memory_space<vmem_shared>>)
        tpu.yield
      }) : () -> ()
    } else {
    }
    "tpu.trace_stop"() : () -> ()
    "tpu.trace_start"() <{level = 10 : i32, message = "p3_rankbar"}> : () -> ()
    %barrier3A_475 = arith.constant 0 : index
    tpu.barrier barrier_id(%barrier3A_475)
    "tpu.trace_stop"() : () -> ()
    "tpu.trace_start"() <{level = 10 : i32, message = "p4_idx"}> : () -> ()
    "tpu.region"() ({
      %run_scoped3A_700 = tpu.sem_alloc : memref<!tpu.dma_semaphore, #tpu.memory_space<semaphore_mem>>
      %dma_start3A_701 = arith.constant 0 : i32
      %dma_start3A_702 = tpu.memref_slice %arg34[%dma_start3A_701] : memref<1152xi32, #tpu.memory_space<vmem_shared>> -> memref<256xi32, #tpu.memory_space<vmem_shared>>
      %dma_start3A_703 = arith.constant 0 : i32
      %dma_start3A_704 = tpu.memref_slice %arg34[%dma_start3A_703] : memref<1152xi32, #tpu.memory_space<vmem_shared>> -> memref<256xi32, #tpu.memory_space<vmem_shared>>
      tpu.enqueue_dma source(%dma_start3A_704 : memref<256xi32, #tpu.memory_space<vmem_shared>>) target(%arg23 : memref<256xi32, #tpu.memory_space<vmem>>) target_semaphore(%run_scoped3A_700 : memref<!tpu.dma_semaphore, #tpu.memory_space<semaphore_mem>>)
      %dma_wait3A_705 = arith.constant 0 : i32
      %dma_wait3A_706 = tpu.memref_slice %arg34[%dma_wait3A_705] : memref<1152xi32, #tpu.memory_space<vmem_shared>> -> memref<256xi32, #tpu.memory_space<vmem_shared>>
      %dma_wait3A_707 = arith.constant 0 : i32
      %dma_wait3A_708 = tpu.memref_slice %arg34[%dma_wait3A_707] : memref<1152xi32, #tpu.memory_space<vmem_shared>> -> memref<256xi32, #tpu.memory_space<vmem_shared>>
      tpu.wait_dma2 semaphore(%run_scoped3A_700 : memref<!tpu.dma_semaphore, #tpu.memory_space<semaphore_mem>>) src(%dma_wait3A_708 : memref<256xi32, #tpu.memory_space<vmem_shared>>) dst(%arg23 : memref<256xi32, #tpu.memory_space<vmem>>)
      tpu.yield
    }) : () -> ()
    "tpu.trace_stop"() : () -> ()
    "tpu.trace_start"() <{level = 10 : i32, message = "p4_gidx"}> : () -> ()
    %scan3A_476 = arith.constant 0 : i32
    %scan3A_477 = arith.constant 0 : i32
    %scan3A_478 = arith.constant 16 : i32
    %scan3A_479 = arith.addi %scan3A_477, %scan3A_478 : i32
    %scan3A_480 = arith.constant 1 : i32
    %scan3A_481 = scf.for %scan3A_700 = %scan3A_477 to %scan3A_479 step %scan3A_480 iter_args(%scan3A_701 = %scan3A_476) -> (i32)  : i32 {
      %mul3A_702 = arith.constant 16 : i32
      %mul3A_703 = arith.muli %scan3A_700, %mul3A_702 : i32
      %get3A_704 = arith.index_cast %mul3A_703 : i32 to index
      %get3A_705 = tpu.vector_load %arg23[%get3A_704] {strides = array<i32>} : memref<256xi32, #tpu.memory_space<vmem>>, vector<16xi32>,
      %shift_right_arithmetic3A = arith.constant 7 : i32
      %shift_right_arithmetic3A_706 = vector.broadcast %shift_right_arithmetic3A : i32 to vector<16xi32>
      %shift_right_arithmetic3A_707 = arith.shrsi %get3A_705, %shift_right_arithmetic3A_706 : vector<16xi32>
      %shift_left3A_708 = arith.constant 10 : i32
      %shift_left3A_709 = vector.broadcast %shift_left3A_708 : i32 to vector<16xi32>
      %shift_left3A_710 = arith.shli %shift_right_arithmetic3A_707, %shift_left3A_709 : vector<16xi32>
      %and3A_711 = arith.constant 127 : i32
      %and3A_712 = vector.broadcast %and3A_711 : i32 to vector<16xi32>
      %and3A_713 = arith.andi %get3A_705, %and3A_712 : vector<16xi32>
      %or3A_714 = arith.ori %shift_left3A_710, %and3A_713 : vector<16xi32>
      %mul3A_715 = arith.constant 16 : i32
      %mul3A_716 = arith.muli %scan3A_700, %mul3A_715 : i32
      %swap3A_717 = arith.index_cast %mul3A_716 : i32 to index
      %swap3A_718 = tpu.vector_load %arg23[%swap3A_717] {strides = array<i32>} : memref<256xi32, #tpu.memory_space<vmem>>, vector<16xi32>,
      tpu.vector_store %arg23[%swap3A_717], %or3A_714 {strides = array<i32>} : memref<256xi32, #tpu.memory_space<vmem>>, vector<16xi32>,
      %scan3A_719 = arith.constant 0 : i32
      scf.yield %scan3A_719 : i32
    }
    %scan3A_482 = arith.constant 16 : i32
    %scan3A_483 = arith.constant 0 : i32
    %scan3A_484 = arith.constant 0 : i32
    %scan3A_485 = arith.constant 128 : i32
    %scan3A_486 = arith.addi %scan3A_484, %scan3A_485 : i32
    %scan3A_487 = arith.constant 1 : i32
    %scan3A_488 = scf.for %scan3A_700 = %scan3A_484 to %scan3A_486 step %scan3A_487 iter_args(%scan3A_701 = %scan3A_483) -> (i32)  : i32 {
      %jit3A_702 = arith.constant 16 : i32
      %div3A_703 = arith.divsi %scan3A_700, %jit3A_702 : i32
      %sign3A_704 = arith.constant 0 : i32
      %sign3A_705 = arith.cmpi sgt, %scan3A_700, %sign3A_704 : i32
      %sign3A_706 = arith.extui %sign3A_705 : i1 to i32
      %sign3A_707 = arith.constant 0 : i32
      %sign3A_708 = arith.cmpi slt, %scan3A_700, %sign3A_707 : i32
      %sign3A_709 = arith.extui %sign3A_708 : i1 to i32
      %sign3A_710 = arith.subi %sign3A_706, %sign3A_709 : i32
      %sign3A_711 = arith.constant 0 : i32
      %sign3A_712 = arith.cmpi sgt, %jit3A_702, %sign3A_711 : i32
      %sign3A_713 = arith.extui %sign3A_712 : i1 to i32
      %sign3A_714 = arith.constant 0 : i32
      %sign3A_715 = arith.cmpi slt, %jit3A_702, %sign3A_714 : i32
      %sign3A_716 = arith.extui %sign3A_715 : i1 to i32
      %sign3A_717 = arith.subi %sign3A_713, %sign3A_716 : i32
      %ne3A_718 = arith.cmpi ne, %sign3A_710, %sign3A_717 : i32
      %rem3A_719 = arith.remsi %scan3A_700, %jit3A_702 : i32
      %ne3A_720 = arith.constant 0 : i32
      %ne3A_721 = arith.cmpi ne, %rem3A_719, %ne3A_720 : i32
      %and3A_722 = arith.andi %ne3A_718, %ne3A_721 : i1
      %sub3A_723 = arith.constant 1 : i32
      %sub3A_724 = arith.subi %div3A_703, %sub3A_723 : i32
      %select_n3A_725 = arith.select %and3A_722, %sub3A_724, %div3A_703 : i32
      %jit3A_726 = arith.constant 16 : i32
      %eq3A_727 = arith.constant 0 : i32
      %eq3A_728 = arith.cmpi eq, %jit3A_726, %eq3A_727 : i32
      %jit3A_729 = arith.constant 1 : i32
      %select_n3A_730 = arith.select %eq3A_728, %jit3A_729, %jit3A_726 : i32
      %rem3A_731 = arith.remsi %scan3A_700, %select_n3A_730 : i32
      %ne3A_732 = arith.constant 0 : i32
      %ne3A_733 = arith.cmpi ne, %rem3A_731, %ne3A_732 : i32
      %lt3A_734 = arith.constant 0 : i32
      %lt3A_735 = arith.cmpi slt, %rem3A_731, %lt3A_734 : i32
      %lt3A_736 = arith.constant 0 : i32
      %lt3A_737 = arith.cmpi slt, %select_n3A_730, %lt3A_736 : i32
      %ne3A_738 = arith.xori %lt3A_735, %lt3A_737 : i1
      %and3A_739 = arith.andi %ne3A_738, %ne3A_733 : i1
      %add3A_740 = arith.addi %rem3A_731, %select_n3A_730 : i32
      %select_n3A_741 = arith.select %and3A_739, %add3A_740, %rem3A_731 : i32
      %mul3A_742 = arith.constant 8 : i32
      %mul3A_743 = arith.muli %arg1, %mul3A_742 : i32
      %add3A_744 = arith.addi %mul3A_743, %select_n3A_725 : i32
      %jit3A_745 = arith.constant 8 : i32
      %div3A_746 = arith.divsi %add3A_744, %jit3A_745 : i32
      %sign3A_747 = arith.constant 0 : i32
      %sign3A_748 = arith.cmpi sgt, %add3A_744, %sign3A_747 : i32
      %sign3A_749 = arith.extui %sign3A_748 : i1 to i32
      %sign3A_750 = arith.constant 0 : i32
      %sign3A_751 = arith.cmpi slt, %add3A_744, %sign3A_750 : i32
      %sign3A_752 = arith.extui %sign3A_751 : i1 to i32
      %sign3A_753 = arith.subi %sign3A_749, %sign3A_752 : i32
      %sign3A_754 = arith.constant 0 : i32
      %sign3A_755 = arith.cmpi sgt, %jit3A_745, %sign3A_754 : i32
      %sign3A_756 = arith.extui %sign3A_755 : i1 to i32
      %sign3A_757 = arith.constant 0 : i32
      %sign3A_758 = arith.cmpi slt, %jit3A_745, %sign3A_757 : i32
      %sign3A_759 = arith.extui %sign3A_758 : i1 to i32
      %sign3A_760 = arith.subi %sign3A_756, %sign3A_759 : i32
      %ne3A_761 = arith.cmpi ne, %sign3A_753, %sign3A_760 : i32
      %rem3A_762 = arith.remsi %add3A_744, %jit3A_745 : i32
      %ne3A_763 = arith.constant 0 : i32
      %ne3A_764 = arith.cmpi ne, %rem3A_762, %ne3A_763 : i32
      %and3A_765 = arith.andi %ne3A_761, %ne3A_764 : i1
      %sub3A_766 = arith.constant 1 : i32
      %sub3A_767 = arith.subi %div3A_746, %sub3A_766 : i32
      %select_n3A_768 = arith.select %and3A_765, %sub3A_767, %div3A_746 : i32
      %mul3A_769 = arith.constant 262144 : i32
      %mul3A_770 = arith.muli %select_n3A_768, %mul3A_769 : i32
      %jit3A_771 = arith.constant 8 : i32
      %eq3A_772 = arith.constant 0 : i32
      %eq3A_773 = arith.cmpi eq, %jit3A_771, %eq3A_772 : i32
      %jit3A_774 = arith.constant 1 : i32
      %select_n3A_775 = arith.select %eq3A_773, %jit3A_774, %jit3A_771 : i32
      %rem3A_776 = arith.remsi %add3A_744, %select_n3A_775 : i32
      %ne3A_777 = arith.constant 0 : i32
      %ne3A_778 = arith.cmpi ne, %rem3A_776, %ne3A_777 : i32
      %lt3A_779 = arith.constant 0 : i32
      %lt3A_780 = arith.cmpi slt, %rem3A_776, %lt3A_779 : i32
      %lt3A_781 = arith.constant 0 : i32
      %lt3A_782 = arith.cmpi slt, %select_n3A_775, %lt3A_781 : i32
      %ne3A_783 = arith.xori %lt3A_780, %lt3A_782 : i1
      %and3A_784 = arith.andi %ne3A_783, %ne3A_778 : i1
      %add3A_785 = arith.addi %rem3A_776, %select_n3A_775 : i32
      %select_n3A_786 = arith.select %and3A_784, %add3A_785, %rem3A_776 : i32
      %mul3A_787 = arith.constant 128 : i32
      %mul3A_788 = arith.muli %select_n3A_786, %mul3A_787 : i32
      %add3A_789 = arith.addi %mul3A_770, %mul3A_788 : i32
      %mul3A_790 = arith.constant 16 : i32
      %mul3A_791 = arith.muli %select_n3A_741, %mul3A_790 : i32
      %get3A_792 = arith.index_cast %mul3A_791 : i32 to index
      %get3A_793 = tpu.vector_load %arg23[%get3A_792] {strides = array<i32>} : memref<256xi32, #tpu.memory_space<vmem>>, vector<16xi32>,
      %add3A_794 = vector.broadcast %add3A_789 : i32 to vector<16xi32>
      %add3A_795 = arith.addi %get3A_793, %add3A_794 : vector<16xi32>
      %mul3A_796 = arith.constant 16 : i32
      %mul3A_797 = arith.muli %scan3A_700, %mul3A_796 : i32
      %swap3A_798 = arith.index_cast %mul3A_797 : i32 to index
      %swap3A_799 = tpu.vector_load %arg25[%swap3A_798] {strides = array<i32>} : memref<2048xi32, #tpu.memory_space<vmem>>, vector<16xi32>,
      tpu.vector_store %arg25[%swap3A_798], %add3A_795 {strides = array<i32>} : memref<2048xi32, #tpu.memory_space<vmem>>, vector<16xi32>,
      %scan3A_800 = arith.constant 0 : i32
      scf.yield %scan3A_800 : i32
    }
    %scan3A_489 = arith.constant 128 : i32
    "tpu.trace_stop"() : () -> ()
    %dma_start3A_490 = arith.constant 0 : i32
    %dma_start3A_491 = tpu.memref_slice %arg26[%dma_start3A_490] : memref<4096xf32, #tpu.memory_space<vmem>> -> memref<128xf32, #tpu.memory_space<vmem>>
    %dma_start3A_492 = arith.constant 0 : i32
    %dma_start3A_493 = tpu.memref_slice %arg25[%dma_start3A_492] : memref<2048xi32, #tpu.memory_space<vmem>> -> memref<128xi32, #tpu.memory_space<vmem>>
    %dma_start3A_494 = arith.constant 0 : i32
    %dma_start3A_495 = tpu.memref_slice %arg2[%dma_start3A_494] : memref<4194304xf32, #tpu.memory_space<hbm>> -> memref<4194304xf32, #tpu.memory_space<hbm>>
    tpu.enqueue_indirect_dma source(%dma_start3A_495 : memref<4194304xf32, #tpu.memory_space<hbm>>) target(%dma_start3A_491 : memref<128xf32, #tpu.memory_space<vmem>>) offsets(%dma_start3A_493 : memref<128xi32, #tpu.memory_space<vmem>>) semaphore(%arg29 : memref<!tpu.dma_semaphore, #tpu.memory_space<semaphore_mem>>)
    %dma_start3A_496 = arith.constant 128 : i32
    %dma_start3A_497 = tpu.memref_slice %arg26[%dma_start3A_496] : memref<4096xf32, #tpu.memory_space<vmem>> -> memref<128xf32, #tpu.memory_space<vmem>>
    %dma_start3A_498 = arith.constant 128 : i32
    %dma_start3A_499 = tpu.memref_slice %arg25[%dma_start3A_498] : memref<2048xi32, #tpu.memory_space<vmem>> -> memref<128xi32, #tpu.memory_space<vmem>>
    %dma_start3A_500 = arith.constant 0 : i32
    %dma_start3A_501 = tpu.memref_slice %arg2[%dma_start3A_500] : memref<4194304xf32, #tpu.memory_space<hbm>> -> memref<4194304xf32, #tpu.memory_space<hbm>>
    tpu.enqueue_indirect_dma source(%dma_start3A_501 : memref<4194304xf32, #tpu.memory_space<hbm>>) target(%dma_start3A_497 : memref<128xf32, #tpu.memory_space<vmem>>) offsets(%dma_start3A_499 : memref<128xi32, #tpu.memory_space<vmem>>) semaphore(%arg29 : memref<!tpu.dma_semaphore, #tpu.memory_space<semaphore_mem>>)
    %dma_start3A_502 = arith.constant 256 : i32
    %dma_start3A_503 = tpu.memref_slice %arg26[%dma_start3A_502] : memref<4096xf32, #tpu.memory_space<vmem>> -> memref<128xf32, #tpu.memory_space<vmem>>
    %dma_start3A_504 = arith.constant 256 : i32
    %dma_start3A_505 = tpu.memref_slice %arg25[%dma_start3A_504] : memref<2048xi32, #tpu.memory_space<vmem>> -> memref<128xi32, #tpu.memory_space<vmem>>
    %dma_start3A_506 = arith.constant 0 : i32
    %dma_start3A_507 = tpu.memref_slice %arg2[%dma_start3A_506] : memref<4194304xf32, #tpu.memory_space<hbm>> -> memref<4194304xf32, #tpu.memory_space<hbm>>
    tpu.enqueue_indirect_dma source(%dma_start3A_507 : memref<4194304xf32, #tpu.memory_space<hbm>>) target(%dma_start3A_503 : memref<128xf32, #tpu.memory_space<vmem>>) offsets(%dma_start3A_505 : memref<128xi32, #tpu.memory_space<vmem>>) semaphore(%arg29 : memref<!tpu.dma_semaphore, #tpu.memory_space<semaphore_mem>>)
    %dma_start3A_508 = arith.constant 384 : i32
    %dma_start3A_509 = tpu.memref_slice %arg26[%dma_start3A_508] : memref<4096xf32, #tpu.memory_space<vmem>> -> memref<128xf32, #tpu.memory_space<vmem>>
    %dma_start3A_510 = arith.constant 384 : i32
    %dma_start3A_511 = tpu.memref_slice %arg25[%dma_start3A_510] : memref<2048xi32, #tpu.memory_space<vmem>> -> memref<128xi32, #tpu.memory_space<vmem>>
    %dma_start3A_512 = arith.constant 0 : i32
    %dma_start3A_513 = tpu.memref_slice %arg2[%dma_start3A_512] : memref<4194304xf32, #tpu.memory_space<hbm>> -> memref<4194304xf32, #tpu.memory_space<hbm>>
    tpu.enqueue_indirect_dma source(%dma_start3A_513 : memref<4194304xf32, #tpu.memory_space<hbm>>) target(%dma_start3A_509 : memref<128xf32, #tpu.memory_space<vmem>>) offsets(%dma_start3A_511 : memref<128xi32, #tpu.memory_space<vmem>>) semaphore(%arg29 : memref<!tpu.dma_semaphore, #tpu.memory_space<semaphore_mem>>)
    %dma_start3A_514 = arith.constant 512 : i32
    %dma_start3A_515 = tpu.memref_slice %arg26[%dma_start3A_514] : memref<4096xf32, #tpu.memory_space<vmem>> -> memref<128xf32, #tpu.memory_space<vmem>>
    %dma_start3A_516 = arith.constant 512 : i32
    %dma_start3A_517 = tpu.memref_slice %arg25[%dma_start3A_516] : memref<2048xi32, #tpu.memory_space<vmem>> -> memref<128xi32, #tpu.memory_space<vmem>>
    %dma_start3A_518 = arith.constant 0 : i32
    %dma_start3A_519 = tpu.memref_slice %arg2[%dma_start3A_518] : memref<4194304xf32, #tpu.memory_space<hbm>> -> memref<4194304xf32, #tpu.memory_space<hbm>>
    tpu.enqueue_indirect_dma source(%dma_start3A_519 : memref<4194304xf32, #tpu.memory_space<hbm>>) target(%dma_start3A_515 : memref<128xf32, #tpu.memory_space<vmem>>) offsets(%dma_start3A_517 : memref<128xi32, #tpu.memory_space<vmem>>) semaphore(%arg29 : memref<!tpu.dma_semaphore, #tpu.memory_space<semaphore_mem>>)
    %dma_start3A_520 = arith.constant 640 : i32
    %dma_start3A_521 = tpu.memref_slice %arg26[%dma_start3A_520] : memref<4096xf32, #tpu.memory_space<vmem>> -> memref<128xf32, #tpu.memory_space<vmem>>
    %dma_start3A_522 = arith.constant 640 : i32
    %dma_start3A_523 = tpu.memref_slice %arg25[%dma_start3A_522] : memref<2048xi32, #tpu.memory_space<vmem>> -> memref<128xi32, #tpu.memory_space<vmem>>
    %dma_start3A_524 = arith.constant 0 : i32
    %dma_start3A_525 = tpu.memref_slice %arg2[%dma_start3A_524] : memref<4194304xf32, #tpu.memory_space<hbm>> -> memref<4194304xf32, #tpu.memory_space<hbm>>
    tpu.enqueue_indirect_dma source(%dma_start3A_525 : memref<4194304xf32, #tpu.memory_space<hbm>>) target(%dma_start3A_521 : memref<128xf32, #tpu.memory_space<vmem>>) offsets(%dma_start3A_523 : memref<128xi32, #tpu.memory_space<vmem>>) semaphore(%arg29 : memref<!tpu.dma_semaphore, #tpu.memory_space<semaphore_mem>>)
    %dma_start3A_526 = arith.constant 768 : i32
    %dma_start3A_527 = tpu.memref_slice %arg26[%dma_start3A_526] : memref<4096xf32, #tpu.memory_space<vmem>> -> memref<128xf32, #tpu.memory_space<vmem>>
    %dma_start3A_528 = arith.constant 768 : i32
    %dma_start3A_529 = tpu.memref_slice %arg25[%dma_start3A_528] : memref<2048xi32, #tpu.memory_space<vmem>> -> memref<128xi32, #tpu.memory_space<vmem>>
    %dma_start3A_530 = arith.constant 0 : i32
    %dma_start3A_531 = tpu.memref_slice %arg2[%dma_start3A_530] : memref<4194304xf32, #tpu.memory_space<hbm>> -> memref<4194304xf32, #tpu.memory_space<hbm>>
    tpu.enqueue_indirect_dma source(%dma_start3A_531 : memref<4194304xf32, #tpu.memory_space<hbm>>) target(%dma_start3A_527 : memref<128xf32, #tpu.memory_space<vmem>>) offsets(%dma_start3A_529 : memref<128xi32, #tpu.memory_space<vmem>>) semaphore(%arg29 : memref<!tpu.dma_semaphore, #tpu.memory_space<semaphore_mem>>)
    %dma_start3A_532 = arith.constant 896 : i32
    %dma_start3A_533 = tpu.memref_slice %arg26[%dma_start3A_532] : memref<4096xf32, #tpu.memory_space<vmem>> -> memref<128xf32, #tpu.memory_space<vmem>>
    %dma_start3A_534 = arith.constant 896 : i32
    %dma_start3A_535 = tpu.memref_slice %arg25[%dma_start3A_534] : memref<2048xi32, #tpu.memory_space<vmem>> -> memref<128xi32, #tpu.memory_space<vmem>>
    %dma_start3A_536 = arith.constant 0 : i32
    %dma_start3A_537 = tpu.memref_slice %arg2[%dma_start3A_536] : memref<4194304xf32, #tpu.memory_space<hbm>> -> memref<4194304xf32, #tpu.memory_space<hbm>>
    tpu.enqueue_indirect_dma source(%dma_start3A_537 : memref<4194304xf32, #tpu.memory_space<hbm>>) target(%dma_start3A_533 : memref<128xf32, #tpu.memory_space<vmem>>) offsets(%dma_start3A_535 : memref<128xi32, #tpu.memory_space<vmem>>) semaphore(%arg29 : memref<!tpu.dma_semaphore, #tpu.memory_space<semaphore_mem>>)
    %dma_start3A_538 = arith.constant 1024 : i32
    %dma_start3A_539 = tpu.memref_slice %arg26[%dma_start3A_538] : memref<4096xf32, #tpu.memory_space<vmem>> -> memref<128xf32, #tpu.memory_space<vmem>>
    %dma_start3A_540 = arith.constant 1024 : i32
    %dma_start3A_541 = tpu.memref_slice %arg25[%dma_start3A_540] : memref<2048xi32, #tpu.memory_space<vmem>> -> memref<128xi32, #tpu.memory_space<vmem>>
    %dma_start3A_542 = arith.constant 0 : i32
    %dma_start3A_543 = tpu.memref_slice %arg2[%dma_start3A_542] : memref<4194304xf32, #tpu.memory_space<hbm>> -> memref<4194304xf32, #tpu.memory_space<hbm>>
    tpu.enqueue_indirect_dma source(%dma_start3A_543 : memref<4194304xf32, #tpu.memory_space<hbm>>) target(%dma_start3A_539 : memref<128xf32, #tpu.memory_space<vmem>>) offsets(%dma_start3A_541 : memref<128xi32, #tpu.memory_space<vmem>>) semaphore(%arg29 : memref<!tpu.dma_semaphore, #tpu.memory_space<semaphore_mem>>)
    %dma_start3A_544 = arith.constant 1152 : i32
    %dma_start3A_545 = tpu.memref_slice %arg26[%dma_start3A_544] : memref<4096xf32, #tpu.memory_space<vmem>> -> memref<128xf32, #tpu.memory_space<vmem>>
    %dma_start3A_546 = arith.constant 1152 : i32
    %dma_start3A_547 = tpu.memref_slice %arg25[%dma_start3A_546] : memref<2048xi32, #tpu.memory_space<vmem>> -> memref<128xi32, #tpu.memory_space<vmem>>
    %dma_start3A_548 = arith.constant 0 : i32
    %dma_start3A_549 = tpu.memref_slice %arg2[%dma_start3A_548] : memref<4194304xf32, #tpu.memory_space<hbm>> -> memref<4194304xf32, #tpu.memory_space<hbm>>
    tpu.enqueue_indirect_dma source(%dma_start3A_549 : memref<4194304xf32, #tpu.memory_space<hbm>>) target(%dma_start3A_545 : memref<128xf32, #tpu.memory_space<vmem>>) offsets(%dma_start3A_547 : memref<128xi32, #tpu.memory_space<vmem>>) semaphore(%arg29 : memref<!tpu.dma_semaphore, #tpu.memory_space<semaphore_mem>>)
    %dma_start3A_550 = arith.constant 1280 : i32
    %dma_start3A_551 = tpu.memref_slice %arg26[%dma_start3A_550] : memref<4096xf32, #tpu.memory_space<vmem>> -> memref<128xf32, #tpu.memory_space<vmem>>
    %dma_start3A_552 = arith.constant 1280 : i32
    %dma_start3A_553 = tpu.memref_slice %arg25[%dma_start3A_552] : memref<2048xi32, #tpu.memory_space<vmem>> -> memref<128xi32, #tpu.memory_space<vmem>>
    %dma_start3A_554 = arith.constant 0 : i32
    %dma_start3A_555 = tpu.memref_slice %arg2[%dma_start3A_554] : memref<4194304xf32, #tpu.memory_space<hbm>> -> memref<4194304xf32, #tpu.memory_space<hbm>>
    tpu.enqueue_indirect_dma source(%dma_start3A_555 : memref<4194304xf32, #tpu.memory_space<hbm>>) target(%dma_start3A_551 : memref<128xf32, #tpu.memory_space<vmem>>) offsets(%dma_start3A_553 : memref<128xi32, #tpu.memory_space<vmem>>) semaphore(%arg29 : memref<!tpu.dma_semaphore, #tpu.memory_space<semaphore_mem>>)
    %dma_start3A_556 = arith.constant 1408 : i32
    %dma_start3A_557 = tpu.memref_slice %arg26[%dma_start3A_556] : memref<4096xf32, #tpu.memory_space<vmem>> -> memref<128xf32, #tpu.memory_space<vmem>>
    %dma_start3A_558 = arith.constant 1408 : i32
    %dma_start3A_559 = tpu.memref_slice %arg25[%dma_start3A_558] : memref<2048xi32, #tpu.memory_space<vmem>> -> memref<128xi32, #tpu.memory_space<vmem>>
    %dma_start3A_560 = arith.constant 0 : i32
    %dma_start3A_561 = tpu.memref_slice %arg2[%dma_start3A_560] : memref<4194304xf32, #tpu.memory_space<hbm>> -> memref<4194304xf32, #tpu.memory_space<hbm>>
    tpu.enqueue_indirect_dma source(%dma_start3A_561 : memref<4194304xf32, #tpu.memory_space<hbm>>) target(%dma_start3A_557 : memref<128xf32, #tpu.memory_space<vmem>>) offsets(%dma_start3A_559 : memref<128xi32, #tpu.memory_space<vmem>>) semaphore(%arg29 : memref<!tpu.dma_semaphore, #tpu.memory_space<semaphore_mem>>)
    %dma_start3A_562 = arith.constant 1536 : i32
    %dma_start3A_563 = tpu.memref_slice %arg26[%dma_start3A_562] : memref<4096xf32, #tpu.memory_space<vmem>> -> memref<128xf32, #tpu.memory_space<vmem>>
    %dma_start3A_564 = arith.constant 1536 : i32
    %dma_start3A_565 = tpu.memref_slice %arg25[%dma_start3A_564] : memref<2048xi32, #tpu.memory_space<vmem>> -> memref<128xi32, #tpu.memory_space<vmem>>
    %dma_start3A_566 = arith.constant 0 : i32
    %dma_start3A_567 = tpu.memref_slice %arg2[%dma_start3A_566] : memref<4194304xf32, #tpu.memory_space<hbm>> -> memref<4194304xf32, #tpu.memory_space<hbm>>
    tpu.enqueue_indirect_dma source(%dma_start3A_567 : memref<4194304xf32, #tpu.memory_space<hbm>>) target(%dma_start3A_563 : memref<128xf32, #tpu.memory_space<vmem>>) offsets(%dma_start3A_565 : memref<128xi32, #tpu.memory_space<vmem>>) semaphore(%arg29 : memref<!tpu.dma_semaphore, #tpu.memory_space<semaphore_mem>>)
    %dma_start3A_568 = arith.constant 1664 : i32
    %dma_start3A_569 = tpu.memref_slice %arg26[%dma_start3A_568] : memref<4096xf32, #tpu.memory_space<vmem>> -> memref<128xf32, #tpu.memory_space<vmem>>
    %dma_start3A_570 = arith.constant 1664 : i32
    %dma_start3A_571 = tpu.memref_slice %arg25[%dma_start3A_570] : memref<2048xi32, #tpu.memory_space<vmem>> -> memref<128xi32, #tpu.memory_space<vmem>>
    %dma_start3A_572 = arith.constant 0 : i32
    %dma_start3A_573 = tpu.memref_slice %arg2[%dma_start3A_572] : memref<4194304xf32, #tpu.memory_space<hbm>> -> memref<4194304xf32, #tpu.memory_space<hbm>>
    tpu.enqueue_indirect_dma source(%dma_start3A_573 : memref<4194304xf32, #tpu.memory_space<hbm>>) target(%dma_start3A_569 : memref<128xf32, #tpu.memory_space<vmem>>) offsets(%dma_start3A_571 : memref<128xi32, #tpu.memory_space<vmem>>) semaphore(%arg29 : memref<!tpu.dma_semaphore, #tpu.memory_space<semaphore_mem>>)
    %dma_start3A_574 = arith.constant 1792 : i32
    %dma_start3A_575 = tpu.memref_slice %arg26[%dma_start3A_574] : memref<4096xf32, #tpu.memory_space<vmem>> -> memref<128xf32, #tpu.memory_space<vmem>>
    %dma_start3A_576 = arith.constant 1792 : i32
    %dma_start3A_577 = tpu.memref_slice %arg25[%dma_start3A_576] : memref<2048xi32, #tpu.memory_space<vmem>> -> memref<128xi32, #tpu.memory_space<vmem>>
    %dma_start3A_578 = arith.constant 0 : i32
    %dma_start3A_579 = tpu.memref_slice %arg2[%dma_start3A_578] : memref<4194304xf32, #tpu.memory_space<hbm>> -> memref<4194304xf32, #tpu.memory_space<hbm>>
    tpu.enqueue_indirect_dma source(%dma_start3A_579 : memref<4194304xf32, #tpu.memory_space<hbm>>) target(%dma_start3A_575 : memref<128xf32, #tpu.memory_space<vmem>>) offsets(%dma_start3A_577 : memref<128xi32, #tpu.memory_space<vmem>>) semaphore(%arg29 : memref<!tpu.dma_semaphore, #tpu.memory_space<semaphore_mem>>)
    %dma_start3A_580 = arith.constant 1920 : i32
    %dma_start3A_581 = tpu.memref_slice %arg26[%dma_start3A_580] : memref<4096xf32, #tpu.memory_space<vmem>> -> memref<128xf32, #tpu.memory_space<vmem>>
    %dma_start3A_582 = arith.constant 1920 : i32
    %dma_start3A_583 = tpu.memref_slice %arg25[%dma_start3A_582] : memref<2048xi32, #tpu.memory_space<vmem>> -> memref<128xi32, #tpu.memory_space<vmem>>
    %dma_start3A_584 = arith.constant 0 : i32
    %dma_start3A_585 = tpu.memref_slice %arg2[%dma_start3A_584] : memref<4194304xf32, #tpu.memory_space<hbm>> -> memref<4194304xf32, #tpu.memory_space<hbm>>
    tpu.enqueue_indirect_dma source(%dma_start3A_585 : memref<4194304xf32, #tpu.memory_space<hbm>>) target(%dma_start3A_581 : memref<128xf32, #tpu.memory_space<vmem>>) offsets(%dma_start3A_583 : memref<128xi32, #tpu.memory_space<vmem>>) semaphore(%arg29 : memref<!tpu.dma_semaphore, #tpu.memory_space<semaphore_mem>>)
    "tpu.trace_start"() <{level = 10 : i32, message = "p4_gather"}> : () -> ()
    %dma_wait3A_586 = arith.constant 0 : i32
    %dma_wait3A_587 = tpu.memref_slice %arg26[%dma_wait3A_586] : memref<4096xf32, #tpu.memory_space<vmem>> -> memref<128xf32, #tpu.memory_space<vmem>>
    %dma_wait3A_588 = arith.constant 0 : i32
    %dma_wait3A_589 = tpu.memref_slice %arg25[%dma_wait3A_588] : memref<2048xi32, #tpu.memory_space<vmem>> -> memref<128xi32, #tpu.memory_space<vmem>>
    %dma_wait3A_590 = arith.constant 0 : i32
    %dma_wait3A_591 = tpu.memref_slice %arg2[%dma_wait3A_590] : memref<4194304xf32, #tpu.memory_space<hbm>> -> memref<4194304xf32, #tpu.memory_space<hbm>>
    tpu.wait_indirect_dma semaphore(%arg29 : memref<!tpu.dma_semaphore, #tpu.memory_space<semaphore_mem>>) src(%dma_wait3A_591 : memref<4194304xf32, #tpu.memory_space<hbm>>) dst(%dma_wait3A_587 : memref<128xf32, #tpu.memory_space<vmem>>)
    %dma_wait3A_592 = arith.constant 128 : i32
    %dma_wait3A_593 = tpu.memref_slice %arg26[%dma_wait3A_592] : memref<4096xf32, #tpu.memory_space<vmem>> -> memref<128xf32, #tpu.memory_space<vmem>>
    %dma_wait3A_594 = arith.constant 128 : i32
    %dma_wait3A_595 = tpu.memref_slice %arg25[%dma_wait3A_594] : memref<2048xi32, #tpu.memory_space<vmem>> -> memref<128xi32, #tpu.memory_space<vmem>>
    %dma_wait3A_596 = arith.constant 0 : i32
    %dma_wait3A_597 = tpu.memref_slice %arg2[%dma_wait3A_596] : memref<4194304xf32, #tpu.memory_space<hbm>> -> memref<4194304xf32, #tpu.memory_space<hbm>>
    tpu.wait_indirect_dma semaphore(%arg29 : memref<!tpu.dma_semaphore, #tpu.memory_space<semaphore_mem>>) src(%dma_wait3A_597 : memref<4194304xf32, #tpu.memory_space<hbm>>) dst(%dma_wait3A_593 : memref<128xf32, #tpu.memory_space<vmem>>)
    %dma_wait3A_598 = arith.constant 256 : i32
    %dma_wait3A_599 = tpu.memref_slice %arg26[%dma_wait3A_598] : memref<4096xf32, #tpu.memory_space<vmem>> -> memref<128xf32, #tpu.memory_space<vmem>>
    %dma_wait3A_600 = arith.constant 256 : i32
    %dma_wait3A_601 = tpu.memref_slice %arg25[%dma_wait3A_600] : memref<2048xi32, #tpu.memory_space<vmem>> -> memref<128xi32, #tpu.memory_space<vmem>>
    %dma_wait3A_602 = arith.constant 0 : i32
    %dma_wait3A_603 = tpu.memref_slice %arg2[%dma_wait3A_602] : memref<4194304xf32, #tpu.memory_space<hbm>> -> memref<4194304xf32, #tpu.memory_space<hbm>>
    tpu.wait_indirect_dma semaphore(%arg29 : memref<!tpu.dma_semaphore, #tpu.memory_space<semaphore_mem>>) src(%dma_wait3A_603 : memref<4194304xf32, #tpu.memory_space<hbm>>) dst(%dma_wait3A_599 : memref<128xf32, #tpu.memory_space<vmem>>)
    %dma_wait3A_604 = arith.constant 384 : i32
    %dma_wait3A_605 = tpu.memref_slice %arg26[%dma_wait3A_604] : memref<4096xf32, #tpu.memory_space<vmem>> -> memref<128xf32, #tpu.memory_space<vmem>>
    %dma_wait3A_606 = arith.constant 384 : i32
    %dma_wait3A_607 = tpu.memref_slice %arg25[%dma_wait3A_606] : memref<2048xi32, #tpu.memory_space<vmem>> -> memref<128xi32, #tpu.memory_space<vmem>>
    %dma_wait3A_608 = arith.constant 0 : i32
    %dma_wait3A_609 = tpu.memref_slice %arg2[%dma_wait3A_608] : memref<4194304xf32, #tpu.memory_space<hbm>> -> memref<4194304xf32, #tpu.memory_space<hbm>>
    tpu.wait_indirect_dma semaphore(%arg29 : memref<!tpu.dma_semaphore, #tpu.memory_space<semaphore_mem>>) src(%dma_wait3A_609 : memref<4194304xf32, #tpu.memory_space<hbm>>) dst(%dma_wait3A_605 : memref<128xf32, #tpu.memory_space<vmem>>)
    %dma_wait3A_610 = arith.constant 512 : i32
    %dma_wait3A_611 = tpu.memref_slice %arg26[%dma_wait3A_610] : memref<4096xf32, #tpu.memory_space<vmem>> -> memref<128xf32, #tpu.memory_space<vmem>>
    %dma_wait3A_612 = arith.constant 512 : i32
    %dma_wait3A_613 = tpu.memref_slice %arg25[%dma_wait3A_612] : memref<2048xi32, #tpu.memory_space<vmem>> -> memref<128xi32, #tpu.memory_space<vmem>>
    %dma_wait3A_614 = arith.constant 0 : i32
    %dma_wait3A_615 = tpu.memref_slice %arg2[%dma_wait3A_614] : memref<4194304xf32, #tpu.memory_space<hbm>> -> memref<4194304xf32, #tpu.memory_space<hbm>>
    tpu.wait_indirect_dma semaphore(%arg29 : memref<!tpu.dma_semaphore, #tpu.memory_space<semaphore_mem>>) src(%dma_wait3A_615 : memref<4194304xf32, #tpu.memory_space<hbm>>) dst(%dma_wait3A_611 : memref<128xf32, #tpu.memory_space<vmem>>)
    %dma_wait3A_616 = arith.constant 640 : i32
    %dma_wait3A_617 = tpu.memref_slice %arg26[%dma_wait3A_616] : memref<4096xf32, #tpu.memory_space<vmem>> -> memref<128xf32, #tpu.memory_space<vmem>>
    %dma_wait3A_618 = arith.constant 640 : i32
    %dma_wait3A_619 = tpu.memref_slice %arg25[%dma_wait3A_618] : memref<2048xi32, #tpu.memory_space<vmem>> -> memref<128xi32, #tpu.memory_space<vmem>>
    %dma_wait3A_620 = arith.constant 0 : i32
    %dma_wait3A_621 = tpu.memref_slice %arg2[%dma_wait3A_620] : memref<4194304xf32, #tpu.memory_space<hbm>> -> memref<4194304xf32, #tpu.memory_space<hbm>>
    tpu.wait_indirect_dma semaphore(%arg29 : memref<!tpu.dma_semaphore, #tpu.memory_space<semaphore_mem>>) src(%dma_wait3A_621 : memref<4194304xf32, #tpu.memory_space<hbm>>) dst(%dma_wait3A_617 : memref<128xf32, #tpu.memory_space<vmem>>)
    %dma_wait3A_622 = arith.constant 768 : i32
    %dma_wait3A_623 = tpu.memref_slice %arg26[%dma_wait3A_622] : memref<4096xf32, #tpu.memory_space<vmem>> -> memref<128xf32, #tpu.memory_space<vmem>>
    %dma_wait3A_624 = arith.constant 768 : i32
    %dma_wait3A_625 = tpu.memref_slice %arg25[%dma_wait3A_624] : memref<2048xi32, #tpu.memory_space<vmem>> -> memref<128xi32, #tpu.memory_space<vmem>>
    %dma_wait3A_626 = arith.constant 0 : i32
    %dma_wait3A_627 = tpu.memref_slice %arg2[%dma_wait3A_626] : memref<4194304xf32, #tpu.memory_space<hbm>> -> memref<4194304xf32, #tpu.memory_space<hbm>>
    tpu.wait_indirect_dma semaphore(%arg29 : memref<!tpu.dma_semaphore, #tpu.memory_space<semaphore_mem>>) src(%dma_wait3A_627 : memref<4194304xf32, #tpu.memory_space<hbm>>) dst(%dma_wait3A_623 : memref<128xf32, #tpu.memory_space<vmem>>)
    %dma_wait3A_628 = arith.constant 896 : i32
    %dma_wait3A_629 = tpu.memref_slice %arg26[%dma_wait3A_628] : memref<4096xf32, #tpu.memory_space<vmem>> -> memref<128xf32, #tpu.memory_space<vmem>>
    %dma_wait3A_630 = arith.constant 896 : i32
    %dma_wait3A_631 = tpu.memref_slice %arg25[%dma_wait3A_630] : memref<2048xi32, #tpu.memory_space<vmem>> -> memref<128xi32, #tpu.memory_space<vmem>>
    %dma_wait3A_632 = arith.constant 0 : i32
    %dma_wait3A_633 = tpu.memref_slice %arg2[%dma_wait3A_632] : memref<4194304xf32, #tpu.memory_space<hbm>> -> memref<4194304xf32, #tpu.memory_space<hbm>>
    tpu.wait_indirect_dma semaphore(%arg29 : memref<!tpu.dma_semaphore, #tpu.memory_space<semaphore_mem>>) src(%dma_wait3A_633 : memref<4194304xf32, #tpu.memory_space<hbm>>) dst(%dma_wait3A_629 : memref<128xf32, #tpu.memory_space<vmem>>)
    %dma_wait3A_634 = arith.constant 1024 : i32
    %dma_wait3A_635 = tpu.memref_slice %arg26[%dma_wait3A_634] : memref<4096xf32, #tpu.memory_space<vmem>> -> memref<128xf32, #tpu.memory_space<vmem>>
    %dma_wait3A_636 = arith.constant 1024 : i32
    %dma_wait3A_637 = tpu.memref_slice %arg25[%dma_wait3A_636] : memref<2048xi32, #tpu.memory_space<vmem>> -> memref<128xi32, #tpu.memory_space<vmem>>
    %dma_wait3A_638 = arith.constant 0 : i32
    %dma_wait3A_639 = tpu.memref_slice %arg2[%dma_wait3A_638] : memref<4194304xf32, #tpu.memory_space<hbm>> -> memref<4194304xf32, #tpu.memory_space<hbm>>
    tpu.wait_indirect_dma semaphore(%arg29 : memref<!tpu.dma_semaphore, #tpu.memory_space<semaphore_mem>>) src(%dma_wait3A_639 : memref<4194304xf32, #tpu.memory_space<hbm>>) dst(%dma_wait3A_635 : memref<128xf32, #tpu.memory_space<vmem>>)
    %dma_wait3A_640 = arith.constant 1152 : i32
    %dma_wait3A_641 = tpu.memref_slice %arg26[%dma_wait3A_640] : memref<4096xf32, #tpu.memory_space<vmem>> -> memref<128xf32, #tpu.memory_space<vmem>>
    %dma_wait3A_642 = arith.constant 1152 : i32
    %dma_wait3A_643 = tpu.memref_slice %arg25[%dma_wait3A_642] : memref<2048xi32, #tpu.memory_space<vmem>> -> memref<128xi32, #tpu.memory_space<vmem>>
    %dma_wait3A_644 = arith.constant 0 : i32
    %dma_wait3A_645 = tpu.memref_slice %arg2[%dma_wait3A_644] : memref<4194304xf32, #tpu.memory_space<hbm>> -> memref<4194304xf32, #tpu.memory_space<hbm>>
    tpu.wait_indirect_dma semaphore(%arg29 : memref<!tpu.dma_semaphore, #tpu.memory_space<semaphore_mem>>) src(%dma_wait3A_645 : memref<4194304xf32, #tpu.memory_space<hbm>>) dst(%dma_wait3A_641 : memref<128xf32, #tpu.memory_space<vmem>>)
    %dma_wait3A_646 = arith.constant 1280 : i32
    %dma_wait3A_647 = tpu.memref_slice %arg26[%dma_wait3A_646] : memref<4096xf32, #tpu.memory_space<vmem>> -> memref<128xf32, #tpu.memory_space<vmem>>
    %dma_wait3A_648 = arith.constant 1280 : i32
    %dma_wait3A_649 = tpu.memref_slice %arg25[%dma_wait3A_648] : memref<2048xi32, #tpu.memory_space<vmem>> -> memref<128xi32, #tpu.memory_space<vmem>>
    %dma_wait3A_650 = arith.constant 0 : i32
    %dma_wait3A_651 = tpu.memref_slice %arg2[%dma_wait3A_650] : memref<4194304xf32, #tpu.memory_space<hbm>> -> memref<4194304xf32, #tpu.memory_space<hbm>>
    tpu.wait_indirect_dma semaphore(%arg29 : memref<!tpu.dma_semaphore, #tpu.memory_space<semaphore_mem>>) src(%dma_wait3A_651 : memref<4194304xf32, #tpu.memory_space<hbm>>) dst(%dma_wait3A_647 : memref<128xf32, #tpu.memory_space<vmem>>)
    %dma_wait3A_652 = arith.constant 1408 : i32
    %dma_wait3A_653 = tpu.memref_slice %arg26[%dma_wait3A_652] : memref<4096xf32, #tpu.memory_space<vmem>> -> memref<128xf32, #tpu.memory_space<vmem>>
    %dma_wait3A_654 = arith.constant 1408 : i32
    %dma_wait3A_655 = tpu.memref_slice %arg25[%dma_wait3A_654] : memref<2048xi32, #tpu.memory_space<vmem>> -> memref<128xi32, #tpu.memory_space<vmem>>
    %dma_wait3A_656 = arith.constant 0 : i32
    %dma_wait3A_657 = tpu.memref_slice %arg2[%dma_wait3A_656] : memref<4194304xf32, #tpu.memory_space<hbm>> -> memref<4194304xf32, #tpu.memory_space<hbm>>
    tpu.wait_indirect_dma semaphore(%arg29 : memref<!tpu.dma_semaphore, #tpu.memory_space<semaphore_mem>>) src(%dma_wait3A_657 : memref<4194304xf32, #tpu.memory_space<hbm>>) dst(%dma_wait3A_653 : memref<128xf32, #tpu.memory_space<vmem>>)
    %dma_wait3A_658 = arith.constant 1536 : i32
    %dma_wait3A_659 = tpu.memref_slice %arg26[%dma_wait3A_658] : memref<4096xf32, #tpu.memory_space<vmem>> -> memref<128xf32, #tpu.memory_space<vmem>>
    %dma_wait3A_660 = arith.constant 1536 : i32
    %dma_wait3A_661 = tpu.memref_slice %arg25[%dma_wait3A_660] : memref<2048xi32, #tpu.memory_space<vmem>> -> memref<128xi32, #tpu.memory_space<vmem>>
    %dma_wait3A_662 = arith.constant 0 : i32
    %dma_wait3A_663 = tpu.memref_slice %arg2[%dma_wait3A_662] : memref<4194304xf32, #tpu.memory_space<hbm>> -> memref<4194304xf32, #tpu.memory_space<hbm>>
    tpu.wait_indirect_dma semaphore(%arg29 : memref<!tpu.dma_semaphore, #tpu.memory_space<semaphore_mem>>) src(%dma_wait3A_663 : memref<4194304xf32, #tpu.memory_space<hbm>>) dst(%dma_wait3A_659 : memref<128xf32, #tpu.memory_space<vmem>>)
    %dma_wait3A_664 = arith.constant 1664 : i32
    %dma_wait3A_665 = tpu.memref_slice %arg26[%dma_wait3A_664] : memref<4096xf32, #tpu.memory_space<vmem>> -> memref<128xf32, #tpu.memory_space<vmem>>
    %dma_wait3A_666 = arith.constant 1664 : i32
    %dma_wait3A_667 = tpu.memref_slice %arg25[%dma_wait3A_666] : memref<2048xi32, #tpu.memory_space<vmem>> -> memref<128xi32, #tpu.memory_space<vmem>>
    %dma_wait3A_668 = arith.constant 0 : i32
    %dma_wait3A_669 = tpu.memref_slice %arg2[%dma_wait3A_668] : memref<4194304xf32, #tpu.memory_space<hbm>> -> memref<4194304xf32, #tpu.memory_space<hbm>>
    tpu.wait_indirect_dma semaphore(%arg29 : memref<!tpu.dma_semaphore, #tpu.memory_space<semaphore_mem>>) src(%dma_wait3A_669 : memref<4194304xf32, #tpu.memory_space<hbm>>) dst(%dma_wait3A_665 : memref<128xf32, #tpu.memory_space<vmem>>)
    %dma_wait3A_670 = arith.constant 1792 : i32
    %dma_wait3A_671 = tpu.memref_slice %arg26[%dma_wait3A_670] : memref<4096xf32, #tpu.memory_space<vmem>> -> memref<128xf32, #tpu.memory_space<vmem>>
    %dma_wait3A_672 = arith.constant 1792 : i32
    %dma_wait3A_673 = tpu.memref_slice %arg25[%dma_wait3A_672] : memref<2048xi32, #tpu.memory_space<vmem>> -> memref<128xi32, #tpu.memory_space<vmem>>
    %dma_wait3A_674 = arith.constant 0 : i32
    %dma_wait3A_675 = tpu.memref_slice %arg2[%dma_wait3A_674] : memref<4194304xf32, #tpu.memory_space<hbm>> -> memref<4194304xf32, #tpu.memory_space<hbm>>
    tpu.wait_indirect_dma semaphore(%arg29 : memref<!tpu.dma_semaphore, #tpu.memory_space<semaphore_mem>>) src(%dma_wait3A_675 : memref<4194304xf32, #tpu.memory_space<hbm>>) dst(%dma_wait3A_671 : memref<128xf32, #tpu.memory_space<vmem>>)
    %dma_wait3A_676 = arith.constant 1920 : i32
    %dma_wait3A_677 = tpu.memref_slice %arg26[%dma_wait3A_676] : memref<4096xf32, #tpu.memory_space<vmem>> -> memref<128xf32, #tpu.memory_space<vmem>>
    %dma_wait3A_678 = arith.constant 1920 : i32
    %dma_wait3A_679 = tpu.memref_slice %arg25[%dma_wait3A_678] : memref<2048xi32, #tpu.memory_space<vmem>> -> memref<128xi32, #tpu.memory_space<vmem>>
    %dma_wait3A_680 = arith.constant 0 : i32
    %dma_wait3A_681 = tpu.memref_slice %arg2[%dma_wait3A_680] : memref<4194304xf32, #tpu.memory_space<hbm>> -> memref<4194304xf32, #tpu.memory_space<hbm>>
    tpu.wait_indirect_dma semaphore(%arg29 : memref<!tpu.dma_semaphore, #tpu.memory_space<semaphore_mem>>) src(%dma_wait3A_681 : memref<4194304xf32, #tpu.memory_space<hbm>>) dst(%dma_wait3A_677 : memref<128xf32, #tpu.memory_space<vmem>>)
    %broadcast_in_dim3A_682 = arith.constant 0.000000e+00 : f32
    "tpu.trace_stop"() : () -> ()
    "tpu.trace_start"() <{level = 10 : i32, message = "p4_wsum"}> : () -> ()
    %broadcast_in_dim3A_683 = vector.broadcast %broadcast_in_dim3A_682 : f32 to vector<16xf32>
    %scan3A_684 = arith.constant 0 : i32
    %scan3A_685 = arith.constant 8 : i32
    %scan3A_686 = arith.addi %scan3A_684, %scan3A_685 : i32
    %scan3A_687 = arith.constant 1 : i32
    %scan3A_688 = scf.for %scan3A_700 = %scan3A_684 to %scan3A_686 step %scan3A_687 iter_args(%scan3A_701 = %broadcast_in_dim3A_683) -> (vector<16xf32>)  : i32 {
      %broadcast_in_dim3A_702 = arith.constant 0.000000e+00 : f32
      %broadcast_in_dim3A_703 = vector.broadcast %broadcast_in_dim3A_702 : f32 to vector<16xf32>
      %scan3A_704 = arith.constant 0 : i32
      %scan3A_705 = arith.constant 8 : i32
      %scan3A_706 = arith.addi %scan3A_704, %scan3A_705 : i32
      %scan3A_707 = arith.constant 1 : i32
      %scan3A_708 = scf.for %scan3A_717 = %scan3A_704 to %scan3A_706 step %scan3A_707 iter_args(%scan3A_718 = %broadcast_in_dim3A_703) -> (vector<16xf32>)  : i32 {
        %mul3A_719 = arith.constant 256 : i32
        %mul3A_720 = arith.muli %scan3A_700, %mul3A_719 : i32
        %mul3A_721 = arith.constant 32 : i32
        %mul3A_722 = arith.muli %scan3A_717, %mul3A_721 : i32
        %add3A_723 = arith.addi %mul3A_720, %mul3A_722 : i32
        %get3A_724 = arith.index_cast %add3A_723 : i32 to index
        %get3A_725 = tpu.vector_load %arg26[%get3A_724] {strides = array<i32>} : memref<4096xf32, #tpu.memory_space<vmem>>, vector<16xf32>,
        %mul3A_726 = arith.constant 32 : i32
        %mul3A_727 = arith.muli %scan3A_717, %mul3A_726 : i32
        %get3A_728 = arith.index_cast %mul3A_727 : i32 to index
        %get3A_729 = tpu.vector_load %arg24[%get3A_728] {strides = array<i32>} : memref<256xf32, #tpu.memory_space<vmem>>, vector<16xf32>,
        %mul3A_730 = arith.mulf %get3A_725, %get3A_729 : vector<16xf32>
        %add3A_731 = arith.addf %scan3A_718, %mul3A_730 : vector<16xf32>
        %mul3A_732 = arith.constant 256 : i32
        %mul3A_733 = arith.muli %scan3A_700, %mul3A_732 : i32
        %mul3A_734 = arith.constant 32 : i32
        %mul3A_735 = arith.muli %scan3A_717, %mul3A_734 : i32
        %add3A_736 = arith.addi %mul3A_733, %mul3A_735 : i32
        %add3A_737 = arith.constant 16 : i32
        %add3A_738 = arith.addi %add3A_736, %add3A_737 : i32
        %get3A_739 = arith.index_cast %add3A_738 : i32 to index
        %get3A_740 = tpu.vector_load %arg26[%get3A_739] {strides = array<i32>} : memref<4096xf32, #tpu.memory_space<vmem>>, vector<16xf32>,
        %mul3A_741 = arith.constant 32 : i32
        %mul3A_742 = arith.muli %scan3A_717, %mul3A_741 : i32
        %add3A_743 = arith.constant 16 : i32
        %add3A_744 = arith.addi %mul3A_742, %add3A_743 : i32
        %get3A_745 = arith.index_cast %add3A_744 : i32 to index
        %get3A_746 = tpu.vector_load %arg24[%get3A_745] {strides = array<i32>} : memref<256xf32, #tpu.memory_space<vmem>>, vector<16xf32>,
        %mul3A_747 = arith.mulf %get3A_740, %get3A_746 : vector<16xf32>
        %add3A_748 = arith.addf %add3A_731, %mul3A_747 : vector<16xf32>
        scf.yield %add3A_748 : vector<16xf32>
      }
      %scan3A_709 = arith.constant 8 : i32
      %reduce_sum3A = arith.constant true
      %reduce_sum3A_710 = vector.broadcast %reduce_sum3A : i1 to vector<16xi1>
      %reduce_sum3A_711 = tpu.scan <sum>, %scan3A_708 masked %reduce_sum3A_710 : vector<16xf32>, vector<16xi1> -> vector<16xf32>
      %reduce_sum3A_712 = vector.extract %reduce_sum3A_711[15] : f32 from vector<16xf32>
      %eq3A_713 = vector.broadcast %scan3A_700 : i32 to vector<16xi32>
      %eq3A_714 = arith.cmpi eq, %iota3A, %eq3A_713 : vector<16xi32>
      %broadcast_in_dim3A_715 = vector.broadcast %reduce_sum3A_712 : f32 to vector<16xf32>
      %select_n3A_716 = arith.select %eq3A_714, %broadcast_in_dim3A_715, %scan3A_701 : vector<16xi1>, vector<16xf32>
      scf.yield %select_n3A_716 : vector<16xf32>
    }
    %scan3A_689 = arith.constant 8 : i32
    "tpu.trace_stop"() : () -> ()
    %swap3A_690 = arith.constant 0 : index
    %swap3A_691 = tpu.vector_load %arg28[%swap3A_690] {strides = array<i32>} : memref<16xf32, #tpu.memory_space<vmem>>, vector<16xf32>,
    tpu.vector_store %arg28[%swap3A_690], %scan3A_688 {strides = array<i32>} : memref<16xf32, #tpu.memory_space<vmem>>, vector<16xf32>,
    "tpu.trace_start"() <{level = 10 : i32, message = "p4_out"}> : () -> ()
    %mul3A_692 = arith.constant 8 : i32
    %mul3A_693 = arith.muli %arg1, %mul3A_692 : i32
    "tpu.region"() ({
      %run_scoped3A_700 = tpu.sem_alloc : memref<!tpu.dma_semaphore, #tpu.memory_space<semaphore_mem>>
      %dma_start3A_701 = arith.constant 0 : i32
      %dma_start3A_702 = tpu.memref_slice %arg28[%dma_start3A_701] : memref<16xf32, #tpu.memory_space<vmem>> -> memref<8xf32, #tpu.memory_space<vmem>>
      %dma_start3A_703 = tpu.memref_slice %arg35[%mul3A_693] : memref<128xf32, #tpu.memory_space<vmem_shared>> -> memref<8xf32, #tpu.memory_space<vmem_shared>>
      %dma_start3A_704 = tpu.memref_slice %arg35[%mul3A_693] : memref<128xf32, #tpu.memory_space<vmem_shared>> -> memref<8xf32, #tpu.memory_space<vmem_shared>>
      %dma_start3A_705 = arith.constant 0 : i32
      %dma_start3A_706 = tpu.memref_slice %arg28[%dma_start3A_705] : memref<16xf32, #tpu.memory_space<vmem>> -> memref<8xf32, #tpu.memory_space<vmem>>
      tpu.enqueue_dma source(%dma_start3A_706 : memref<8xf32, #tpu.memory_space<vmem>>) target(%dma_start3A_704 : memref<8xf32, #tpu.memory_space<vmem_shared>>) target_semaphore(%run_scoped3A_700 : memref<!tpu.dma_semaphore, #tpu.memory_space<semaphore_mem>>)
      %dma_wait3A_707 = arith.constant 0 : i32
      %dma_wait3A_708 = tpu.memref_slice %arg28[%dma_wait3A_707] : memref<16xf32, #tpu.memory_space<vmem>> -> memref<8xf32, #tpu.memory_space<vmem>>
      %dma_wait3A_709 = tpu.memref_slice %arg35[%mul3A_693] : memref<128xf32, #tpu.memory_space<vmem_shared>> -> memref<8xf32, #tpu.memory_space<vmem_shared>>
      %dma_wait3A_710 = tpu.memref_slice %arg35[%mul3A_693] : memref<128xf32, #tpu.memory_space<vmem_shared>> -> memref<8xf32, #tpu.memory_space<vmem_shared>>
      %dma_wait3A_711 = arith.constant 0 : i32
      %dma_wait3A_712 = tpu.memref_slice %arg28[%dma_wait3A_711] : memref<16xf32, #tpu.memory_space<vmem>> -> memref<8xf32, #tpu.memory_space<vmem>>
      tpu.wait_dma2 semaphore(%run_scoped3A_700 : memref<!tpu.dma_semaphore, #tpu.memory_space<semaphore_mem>>) src(%dma_wait3A_712 : memref<8xf32, #tpu.memory_space<vmem>>) dst(%dma_wait3A_710 : memref<8xf32, #tpu.memory_space<vmem_shared>>)
      tpu.yield
    }) : () -> ()
    %barrier3A_694 = arith.constant 0 : index
    tpu.barrier barrier_id(%barrier3A_694)
    %eq3A_695 = arith.constant 0 : i32
    "tpu.trace_stop"() : () -> ()
    %eq3A_696 = arith.cmpi eq, %arg1, %eq3A_695 : i32
    %convert_element_type3A_697 = arith.extui %eq3A_696 : i1 to i32
    %cond3A_698 = arith.constant 0 : i32
    %cond3A_699 = arith.cmpi ne, %convert_element_type3A_697, %cond3A_698 : i32
    scf.if %cond3A_699 {
      "tpu.region"() ({
        %run_scoped3A_700 = tpu.sem_alloc : memref<!tpu.dma_semaphore, #tpu.memory_space<semaphore_mem>>
        tpu.enqueue_dma source(%arg35 : memref<128xf32, #tpu.memory_space<vmem_shared>>) target(%arg6 : memref<128xf32, #tpu.memory_space<hbm>>) target_semaphore(%run_scoped3A_700 : memref<!tpu.dma_semaphore, #tpu.memory_space<semaphore_mem>>)
        tpu.wait_dma2 semaphore(%run_scoped3A_700 : memref<!tpu.dma_semaphore, #tpu.memory_space<semaphore_mem>>) src(%arg35 : memref<128xf32, #tpu.memory_space<vmem_shared>>) dst(%arg6 : memref<128xf32, #tpu.memory_space<hbm>>)
        tpu.yield
      }) : () -> ()
      "tpu.region"() ({
        %run_scoped3A_700 = tpu.sem_alloc : memref<!tpu.dma_semaphore, #tpu.memory_space<semaphore_mem>>
        %dma_start3A_701 = arith.constant 0 : i32
        %dma_start3A_702 = tpu.memref_slice %arg34[%dma_start3A_701] : memref<1152xi32, #tpu.memory_space<vmem_shared>> -> memref<256xi32, #tpu.memory_space<vmem_shared>>
        tpu.enqueue_dma source(%dma_start3A_702 : memref<256xi32, #tpu.memory_space<vmem_shared>>) target(%arg7 : memref<256xi32, #tpu.memory_space<hbm>>) target_semaphore(%run_scoped3A_700 : memref<!tpu.dma_semaphore, #tpu.memory_space<semaphore_mem>>)
        %dma_wait3A_703 = arith.constant 0 : i32
        %dma_wait3A_704 = tpu.memref_slice %arg34[%dma_wait3A_703] : memref<1152xi32, #tpu.memory_space<vmem_shared>> -> memref<256xi32, #tpu.memory_space<vmem_shared>>
        tpu.wait_dma2 semaphore(%run_scoped3A_700 : memref<!tpu.dma_semaphore, #tpu.memory_space<semaphore_mem>>) src(%dma_wait3A_704 : memref<256xi32, #tpu.memory_space<vmem_shared>>) dst(%arg7 : memref<256xi32, #tpu.memory_space<hbm>>)
        tpu.yield
      }) : () -> ()
    } else {
    }
    return
  }
}

</mosaic_0001>

<sc_bundles>
// kernel: _run.3.cloned.1.call-start
scs
__scs_entry_jumppad:
0x0: {  	(pc) =	sbr.rel $0x88, $3  }
0x1: {  	(tag) =	ssettag $0x0;
	lr =	simm.s32 $0x1  }
0x2: {  	[smem:$0x3F9D] =	sst lr;
	_ =	strace $0xD0000000  }
0x3: {  	_ = 	snop  }
0x4: {  	_ = 	snop  }
0x5: {  	_ = 	snop  }
0x6: {  	_ = 	snop  }
0x7: {  	_ = 	snop  }
__scs_overlays_trampoline_lowered:
0x8: {  	[smem:$0x3FAC] =	sst s0  }
0x9: {  	[smem:$0x3FAD] =	sst s1  }
0xa: {  	[smem:$0x3FAE] =	sst s2  }
0xb: {  	[smem:$0x3FAF] =	sst s3  }
0xc: {  	[smem:$0x3FB0] =	sst s4  }
0xd: {  	[smem:$0x3FB1] =	sst s5  }
0xe: {  	[smem:$0x3FB2] =	sst s6  }
0xf: {  	[smem:$0x3FB3] =	sst s7  }
0x10: {  	[smem:$0x3FB4] =	sst s8  }
0x11: {  	[smem:$0x3FB5] =	sst s9;
	s0 =	simm.s32 @!p0 $0x0  }
0x12: {  	s1 =	sld [smem:$0x3F9B];
	s0 =	simm.s32 @p0 $0x1  }
0x13: {  	[smem:$0x3FB6] =	sst s0;
	s0 =	simm.s32 @!p1 $0x0  }
0x14: {  	s2 =	sld [smem:$0x3F9A];
	s0 =	simm.s32 @p1 $0x1  }
0x15: {  	[smem:$0x3FB7] =	sst s0;
	s0 =	simm.s32 @!p2 $0x0  }
0x16: {  	s3 =	sld [smem:$0x3FDB];
	s0 =	simm.s32 @p2 $0x1  }
0x17: {  	s4 =	simm.s32 $0x1BF5;
	[smem:$0x3FB9] =	sst s0  }
0x18: {  	s0 =	sld [smem:$0x3F9C];
	_ =	swait.ge [sflag:s4], $0x0  }
0x19: {  	s7 =	sld [smem:$0x3F9D]  }
0x1a: {  	s8 =	sadd.s32 $0xFFFFE003, lr  }
0x1b: {  	s9 =	sadd.s32 $0xFFFFFEF7, lr;
	s5 =	simm.s32 $0xFFFFFFFF;
	p2 =	slt.u32 s8, $0xFFFFF086  }
0x1c: {  	p1 =	slt.u32 s9, $0xF7A;
	s5 =	simm.s32 @!p2 $0x0  }
0x1d: {  	s5 =	simm.s32 @p1 $0x1;
	p0 =	seq.s32 s7, s2  }
0x1e: {  	s7 =	smul.u32 @!p0 $0xF7A, s2;
	p2 =	seq.s32 @!p0 s5, $0x0  }
0x1f: {  	s9 =	smul.u32 $0xF7A, s1;
	s8 =	simm.s32 @!p0 $0x1BF5;
	p2 =	por !p2, p0  }
0x20: {  	[sflag:s8] =	ssyncset.s32 @!p0 $0xFFFFF086;
	s6 =	sadd.s32 @!p0 s3, s7;
	s7 =	simm.s32 @!p0 $0x108  }
0x21: {  	s3 =	sadd.s32 s3, s9;
	s6 =	sadd.s32 @!p0 $0x88, s6;
	s7 =	simm.s32 @p2 $0x1082  }
0x22: {  	[simem:s7], [sflag:s8] =	dma.local @!p0 [hbm:s6], $0xF7A  }
0x23: {  	s9 =	sor.u32 $0xD0000000, s2;
	s6 =	simm.s32 $0x108;
	_ =	swait.ge @!p0 [sflag:s8], $0x0  }
0x24: {  	s3 =	sadd.s32 $0x88, s3;
	s6 =	simm.s32 @!p1 $0x1082;
	[sflag:s4] =	ssyncset.s32 $0xFFFFF086  }
0x25: {  	[simem:s6], [sflag:s4] =	dma.local [hbm:s3], $0xF7A  }
0x26: {  	[smem:$0x3F9D] =	sst s1;
	(tag) =	ssettag s2;
	_ =	strace s9  }
0x27: {  	s1 =	sld [smem:$0x3FAD]  }
0x28: {  	s2 =	sld [smem:$0x3FAE]  }
0x29: {  	s4 =	sld [smem:$0x3FB0]  }
0x2a: {  	p0 =	seq.s32 s5, $0x0;
	s5 =	sld [smem:$0x3FB1]  }
0x2b: {  	s6 =	sld [smem:$0x3FB2]  }
0x2c: {  	s7 =	sld [smem:$0x3FB3]  }
0x2d: {  	s3 =	simm.s32 $0x108;
	s8 =	sld [smem:$0x3FB4]  }
0x2e: {  	s3 =	simm.s32 @!p0 $0x1082;
	s9 =	sld [smem:$0x3FB5]  }
0x2f: {  	lr =	sadd.s32 s0, s3;
	s0 =	sld [smem:$0x3FAC]  }
0x30: {  	s3 =	sld [smem:$0x3FAF]  }
0x31: {  	[smem:$0x3FB8] =	sst s10  }
0x32: {  	s10 =	sld [smem:$0x3FB6];
	_ =	sdelay $0x3  }
0x33: {  	p0 =	seq.s32 s10, $0x1;
	s10 =	sld [smem:$0x3FB8];
	_ =	sdelay $0x3  }
0x34: {  	[smem:$0x3FB8] =	sst s10  }
0x35: {  	s10 =	sld [smem:$0x3FB7];
	_ =	sdelay $0x3  }
0x36: {  	p1 =	seq.s32 s10, $0x1;
	s10 =	sld [smem:$0x3FB8];
	_ =	sdelay $0x3  }
0x37: {  	[smem:$0x3FB8] =	sst s10  }
0x38: {  	s10 =	sld [smem:$0x3FB9]  }
0x39: {  	_ = 	snop;
	(pc) =	sbr.ind lr, $3  }
0x3a: {  	_ = 	snop  }
0x3b: {  	_ = 	snop  }
0x3c: {  	p2 =	seq.s32 s10, $0x1;
	s10 =	sld [smem:$0x3FB8]  }
0x3d: {  	_ =	shalt  }
0x3e: {  	_ =	shalt  }
0x3f: {  	_ =	shalt  }
0x40: {  	_ =	shalt  }
0x41: {  	_ =	shalt  }
0x42: {  	_ =	shalt  }
0x43: {  	_ =	shalt  }
0x44: {  	_ =	shalt  }
0x45: {  	_ =	shalt  }
0x46: {  	_ =	shalt  }
0x47: {  	_ =	shalt  }
0x48: {  	_ =	shalt  }
0x49: {  	_ =	shalt  }
0x4a: {  	_ =	shalt  }
0x4b: {  	_ =	shalt  }
0x4c: {  	_ =	shalt  }
0x4d: {  	_ =	shalt  }
0x4e: {  	_ =	shalt  }
0x4f: {  	_ =	shalt  }
0x50: {  	_ =	shalt  }
0x51: {  	_ =	shalt  }
0x52: {  	_ =	shalt  }
0x53: {  	_ =	shalt  }
0x54: {  	_ =	shalt  }
0x55: {  	_ =	shalt  }
0x56: {  	_ =	shalt  }
0x57: {  	_ =	shalt  }
0x58: {  	_ =	shalt  }
0x59: {  	_ =	shalt  }
0x5a: {  	_ =	shalt  }
0x5b: {  	_ =	shalt  }
0x5c: {  	_ =	shalt  }
0x5d: {  	_ =	shalt  }
0x5e: {  	_ =	shalt  }
0x5f: {  	_ =	shalt  }
0x60: {  	_ =	shalt  }
0x61: {  	_ =	shalt  }
0x62: {  	_ =	shalt  }
0x63: {  	_ =	shalt  }
0x64: {  	_ =	shalt  }
0x65: {  	_ =	shalt  }
0x66: {  	_ =	shalt  }
0x67: {  	_ =	shalt  }
0x68: {  	_ =	shalt  }
0x69: {  	_ =	shalt  }
0x6a: {  	_ =	shalt  }
0x6b: {  	_ =	shalt  }
0x6c: {  	_ =	shalt  }
0x6d: {  	_ =	shalt  }
0x6e: {  	_ =	shalt  }
0x6f: {  	_ =	shalt  }
0x70: {  	_ =	shalt  }
0x71: {  	_ =	shalt  }
0x72: {  	_ =	shalt  }
0x73: {  	_ =	shalt  }
0x74: {  	_ =	shalt  }
0x75: {  	_ =	shalt  }
0x76: {  	_ =	shalt  }
0x77: {  	_ =	shalt  }
0x78: {  	_ =	shalt  }
0x79: {  	_ =	shalt  }
0x7a: {  	_ =	shalt  }
0x7b: {  	_ =	shalt  }
0x7c: {  	_ =	shalt  }
0x7d: {  	_ =	shalt  }
0x7e: {  	_ =	shalt  }
0x7f: {  	_ =	shalt  }
0x80: {  	_ =	shalt  }
0x81: {  	_ =	shalt  }
0x82: {  	_ =	shalt  }
0x83: {  	_ =	shalt  }
0x84: {  	_ =	shalt  }
0x85: {  	_ =	shalt  }
0x86: {  	_ =	shalt  }
0x87: {  	_ =	shalt  }
.Lfunc_end0:
.L_simem_size_0:
called_computation_lowered:
.L_overlay_start_0:
0x88: {  	s0 =	sld [smem:$0x3FD9]  }
0x89: {  	s1 =	sld [smem:$0x3FFE];
	_ =	sdelay $0x3  }
0x8a: {  	s0 =	sadd.s32 s1, s0  }
0x8b: {  	[smem:$0x3FC4] =	sst s0  }
0x8c: {  	_ = 	snop  }
0x8d: {  	s0 =	sld [smem:$0x3FC9]  }
0x8e: {  	s14 =	sld [smem:$0x3FD0]  }
0x8f: {  	s2 =	sld [smem:$0x3FC8]  }
0x90: {  	s3 =	sld [smem:$0x3FC7]  }
0x91: {  	s5 =	simm.s32 $0xA;
	s6 =	simm.s32 $0x10;
	s4 =	sld [smem:$0x3FC6]  }
0x92: {  	[smem:s6], [sflag:s5] =	dma.local [hbm:s14], $0x1  }
0x93: {  	_ =	swait.eq [sflag:s5], $0x1  }
0x94: {  	[sflag:s5] =	ssyncset.done $0x0  }
0x95: {  	s15 =	sld [smem:$0x10];
	[sflag:s5] =	ssyncadd.s32 $0xFFFFFFFF  }
0x96: {  	s16 =	sld [smem:$0x11];
	(tm) =	ssettm $0x1  }
0x97: {  	s17 =	sld [smem:$0x3FFB];
	_ =	sdelay $0x3  }
0x98: {  	_ =	strace s17  }
0x99: {  	s6 =	sld [smem:$0x3FFC];
	_ =	sdelay $0x3  }
0x9a: {  	_ =	strace s6  }
0x9b: {  	s6 =	sld [smem:$0x3FFD];
	_ =	sdelay $0x3  }
0x9c: {  	_ =	strace s6  }
0x9d: {  	_ =	strace $0x8FFFFFFF  }
0x9e: {  	s18 =	sld [smem:$0x3FDB];
	_ =	sdelay $0x1  }
0x9f: {  	s7 =	simm.s32 $_scs_section_size  }
0xa0: {  	s8 =	simm.s32 $_size__tile_overlayer_lowered;
	s9 =	simm.s32 $_tile_overlayer_lowered  }
0xa1: {  	s21 =	simm.s32 $0x1BFF;
	s20 =	sshll.u32 s9, $0x1;
	s6 =	sadd.s32 s7, s18  }
0xa2: {  	s10 =	simm.s32 $0x0;
	s19 =	sshll.u32 s8, $0x1;
	s8 =	sadd.s32 s20, s6  }
0xa3: {  	[timem:s10], [sflag:s21] =	dma.local [hbm:s8], s19  }
0xa4: {  	_ =	swait.ge [sflag:s21], s19  }
0xa5: {  	s7 =	ssub.s32 $0x0, s19;
	[sflag:s21] =	ssyncset.done $0x0  }
0xa6: {  	[sflag:s21] =	ssyncadd.s32 s7;
	_ =	sdelay $0x1  }
0xa7: {  	s22 =	simm.s32 $0x1B8B  }
0xa8: {  	_ =	swait.ge [sflag:s22], $0x1  }
0xa9: {  	[sflag:s22] =	ssyncset.done $0x0  }
0xaa: {  	s23 =	simm.s32 $0x1B8E;
	[sflag:s22] =	ssyncadd.s32 $0xFFFFFFFF  }
0xab: {  	s24 =	simm.s32 $execute0_lowered;
	[smem:$0x3FD2] =	sst s23  }
0xac: {  	s7 =	sshll.u32 s24, $0x1;
	_ =	strace $0x80000046;
	[dreg:$0x1] =	wrdreg $0xFFFFFFFF  }
0xad: {  	s25 =	simm.s32 $_size_execute0_lowered;
	s6 =	sadd.s32 s6, s7;
	[dreg:$0x0] =	wrdreg $0x0  }
0xae: {  	s7 =	sshll.u32 s25, $0x1;
	[dreg:$0x2] =	wrdreg s6  }
0xaf: {  	[dreg:$0x3] =	wrdreg s7  }
0xb0: {  	[dreg:$0x4] =	wrdreg $0xC0  }
0xb1: {  	_ =	task [dreg:s10], $0x5FFFF  }
0xb2: {  	[dreg:$0x1] =	wrdreg $0xFFFFFFFF  }
0xb3: {  	[dreg:$0x0] =	wrdreg $0x60  }
0xb4: {  	[dreg:$0x2] =	wrdreg s0  }
0xb5: {  	[dreg:$0x3] =	wrdreg s2  }
0xb6: {  	[dreg:$0x4] =	wrdreg s3  }
0xb7: {  	[dreg:$0x5] =	wrdreg s4  }
0xb8: {  	[dreg:$0x6] =	wrdreg s15  }
0xb9: {  	[dreg:$0x7] =	wrdreg s16  }
0xba: {  	[dreg:$0x8] =	wrdreg $0x52000  }
0xbb: {  	[dreg:$0x9] =	wrdreg $0x52500  }
0xbc: {  	[dreg:$0xa] =	wrdreg $0x52780  }
0xbd: {  	[dreg:$0xb] =	wrdreg $0x52400  }
0xbe: {  	[dreg:$0xc] =	wrdreg $0x52A00  }
0xbf: {  	[dreg:$0xd] =	wrdreg $0x52E80  }
0xc0: {  	[dreg:$0xe] =	wrdreg $0x9  }
0xc1: {  	_ =	task.clear_ibuf [dreg:s10], $0xFFFFF;
	_ =	strace $0x90000046  }
0xc2: {  	s26 =	simm.s32 $0x9;
	_ =	strace $0x8000006E  }
0xc3: {  	_ =	swait.ge [sflag:s26], $0x1  }
0xc4: {  	[sflag:s26] =	ssyncadd.s32 $0xFFFFFFFF  }
0xc5: {  	_ =	strace $0x9000006E  }
0xc6: {  	_ =	sfence  }
0xc7: {  	s28 =	sld [smem:$0x0];
	_ =	sdelay $0x1  }
0xc8: {  	s29 =	srdreg.scid  }
0xc9: {  	s30 =	sshll.u32 s29, $0xD;
	s31 =	sshrl.u32 s29, $0x2  }
0xca: {  	s1 =	sand.u32 $0x1, s29;
	s2 =	sand.u32 $0x4000, s30;
	s0 =	sadd.s32 s31, s28  }
0xcb: {  	s1 =	sor.u32 s2, s1;
	s0 =	sshll.u32 s0, $0x11  }
0xcc: {  	s0 =	sor.u32 s0, s1  }
0xcd: {  	s0 =	sadd.s32 $0x8F2B, s0  }
0xce: {  	[sflag:s0] =	ssyncadd.remote.s32 $0x1  }
0xcf: {  	_ =	sfence.sel $0xFFFF  }
0xd0: {  	[dreg:$0x0] =	wrdreg $0xFFFFFFFF;
	(pc) =	sbr.abs _section_cstart, $3  }
0xd1: {  	[dreg:$0x1] =	wrdreg $0xFFFFFFFF  }
0xd2: {  	_ =	task.clear_ibuf [dreg:s10], $0x2FFFF;
	_ =	strace $0x9FFFFFFF  }
0xd3: {  	(tm) =	ssettm $0x7FFFFFFF  }
tec
execute0_lowered:
.L_overlay_start_1:
0x0: {  	(tag) =	ssettag $0x1  }
0x1: {  	s6 =	rddreg [dreg:$0x0]  }
0x2: {  	s8 =	rddreg [dreg:$0x1]  }
0x3: {  	s9 =	rddreg [dreg:$0x2]  }
0x4: {  	s10 =	rddreg [dreg:$0x3]  }
0x5: {  	s2 =	rddreg [dreg:$0x4]  }
0x6: {  	s1 =	rddreg [dreg:$0x5]  }
0x7: {  	s16 =	rddreg [dreg:$0x6]  }
0x8: {  	s12 =	rddreg [dreg:$0x7]  }
0x9: {  	s11 =	rddreg [dreg:$0x8]  }
0xa: {  	s14 =	rddreg [dreg:$0x9]  }
0xb: {  	s3 =	rddreg [dreg:$0xa]  }
0xc: {  	s4 =	rddreg [dreg:$0xb];
	s5 =	simm.s32 $0x0  }
0xd: {  	s7 =	stileid.u32;
	[smem:$0x7FF] =	sst s5  }
0xe: {  	s0 =	rddreg [dreg:$0xc];
	s13 =	sshll.u32 s7, $0x8;
	_ =	strace $0x80000047  }
0xf: {  	s15 =	simm.s32 $0x4080;
	s8 =	sadd.s32 s8, s13;
	_ =	strace $0x80000048  }
0x10: {  	[tilespmem:s15], [sflag:$0x1] =	stream.linear.gather [hbm4b:s8+s5], $0x800, $0x200038;
	[tilespmem:$0x52F0] =	vst v63  }
0x11: {  	s30 =	simm.s32 $0x4880;
	s29 =	sadd.s32 s9, s13  }
0x12: {  	[tilespmem:s30], [sflag:$0x1] =	stream.linear.gather [hbm4b:s29+s5], $0x800, $0x200038;
	[tilespmem:$0x52F0] =	vst v63  }
0x13: {  	s31 =	simm.s32 $0x3780  }
0x14: {  	[tilespmem:s31], [sflag:$0x1] =	stream.linear.gather [hbm4b:s10+s5], $0x100, $0x200038;
	[tilespmem:$0x52F0] =	vst v63  }
0x15: {  	v0 =	vimm.s32 $0x0;
	s8 =	simm.s32 $0x0;
	_ =	strace $0x90000048  }
.LBB2_1:
0x16: {  	p0 =	sne.s32 s8, $0x4000  }
.Ltmp0:
0x17: {  	s9 =	sshra.s32 s8, $0x2;
	(pc) =	sbr.rel @p0 .LBB2_1-.Ltmp0, $4  }
0x18: {  	[tilespmem:s9+$0x1900] =	vst v0  }
0x19: {  	[tilespmem:s9+$0x1910] =	vst v0  }
0x1a: {  	[tilespmem:s9+$0x1920] =	vst v0  }
0x1b: {  	s8 =	sadd.s32 $0x100, s8;
	[tilespmem:s9+$0x1930] =	vst v0  }
0x1c: {  	v0 =	vlaneseq.u32  }
0x1d: {  	s8 =	simm.s32 $0x10;
	v1 =	vor.u32 s5, v0;
	s5 =	sand.u32 $0x3F0, s5  }
.LBB2_3:
0x1e: {  	p0 =	sne.s32 s8, $0x3F0;
	[tilespmem:s5+$0x2A80] =	vst v1;
	s5 =	smov.u32 s8;
	s8 =	sadd.s32 $0x10, s8  }
.Ltmp1:
0x1f: {  	(pc) =	sbr.rel @p0 .LBB2_3-.Ltmp1, $2  }
0x20: {  	_ =	sdelay $0x2  }
0x21: {  	v1 =	vor.u32 s5, v0;
	s5 =	sand.u32 $0x3F0, s5  }
0x22: {  	[tilespmem:s5+$0x2A80] =	vst v1;
	v0 =	vimm.s32 $0x0  }
0x23: {  	[tilespmem:$0x5080] =	vst v0  }
0x24: {  	[tilespmem:$0x5090] =	vst v0  }
0x25: {  	[tilespmem:$0x50A0] =	vst v0  }
0x26: {  	[tilespmem:$0x50B0] =	vst v0  }
0x27: {  	[tilespmem:$0x50C0] =	vst v0  }
0x28: {  	[tilespmem:$0x50D0] =	vst v0  }
0x29: {  	[tilespmem:$0x50E0] =	vst v0  }
0x2a: {  	[tilespmem:$0x50F0] =	vst v0  }
0x2b: {  	[tilespmem:$0x5100] =	vst v0  }
0x2c: {  	[tilespmem:$0x5110] =	vst v0  }
0x2d: {  	[tilespmem:$0x5120] =	vst v0  }
0x2e: {  	[tilespmem:$0x5130] =	vst v0  }
0x2f: {  	[tilespmem:$0x5140] =	vst v0  }
0x30: {  	[tilespmem:$0x5150] =	vst v0  }
0x31: {  	[tilespmem:$0x5160] =	vst v0  }
0x32: {  	[tilespmem:$0x5170] =	vst v0;
	v0 =	vimm.s32 $0x3FFFFFFF  }
0x33: {  	p0 =	sne.s32 s7, $0x0;
	[tilespmem:$0x3600] =	vst v0  }
0x34: {  	s5 =	simm.s32 @!p0 $0x5080;
	s8 =	simm.s32 @!p0 $0x2;
	[tilespmem:$0x3610] =	vst v0  }
0x35: {  	[spmem:s16] =	stream.linear.scatter @!p0 [tilespmem:s5], [sflag:$0x2], $0x100, $0x38;
	[tilespmem:$0x52F0] =	vst v63  }
0x36: {  	_ =	swait.ge @!p0 [sflag:s8], $0x100  }
0x37: {  	[sflag:s8] =	ssyncset.done @!p0 $0x0  }
0x38: {  	s22 =	sadd.s32 $0x100, s16;
	[sflag:s8] =	ssyncadd.s32 @!p0 $0xFFFFFF00  }
0x39: {  	[spmem:s22] =	stream.linear.scatter @!p0 [tilespmem:s5], [sflag:$0x2], $0x100, $0x38;
	[tilespmem:$0x52F0] =	vst v63  }
0x3a: {  	_ =	swait.ge @!p0 [sflag:s8], $0x100  }
0x3b: {  	[sflag:s8] =	ssyncset.done @!p0 $0x0  }
0x3c: {  	s21 =	sadd.s32 $0x200, s16;
	[sflag:s8] =	ssyncadd.s32 @!p0 $0xFFFFFF00  }
0x3d: {  	[spmem:s21] =	stream.linear.scatter @!p0 [tilespmem:s5], [sflag:$0x2], $0x100, $0x38;
	[tilespmem:$0x52F0] =	vst v63  }
0x3e: {  	_ =	swait.ge @!p0 [sflag:s8], $0x100  }
0x3f: {  	[sflag:s8] =	ssyncset.done @!p0 $0x0  }
0x40: {  	s17 =	sadd.s32 $0x300, s16;
	[sflag:s8] =	ssyncadd.s32 @!p0 $0xFFFFFF00  }
0x41: {  	[spmem:s17] =	stream.linear.scatter @!p0 [tilespmem:s5], [sflag:$0x2], $0x100, $0x38;
	[tilespmem:$0x52F0] =	vst v63  }
0x42: {  	_ =	swait.ge @!p0 [sflag:s8], $0x100  }
0x43: {  	[sflag:s8] =	ssyncset.done @!p0 $0x0  }
0x44: {  	[sflag:s8] =	ssyncadd.s32 @!p0 $0xFFFFFF00  }
0x45: {  	s30 =	simm.s32 $0x1;
	_ =	strace $0x80000049  }
0x46: {  	_ =	swait.ge [sflag:s30], $0x800  }
0x47: {  	[sflag:s30] =	ssyncset.done $0x0  }
0x48: {  	[sflag:s30] =	ssyncadd.s32 $0xFFFFF800  }
0x49: {  	s20 =	sshll.u32 s7, $0xB;
	_ =	swait.ge [sflag:s30], $0x800  }
0x4a: {  	s23 =	sshll.u32 s7, $0x5;
	s13 =	sshll.u32 s7, $0x4;
	[sflag:s30] =	ssyncset.done $0x0  }
0x4b: {  	s24 =	simm.s32 $0x4080;
	s25 =	simm.s32 $0x10;
	[sflag:s30] =	ssyncadd.s32 $0xFFFFF800  }
0x4c: {  	s26 =	simm.s32 $0x1900;
	s19 =	sadd.s32 s23, s12;
	_ =	swait.ge [sflag:s30], $0x100  }
0x4d: {  	s18 =	sadd.s32 s23, s11;
	s15 =	sadd.s32 s13, s14;
	[sflag:s30] =	ssyncset.done $0x0  }
0x4e: {  	s10 =	sadd.s32 $0x3280, s13;
	s9 =	sxor.u32 $0x1F0, s13;
	[sflag:s30] =	ssyncadd.s32 $0xFFFFFF00  }
0x4f: {  	v1 =	vmov s7;
	v2 =	vlaneseq.u32;
	s31 =	sshrl.u32 s23, $0x2;
	s23 =	simm.s32 $0x0;
	_ =	strace $0x90000049  }
0x50: {  	v3 =	vimm.s32 $0x1;
	v2 =	vmul.u32 $0x101, v2;
	v0 =	vor.u32 $0x200, v1;
	s5 =	sadd.s32 s31, s4;
	s8 =	ssub.s32 $0x3470, s13;
	_ =	strace $0x8000004A  }
.LBB2_5:
0x51: {  	v4 =	vld [tilespmem:s24+$0x0];
	s28 =	sand.u32 $0x7E0, s23  }
0x52: {  	v5 =	vld [tilespmem:s28+$0x4880];
	_ =	sdelay $0x4  }
0x53: {  	v4 =	vadd.f32 v5, v4;
	_ =	sdelay $0x1  }
0x54: {  	v5 =	vand.u32 $0x7FFFFFFF, v4  }
0x55: {  	vm0 =	vlt.s32 v4, $0x0;
	v4 =	vxor.u32 $0xFFFFFFFF, v4;
	v5 =	vxor.u32 $0x80000000, v5  }
0x56: {  	v4 =	vsel vm0, v4, v5  }
0x57: {  	v5 =	vshrl.u32 v4, $0x18  }
0x58: {  	v5 =	vadd.s32 v2, v5;
	_ =	sdelay $0x3  }
0x59: {  	[tilespmem:s25+$0xFFFFFFF0] =	vst v4  }
0x5a: {  	[tilespmem:v5+s26+$0x0] =	vst.idx.add.s32.msk $0xffff, v3  }
0x5b: {  	v4 =	vld [tilespmem:s24+$0x10]  }
0x5c: {  	v5 =	vld [tilespmem:s24+$0x810];
	_ =	sdelay $0x4  }
0x5d: {  	v4 =	vadd.f32 v5, v4;
	_ =	sdelay $0x1  }
0x5e: {  	v5 =	vand.u32 $0x7FFFFFFF, v4  }
0x5f: {  	vm15 =	vlt.s32 v4, $0x0;
	v4 =	vxor.u32 $0xFFFFFFFF, v4;
	v5 =	vxor.u32 $0x80000000, v5  }
0x60: {  	v4 =	vsel vm15, v4, v5  }
0x61: {  	v5 =	vshrl.u32 v4, $0x18  }
0x62: {  	p1 =	sne.s32 s23, $0x7E0;
	v5 =	vadd.s32 v2, v5  }
.Ltmp2:
0x63: {  	_ = 	snop;
	(pc) =	sbr.rel @p1 .LBB2_5-.Ltmp2, $3  }
0x64: {  	_ =	sdelay $0x1  }
0x65: {  	[tilespmem:s25+$0x0] =	vst v4  }
0x66: {  	s23 =	sadd.s32 $0x20, s23;
	s24 =	sadd.s32 $0x20, s24;
	s25 =	sadd.s32 $0x20, s25;
	[tilespmem:v5+s26+$0x0] =	vst.idx.add.s32.msk $0xffff, v3  }
0x67: {  	_ =	strace $0x9000004A  }
0x68: {  	_ =	strace $0x8000004B  }
0x69: {  	[bflag:$0x0] =	sbarrier.arrive $0xFFFF  }
0x6a: {  	_ =	strace $0x9000004B  }
0x6b: {  	s24 =	simm.s32 $0x0;
	v2 =	vimm.s32 $0x0;
	_ =	strace $0x8000004C  }
0x6c: {  	v3 =	vld [tilespmem:s24+$0x1900];
	[tilespmem:s24+$0x1900] =	vst v2  }
0x6d: {  	v4 =	vld [tilespmem:s24+$0x1A01];
	[tilespmem:s24+$0x1A01] =	vst v2  }
0x6e: {  	v5 =	vld [tilespmem:s24+$0x1B02];
	[tilespmem:s24+$0x1B02] =	vst v2  }
0x6f: {  	v6 =	vld [tilespmem:s24+$0x1C03];
	[tilespmem:s24+$0x1C03] =	vst v2  }
0x70: {  	v7 =	vld [tilespmem:s24+$0x1D04];
	[tilespmem:s24+$0x1D04] =	vst v2  }
0x71: {  	v8 =	vld [tilespmem:s24+$0x1E05];
	[tilespmem:s24+$0x1E05] =	vst v2  }
0x72: {  	v9 =	vld [tilespmem:s24+$0x1F06];
	[tilespmem:s24+$0x1F06] =	vst v2  }
0x73: {  	v10 =	vld [tilespmem:s24+$0x2007];
	[tilespmem:s24+$0x2007] =	vst v2  }
0x74: {  	v11 =	vld [tilespmem:s24+$0x2108];
	[tilespmem:s24+$0x2108] =	vst v2  }
0x75: {  	v12 =	vld [tilespmem:s24+$0x2209];
	[tilespmem:s24+$0x2209] =	vst v2  }
0x76: {  	v13 =	vld [tilespmem:s24+$0x230A];
	[tilespmem:s24+$0x230A] =	vst v2  }
0x77: {  	v14 =	vld [tilespmem:s24+$0x240B];
	[tilespmem:s24+$0x240B] =	vst v2  }
0x78: {  	v15 =	vld [tilespmem:s24+$0x250C];
	[tilespmem:s24+$0x250C] =	vst v2  }
0x79: {  	v16 =	vld [tilespmem:s24+$0x260D];
	[tilespmem:s24+$0x260D] =	vst v2  }
0x7a: {  	v17 =	vld [tilespmem:s24+$0x270E];
	[tilespmem:s24+$0x270E] =	vst v2  }
0x7b: {  	s23 =	simm.s32 $0x10;
	v18 =	vld [tilespmem:s24+$0x280F];
	[tilespmem:s24+$0x280F] =	vst v2;
	v3 =	vadd.s32 v3, v4  }
0x7c: {  	v19 =	vld [tilespmem:s23+$0x1900];
	v3 =	vadd.s32 v5, v3  }
0x7d: {  	v20 =	vld [tilespmem:s23+$0x1A01];
	v3 =	vadd.s32 v6, v3  }
0x7e: {  	[tilespmem:s23+$0x1900] =	vst v2;
	v21 =	vld [tilespmem:s23+$0x1B02];
	v3 =	vadd.s32 v7, v3  }
0x7f: {  	[tilespmem:s23+$0x1A01] =	vst v2;
	v22 =	vld [tilespmem:s23+$0x1C03];
	v3 =	vadd.s32 v8, v3  }
0x80: {  	[tilespmem:s23+$0x1B02] =	vst v2;
	v23 =	vld [tilespmem:s23+$0x1D04];
	v4 =	vadd.s32 v9, v3  }
0x81: {  	[tilespmem:s23+$0x1C03] =	vst v2;
	v24 =	vld [tilespmem:s23+$0x1E05];
	v4 =	vadd.s32 v10, v4  }
0x82: {  	[tilespmem:s23+$0x1D04] =	vst v2;
	v7 =	vadd.s32 v19, v20;
	v5 =	vadd.s32 v11, v4  }
0x83: {  	[tilespmem:s23+$0x1E05] =	vst v2;
	v25 =	vld [tilespmem:s23+$0x1F06];
	v7 =	vadd.s32 v21, v7;
	v5 =	vadd.s32 v12, v5  }
0x84: {  	[tilespmem:s23+$0x1F06] =	vst v2;
	v3 =	vld [tilespmem:s23+$0x2007];
	v7 =	vadd.s32 v22, v7;
	v6 =	vadd.s32 v13, v5  }
0x85: {  	[tilespmem:s23+$0x2007] =	vst v2;
	v7 =	vadd.s32 v23, v7;
	v4 =	vld [tilespmem:s23+$0x2108];
	v6 =	vadd.s32 v14, v6  }
0x86: {  	[tilespmem:s23+$0x2108] =	vst v2;
	v9 =	vadd.s32 v24, v7;
	v7 =	vld [tilespmem:s23+$0x240B];
	v8 =	vadd.s32 v15, v6  }
0x87: {  	[tilespmem:s23+$0x240B] =	vst v2;
	v5 =	vld [tilespmem:s23+$0x2209];
	v8 =	vadd.s32 v16, v8  }
0x88: {  	[tilespmem:s23+$0x2209] =	vst v2;
	v6 =	vld [tilespmem:s23+$0x230A];
	v8 =	vadd.s32 v17, v8  }
0x89: {  	s25 =	simm.s32 $0x80;
	s26 =	simm.s32 $0xC0;
	v9 =	vadd.s32 v25, v9;
	[tilespmem:s23+$0x230A] =	vst v2;
	v8 =	vadd.s32 v18, v8  }
.LBB2_7:
0x8a: {  	p1 =	sne.s32 s26, $0x3C0;
	v3 =	vadd.s32 v3, v9;
	v9 =	vld [tilespmem:s23+$0x250C];
	[tilespmem:s23+$0x250C] =	vst v2  }
0x8b: {  	v3 =	vadd.s32 v4, v3;
	v4 =	vld [tilespmem:s23+$0x260D];
	[tilespmem:s23+$0x260D] =	vst v2  }
0x8c: {  	v3 =	vadd.s32 v5, v3;
	v5 =	vld [tilespmem:s23+$0x270E];
	[tilespmem:s23+$0x270E] =	vst v2  }
0x8d: {  	v3 =	vadd.s32 v6, v3;
	v6 =	vld [tilespmem:s23+$0x280F];
	[tilespmem:s23+$0x280F] =	vst v2  }
0x8e: {  	v3 =	vadd.s32 v7, v3;
	[tilespmem:s24+$0x2980] =	vst v8;
	s24 =	smov.u32 s23;
	s23 =	sshra.s32 s25, $0x2;
	s25 =	smov.u32 s26  }
0x8f: {  	v7 =	vld [tilespmem:s23+$0x1900];
	[tilespmem:s23+$0x1900] =	vst v2;
	v3 =	vadd.s32 v9, v3  }
0x90: {  	v9 =	vld [tilespmem:s23+$0x1A01];
	[tilespmem:s23+$0x1A01] =	vst v2;
	v3 =	vadd.s32 v4, v3  }
0x91: {  	v4 =	vld [tilespmem:s23+$0x1B02];
	[tilespmem:s23+$0x1B02] =	vst v2;
	v3 =	vadd.s32 v5, v3  }
0x92: {  	v5 =	vld [tilespmem:s23+$0x1C03];
	[tilespmem:s23+$0x1C03] =	vst v2;
	v8 =	vadd.s32 v6, v3  }
0x93: {  	v6 =	vld [tilespmem:s23+$0x1D04];
	[tilespmem:s23+$0x1D04] =	vst v2  }
0x94: {  	v10 =	vld [tilespmem:s23+$0x1E05];
	[tilespmem:s23+$0x1E05] =	vst v2  }
0x95: {  	v3 =	vadd.s32 v7, v9;
	v7 =	vld [tilespmem:s23+$0x1F06];
	[tilespmem:s23+$0x1F06] =	vst v2  }
.Ltmp3:
0x96: {  	v4 =	vadd.s32 v4, v3;
	v3 =	vld [tilespmem:s23+$0x2007];
	[tilespmem:s23+$0x2007] =	vst v2;
	(pc) =	sbr.rel @p1 .LBB2_7-.Ltmp3, $4  }
0x97: {  	v5 =	vadd.s32 v5, v4;
	v4 =	vld [tilespmem:s23+$0x2108];
	[tilespmem:s23+$0x2108] =	vst v2  }
0x98: {  	v6 =	vadd.s32 v6, v5;
	v5 =	vld [tilespmem:s23+$0x2209];
	[tilespmem:s23+$0x2209] =	vst v2  }
0x99: {  	v9 =	vadd.s32 v10, v6;
	v6 =	vld [tilespmem:s23+$0x230A];
	[tilespmem:s23+$0x230A] =	vst v2  }
0x9a: {  	s26 =	sadd.s32 $0x40, s26;
	v9 =	vadd.s32 v7, v9;
	v7 =	vld [tilespmem:s23+$0x240B];
	[tilespmem:s23+$0x240B] =	vst v2  }
0x9b: {  	v10 =	vld [tilespmem:s23+$0x250C];
	[tilespmem:s23+$0x250C] =	vst v2  }
0x9c: {  	v11 =	vld [tilespmem:s23+$0x260D];
	[tilespmem:s23+$0x260D] =	vst v2  }
0x9d: {  	v12 =	vld [tilespmem:s23+$0x270E];
	[tilespmem:s23+$0x270E] =	vst v2  }
0x9e: {  	v13 =	vld [tilespmem:s23+$0x280F];
	[tilespmem:s23+$0x280F] =	vst v2  }
0x9f: {  	s25 =	sshra.s32 s25, $0x2;
	[tilespmem:s24+$0x2980] =	vst v8  }
0xa0: {  	v8 =	vld [tilespmem:s25+$0x1900]  }
0xa1: {  	v14 =	vld [tilespmem:s25+$0x1A01]  }
0xa2: {  	v15 =	vld [tilespmem:s25+$0x1B02]  }
0xa3: {  	v16 =	vld [tilespmem:s25+$0x1C03]  }
0xa4: {  	v17 =	vld [tilespmem:s25+$0x1D04]  }
0xa5: {  	[tilespmem:s25+$0x1900] =	vst v2;
	v18 =	vld [tilespmem:s25+$0x1E05]  }
0xa6: {  	[tilespmem:s25+$0x1A01] =	vst v2;
	v63 =	vld [tilespmem:s25+$0x230A]  }
0xa7: {  	[tilespmem:s25+$0x1B02] =	vst v2;
	v8 =	vadd.s32 v8, v14;
	v14 =	vld [tilespmem:s25+$0x1F06]  }
0xa8: {  	[tilespmem:s25+$0x1C03] =	vst v2;
	v8 =	vadd.s32 v15, v8;
	v15 =	vld [tilespmem:s25+$0x2007]  }
0xa9: {  	[tilespmem:s25+$0x1D04] =	vst v2;
	v8 =	vadd.s32 v16, v8;
	v16 =	vld [tilespmem:s25+$0x2108]  }
0xaa: {  	v3 =	vadd.s32 v3, v9;
	[tilespmem:s25+$0x1E05] =	vst v2;
	v8 =	vadd.s32 v17, v8;
	v17 =	vld [tilespmem:s25+$0x2209]  }
0xab: {  	v3 =	vadd.s32 v4, v3;
	v9 =	vld [tilespmem:s25+$0x240B];
	[tilespmem:s25+$0x230A] =	vst v2;
	v8 =	vadd.s32 v18, v8  }
0xac: {  	v3 =	vadd.s32 v5, v3;
	v5 =	vld [tilespmem:s25+$0x260D];
	[tilespmem:s25+$0x240B] =	vst v2;
	v8 =	vadd.s32 v14, v8  }
0xad: {  	[tilespmem:s25+$0x260D] =	vst v2;
	v4 =	vadd.s32 v15, v8;
	v8 =	vld [tilespmem:s25+$0x250C]  }
0xae: {  	v3 =	vadd.s32 v6, v3;
	v6 =	vld [tilespmem:s25+$0x270E];
	[tilespmem:s25+$0x270E] =	vst v2;
	v4 =	vadd.s32 v16, v4  }
0xaf: {  	v3 =	vadd.s32 v7, v3;
	v7 =	vld [tilespmem:s25+$0x280F];
	[tilespmem:s25+$0x280F] =	vst v2;
	v4 =	vadd.s32 v17, v4  }
0xb0: {  	[tilespmem:s25+$0x1F06] =	vst v2;
	v4 =	vadd.s32 v63, v4  }
0xb1: {  	v3 =	vadd.s32 v10, v3;
	[tilespmem:s25+$0x2007] =	vst v2;
	v4 =	vadd.s32 v9, v4  }
0xb2: {  	v3 =	vadd.s32 v11, v3;
	[tilespmem:s25+$0x2108] =	vst v2;
	v4 =	vadd.s32 v8, v4  }
0xb3: {  	v3 =	vadd.s32 v12, v3;
	[tilespmem:s25+$0x2209] =	vst v2;
	v4 =	vadd.s32 v5, v4  }
0xb4: {  	v3 =	vadd.s32 v13, v3;
	[tilespmem:s25+$0x250C] =	vst v2;
	v2 =	vadd.s32 v6, v4  }
0xb5: {  	[tilespmem:s23+$0x2980] =	vst v3;
	v2 =	vadd.s32 v7, v2  }
0xb6: {  	[tilespmem:s25+$0x2980] =	vst v2  }
0xb7: {  	s29 =	simm.s32 $0x2A80;
	s30 =	simm.s32 $0x2980;
	_ =	strace $0x9000004C  }
0xb8: {  	s31 =	simm.s32 $0x2;
	s25 =	simm.s32 $0x80;
	_ =	strace $0x8000004D  }
0xb9: {  	[spmem:s16] =	stream.indirect.scatter.add.s32 [tilespmem:s30], [sflag:$0x2], $0x1, s29, s25, $0x2000b8;
	[tilespmem:$0x52F0] =	vst v63  }
0xba: {  	_ =	swait.ge [sflag:s31], $0x80  }
0xbb: {  	[sflag:s31] =	ssyncset.done $0x0  }
0xbc: {  	s26 =	simm.s32 $0x2B00;
	s28 =	simm.s32 $0x2A00;
	[sflag:s31] =	ssyncadd.s32 $0xFFFFFF80  }
0xbd: {  	[spmem:s16] =	stream.indirect.scatter.add.s32 [tilespmem:s28], [sflag:$0x2], $0x1, s26, s25, $0x2000b8;
	[tilespmem:$0x52F0] =	vst v63  }
0xbe: {  	_ =	swait.ge [sflag:s31], $0x80  }
0xbf: {  	[sflag:s31] =	ssyncset.done $0x0  }
0xc0: {  	[sflag:s31] =	ssyncadd.s32 $0xFFFFFF80  }
0xc1: {  	_ =	strace $0x9000004D  }
0xc2: {  	_ =	strace $0x8000004E  }
0xc3: {  	[bflag:$0x0] =	sbarrier.arrive $0xFFFF  }
0xc4: {  	_ =	strace $0x9000004E  }
0xc5: {  	_ =	strace $0x8000004F  }
0xc6: {  	[tilespmem:s30], [sflag:$0x2] =	stream.linear.gather [spmem:s16], $0x100, $0x200038;
	[tilespmem:$0x52F0] =	vst v63  }
0xc7: {  	_ =	swait.ge [sflag:s31], $0x100  }
0xc8: {  	[sflag:s31] =	ssyncset.done $0x0  }
0xc9: {  	[sflag:s31] =	ssyncadd.s32 $0xFFFFFF00  }
0xca: {  	_ =	strace $0x9000004F  }
0xcb: {  	s25 =	simm.s32 $0x2A70;
	_ =	strace $0x80000050  }
0xcc: {  	v11 =	vld [tilespmem:s25+$0x0]  }
0xcd: {  	v2 =	vlaneseq.u32  }
0xce: {  	v2 =	vmul.u32 $0xFFFFFFFF, v2;
	_ =	sdelay $0x1  }
0xcf: {  	v4 =	vadd.s32 $0xF, v2  }
0xd0: {  	s26 =	simm.s32 $0x2A60;
	v2 =	vperm.xlane v11, v4  }
0xd1: {  	v6 =	vld [tilespmem:s26+$0x0]  }
0xd2: {  	(xrf0) =	vadd.scan.msk.s32 $0xffff, v2;
	_ =	sdelay $0x3  }
0xd3: {  	v2 =	vperm.xlane v6, v4;
	_ =	sdelay $0x1  }
0xd4: {  	s28 =	simm.s32 $0x2A50;
	v3, _, _ =	vpop (xrf0);
	(xrf0) =	vadd.scan.msk.s32 $0xffff, v2  }
0xd5: {  	v2 =	vperm.xlane v3, v4;
	v3 =	vld [tilespmem:s28+$0x0]  }
0xd6: {  	v5 =	vimm.s32 $0x0;
	s29 =	simm.s32 $0xF0  }
0xd7: {  	v7 =	vmov s29;
	v12 =	vadd.s32 v5, v2  }
0xd8: {  	v9 =	vadd.s32 $0xFFFFFFFF, v7;
	s30 =	simm.s32 $0x2A40;
	vm0 =	vgt.s32 v12, $0xFF  }
0xd9: {  	v7 =	vimm.s32 $0xFFFFFFFF;
	v9 =	vbroadcast v9, $0x0;
	v2 =	vld [tilespmem:s30+$0x0];
	v8 =	vmpcnt.ones.xlane vm0  }
0xda: {  	vm2 =	vlt.s32 v7, $0x0;
	v10 =	vperm.xlane v12, v5;
	v15 =	vperm.xlane v3, v4;
	v13, _, _ =	vpop (xrf0)  }
0xdb: {  	s31 =	simm.s32 $0xE0;
	vm0 =	vgt.s32 v8, $0x0;
	v14 =	vadd.s32 $0xFFFFFFFF, v8;
	v16 =	vperm.xlane v13, v4  }
0xdc: {  	v13 =	vadd.s32 v8, v9;
	v9 =	vmov s31;
	vm1 =	vgt.s32 v14, $0x0;
	(xrf0) =	vadd.scan.msk.s32 $0xffff, v15  }
0xdd: {  	vm0 =	vmand vm2, vm0;
	v17 =	vnsel vm1, $0x0, v14;
	v8 =	vadd.s32 v10, v16  }
0xde: {  	s24 =	simm.s32 $0xD0;
	v10 =	vperm.xlane v2, v4;
	v14 =	vperm.xlane v11, v17;
	vm1 =	vgt.s32 v8, $0xFF  }
0xdf: {  	s23 =	simm.s32 $0xC0;
	s25 =	simm.s32 $0xB0;
	s26 =	simm.s32 $0x2A30;
	v15 =	vperm.xlane v12, v17;
	v12 =	vimm.s32 $0x0;
	v11 =	vimm.s32 $0x0  }
.LBB2_9:
0xe0: {  	v16 =	vld [tilespmem:s26+$0x0];
	p1 =	sne.s32 s25, $0x0;
	v17 =	vmpcnt.ones.xlane vm1;
	v7 =	vsel vm0, v13, v7;
	v12 =	vsel vm0, v14, v12;
	v18 =	vmovc v8;
	s28 =	smov.u32 s25;
	s25 =	sadd.s32 $0xFFFFFFF0, s25  }
0xe1: {  	v8 =	vadd.s32 $0xFFFFFFFF, v9;
	v14 =	vperm.xlane v18, v5;
	v11 =	vsel vm0, v15, v11  }
.Ltmp4:
0xe2: {  	v8 =	vbroadcast v8, $0x0;
	v9, _, _ =	vpop (xrf0);
	vm0 =	vgt.s32 v17, $0x0;
	v15 =	vadd.s32 $0xFFFFFFFF, v17;
	(pc) =	sbr.rel @p1 .LBB2_9-.Ltmp4, $4  }
0xe3: {  	(xrf0) =	vadd.scan.msk.s32 $0xffff, v10;
	v19 =	vperm.xlane v9, v4;
	v9 =	vmov s24;
	vm1 =	vgt.s32 v15, $0x0;
	s24 =	smov.u32 s23;
	s23 =	smov.u32 s28  }
0xe4: {  	vm2 =	vlt.s32 v7, $0x0;
	v13 =	vadd.s32 v17, v8;
	v15 =	vnsel vm1, $0x0, v15  }
0xe5: {  	v10 =	vperm.xlane v16, v4;
	v8 =	vadd.s32 v14, v19;
	v14 =	vperm.xlane v6, v15;
	v6 =	vmovc v3  }
0xe6: {  	s26 =	sadd.s32 $0xFFFFFFF0, s26;
	vm0 =	vmand vm2, vm0;
	v15 =	vperm.xlane v18, v15;
	v3 =	vmovc v2;
	v2 =	vmovc v16;
	vm1 =	vgt.s32 v8, $0xFF  }
0xe7: {  	_ = 	snop  }
0xe8: {  	v16 =	vmpcnt.ones.xlane vm1  }
0xe9: {  	v7 =	vsel vm0, v13, v7;
	v12 =	vsel vm0, v14, v12;
	v9 =	vadd.s32 $0xFFFFFFFF, v9;
	v52, _, _ =	vpop (xrf0);
	(xrf0) =	vadd.scan.msk.s32 $0xffff, v10  }
0xea: {  	v51 =	vperm.xlane v8, v5;
	v54 =	vmov s24;
	v59 =	vmov s23  }
0xeb: {  	v11 =	vsel vm0, v15, v11;
	v9 =	vbroadcast v9, $0x0;
	v53 =	vadd.s32 $0xFFFFFFFF, v16  }
0xec: {  	vm2 =	vlt.s32 v7, $0x0;
	v14 =	vperm.xlane v52, v4;
	vm7 =	vgt.s32 v53, $0x0  }
0xed: {  	vm6 =	vgt.s32 v16, $0x0;
	v9 =	vadd.s32 v16, v9;
	v10 =	vnsel vm7, $0x0, v53  }
0xee: {  	vm0 =	vmand vm2, vm6;
	v13 =	vadd.s32 v51, v14;
	v6 =	vperm.xlane v6, v10  }
0xef: {  	v8 =	vperm.xlane v8, v10;
	vm8 =	vgt.s32 v13, $0xFF;
	v5 =	vperm.xlane v13, v5;
	v57, _, _ =	vpop (xrf0)  }
0xf0: {  	v7 =	vsel vm0, v9, v7;
	v55 =	vmpcnt.ones.xlane vm8;
	v4 =	vperm.xlane v57, v4  }
0xf1: {  	vm10 =	vlt.s32 v7, $0x0;
	v56 =	vsel vm0, v6, v12;
	v6 =	vadd.s32 $0xFFFFFFFF, v54  }
0xf2: {  	v6 =	vbroadcast v6, $0x0;
	vm9 =	vgt.s32 v55, $0x0;
	_ =	strace $0x90000050;
	v60 =	vadd.s32 v5, v4  }
0xf3: {  	s23 =	simm.s32 $0x0;
	v8 =	vsel vm0, v8, v11;
	vm0 =	vmand vm10, vm9;
	_ =	strace $0x80000051;
	vm12 =	vgt.s32 v60, $0xFF  }
0xf4: {  	v4 =	vadd.s32 v55, v6;
	v6 =	vadd.s32 $0xFFFFFFFF, v59;
	v61 =	vld [tilespmem:s23+$0x0];
	v5 =	vmpcnt.ones.xlane vm12  }
0xf5: {  	v4 =	vsel vm0, v4, v7;
	v6 =	vbroadcast v6, $0x0  }
0xf6: {  	vm13 =	vlt.s32 v4, $0x0;
	vm1 =	vgt.s32 v5, $0x0  }
0xf7: {  	v7 =	vadd.s32 $0xFFFFFFFF, v5;
	v5 =	vadd.s32 v5, v6;
	vm1 =	vmand vm13, vm1  }
0xf8: {  	v5 =	vsel vm1, v5, v4  }
0xf9: {  	v62 =	vshrl.u32 v61, $0x18;
	v6 =	vand.u32 $0xFF, v5  }
0xfa: {  	vm15 =	vge.u32 v62, v6  }
0xfb: {  	v12 =	vmpcnt.ones.xlane vm15;
	_ =	sdelay $0x1  }
0xfc: {  	v58 =	vadd.s32 $0xFFFFFFFF, v55;
	(v2sf) =	vpush v12, $0x0  }
0xfd: {  	vm11 =	vgt.s32 v58, $0x0  }
0xfe: {  	v11 =	vnsel vm11, $0x0, v58  }
0xff: {  	v3 =	vperm.xlane v3, v11;
	vm14 =	vgt.s32 v7, $0x0  }
0x100: {  	s31 =	sor.u32 s20, s23;
	v11 =	vperm.xlane v13, v11;
	v7 =	vnsel vm14, $0x0, v7;
	v4 =	vlaneseq.u32  }
0x101: {  	v2 =	vperm.xlane v2, v7;
	v7 =	vperm.xlane v60, v7;
	v63 =	vor.u32 s31, v4;
	[tilespmem:s23+$0x800] =	vst.msk vm15, v61  }
0x102: {  	s24 =	simm.s32 $0x10;
	v3 =	vsel vm0, v3, v56;
	v8 =	vsel vm0, v11, v8;
	[tilespmem:s23+$0x1080] =	vst.msk vm15, v63  }
0x103: {  	s25 =	simm.s32 $0x20;
	s26 =	simm.s32 $0x10;
	v2 =	vsel vm1, v2, v3;
	v3 =	vsel vm1, v7, v8;
	v7 =	vld [tilespmem:s24+$0x0]  }
.LBB2_11:
0x104: {  	p1 =	sne.s32 s25, $0x7F0;
	_ =	sdelay $0x3  }
0x105: {  	v8 =	vshrl.u32 v7, $0x18  }
0x106: {  	vm0 =	vge.u32 v8, v6  }
0x107: {  	v8 =	vmpcnt.ones.xlane vm0  }
0x108: {  	s28 =	spop (v2sf)  }
0x109: {  	s29 =	sor.u32 s20, s24;
	s24 =	smov.u32 s25;
	(v2sf) =	vpush v8, $0x0;
	s23 =	sadd.s32 s23, s28  }
0x10a: {  	[tilespmem:s23+$0x800] =	vst.msk vm0, v7;
	v7 =	vor.u32 s29, v4  }
0x10b: {  	[tilespmem:s23+$0x1080] =	vst.msk vm0, v7  }
.Ltmp5:
0x10c: {  	(pc) =	sbr.rel @p1 .LBB2_11-.Ltmp5, $3  }
0x10d: {  	_ =	sdelay $0x1  }
0x10e: {  	s26 =	sadd.s32 $0x10, s26  }
0x10f: {  	s25 =	sadd.s32 $0x10, s25;
	v7 =	vld [tilespmem:s26+$0x0]  }
0x110: {  	_ =	sdelay $0x3  }
0x111: {  	v8 =	vshrl.u32 v7, $0x18  }
0x112: {  	vm0 =	vge.u32 v8, v6  }
0x113: {  	v6 =	vmpcnt.ones.xlane vm0;
	_ =	sdelay $0x1  }
0x114: {  	(v2sf) =	vpush v6, $0x0;
	_ =	sdelay $0xd  }
0x115: {  	s25 =	spop (v2sf)  }
0x116: {  	s23 =	sadd.s32 s23, s25;
	s28 =	spop (v2sf)  }
0x117: {  	s25 =	sadd.s32 s23, s28  }
0x118: {  	s26 =	sadd.s32 $0xF, s25  }
0x119: {  	s28 =	sand.u32 $0xF, s26  }
0x11a: {  	s29 =	sshra.s32 s26, $0x1F;
	p2 =	slt.s32 s26, $0x1;
	p1 =	sne.s32 s28, $0x0  }
0x11b: {  	s20 =	sor.u32 s20, s24;
	s30 =	sshrl.u32 s29, $0x1C;
	p1 =	por !p2, !p1  }
0x11c: {  	s24 =	simm.s32 $0x1;
	s31 =	sadd.s32 s30, s26;
	p1 =	por !p1, !p1  }
0x11d: {  	v4 =	vor.u32 s20, v4;
	s20 =	sshra.s32 s31, $0x4;
	s24 =	simm.s32 @!p1 $0x0  }
0x11e: {  	s20 =	ssub.s32 s20, s24  }
0x11f: {  	p1 =	slt.s32 s20, $0x1  }
.Ltmp6:
0x120: {  	[tilespmem:s23+$0x800] =	vst.msk vm0, v7;
	(pc) =	sbr.rel @p1 .LBB2_16-.Ltmp6, $4  }
0x121: {  	[tilespmem:s23+$0x1080] =	vst.msk vm0, v4;
	v4 =	vimm.s32 $0x0  }
0x122: {  	[tilespmem:s25+$0x800] =	vst v4  }
0x123: {  	_ =	strace $0x90000051  }
0x124: {  	v3 =	vsub.s32 v2, v3;
	v2 =	vshll.u32 v5, $0x18;
	_ =	strace $0x80000052  }
0x125: {  	p2 =	sne.s32 s20, $0x1  }
.Ltmp7:
0x126: {  	_ = 	snop;
	(pc) =	sbr.rel @!p2 .LBB2_15-.Ltmp7, $3  }
0x127: {  	_ =	sdelay $0x1  }
0x128: {  	s24 =	simm.s32 $0x800;
	v5 =	vlaneseq.u32  }
0x129: {  	v6 =	vimm.s32 $0x1;
	s23 =	simm.s32 $0x1900;
	s25 =	sadd.s32 $0xFFFFFFFF, s20;
	v5 =	vmul.u32 $0x101, v5;
	v7 =	vld [tilespmem:s24+$0x0]  }
.LBB2_14:
0x12a: {  	p2 =	sne.s32 s25, $0x1;
	_ =	sdelay $0x3  }
0x12b: {  	v8 =	vand.u32 $0xFF000000, v7;
	v7 =	vshrl.u32 v7, $0x10  }
0x12c: {  	vm0 =	veq.s32 v8, v2;
	v7 =	vand.u32 $0xFF, v7  }
0x12d: {  	v7 =	vadd.s32 v5, v7;
	_ =	sdelay $0x1  }
.Ltmp8:
0x12e: {  	(pc) =	sbr.rel @p2 .LBB2_14-.Ltmp8, $3  }
0x12f: {  	_ =	sdelay $0x1  }
0x130: {  	s24 =	sadd.s32 $0x10, s24;
	[tilespmem:v7+s23+$0x0] =	vst.idx.add.s32.msk vm0, v6  }
0x131: {  	s25 =	sadd.s32 $0xFFFFFFFF, s25;
	v7 =	vld [tilespmem:s24+$0x0]  }
.LBB2_15:
0x132: {  	_ =	sdelay $0x3  }
0x133: {  	v8 =	vand.u32 $0xFF000000, v7;
	v7 =	vshrl.u32 v7, $0x10  }
0x134: {  	vm0 =	veq.s32 v8, v2;
	v7 =	vand.u32 $0xFF, v7  }
0x135: {  	v5 =	vadd.s32 v5, v7;
	_ =	sdelay $0x4  }
0x136: {  	[tilespmem:v5+s23+$0x0] =	vst.idx.add.s32.msk vm0, v6  }
.LBB2_16:
0x137: {  	_ =	strace $0x90000052  }
0x138: {  	s24 =	simm.s32 $0x0;
	_ =	strace $0x80000053  }
0x139: {  	v5 =	vld [tilespmem:s24+$0x1900];
	[tilespmem:s24+$0x1900] =	vst v4  }
0x13a: {  	v6 =	vld [tilespmem:s24+$0x1A01];
	[tilespmem:s24+$0x1A01] =	vst v4  }
0x13b: {  	v7 =	vld [tilespmem:s24+$0x1B02];
	[tilespmem:s24+$0x1B02] =	vst v4  }
0x13c: {  	v8 =	vld [tilespmem:s24+$0x1C03];
	[tilespmem:s24+$0x1C03] =	vst v4  }
0x13d: {  	v9 =	vld [tilespmem:s24+$0x1D04];
	[tilespmem:s24+$0x1D04] =	vst v4  }
0x13e: {  	v10 =	vld [tilespmem:s24+$0x1E05];
	[tilespmem:s24+$0x1E05] =	vst v4  }
0x13f: {  	v11 =	vld [tilespmem:s24+$0x1F06];
	[tilespmem:s24+$0x1F06] =	vst v4  }
0x140: {  	v12 =	vld [tilespmem:s24+$0x2007];
	[tilespmem:s24+$0x2007] =	vst v4  }
0x141: {  	v13 =	vld [tilespmem:s24+$0x2108];
	[tilespmem:s24+$0x2108] =	vst v4  }
0x142: {  	v14 =	vld [tilespmem:s24+$0x2209];
	[tilespmem:s24+$0x2209] =	vst v4  }
0x143: {  	v15 =	vld [tilespmem:s24+$0x230A];
	[tilespmem:s24+$0x230A] =	vst v4  }
0x144: {  	v16 =	vld [tilespmem:s24+$0x240B];
	[tilespmem:s24+$0x240B] =	vst v4  }
0x145: {  	v17 =	vld [tilespmem:s24+$0x250C];
	[tilespmem:s24+$0x250C] =	vst v4  }
0x146: {  	v18 =	vld [tilespmem:s24+$0x260D];
	[tilespmem:s24+$0x260D] =	vst v4  }
0x147: {  	v19 =	vld [tilespmem:s24+$0x270E];
	[tilespmem:s24+$0x270E] =	vst v4  }
0x148: {  	s23 =	simm.s32 $0x10;
	v20 =	vld [tilespmem:s24+$0x280F];
	[tilespmem:s24+$0x280F] =	vst v4;
	v5 =	vadd.s32 v5, v6  }
0x149: {  	v21 =	vld [tilespmem:s23+$0x1900];
	v5 =	vadd.s32 v7, v5  }
0x14a: {  	v22 =	vld [tilespmem:s23+$0x1A01];
	v5 =	vadd.s32 v8, v5  }
0x14b: {  	[tilespmem:s23+$0x1900] =	vst v4;
	v23 =	vld [tilespmem:s23+$0x1B02];
	v5 =	vadd.s32 v9, v5  }
0x14c: {  	[tilespmem:s23+$0x1A01] =	vst v4;
	v24 =	vld [tilespmem:s23+$0x1C03];
	v5 =	vadd.s32 v10, v5  }
0x14d: {  	[tilespmem:s23+$0x1B02] =	vst v4;
	v25 =	vld [tilespmem:s23+$0x1D04];
	v6 =	vadd.s32 v11, v5  }
0x14e: {  	[tilespmem:s23+$0x1C03] =	vst v4;
	v26 =	vld [tilespmem:s23+$0x1E05];
	v6 =	vadd.s32 v12, v6  }
0x14f: {  	[tilespmem:s23+$0x1D04] =	vst v4;
	v9 =	vadd.s32 v21, v22;
	v7 =	vadd.s32 v13, v6  }
0x150: {  	[tilespmem:s23+$0x1E05] =	vst v4;
	v27 =	vld [tilespmem:s23+$0x1F06];
	v9 =	vadd.s32 v23, v9;
	v7 =	vadd.s32 v14, v7  }
0x151: {  	[tilespmem:s23+$0x1F06] =	vst v4;
	v5 =	vld [tilespmem:s23+$0x2007];
	v9 =	vadd.s32 v24, v9;
	v8 =	vadd.s32 v15, v7  }
0x152: {  	[tilespmem:s23+$0x2007] =	vst v4;
	v9 =	vadd.s32 v25, v9;
	v6 =	vld [tilespmem:s23+$0x2108];
	v8 =	vadd.s32 v16, v8  }
0x153: {  	[tilespmem:s23+$0x2108] =	vst v4;
	v11 =	vadd.s32 v26, v9;
	v9 =	vld [tilespmem:s23+$0x240B];
	v10 =	vadd.s32 v17, v8  }
0x154: {  	[tilespmem:s23+$0x240B] =	vst v4;
	v7 =	vld [tilespmem:s23+$0x2209];
	v10 =	vadd.s32 v18, v10  }
0x155: {  	[tilespmem:s23+$0x2209] =	vst v4;
	v8 =	vld [tilespmem:s23+$0x230A];
	v10 =	vadd.s32 v19, v10  }
0x156: {  	v3 =	vadd.s32 $0x100, v3;
	s25 =	simm.s32 $0x80;
	s26 =	simm.s32 $0xC0;
	v11 =	vadd.s32 v27, v11;
	[tilespmem:s23+$0x230A] =	vst v4;
	v10 =	vadd.s32 v20, v10  }
.LBB2_17:
0x157: {  	p2 =	sne.s32 s26, $0x3C0;
	v5 =	vadd.s32 v5, v11;
	v11 =	vld [tilespmem:s23+$0x250C];
	[tilespmem:s23+$0x250C] =	vst v4  }
0x158: {  	v5 =	vadd.s32 v6, v5;
	v6 =	vld [tilespmem:s23+$0x260D];
	[tilespmem:s23+$0x260D] =	vst v4  }
0x159: {  	v5 =	vadd.s32 v7, v5;
	v7 =	vld [tilespmem:s23+$0x270E];
	[tilespmem:s23+$0x270E] =	vst v4  }
0x15a: {  	v5 =	vadd.s32 v8, v5;
	v8 =	vld [tilespmem:s23+$0x280F];
	[tilespmem:s23+$0x280F] =	vst v4  }
0x15b: {  	v5 =	vadd.s32 v9, v5;
	[tilespmem:s24+$0x2980] =	vst v10;
	s24 =	smov.u32 s23;
	s23 =	sshra.s32 s25, $0x2;
	s25 =	smov.u32 s26  }
0x15c: {  	v9 =	vld [tilespmem:s23+$0x1900];
	[tilespmem:s23+$0x1900] =	vst v4;
	v5 =	vadd.s32 v11, v5  }
0x15d: {  	v11 =	vld [tilespmem:s23+$0x1A01];
	[tilespmem:s23+$0x1A01] =	vst v4;
	v5 =	vadd.s32 v6, v5  }
0x15e: {  	v6 =	vld [tilespmem:s23+$0x1B02];
	[tilespmem:s23+$0x1B02] =	vst v4;
	v5 =	vadd.s32 v7, v5  }
0x15f: {  	v7 =	vld [tilespmem:s23+$0x1C03];
	[tilespmem:s23+$0x1C03] =	vst v4;
	v10 =	vadd.s32 v8, v5  }
0x160: {  	v8 =	vld [tilespmem:s23+$0x1D04];
	[tilespmem:s23+$0x1D04] =	vst v4  }
0x161: {  	v12 =	vld [tilespmem:s23+$0x1E05];
	[tilespmem:s23+$0x1E05] =	vst v4  }
0x162: {  	v5 =	vadd.s32 v9, v11;
	v9 =	vld [tilespmem:s23+$0x1F06];
	[tilespmem:s23+$0x1F06] =	vst v4  }
.Ltmp9:
0x163: {  	v6 =	vadd.s32 v6, v5;
	v5 =	vld [tilespmem:s23+$0x2007];
	[tilespmem:s23+$0x2007] =	vst v4;
	(pc) =	sbr.rel @p2 .LBB2_17-.Ltmp9, $4  }
0x164: {  	v7 =	vadd.s32 v7, v6;
	v6 =	vld [tilespmem:s23+$0x2108];
	[tilespmem:s23+$0x2108] =	vst v4  }
0x165: {  	v8 =	vadd.s32 v8, v7;
	v7 =	vld [tilespmem:s23+$0x2209];
	[tilespmem:s23+$0x2209] =	vst v4  }
0x166: {  	v11 =	vadd.s32 v12, v8;
	v8 =	vld [tilespmem:s23+$0x230A];
	[tilespmem:s23+$0x230A] =	vst v4  }
0x167: {  	s26 =	sadd.s32 $0x40, s26;
	v11 =	vadd.s32 v9, v11;
	v9 =	vld [tilespmem:s23+$0x240B];
	[tilespmem:s23+$0x240B] =	vst v4  }
0x168: {  	v12 =	vld [tilespmem:s23+$0x250C];
	[tilespmem:s23+$0x250C] =	vst v4  }
0x169: {  	v13 =	vld [tilespmem:s23+$0x260D];
	[tilespmem:s23+$0x260D] =	vst v4  }
0x16a: {  	v14 =	vld [tilespmem:s23+$0x270E];
	[tilespmem:s23+$0x270E] =	vst v4  }
0x16b: {  	v15 =	vld [tilespmem:s23+$0x280F];
	[tilespmem:s23+$0x280F] =	vst v4  }
0x16c: {  	s25 =	sshra.s32 s25, $0x2;
	[tilespmem:s24+$0x2980] =	vst v10  }
0x16d: {  	v10 =	vld [tilespmem:s25+$0x1900]  }
0x16e: {  	v16 =	vld [tilespmem:s25+$0x1A01]  }
0x16f: {  	v17 =	vld [tilespmem:s25+$0x1B02]  }
0x170: {  	v18 =	vld [tilespmem:s25+$0x1C03]  }
0x171: {  	v19 =	vld [tilespmem:s25+$0x1D04]  }
0x172: {  	[tilespmem:s25+$0x1900] =	vst v4;
	v20 =	vld [tilespmem:s25+$0x1E05]  }
0x173: {  	[tilespmem:s25+$0x1A01] =	vst v4;
	v63 =	vld [tilespmem:s25+$0x230A]  }
0x174: {  	[tilespmem:s25+$0x1B02] =	vst v4;
	v10 =	vadd.s32 v10, v16;
	v16 =	vld [tilespmem:s25+$0x1F06]  }
0x175: {  	[tilespmem:s25+$0x1C03] =	vst v4;
	v10 =	vadd.s32 v17, v10;
	v17 =	vld [tilespmem:s25+$0x2007]  }
0x176: {  	[tilespmem:s25+$0x1D04] =	vst v4;
	v10 =	vadd.s32 v18, v10;
	v18 =	vld [tilespmem:s25+$0x2108]  }
0x177: {  	v5 =	vadd.s32 v5, v11;
	[tilespmem:s25+$0x1E05] =	vst v4;
	v10 =	vadd.s32 v19, v10;
	v19 =	vld [tilespmem:s25+$0x2209]  }
0x178: {  	v5 =	vadd.s32 v6, v5;
	v11 =	vld [tilespmem:s25+$0x240B];
	[tilespmem:s25+$0x230A] =	vst v4;
	v10 =	vadd.s32 v20, v10  }
0x179: {  	v5 =	vadd.s32 v7, v5;
	v7 =	vld [tilespmem:s25+$0x260D];
	[tilespmem:s25+$0x240B] =	vst v4;
	v10 =	vadd.s32 v16, v10  }
0x17a: {  	[tilespmem:s25+$0x260D] =	vst v4;
	v6 =	vadd.s32 v17, v10;
	v10 =	vld [tilespmem:s25+$0x250C]  }
0x17b: {  	v5 =	vadd.s32 v8, v5;
	v8 =	vld [tilespmem:s25+$0x270E];
	[tilespmem:s25+$0x270E] =	vst v4;
	v6 =	vadd.s32 v18, v6  }
0x17c: {  	v5 =	vadd.s32 v9, v5;
	v9 =	vld [tilespmem:s25+$0x280F];
	[tilespmem:s25+$0x280F] =	vst v4;
	v6 =	vadd.s32 v19, v6  }
0x17d: {  	[tilespmem:s25+$0x1F06] =	vst v4;
	v6 =	vadd.s32 v63, v6  }
0x17e: {  	v5 =	vadd.s32 v12, v5;
	[tilespmem:s25+$0x2007] =	vst v4;
	v6 =	vadd.s32 v11, v6  }
0x17f: {  	v5 =	vadd.s32 v13, v5;
	[tilespmem:s25+$0x2108] =	vst v4;
	v6 =	vadd.s32 v10, v6  }
0x180: {  	v5 =	vadd.s32 v14, v5;
	[tilespmem:s25+$0x2209] =	vst v4;
	v6 =	vadd.s32 v7, v6  }
0x181: {  	v5 =	vadd.s32 v15, v5;
	[tilespmem:s25+$0x250C] =	vst v4;
	v4 =	vadd.s32 v8, v6  }
0x182: {  	[tilespmem:s23+$0x2980] =	vst v5;
	v4 =	vadd.s32 v9, v4  }
0x183: {  	[tilespmem:s25+$0x2980] =	vst v4  }
0x184: {  	s29 =	simm.s32 $0x2B80;
	s30 =	simm.s32 $0x2980;
	_ =	strace $0x90000053  }
0x185: {  	s31 =	simm.s32 $0x2;
	s25 =	simm.s32 $0x80;
	_ =	strace $0x80000054  }
0x186: {  	[spmem:s16] =	stream.indirect.scatter.add.s32 [tilespmem:s30], [sflag:$0x2], $0x1, s29, s25, $0x2000b8;
	[tilespmem:$0x52F0] =	vst v63  }
0x187: {  	_ =	swait.ge [sflag:s31], $0x80  }
0x188: {  	[sflag:s31] =	ssyncset.done $0x0  }
0x189: {  	s26 =	simm.s32 $0x2C00;
	s28 =	simm.s32 $0x2A00;
	[sflag:s31] =	ssyncadd.s32 $0xFFFFFF80  }
0x18a: {  	[spmem:s16] =	stream.indirect.scatter.add.s32 [tilespmem:s28], [sflag:$0x2], $0x1, s26, s25, $0x2000b8;
	[tilespmem:$0x52F0] =	vst v63  }
0x18b: {  	_ =	swait.ge [sflag:s31], $0x80  }
0x18c: {  	[sflag:s31] =	ssyncset.done $0x0  }
0x18d: {  	[sflag:s31] =	ssyncadd.s32 $0xFFFFFF80  }
0x18e: {  	_ =	strace $0x90000054  }
0x18f: {  	_ =	strace $0x80000055  }
0x190: {  	[bflag:$0x0] =	sbarrier.arrive $0xFFFF  }
0x191: {  	_ =	strace $0x90000055  }
0x192: {  	_ =	strace $0x80000056  }
0x193: {  	[tilespmem:s30], [sflag:$0x2] =	stream.linear.gather [spmem:s22], $0x100, $0x200038;
	[tilespmem:$0x52F0] =	vst v63  }
0x194: {  	_ =	swait.ge [sflag:s31], $0x100  }
0x195: {  	[sflag:s31] =	ssyncset.done $0x0  }
0x196: {  	[sflag:s31] =	ssyncadd.s32 $0xFFFFFF00  }
0x197: {  	_ =	strace $0x90000056  }
0x198: {  	s25 =	simm.s32 $0x2A70;
	_ =	strace $0x80000057  }
0x199: {  	v12 =	vld [tilespmem:s25+$0x0]  }
0x19a: {  	v4 =	vlaneseq.u32  }
0x19b: {  	v4 =	vmul.u32 $0xFFFFFFFF, v4;
	_ =	sdelay $0x1  }
0x19c: {  	v5 =	vadd.s32 $0xF, v4  }
0x19d: {  	s26 =	simm.s32 $0x2A60;
	v4 =	vperm.xlane v12, v5  }
0x19e: {  	v8 =	vld [tilespmem:s26+$0x0]  }
0x19f: {  	(xrf0) =	vadd.scan.msk.s32 $0xffff, v4;
	_ =	sdelay $0x3  }
0x1a0: {  	v4 =	vperm.xlane v8, v5;
	_ =	sdelay $0x1  }
0x1a1: {  	s28 =	simm.s32 $0x2A50;
	v6, _, _ =	vpop (xrf0);
	(xrf0) =	vadd.scan.msk.s32 $0xffff, v4  }
0x1a2: {  	v4 =	vperm.xlane v6, v5;
	v6 =	vld [tilespmem:s28+$0x0]  }
0x1a3: {  	v7 =	vimm.s32 $0x0;
	s29 =	simm.s32 $0xF0  }
0x1a4: {  	v9 =	vmov s29;
	v14 =	vadd.s32 v7, v4  }
0x1a5: {  	v11 =	vadd.s32 $0xFFFFFFFF, v9;
	s30 =	simm.s32 $0x2A40;
	vm0 =	vge.s32 v14, v3  }
0x1a6: {  	v9 =	vimm.s32 $0xFFFFFFFF;
	v11 =	vbroadcast v11, $0x0;
	v4 =	vld [tilespmem:s30+$0x0];
	v10 =	vmpcnt.ones.xlane vm0  }
0x1a7: {  	vm2 =	vlt.s32 v9, $0x0;
	v13 =	vperm.xlane v14, v7;
	v17 =	vperm.xlane v6, v5;
	v15, _, _ =	vpop (xrf0)  }
0x1a8: {  	s31 =	simm.s32 $0xE0;
	vm0 =	vgt.s32 v10, $0x0;
	v16 =	vadd.s32 $0xFFFFFFFF, v10;
	v18 =	vperm.xlane v15, v5  }
0x1a9: {  	v15 =	vadd.s32 v10, v11;
	v11 =	vmov s31;
	vm1 =	vgt.s32 v16, $0x0;
	(xrf0) =	vadd.scan.msk.s32 $0xffff, v17  }
0x1aa: {  	vm0 =	vmand vm2, vm0;
	v19 =	vnsel vm1, $0x0, v16;
	v10 =	vadd.s32 v13, v18  }
0x1ab: {  	s24 =	simm.s32 $0xB0;
	v13 =	vperm.xlane v4, v5;
	v16 =	vperm.xlane v12, v19;
	vm1 =	vge.s32 v10, v3  }
0x1ac: {  	s23 =	simm.s32 $0xD0;
	s22 =	simm.s32 $0xC0;
	s25 =	simm.s32 $0x2A30;
	v17 =	vperm.xlane v14, v19;
	v14 =	vimm.s32 $0x0;
	v12 =	vimm.s32 $0x0  }
.LBB2_19:
0x1ad: {  	v18 =	vld [tilespmem:s25+$0x0];
	p2 =	sne.s32 s24, $0x0;
	v19 =	vmpcnt.ones.xlane vm1;
	v9 =	vsel vm0, v15, v9;
	v14 =	vsel vm0, v16, v14;
	v20 =	vmovc v10;
	s26 =	smov.u32 s24;
	s24 =	sadd.s32 $0xFFFFFFF0, s24  }
0x1ae: {  	v10 =	vadd.s32 $0xFFFFFFFF, v11;
	v16 =	vperm.xlane v20, v7;
	v12 =	vsel vm0, v17, v12  }
.Ltmp10:
0x1af: {  	v10 =	vbroadcast v10, $0x0;
	v11, _, _ =	vpop (xrf0);
	vm0 =	vgt.s32 v19, $0x0;
	v17 =	vadd.s32 $0xFFFFFFFF, v19;
	(pc) =	sbr.rel @p2 .LBB2_19-.Ltmp10, $4  }
0x1b0: {  	(xrf0) =	vadd.scan.msk.s32 $0xffff, v13;
	v21 =	vperm.xlane v11, v5;
	v11 =	vmov s23;
	vm1 =	vgt.s32 v17, $0x0;
	s23 =	smov.u32 s22;
	s22 =	smov.u32 s26  }
0x1b1: {  	vm2 =	vlt.s32 v9, $0x0;
	v15 =	vadd.s32 v19, v10;
	v17 =	vnsel vm1, $0x0, v17  }
0x1b2: {  	v13 =	vperm.xlane v18, v5;
	v10 =	vadd.s32 v16, v21;
	v16 =	vperm.xlane v8, v17;
	v8 =	vmovc v6  }
0x1b3: {  	s25 =	sadd.s32 $0xFFFFFFF0, s25;
	vm0 =	vmand vm2, vm0;
	v17 =	vperm.xlane v20, v17;
	v6 =	vmovc v4;
	v4 =	vmovc v18;
	vm1 =	vge.s32 v10, v3  }
0x1b4: {  	v18 =	vmpcnt.ones.xlane vm1;
	v9 =	vsel vm0, v15, v9  }
0x1b5: {  	v14 =	vsel vm0, v16, v14;
	v11 =	vadd.s32 $0xFFFFFFFF, v11;
	v50 =	vperm.xlane v10, v7;
	(xrf0) =	vadd.scan.msk.s32 $0xffff, v13  }
0x1b6: {  	v53 =	vmov s23;
	v12 =	vsel vm0, v17, v12;
	v11 =	vbroadcast v11, $0x0  }
0x1b7: {  	vm2 =	vlt.s32 v9, $0x0;
	v57 =	vadd.s32 $0xFFFFFFFF, v53;
	v51, _, _ =	vpop (xrf0);
	v52 =	vadd.s32 $0xFFFFFFFF, v18  }
0x1b8: {  	vm7 =	vgt.s32 v18, $0x0;
	v13 =	vperm.xlane v51, v5;
	vm8 =	vgt.s32 v52, $0x0  }
0x1b9: {  	v59 =	vbroadcast v57, $0x0;
	v11 =	vadd.s32 v18, v11;
	v16 =	vnsel vm8, $0x0, v52  }
0x1ba: {  	vm0 =	vmand vm2, vm7;
	v13 =	vadd.s32 v50, v13;
	v8 =	vperm.xlane v8, v16  }
0x1bb: {  	v54 =	vperm.xlane v10, v16;
	vm9 =	vge.s32 v13, v3;
	v56, _, _ =	vpop (xrf0);
	v7 =	vperm.xlane v13, v7  }
0x1bc: {  	v9 =	vsel vm0, v11, v9;
	v55 =	vmpcnt.ones.xlane vm9;
	v5 =	vperm.xlane v56, v5  }
0x1bd: {  	vm13 =	vlt.s32 v9, $0x0;
	v8 =	vsel vm0, v8, v14;
	v10 =	vsel vm0, v54, v12  }
0x1be: {  	vm10 =	vgt.s32 v55, $0x0;
	v58 =	vadd.s32 $0xFFFFFFFF, v55;
	v5 =	vadd.s32 v7, v5  }
0x1bf: {  	v7 =	vmov s22;
	v12 =	vadd.s32 v55, v59;
	vm12 =	vge.s32 v5, v3  }
0x1c0: {  	vm11 =	vgt.s32 v58, $0x0;
	v7 =	vadd.s32 $0xFFFFFFFF, v7;
	v60 =	vmpcnt.ones.xlane vm12  }
0x1c1: {  	vm0 =	vmand vm13, vm10;
	v11 =	vnsel vm11, $0x0, v58;
	v7 =	vbroadcast v7, $0x0  }
0x1c2: {  	v9 =	vsel vm0, v12, v9;
	v6 =	vperm.xlane v6, v11;
	v61 =	vadd.s32 $0xFFFFFFFF, v60  }
0x1c3: {  	v11 =	vperm.xlane v13, v11;
	vm15 =	vlt.s32 v9, $0x0;
	vm14 =	vgt.s32 v61, $0x0  }
.Ltmp11:
0x1c4: {  	vm1 =	vgt.s32 v60, $0x0;
	v7 =	vadd.s32 v60, v7;
	v62 =	vnsel vm14, $0x0, v61;
	(pc) =	sbr.rel @p1 .LBB2_24-.Ltmp11, $4  }
0x1c5: {  	vm1 =	vmand vm15, vm1;
	v4 =	vperm.xlane v4, v62;
	v5 =	vperm.xlane v5, v62  }
0x1c6: {  	v6 =	vsel vm0, v6, v8;
	v63 =	vsel vm0, v11, v10;
	v7 =	vsel vm1, v7, v9  }
0x1c7: {  	_ =	strace $0x90000057;
	v4 =	vsel vm1, v4, v6;
	v5 =	vsel vm1, v5, v63;
	v6 =	vshll.u32 v7, $0x10  }
0x1c8: {  	_ =	strace $0x80000058;
	v5 =	vsub.s32 v4, v5;
	v2 =	vor.u32 v2, v6  }
0x1c9: {  	p2 =	sne.s32 s20, $0x1  }
.Ltmp12:
0x1ca: {  	_ = 	snop;
	(pc) =	sbr.rel @!p2 .LBB2_23-.Ltmp12, $3  }
0x1cb: {  	_ =	sdelay $0x1  }
0x1cc: {  	s23 =	simm.s32 $0x800;
	v4 =	vlaneseq.u32  }
0x1cd: {  	v6 =	vimm.s32 $0x1;
	s22 =	simm.s32 $0x1900;
	s24 =	sadd.s32 $0xFFFFFFFF, s20;
	v4 =	vmul.u32 $0x101, v4;
	v7 =	vld [tilespmem:s23+$0x0]  }
.LBB2_22:
0x1ce: {  	p2 =	sne.s32 s24, $0x1;
	_ =	sdelay $0x3  }
0x1cf: {  	v8 =	vand.u32 $0xFFFF0000, v7;
	v7 =	vshrl.u32 v7, $0x8  }
0x1d0: {  	vm0 =	veq.s32 v8, v2;
	v7 =	vand.u32 $0xFF, v7  }
0x1d1: {  	v7 =	vadd.s32 v4, v7;
	_ =	sdelay $0x1  }
.Ltmp13:
0x1d2: {  	(pc) =	sbr.rel @p2 .LBB2_22-.Ltmp13, $3  }
0x1d3: {  	_ =	sdelay $0x1  }
0x1d4: {  	s23 =	sadd.s32 $0x10, s23;
	[tilespmem:v7+s22+$0x0] =	vst.idx.add.s32.msk vm0, v6  }
0x1d5: {  	s24 =	sadd.s32 $0xFFFFFFFF, s24;
	v7 =	vld [tilespmem:s23+$0x0]  }
.LBB2_23:
0x1d6: {  	_ =	sdelay $0x3  }
0x1d7: {  	v8 =	vand.u32 $0xFFFF0000, v7;
	v7 =	vshrl.u32 v7, $0x8  }
0x1d8: {  	vm0 =	veq.s32 v8, v2;
	v7 =	vand.u32 $0xFF, v7  }
0x1d9: {  	v4 =	vadd.s32 v4, v7;
	_ =	sdelay $0x4  }
0x1da: {  	[tilespmem:v4+s22+$0x0] =	vst.idx.add.s32.msk vm0, v6  }
.LBB2_24:
0x1db: {  	_ =	strace $0x90000058  }
0x1dc: {  	s23 =	simm.s32 $0x0;
	v4 =	vimm.s32 $0x0;
	_ =	strace $0x80000059  }
0x1dd: {  	v6 =	vld [tilespmem:s23+$0x1900];
	[tilespmem:s23+$0x1900] =	vst v4  }
0x1de: {  	v7 =	vld [tilespmem:s23+$0x1A01];
	[tilespmem:s23+$0x1A01] =	vst v4  }
0x1df: {  	v8 =	vld [tilespmem:s23+$0x1B02];
	[tilespmem:s23+$0x1B02] =	vst v4  }
0x1e0: {  	v9 =	vld [tilespmem:s23+$0x1C03];
	[tilespmem:s23+$0x1C03] =	vst v4  }
0x1e1: {  	v10 =	vld [tilespmem:s23+$0x1D04];
	[tilespmem:s23+$0x1D04] =	vst v4  }
0x1e2: {  	v11 =	vld [tilespmem:s23+$0x1E05];
	[tilespmem:s23+$0x1E05] =	vst v4  }
0x1e3: {  	v12 =	vld [tilespmem:s23+$0x1F06];
	[tilespmem:s23+$0x1F06] =	vst v4  }
0x1e4: {  	v13 =	vld [tilespmem:s23+$0x2007];
	[tilespmem:s23+$0x2007] =	vst v4  }
0x1e5: {  	v14 =	vld [tilespmem:s23+$0x2108];
	[tilespmem:s23+$0x2108] =	vst v4  }
0x1e6: {  	v15 =	vld [tilespmem:s23+$0x2209];
	[tilespmem:s23+$0x2209] =	vst v4  }
0x1e7: {  	v16 =	vld [tilespmem:s23+$0x230A];
	[tilespmem:s23+$0x230A] =	vst v4  }
0x1e8: {  	v17 =	vld [tilespmem:s23+$0x240B];
	[tilespmem:s23+$0x240B] =	vst v4  }
0x1e9: {  	v18 =	vld [tilespmem:s23+$0x250C];
	[tilespmem:s23+$0x250C] =	vst v4  }
0x1ea: {  	v19 =	vld [tilespmem:s23+$0x260D];
	[tilespmem:s23+$0x260D] =	vst v4  }
0x1eb: {  	v20 =	vld [tilespmem:s23+$0x270E];
	[tilespmem:s23+$0x270E] =	vst v4  }
0x1ec: {  	s22 =	simm.s32 $0x10;
	v21 =	vld [tilespmem:s23+$0x280F];
	[tilespmem:s23+$0x280F] =	vst v4;
	v6 =	vadd.s32 v6, v7  }
0x1ed: {  	v22 =	vld [tilespmem:s22+$0x1900];
	v6 =	vadd.s32 v8, v6  }
0x1ee: {  	v23 =	vld [tilespmem:s22+$0x1A01];
	v6 =	vadd.s32 v9, v6  }
0x1ef: {  	[tilespmem:s22+$0x1900] =	vst v4;
	v24 =	vld [tilespmem:s22+$0x1B02];
	v6 =	vadd.s32 v10, v6  }
0x1f0: {  	[tilespmem:s22+$0x1A01] =	vst v4;
	v25 =	vld [tilespmem:s22+$0x1C03];
	v6 =	vadd.s32 v11, v6  }
0x1f1: {  	[tilespmem:s22+$0x1B02] =	vst v4;
	v26 =	vld [tilespmem:s22+$0x1D04];
	v7 =	vadd.s32 v12, v6  }
0x1f2: {  	[tilespmem:s22+$0x1C03] =	vst v4;
	v27 =	vld [tilespmem:s22+$0x1E05];
	v7 =	vadd.s32 v13, v7  }
0x1f3: {  	[tilespmem:s22+$0x1D04] =	vst v4;
	v10 =	vadd.s32 v22, v23;
	v8 =	vadd.s32 v14, v7  }
0x1f4: {  	[tilespmem:s22+$0x1E05] =	vst v4;
	v28 =	vld [tilespmem:s22+$0x1F06];
	v10 =	vadd.s32 v24, v10;
	v8 =	vadd.s32 v15, v8  }
0x1f5: {  	[tilespmem:s22+$0x1F06] =	vst v4;
	v6 =	vld [tilespmem:s22+$0x2007];
	v10 =	vadd.s32 v25, v10;
	v9 =	vadd.s32 v16, v8  }
0x1f6: {  	[tilespmem:s22+$0x2007] =	vst v4;
	v10 =	vadd.s32 v26, v10;
	v7 =	vld [tilespmem:s22+$0x2108];
	v9 =	vadd.s32 v17, v9  }
0x1f7: {  	[tilespmem:s22+$0x2108] =	vst v4;
	v63 =	vadd.s32 v27, v10;
	v10 =	vld [tilespmem:s22+$0x240B];
	v11 =	vadd.s32 v18, v9  }
0x1f8: {  	[tilespmem:s22+$0x240B] =	vst v4;
	v8 =	vld [tilespmem:s22+$0x2209];
	v11 =	vadd.s32 v19, v11  }
0x1f9: {  	[tilespmem:s22+$0x2209] =	vst v4;
	v9 =	vld [tilespmem:s22+$0x230A];
	v11 =	vadd.s32 v20, v11  }
0x1fa: {  	v3 =	vadd.s32 v3, v5;
	s24 =	simm.s32 $0x80;
	s25 =	simm.s32 $0xC0;
	[tilespmem:s22+$0x230A] =	vst v4;
	v5 =	vadd.s32 v21, v11;
	v11 =	vadd.s32 v28, v63  }
.LBB2_25:
0x1fb: {  	p2 =	sne.s32 s25, $0x3C0;
	v6 =	vadd.s32 v6, v11;
	v11 =	vld [tilespmem:s22+$0x250C];
	[tilespmem:s22+$0x250C] =	vst v4  }
0x1fc: {  	v6 =	vadd.s32 v7, v6;
	v7 =	vld [tilespmem:s22+$0x260D];
	[tilespmem:s22+$0x260D] =	vst v4  }
0x1fd: {  	v6 =	vadd.s32 v8, v6;
	v8 =	vld [tilespmem:s22+$0x270E];
	[tilespmem:s22+$0x270E] =	vst v4  }
0x1fe: {  	v6 =	vadd.s32 v9, v6;
	v9 =	vld [tilespmem:s22+$0x280F];
	[tilespmem:s22+$0x280F] =	vst v4  }
0x1ff: {  	v6 =	vadd.s32 v10, v6;
	[tilespmem:s23+$0x2980] =	vst v5;
	s23 =	smov.u32 s22;
	s22 =	sshra.s32 s24, $0x2;
	s24 =	smov.u32 s25  }
0x200: {  	v10 =	vld [tilespmem:s22+$0x1900];
	[tilespmem:s22+$0x1900] =	vst v4;
	v5 =	vadd.s32 v11, v6  }
0x201: {  	v6 =	vld [tilespmem:s22+$0x1A01];
	[tilespmem:s22+$0x1A01] =	vst v4;
	v5 =	vadd.s32 v7, v5  }
0x202: {  	v7 =	vld [tilespmem:s22+$0x1B02];
	[tilespmem:s22+$0x1B02] =	vst v4;
	v5 =	vadd.s32 v8, v5  }
0x203: {  	v8 =	vld [tilespmem:s22+$0x1C03];
	[tilespmem:s22+$0x1C03] =	vst v4;
	v5 =	vadd.s32 v9, v5  }
0x204: {  	v9 =	vld [tilespmem:s22+$0x1D04];
	[tilespmem:s22+$0x1D04] =	vst v4  }
0x205: {  	v11 =	vld [tilespmem:s22+$0x1E05];
	[tilespmem:s22+$0x1E05] =	vst v4  }
0x206: {  	v6 =	vadd.s32 v10, v6;
	v10 =	vld [tilespmem:s22+$0x1F06];
	[tilespmem:s22+$0x1F06] =	vst v4  }
.Ltmp14:
0x207: {  	v7 =	vadd.s32 v7, v6;
	v6 =	vld [tilespmem:s22+$0x2007];
	[tilespmem:s22+$0x2007] =	vst v4;
	(pc) =	sbr.rel @p2 .LBB2_25-.Ltmp14, $4  }
0x208: {  	v8 =	vadd.s32 v8, v7;
	v7 =	vld [tilespmem:s22+$0x2108];
	[tilespmem:s22+$0x2108] =	vst v4  }
0x209: {  	v9 =	vadd.s32 v9, v8;
	v8 =	vld [tilespmem:s22+$0x2209];
	[tilespmem:s22+$0x2209] =	vst v4  }
0x20a: {  	v11 =	vadd.s32 v11, v9;
	v9 =	vld [tilespmem:s22+$0x230A];
	[tilespmem:s22+$0x230A] =	vst v4  }
0x20b: {  	s25 =	sadd.s32 $0x40, s25;
	v11 =	vadd.s32 v10, v11;
	v10 =	vld [tilespmem:s22+$0x240B];
	[tilespmem:s22+$0x240B] =	vst v4  }
0x20c: {  	v12 =	vld [tilespmem:s22+$0x250C];
	[tilespmem:s22+$0x250C] =	vst v4  }
0x20d: {  	v13 =	vld [tilespmem:s22+$0x260D];
	[tilespmem:s22+$0x260D] =	vst v4  }
0x20e: {  	v14 =	vld [tilespmem:s22+$0x270E];
	[tilespmem:s22+$0x270E] =	vst v4  }
0x20f: {  	v15 =	vld [tilespmem:s22+$0x280F];
	[tilespmem:s22+$0x280F] =	vst v4  }
0x210: {  	s24 =	sshra.s32 s24, $0x2;
	[tilespmem:s23+$0x2980] =	vst v5  }
0x211: {  	v5 =	vld [tilespmem:s24+$0x1900]  }
0x212: {  	v16 =	vld [tilespmem:s24+$0x1A01]  }
0x213: {  	v17 =	vld [tilespmem:s24+$0x1B02]  }
0x214: {  	v18 =	vld [tilespmem:s24+$0x1C03]  }
0x215: {  	[tilespmem:s24+$0x1900] =	vst v4;
	v19 =	vld [tilespmem:s24+$0x1D04]  }
0x216: {  	[tilespmem:s24+$0x1A01] =	vst v4;
	v20 =	vld [tilespmem:s24+$0x1E05]  }
0x217: {  	[tilespmem:s24+$0x1B02] =	vst v4;
	v5 =	vadd.s32 v5, v16;
	v16 =	vld [tilespmem:s24+$0x1F06]  }
0x218: {  	[tilespmem:s24+$0x1C03] =	vst v4;
	v5 =	vadd.s32 v17, v5;
	v17 =	vld [tilespmem:s24+$0x2007]  }
0x219: {  	[tilespmem:s24+$0x1D04] =	vst v4;
	v5 =	vadd.s32 v18, v5;
	v18 =	vld [tilespmem:s24+$0x2108]  }
0x21a: {  	[tilespmem:s24+$0x1E05] =	vst v4;
	v5 =	vadd.s32 v19, v5;
	v19 =	vld [tilespmem:s24+$0x2209]  }
0x21b: {  	v63 =	vld [tilespmem:s24+$0x230A];
	[tilespmem:s24+$0x230A] =	vst v4;
	v5 =	vadd.s32 v20, v5  }
0x21c: {  	v6 =	vadd.s32 v6, v11;
	v11 =	vld [tilespmem:s24+$0x240B];
	[tilespmem:s24+$0x240B] =	vst v4;
	v5 =	vadd.s32 v16, v5  }
0x21d: {  	v6 =	vadd.s32 v7, v6;
	v7 =	vld [tilespmem:s24+$0x250C];
	[tilespmem:s24+$0x250C] =	vst v4;
	v5 =	vadd.s32 v17, v5  }
0x21e: {  	v6 =	vadd.s32 v8, v6;
	v8 =	vld [tilespmem:s24+$0x260D];
	[tilespmem:s24+$0x260D] =	vst v4;
	v5 =	vadd.s32 v18, v5  }
0x21f: {  	v6 =	vadd.s32 v9, v6;
	v9 =	vld [tilespmem:s24+$0x270E];
	[tilespmem:s24+$0x270E] =	vst v4;
	v5 =	vadd.s32 v19, v5  }
0x220: {  	v6 =	vadd.s32 v10, v6;
	v10 =	vld [tilespmem:s24+$0x280F];
	[tilespmem:s24+$0x280F] =	vst v4;
	v5 =	vadd.s32 v63, v5  }
0x221: {  	v6 =	vadd.s32 v12, v6;
	[tilespmem:s24+$0x1F06] =	vst v4;
	v5 =	vadd.s32 v11, v5  }
0x222: {  	v6 =	vadd.s32 v13, v6;
	[tilespmem:s24+$0x2007] =	vst v4;
	v5 =	vadd.s32 v7, v5  }
0x223: {  	v6 =	vadd.s32 v14, v6;
	[tilespmem:s24+$0x2108] =	vst v4;
	v5 =	vadd.s32 v8, v5  }
0x224: {  	v6 =	vadd.s32 v15, v6;
	[tilespmem:s24+$0x2209] =	vst v4;
	v4 =	vadd.s32 v9, v5  }
0x225: {  	[tilespmem:s22+$0x2980] =	vst v6;
	v4 =	vadd.s32 v10, v4  }
0x226: {  	[tilespmem:s24+$0x2980] =	vst v4  }
0x227: {  	s28 =	simm.s32 $0x80;
	s29 =	simm.s32 $0x2C80;
	_ =	strace $0x90000059  }
0x228: {  	s30 =	simm.s32 $0x2980;
	s31 =	simm.s32 $0x2;
	_ =	strace $0x8000005A  }
0x229: {  	[spmem:s16] =	stream.indirect.scatter.add.s32 [tilespmem:s30], [sflag:$0x2], $0x1, s29, s28, $0x2000b8;
	[tilespmem:$0x52F0] =	vst v63  }
0x22a: {  	_ =	swait.ge [sflag:s31], $0x80  }
0x22b: {  	[sflag:s31] =	ssyncset.done $0x0  }
0x22c: {  	s25 =	simm.s32 $0x2D00;
	s26 =	simm.s32 $0x2A00;
	[sflag:s31] =	ssyncadd.s32 $0xFFFFFF80  }
0x22d: {  	[spmem:s16] =	stream.indirect.scatter.add.s32 [tilespmem:s26], [sflag:$0x2], $0x1, s25, s28, $0x2000b8;
	[tilespmem:$0x52F0] =	vst v63  }
0x22e: {  	_ =	swait.ge [sflag:s31], $0x80  }
0x22f: {  	[sflag:s31] =	ssyncset.done $0x0  }
0x230: {  	[sflag:s31] =	ssyncadd.s32 $0xFFFFFF80  }
0x231: {  	_ =	strace $0x9000005A  }
0x232: {  	_ =	strace $0x8000005B  }
0x233: {  	[bflag:$0x0] =	sbarrier.arrive $0xFFFF  }
0x234: {  	_ =	strace $0x9000005B  }
0x235: {  	_ =	strace $0x8000005C  }
0x236: {  	[tilespmem:s30], [sflag:$0x2] =	stream.linear.gather [spmem:s21], $0x100, $0x200038;
	[tilespmem:$0x52F0] =	vst v63  }
0x237: {  	_ =	swait.ge [sflag:s31], $0x100  }
0x238: {  	[sflag:s31] =	ssyncset.done $0x0  }
0x239: {  	[sflag:s31] =	ssyncadd.s32 $0xFFFFFF00  }
0x23a: {  	_ =	strace $0x9000005C  }
0x23b: {  	s25 =	simm.s32 $0x2A70;
	_ =	strace $0x8000005D  }
0x23c: {  	v12 =	vld [tilespmem:s25+$0x0]  }
0x23d: {  	v4 =	vlaneseq.u32  }
0x23e: {  	v4 =	vmul.u32 $0xFFFFFFFF, v4;
	_ =	sdelay $0x1  }
0x23f: {  	v5 =	vadd.s32 $0xF, v4  }
0x240: {  	s26 =	simm.s32 $0x2A60;
	v4 =	vperm.xlane v12, v5  }
0x241: {  	v8 =	vld [tilespmem:s26+$0x0]  }
0x242: {  	(xrf0) =	vadd.scan.msk.s32 $0xffff, v4;
	_ =	sdelay $0x3  }
0x243: {  	v4 =	vperm.xlane v8, v5;
	_ =	sdelay $0x1  }
0x244: {  	s28 =	simm.s32 $0x2A50;
	v6, _, _ =	vpop (xrf0);
	(xrf0) =	vadd.scan.msk.s32 $0xffff, v4  }
0x245: {  	v4 =	vperm.xlane v6, v5;
	v6 =	vld [tilespmem:s28+$0x0]  }
0x246: {  	v7 =	vimm.s32 $0x0;
	s29 =	simm.s32 $0xF0  }
0x247: {  	v9 =	vmov s29;
	v14 =	vadd.s32 v7, v4  }
0x248: {  	v11 =	vadd.s32 $0xFFFFFFFF, v9;
	s30 =	simm.s32 $0x2A40;
	vm0 =	vge.s32 v14, v3  }
0x249: {  	v9 =	vimm.s32 $0xFFFFFFFF;
	v11 =	vbroadcast v11, $0x0;
	v4 =	vld [tilespmem:s30+$0x0];
	v10 =	vmpcnt.ones.xlane vm0  }
0x24a: {  	vm2 =	vlt.s32 v9, $0x0;
	v13 =	vperm.xlane v14, v7;
	v17 =	vperm.xlane v6, v5;
	v15, _, _ =	vpop (xrf0)  }
0x24b: {  	s31 =	simm.s32 $0xE0;
	vm0 =	vgt.s32 v10, $0x0;
	v16 =	vadd.s32 $0xFFFFFFFF, v10;
	v18 =	vperm.xlane v15, v5  }
0x24c: {  	v15 =	vadd.s32 v10, v11;
	v11 =	vmov s31;
	vm1 =	vgt.s32 v16, $0x0;
	(xrf0) =	vadd.scan.msk.s32 $0xffff, v17  }
0x24d: {  	vm0 =	vmand vm2, vm0;
	v19 =	vnsel vm1, $0x0, v16;
	v10 =	vadd.s32 v13, v18  }
0x24e: {  	s23 =	simm.s32 $0xB0;
	v13 =	vperm.xlane v4, v5;
	v16 =	vperm.xlane v12, v19;
	vm1 =	vge.s32 v10, v3  }
0x24f: {  	s22 =	simm.s32 $0xD0;
	s24 =	simm.s32 $0x2A30;
	s21 =	simm.s32 $0xC0;
	v17 =	vperm.xlane v14, v19;
	v14 =	vimm.s32 $0x0;
	v12 =	vimm.s32 $0x0  }
.LBB2_27:
0x250: {  	v18 =	vld [tilespmem:s24+$0x0];
	p2 =	sne.s32 s23, $0x0;
	v19 =	vmpcnt.ones.xlane vm1;
	v9 =	vsel vm0, v15, v9;
	v14 =	vsel vm0, v16, v14;
	v20 =	vmovc v10;
	s25 =	smov.u32 s23;
	s23 =	sadd.s32 $0xFFFFFFF0, s23  }
0x251: {  	v10 =	vadd.s32 $0xFFFFFFFF, v11;
	v16 =	vperm.xlane v20, v7;
	v12 =	vsel vm0, v17, v12  }
.Ltmp15:
0x252: {  	v10 =	vbroadcast v10, $0x0;
	v11, _, _ =	vpop (xrf0);
	vm0 =	vgt.s32 v19, $0x0;
	v17 =	vadd.s32 $0xFFFFFFFF, v19;
	(pc) =	sbr.rel @p2 .LBB2_27-.Ltmp15, $4  }
0x253: {  	(xrf0) =	vadd.scan.msk.s32 $0xffff, v13;
	v21 =	vperm.xlane v11, v5;
	v11 =	vmov s22;
	vm1 =	vgt.s32 v17, $0x0;
	s22 =	smov.u32 s21;
	s21 =	smov.u32 s25  }
0x254: {  	vm2 =	vlt.s32 v9, $0x0;
	v15 =	vadd.s32 v19, v10;
	v17 =	vnsel vm1, $0x0, v17  }
0x255: {  	v13 =	vperm.xlane v18, v5;
	v10 =	vadd.s32 v16, v21;
	v16 =	vperm.xlane v8, v17;
	v8 =	vmovc v6  }
0x256: {  	s24 =	sadd.s32 $0xFFFFFFF0, s24;
	vm0 =	vmand vm2, vm0;
	v17 =	vperm.xlane v20, v17;
	v6 =	vmovc v4;
	v4 =	vmovc v18;
	vm1 =	vge.s32 v10, v3  }
0x257: {  	v18 =	vmpcnt.ones.xlane vm1  }
0x258: {  	v9 =	vsel vm0, v15, v9;
	v14 =	vsel vm0, v16, v14;
	v11 =	vadd.s32 $0xFFFFFFFF, v11;
	(xrf0) =	vadd.scan.msk.s32 $0xffff, v13  }
0x259: {  	v52 =	vperm.xlane v10, v7;
	v54 =	vmov s22;
	v12 =	vsel vm0, v17, v12  }
0x25a: {  	v11 =	vbroadcast v11, $0x0;
	vm2 =	vlt.s32 v9, $0x0;
	v51, _, _ =	vpop (xrf0);
	v53 =	vadd.s32 $0xFFFFFFFF, v18  }
0x25b: {  	v58 =	vadd.s32 $0xFFFFFFFF, v54;
	v13 =	vperm.xlane v51, v5;
	vm8 =	vgt.s32 v53, $0x0  }
0x25c: {  	vm7 =	vgt.s32 v18, $0x0;
	v11 =	vadd.s32 v18, v11;
	v16 =	vnsel vm8, $0x0, v53  }
0x25d: {  	vm0 =	vmand vm2, vm7;
	v13 =	vadd.s32 v52, v13;
	v8 =	vperm.xlane v8, v16  }
0x25e: {  	v55 =	vperm.xlane v10, v16;
	vm9 =	vge.s32 v13, v3;
	v57, _, _ =	vpop (xrf0);
	v7 =	vperm.xlane v13, v7  }
0x25f: {  	v9 =	vsel vm0, v11, v9;
	v56 =	vmpcnt.ones.xlane vm9;
	v5 =	vperm.xlane v57, v5  }
0x260: {  	v11 =	vbroadcast v58, $0x0;
	vm13 =	vlt.s32 v9, $0x0;
	v8 =	vsel vm0, v8, v14  }
0x261: {  	v10 =	vsel vm0, v55, v12;
	vm10 =	vgt.s32 v56, $0x0;
	v5 =	vadd.s32 v7, v5  }
0x262: {  	v59 =	vadd.s32 $0xFFFFFFFF, v56;
	v7 =	vmov s21;
	vm12 =	vge.s32 v5, v3  }
0x263: {  	v11 =	vadd.s32 v56, v11;
	vm11 =	vgt.s32 v59, $0x0;
	v60 =	vmpcnt.ones.xlane vm12  }
0x264: {  	vm0 =	vmand vm13, vm10;
	v7 =	vadd.s32 $0xFFFFFFFF, v7;
	v12 =	vnsel vm11, $0x0, v59  }
0x265: {  	v9 =	vsel vm0, v11, v9;
	v7 =	vbroadcast v7, $0x0;
	v61 =	vadd.s32 $0xFFFFFFFF, v60  }
0x266: {  	v6 =	vperm.xlane v6, v12;
	v12 =	vperm.xlane v13, v12;
	vm14 =	vgt.s32 v61, $0x0  }
.Ltmp16:
0x267: {  	vm15 =	vlt.s32 v9, $0x0;
	vm2 =	vgt.s32 v60, $0x0;
	v62 =	vnsel vm14, $0x0, v61;
	(pc) =	sbr.rel @p1 .LBB2_32-.Ltmp16, $4  }
0x268: {  	v7 =	vadd.s32 v60, v7;
	vm1 =	vmand vm15, vm2;
	v5 =	vperm.xlane v5, v62  }
0x269: {  	v10 =	vsel vm0, v12, v10;
	v7 =	vsel vm1, v7, v9;
	v4 =	vperm.xlane v4, v62  }
0x26a: {  	_ =	strace $0x9000005D;
	v6 =	vsel vm0, v6, v8;
	v7 =	vshll.u32 v7, $0x8;
	v63 =	vsel vm1, v5, v10  }
0x26b: {  	_ =	strace $0x8000005E;
	v2 =	vor.u32 v2, v7;
	v5 =	vsel vm1, v4, v6;
	v3 =	vsub.s32 v3, v63  }
0x26c: {  	p2 =	sne.s32 s20, $0x1  }
.Ltmp17:
0x26d: {  	_ = 	snop;
	(pc) =	sbr.rel @!p2 .LBB2_31-.Ltmp17, $3  }
0x26e: {  	_ =	sdelay $0x1  }
0x26f: {  	s22 =	simm.s32 $0x800;
	v4 =	vlaneseq.u32  }
0x270: {  	v6 =	vimm.s32 $0x1;
	s21 =	simm.s32 $0x1900;
	s23 =	sadd.s32 $0xFFFFFFFF, s20;
	v4 =	vmul.u32 $0x101, v4;
	v7 =	vld [tilespmem:s22+$0x0]  }
.LBB2_30:
0x271: {  	p2 =	sne.s32 s23, $0x1;
	_ =	sdelay $0x3  }
0x272: {  	v8 =	vand.u32 $0xFFFFFF00, v7  }
0x273: {  	v7 =	vand.u32 $0xFF, v7;
	vm0 =	veq.s32 v8, v2  }
0x274: {  	v7 =	vadd.s32 v4, v7;
	_ =	sdelay $0x1  }
.Ltmp18:
0x275: {  	(pc) =	sbr.rel @p2 .LBB2_30-.Ltmp18, $3  }
0x276: {  	_ =	sdelay $0x1  }
0x277: {  	s22 =	sadd.s32 $0x10, s22;
	[tilespmem:v7+s21+$0x0] =	vst.idx.add.s32.msk vm0, v6  }
0x278: {  	s23 =	sadd.s32 $0xFFFFFFFF, s23;
	v7 =	vld [tilespmem:s22+$0x0]  }
.LBB2_31:
0x279: {  	_ =	sdelay $0x3  }
0x27a: {  	v8 =	vand.u32 $0xFFFFFF00, v7  }
0x27b: {  	v7 =	vand.u32 $0xFF, v7;
	vm0 =	veq.s32 v8, v2  }
0x27c: {  	v4 =	vadd.s32 v4, v7;
	_ =	sdelay $0x4  }
0x27d: {  	[tilespmem:v4+s21+$0x0] =	vst.idx.add.s32.msk vm0, v6  }
.LBB2_32:
0x27e: {  	_ =	strace $0x9000005E  }
0x27f: {  	s22 =	simm.s32 $0x0;
	v4 =	vimm.s32 $0x0;
	_ =	strace $0x8000005F  }
0x280: {  	v6 =	vld [tilespmem:s22+$0x1900];
	[tilespmem:s22+$0x1900] =	vst v4  }
0x281: {  	v7 =	vld [tilespmem:s22+$0x1A01];
	[tilespmem:s22+$0x1A01] =	vst v4  }
0x282: {  	v8 =	vld [tilespmem:s22+$0x1B02];
	[tilespmem:s22+$0x1B02] =	vst v4  }
0x283: {  	v9 =	vld [tilespmem:s22+$0x1C03];
	[tilespmem:s22+$0x1C03] =	vst v4  }
0x284: {  	v10 =	vld [tilespmem:s22+$0x1D04];
	[tilespmem:s22+$0x1D04] =	vst v4  }
0x285: {  	v11 =	vld [tilespmem:s22+$0x1E05];
	[tilespmem:s22+$0x1E05] =	vst v4  }
0x286: {  	v12 =	vld [tilespmem:s22+$0x1F06];
	[tilespmem:s22+$0x1F06] =	vst v4  }
0x287: {  	v13 =	vld [tilespmem:s22+$0x2007];
	[tilespmem:s22+$0x2007] =	vst v4  }
0x288: {  	v14 =	vld [tilespmem:s22+$0x2108];
	[tilespmem:s22+$0x2108] =	vst v4  }
0x289: {  	v15 =	vld [tilespmem:s22+$0x2209];
	[tilespmem:s22+$0x2209] =	vst v4  }
0x28a: {  	v16 =	vld [tilespmem:s22+$0x230A];
	[tilespmem:s22+$0x230A] =	vst v4  }
0x28b: {  	v17 =	vld [tilespmem:s22+$0x240B];
	[tilespmem:s22+$0x240B] =	vst v4  }
0x28c: {  	v18 =	vld [tilespmem:s22+$0x250C];
	[tilespmem:s22+$0x250C] =	vst v4  }
0x28d: {  	v19 =	vld [tilespmem:s22+$0x260D];
	[tilespmem:s22+$0x260D] =	vst v4  }
0x28e: {  	v20 =	vld [tilespmem:s22+$0x270E];
	[tilespmem:s22+$0x270E] =	vst v4  }
0x28f: {  	s21 =	simm.s32 $0x10;
	v21 =	vld [tilespmem:s22+$0x280F];
	[tilespmem:s22+$0x280F] =	vst v4;
	v6 =	vadd.s32 v6, v7  }
0x290: {  	v22 =	vld [tilespmem:s21+$0x1900];
	v6 =	vadd.s32 v8, v6  }
0x291: {  	v23 =	vld [tilespmem:s21+$0x1A01];
	v6 =	vadd.s32 v9, v6  }
0x292: {  	[tilespmem:s21+$0x1900] =	vst v4;
	v24 =	vld [tilespmem:s21+$0x1B02];
	v6 =	vadd.s32 v10, v6  }
0x293: {  	[tilespmem:s21+$0x1A01] =	vst v4;
	v25 =	vld [tilespmem:s21+$0x1C03];
	v6 =	vadd.s32 v11, v6  }
0x294: {  	[tilespmem:s21+$0x1B02] =	vst v4;
	v26 =	vld [tilespmem:s21+$0x1D04];
	v7 =	vadd.s32 v12, v6  }
0x295: {  	[tilespmem:s21+$0x1C03] =	vst v4;
	v27 =	vld [tilespmem:s21+$0x1E05];
	v7 =	vadd.s32 v13, v7  }
0x296: {  	[tilespmem:s21+$0x1D04] =	vst v4;
	v10 =	vadd.s32 v22, v23;
	v8 =	vadd.s32 v14, v7  }
0x297: {  	[tilespmem:s21+$0x1E05] =	vst v4;
	v28 =	vld [tilespmem:s21+$0x1F06];
	v10 =	vadd.s32 v24, v10;
	v8 =	vadd.s32 v15, v8  }
0x298: {  	[tilespmem:s21+$0x1F06] =	vst v4;
	v6 =	vld [tilespmem:s21+$0x2007];
	v10 =	vadd.s32 v25, v10;
	v9 =	vadd.s32 v16, v8  }
0x299: {  	[tilespmem:s21+$0x2007] =	vst v4;
	v10 =	vadd.s32 v26, v10;
	v7 =	vld [tilespmem:s21+$0x2108];
	v9 =	vadd.s32 v17, v9  }
0x29a: {  	[tilespmem:s21+$0x2108] =	vst v4;
	v63 =	vadd.s32 v27, v10;
	v10 =	vld [tilespmem:s21+$0x240B];
	v11 =	vadd.s32 v18, v9  }
0x29b: {  	[tilespmem:s21+$0x240B] =	vst v4;
	v8 =	vld [tilespmem:s21+$0x2209];
	v11 =	vadd.s32 v19, v11  }
0x29c: {  	[tilespmem:s21+$0x2209] =	vst v4;
	v9 =	vld [tilespmem:s21+$0x230A];
	v11 =	vadd.s32 v20, v11  }
0x29d: {  	v3 =	vadd.s32 v5, v3;
	s23 =	simm.s32 $0x80;
	s24 =	simm.s32 $0xC0;
	[tilespmem:s21+$0x230A] =	vst v4;
	v5 =	vadd.s32 v21, v11;
	v11 =	vadd.s32 v28, v63  }
.LBB2_33:
0x29e: {  	p2 =	sne.s32 s24, $0x3C0;
	v6 =	vadd.s32 v6, v11;
	v11 =	vld [tilespmem:s21+$0x250C];
	[tilespmem:s21+$0x250C] =	vst v4  }
0x29f: {  	v6 =	vadd.s32 v7, v6;
	v7 =	vld [tilespmem:s21+$0x260D];
	[tilespmem:s21+$0x260D] =	vst v4  }
0x2a0: {  	v6 =	vadd.s32 v8, v6;
	v8 =	vld [tilespmem:s21+$0x270E];
	[tilespmem:s21+$0x270E] =	vst v4  }
0x2a1: {  	v6 =	vadd.s32 v9, v6;
	v9 =	vld [tilespmem:s21+$0x280F];
	[tilespmem:s21+$0x280F] =	vst v4  }
0x2a2: {  	v6 =	vadd.s32 v10, v6;
	[tilespmem:s22+$0x2980] =	vst v5;
	s22 =	smov.u32 s21;
	s21 =	sshra.s32 s23, $0x2;
	s23 =	smov.u32 s24  }
0x2a3: {  	v10 =	vld [tilespmem:s21+$0x1900];
	[tilespmem:s21+$0x1900] =	vst v4;
	v5 =	vadd.s32 v11, v6  }
0x2a4: {  	v6 =	vld [tilespmem:s21+$0x1A01];
	[tilespmem:s21+$0x1A01] =	vst v4;
	v5 =	vadd.s32 v7, v5  }
0x2a5: {  	v7 =	vld [tilespmem:s21+$0x1B02];
	[tilespmem:s21+$0x1B02] =	vst v4;
	v5 =	vadd.s32 v8, v5  }
0x2a6: {  	v8 =	vld [tilespmem:s21+$0x1C03];
	[tilespmem:s21+$0x1C03] =	vst v4;
	v5 =	vadd.s32 v9, v5  }
0x2a7: {  	v9 =	vld [tilespmem:s21+$0x1D04];
	[tilespmem:s21+$0x1D04] =	vst v4  }
0x2a8: {  	v11 =	vld [tilespmem:s21+$0x1E05];
	[tilespmem:s21+$0x1E05] =	vst v4  }
0x2a9: {  	v6 =	vadd.s32 v10, v6;
	v10 =	vld [tilespmem:s21+$0x1F06];
	[tilespmem:s21+$0x1F06] =	vst v4  }
.Ltmp19:
0x2aa: {  	v7 =	vadd.s32 v7, v6;
	v6 =	vld [tilespmem:s21+$0x2007];
	[tilespmem:s21+$0x2007] =	vst v4;
	(pc) =	sbr.rel @p2 .LBB2_33-.Ltmp19, $4  }
0x2ab: {  	v8 =	vadd.s32 v8, v7;
	v7 =	vld [tilespmem:s21+$0x2108];
	[tilespmem:s21+$0x2108] =	vst v4  }
0x2ac: {  	v9 =	vadd.s32 v9, v8;
	v8 =	vld [tilespmem:s21+$0x2209];
	[tilespmem:s21+$0x2209] =	vst v4  }
0x2ad: {  	v11 =	vadd.s32 v11, v9;
	v9 =	vld [tilespmem:s21+$0x230A];
	[tilespmem:s21+$0x230A] =	vst v4  }
0x2ae: {  	s24 =	sadd.s32 $0x40, s24;
	v11 =	vadd.s32 v10, v11;
	v10 =	vld [tilespmem:s21+$0x240B];
	[tilespmem:s21+$0x240B] =	vst v4  }
0x2af: {  	v12 =	vld [tilespmem:s21+$0x250C];
	[tilespmem:s21+$0x250C] =	vst v4  }
0x2b0: {  	v13 =	vld [tilespmem:s21+$0x260D];
	[tilespmem:s21+$0x260D] =	vst v4  }
0x2b1: {  	v14 =	vld [tilespmem:s21+$0x270E];
	[tilespmem:s21+$0x270E] =	vst v4  }
0x2b2: {  	v15 =	vld [tilespmem:s21+$0x280F];
	[tilespmem:s21+$0x280F] =	vst v4  }
0x2b3: {  	s23 =	sshra.s32 s23, $0x2;
	[tilespmem:s22+$0x2980] =	vst v5  }
0x2b4: {  	v5 =	vld [tilespmem:s23+$0x1900]  }
0x2b5: {  	v16 =	vld [tilespmem:s23+$0x1A01]  }
0x2b6: {  	v17 =	vld [tilespmem:s23+$0x1B02]  }
0x2b7: {  	v18 =	vld [tilespmem:s23+$0x1C03]  }
0x2b8: {  	[tilespmem:s23+$0x1900] =	vst v4;
	v19 =	vld [tilespmem:s23+$0x1D04]  }
0x2b9: {  	[tilespmem:s23+$0x1A01] =	vst v4;
	v20 =	vld [tilespmem:s23+$0x1E05]  }
0x2ba: {  	[tilespmem:s23+$0x1B02] =	vst v4;
	v58 =	vld [tilespmem:s23+$0x1F06];
	v5 =	vadd.s32 v5, v16  }
0x2bb: {  	[tilespmem:s23+$0x1C03] =	vst v4;
	v59 =	vld [tilespmem:s23+$0x2007];
	v5 =	vadd.s32 v17, v5  }
0x2bc: {  	[tilespmem:s23+$0x1D04] =	vst v4;
	v60 =	vld [tilespmem:s23+$0x2108];
	v5 =	vadd.s32 v18, v5  }
0x2bd: {  	[tilespmem:s23+$0x1E05] =	vst v4;
	v61 =	vld [tilespmem:s23+$0x2209];
	v5 =	vadd.s32 v19, v5  }
0x2be: {  	[tilespmem:s23+$0x1F06] =	vst v4;
	v62 =	vld [tilespmem:s23+$0x230A];
	v5 =	vadd.s32 v20, v5  }
0x2bf: {  	v6 =	vadd.s32 v6, v11;
	[tilespmem:s23+$0x2007] =	vst v4;
	v11 =	vld [tilespmem:s23+$0x240B];
	v5 =	vadd.s32 v58, v5  }
0x2c0: {  	v6 =	vadd.s32 v7, v6;
	[tilespmem:s23+$0x2108] =	vst v4;
	v7 =	vld [tilespmem:s23+$0x250C];
	v5 =	vadd.s32 v59, v5  }
0x2c1: {  	v6 =	vadd.s32 v8, v6;
	[tilespmem:s23+$0x2209] =	vst v4;
	v8 =	vld [tilespmem:s23+$0x260D];
	v5 =	vadd.s32 v60, v5  }
0x2c2: {  	[tilespmem:s23+$0x230A] =	vst v4;
	v6 =	vadd.s32 v9, v6;
	v9 =	vld [tilespmem:s23+$0x270E];
	v5 =	vadd.s32 v61, v5  }
0x2c3: {  	[tilespmem:s23+$0x240B] =	vst v4;
	v6 =	vadd.s32 v10, v6;
	v10 =	vld [tilespmem:s23+$0x280F];
	v5 =	vadd.s32 v62, v5  }
0x2c4: {  	[tilespmem:s23+$0x250C] =	vst v4;
	v6 =	vadd.s32 v12, v6;
	v5 =	vadd.s32 v11, v5  }
0x2c5: {  	[tilespmem:s23+$0x260D] =	vst v4;
	v6 =	vadd.s32 v13, v6;
	v5 =	vadd.s32 v7, v5  }
0x2c6: {  	[tilespmem:s23+$0x270E] =	vst v4;
	v6 =	vadd.s32 v14, v6;
	v5 =	vadd.s32 v8, v5  }
0x2c7: {  	[tilespmem:s23+$0x280F] =	vst v4;
	v6 =	vadd.s32 v15, v6;
	v4 =	vadd.s32 v9, v5  }
0x2c8: {  	[tilespmem:s21+$0x2980] =	vst v6;
	v4 =	vadd.s32 v10, v4  }
0x2c9: {  	[tilespmem:s23+$0x2980] =	vst v4  }
0x2ca: {  	s28 =	simm.s32 $0x80;
	s29 =	simm.s32 $0x2D80;
	_ =	strace $0x9000005F  }
0x2cb: {  	s30 =	simm.s32 $0x2980;
	s31 =	simm.s32 $0x2;
	_ =	strace $0x80000060  }
0x2cc: {  	[spmem:s16] =	stream.indirect.scatter.add.s32 [tilespmem:s30], [sflag:$0x2], $0x1, s29, s28, $0x2000b8;
	[tilespmem:$0x52F0] =	vst v63  }
0x2cd: {  	_ =	swait.ge [sflag:s31], $0x80  }
0x2ce: {  	[sflag:s31] =	ssyncset.done $0x0  }
0x2cf: {  	s24 =	simm.s32 $0x2E00;
	s25 =	simm.s32 $0x2A00;
	[sflag:s31] =	ssyncadd.s32 $0xFFFFFF80  }
0x2d0: {  	[spmem:s16] =	stream.indirect.scatter.add.s32 [tilespmem:s25], [sflag:$0x2], $0x1, s24, s28, $0x2000b8;
	[tilespmem:$0x52F0] =	vst v63  }
0x2d1: {  	_ =	swait.ge [sflag:s31], $0x80  }
0x2d2: {  	[sflag:s31] =	ssyncset.done $0x0  }
0x2d3: {  	[sflag:s31] =	ssyncadd.s32 $0xFFFFFF80  }
0x2d4: {  	s25 =	simm.s32 $0x5080;
	_ =	strace $0x90000060  }
0x2d5: {  	[spmem:s19] =	stream.linear.scatter [tilespmem:s25], [sflag:$0x2], $0x20, $0x38;
	[tilespmem:$0x52F0] =	vst v63  }
0x2d6: {  	_ =	swait.ge [sflag:s31], $0x20  }
0x2d7: {  	[sflag:s31] =	ssyncset.done $0x0  }
0x2d8: {  	s26 =	simm.s32 $0x3600;
	[sflag:s31] =	ssyncadd.s32 $0xFFFFFFE0  }
0x2d9: {  	[spmem:s18] =	stream.linear.scatter [tilespmem:s26], [sflag:$0x2], $0x20, $0x38;
	[tilespmem:$0x52F0] =	vst v63  }
0x2da: {  	_ =	swait.ge [sflag:s31], $0x20  }
0x2db: {  	[sflag:s31] =	ssyncset.done $0x0  }
0x2dc: {  	[sflag:s31] =	ssyncadd.s32 $0xFFFFFFE0  }
0x2dd: {  	_ =	strace $0x80000061  }
0x2de: {  	[bflag:$0x0] =	sbarrier.arrive $0xFFFF  }
0x2df: {  	_ =	strace $0x90000061  }
0x2e0: {  	_ =	strace $0x80000062  }
0x2e1: {  	[tilespmem:s30], [sflag:$0x2] =	stream.linear.gather [spmem:s17], $0x100, $0x200038;
	[tilespmem:$0x52F0] =	vst v63  }
0x2e2: {  	_ =	swait.ge [sflag:s31], $0x100  }
0x2e3: {  	[sflag:s31] =	ssyncset.done $0x0  }
0x2e4: {  	[sflag:s31] =	ssyncadd.s32 $0xFFFFFF00  }
0x2e5: {  	_ =	strace $0x90000062  }
0x2e6: {  	s28 =	simm.s32 $0x2A70;
	_ =	strace $0x80000063  }
0x2e7: {  	v5 =	vld [tilespmem:s28+$0x0]  }
0x2e8: {  	v4 =	vlaneseq.u32  }
0x2e9: {  	v4 =	vmul.u32 $0xFFFFFFFF, v4;
	_ =	sdelay $0x1  }
0x2ea: {  	v4 =	vadd.s32 $0xF, v4  }
0x2eb: {  	v5 =	vperm.xlane v5, v4  }
0x2ec: {  	s29 =	simm.s32 $0x2A60  }
0x2ed: {  	v6 =	vld [tilespmem:s29+$0x0];
	(xrf0) =	vadd.scan.msk.s32 $0xffff, v5;
	_ =	sdelay $0x4  }
0x2ee: {  	v5 =	vperm.xlane v6, v4  }
0x2ef: {  	s30 =	simm.s32 $0x2A50;
	v6, _, _ =	vpop (xrf0)  }
0x2f0: {  	v7 =	vld [tilespmem:s30+$0x0];
	(xrf0) =	vadd.scan.msk.s32 $0xffff, v5;
	v6 =	vperm.xlane v6, v4  }
0x2f1: {  	s31 =	simm.s32 $0xF0;
	v5 =	vimm.s32 $0x0  }
0x2f2: {  	v8 =	vadd.s32 v5, v6;
	v6 =	vmov s31  }
0x2f3: {  	v10 =	vadd.s32 $0xFFFFFFFF, v6  }
0x2f4: {  	vm0 =	vge.s32 v8, v3  }
0x2f5: {  	s19 =	simm.s32 $0x2A40;
	v11 =	vperm.xlane v7, v4;
	v9 =	vmpcnt.ones.xlane vm0  }
0x2f6: {  	v6 =	vimm.s32 $0xFFFFFFFF;
	v7 =	vperm.xlane v8, v5;
	v8 =	vld [tilespmem:s19+$0x0];
	v63 =	vbroadcast v10, $0x0;
	v10, _, _ =	vpop (xrf0)  }
0x2f7: {  	s21 =	simm.s32 $0xB0;
	vm0 =	vlt.s32 v6, $0x0;
	vm1 =	vgt.s32 v9, $0x0;
	(xrf0) =	vadd.scan.msk.s32 $0xffff, v11;
	v10 =	vperm.xlane v10, v4  }
0x2f8: {  	s16 =	simm.s32 $0xC0;
	s18 =	simm.s32 $0xE0;
	s17 =	simm.s32 $0xD0;
	v9 =	vadd.s32 v9, v63;
	vm0 =	vmand vm0, vm1  }
.LBB2_35:
0x2f9: {  	p2 =	sne.s32 s21, $0x0;
	v7 =	vadd.s32 v7, v10;
	v10 =	vmov s18;
	s18 =	smov.u32 s17  }
0x2fa: {  	v6 =	vsel vm0, v9, v6;
	s17 =	smov.u32 s16;
	s16 =	smov.u32 s21;
	s21 =	sadd.s32 $0xFFFFFFF0, s21  }
.Ltmp20:
0x2fb: {  	s19 =	sadd.s32 $0xFFFFFFF0, s19;
	v12 =	vperm.xlane v8, v4;
	vm0 =	vge.s32 v7, v3;
	v7 =	vperm.xlane v7, v5;
	(pc) =	sbr.rel @p2 .LBB2_35-.Ltmp20, $4  }
0x2fc: {  	v10 =	vadd.s32 $0xFFFFFFFF, v10;
	v8 =	vld [tilespmem:s19+$0x0];
	v11 =	vmpcnt.ones.xlane vm0  }
0x2fd: {  	(xrf0) =	vadd.scan.msk.s32 $0xffff, v12;
	v9, _, _ =	vpop (xrf0);
	v12 =	vbroadcast v10, $0x0  }
0x2fe: {  	vm0 =	vlt.s32 v6, $0x0;
	v10 =	vperm.xlane v9, v4;
	vm1 =	vgt.s32 v11, $0x0  }
0x2ff: {  	vm0 =	vmand vm0, vm1;
	v9 =	vadd.s32 v11, v12  }
0x300: {  	_ = 	snop  }
0x301: {  	v8 =	vperm.xlane v8, v4;
	_ =	sdelay $0x1  }
0x302: {  	v7 =	vadd.s32 v7, v10;
	(xrf0) =	vadd.scan.msk.s32 $0xffff, v8;
	v11, _, _ =	vpop (xrf0)  }
0x303: {  	vm1 =	vge.s32 v7, v3;
	v7 =	vperm.xlane v7, v5;
	v61 =	vperm.xlane v11, v4  }
0x304: {  	v59 =	vmov s18;
	v60 =	vmpcnt.ones.xlane vm1  }
0x305: {  	v6 =	vsel vm0, v9, v6;
	v8 =	vadd.s32 $0xFFFFFFFF, v59;
	v7 =	vadd.s32 v7, v61  }
0x306: {  	vm0 =	vlt.s32 v6, $0x0;
	v8 =	vbroadcast v8, $0x0;
	vm1 =	vgt.s32 v60, $0x0  }
0x307: {  	v62 =	vmov s17;
	vm0 =	vmand vm0, vm1  }
0x308: {  	v8 =	vadd.s32 v60, v8;
	vm14 =	vge.s32 v7, v3;
	v5 =	vperm.xlane v7, v5;
	v7, _, _ =	vpop (xrf0)  }
0x309: {  	v6 =	vsel vm0, v8, v6;
	v63 =	vmpcnt.ones.xlane vm14;
	v4 =	vperm.xlane v7, v4  }
0x30a: {  	v9 =	vadd.s32 $0xFFFFFFFF, v62;
	vm0 =	vlt.s32 v6, $0x0  }
0x30b: {  	v7 =	vbroadcast v9, $0x0;
	vm1 =	vgt.s32 v63, $0x0;
	v4 =	vadd.s32 v5, v4  }
0x30c: {  	vm0 =	vmand vm0, vm1;
	v5 =	vmov s16;
	vm15 =	vge.s32 v4, v3  }
.Ltmp21:
0x30d: {  	v3 =	vadd.s32 v63, v7;
	v5 =	vadd.s32 $0xFFFFFFFF, v5;
	v4 =	vmpcnt.ones.xlane vm15;
	(pc) =	sbr.rel @p1 .LBB2_40-.Ltmp21, $4  }
0x30e: {  	v3 =	vsel vm0, v3, v6;
	v5 =	vbroadcast v5, $0x0  }
0x30f: {  	vm0 =	vlt.s32 v3, $0x0;
	vm1 =	vgt.s32 v4, $0x0  }
0x310: {  	_ =	strace $0x90000063;
	v4 =	vadd.s32 v4, v5;
	vm0 =	vmand vm0, vm1  }
0x311: {  	_ =	strace $0x80000064;
	v4 =	vsel vm0, v4, v3;
	v3 =	vimm.s32 $0x0  }
0x312: {  	s16 =	simm.s32 $0x800  }
0x313: {  	v6 =	vld [tilespmem:s16+$0x0];
	_ =	sdelay $0x3  }
0x314: {  	v2 =	vor.u32 v2, v4  }
0x315: {  	vm0 =	vge.u32 v6, v2  }
0x316: {  	v4 =	vsel vm0, $0x1, v3  }
0x317: {  	(xrf0) =	vadd.scan.msk.s32 $0xffff, v4;
	_ =	sdelay $0x5  }
0x318: {  	v4, _, _ =	vpop (xrf0)  }
0x319: {  	v4 =	vadd.s32 v4, v3  }
0x31a: {  	v4 =	vadd.s32 $0xFFFFFFFF, v4  }
0x31b: {  	vm1 =	vlt.s32 v4, $0x3F  }
0x31c: {  	v5 =	vnsel vm1, $0x3F, v4  }
0x31d: {  	p1 =	sne.s32 s20, $0x1  }
.Ltmp22:
0x31e: {  	_ = 	snop;
	(pc) =	sbr.rel @!p1 .LBB2_39-.Ltmp22, $4  }
0x31f: {  	_ = 	snop  }
0x320: {  	s17 =	simm.s32 $0x2E80;
	v4 =	vmpcnt.ones.xlane vm0  }
0x321: {  	s18 =	simm.s32 $0x1080;
	[tilespmem:v5+s17+$0x0] =	vst.idx.msk vm0, v6  }
0x322: {  	s19 =	simm.s32 $0x2F00;
	s20 =	sadd.s32 $0xFFFFFFFF, s20;
	v4 =	vadd.s32 v3, v4;
	v6 =	vld [tilespmem:s18+$0x0]  }
.LBB2_38:
0x323: {  	_ =	sdelay $0x3  }
0x324: {  	p1 =	sne.s32 s20, $0x1;
	s16 =	sadd.s32 $0x10, s16;
	s18 =	sadd.s32 $0x10, s18;
	[tilespmem:v5+s19+$0x0] =	vst.idx.msk vm0, v6;
	v5 =	vmov v4  }
0x325: {  	s20 =	sadd.s32 $0xFFFFFFFF, s20;
	v6 =	vld [tilespmem:s16+$0x0];
	_ =	sdelay $0x4  }
0x326: {  	vm0 =	vge.u32 v6, v2  }
0x327: {  	v7 =	vsel vm0, $0x1, v3;
	v8 =	vmpcnt.ones.xlane vm0  }
0x328: {  	(xrf0) =	vadd.scan.msk.s32 $0xffff, v7  }
0x329: {  	v4 =	vadd.s32 v4, v8;
	_ =	sdelay $0x4  }
0x32a: {  	v7, _, _ =	vpop (xrf0)  }
0x32b: {  	v5 =	vadd.s32 v7, v5  }
0x32c: {  	v5 =	vadd.s32 $0xFFFFFFFF, v5  }
0x32d: {  	vm1 =	vlt.s32 v5, $0x3F  }
0x32e: {  	v5 =	vnsel vm1, $0x3F, v5;
	_ =	sdelay $0x1  }
.Ltmp23:
0x32f: {  	(pc) =	sbr.rel @p1 .LBB2_38-.Ltmp23, $3  }
0x330: {  	_ =	sdelay $0x1  }
0x331: {  	[tilespmem:v5+s17+$0x0] =	vst.idx.msk vm0, v6  }
0x332: {  	v6 =	vld [tilespmem:s18+$0x0]  }
.LBB2_39:
0x333: {  	_ =	sdelay $0x3  }
0x334: {  	vm1 =	vlt.s32 v4, $0x40  }
0x335: {  	v3 =	vnsel vm1, $0x40, v4;
	[tilespmem:v5+s19+$0x0] =	vst.idx.msk vm0, v6  }
.LBB2_40:
0x336: {  	_ =	strace $0x90000064;
	[tilespmem:$0x3480] =	vst v3  }
0x337: {  	s16 =	simm.s32 $0x3480;
	s24 =	simm.s32 $0x2;
	_ =	strace $0x80000065  }
0x338: {  	[spmem:s15] =	stream.linear.scatter [tilespmem:s16], [sflag:$0x2], $0x10, $0x200038;
	[tilespmem:$0x52F0] =	vst v63  }
0x339: {  	_ =	swait.ge [sflag:s24], $0x10  }
0x33a: {  	[sflag:s24] =	ssyncset.done $0x0  }
0x33b: {  	[sflag:s24] =	ssyncadd.s32 $0xFFFFFFF0  }
0x33c: {  	s25 =	simm.s32 $0x3500;
	[bflag:$0x0] =	sbarrier.arrive $0xFFFF  }
0x33d: {  	[tilespmem:s25], [sflag:$0x2] =	stream.linear.gather [spmem:s14], $0x100, $0x200038;
	[tilespmem:$0x52F0] =	vst v63  }
0x33e: {  	_ =	swait.ge [sflag:s24], $0x100  }
0x33f: {  	[sflag:s24] =	ssyncset.done $0x0  }
0x340: {  	[sflag:s24] =	ssyncadd.s32 $0xFFFFFF00  }
0x341: {  	_ =	strace $0x90000065  }
0x342: {  	v2 =	vld [tilespmem:$0x3500]  }
0x343: {  	v4 =	vld [tilespmem:$0x3510]  }
0x344: {  	v5 =	vld [tilespmem:$0x3520]  }
0x345: {  	v6 =	vld [tilespmem:$0x3530]  }
0x346: {  	vm0 =	vgt.u32 v1, $0x1;
	vm1 =	veq.s32 v1, $0x0;
	v7 =	vld [tilespmem:$0x3540]  }
0x347: {  	vm2 =	vgt.u32 v1, $0x2;
	vm10 =	vgt.u32 v1, $0x3;
	vm11 =	vgt.u32 v1, $0x4;
	v8 =	vld [tilespmem:$0x3550]  }
0x348: {  	vm12 =	vgt.u32 v1, $0x5;
	v11 =	vld [tilespmem:$0x3560];
	v9 =	vsel vm1, $0x0, v2;
	v10 =	vnsel vm0, $0x0, v4  }
0x349: {  	vm13 =	vgt.u32 v1, $0x6;
	v12 =	vld [tilespmem:$0x3570];
	v41 =	vnsel vm2, $0x0, v5;
	v9 =	vadd.s32 v9, v10  }
0x34a: {  	vm14 =	vgt.u32 v1, $0x7;
	v13 =	vld [tilespmem:$0x3580];
	v42 =	vnsel vm10, $0x0, v6;
	v9 =	vadd.s32 v41, v9  }
0x34b: {  	vm15 =	vgt.u32 v1, $0x8;
	v14 =	vld [tilespmem:$0x3590];
	v43 =	vnsel vm11, $0x0, v7;
	v9 =	vadd.s32 v42, v9  }
0x34c: {  	vm4 =	vgt.u32 v1, $0x9;
	v15 =	vld [tilespmem:$0x35A0];
	v44 =	vnsel vm12, $0x0, v8;
	v9 =	vadd.s32 v43, v9  }
0x34d: {  	vm5 =	vgt.u32 v1, $0xA;
	v16 =	vld [tilespmem:$0x35B0];
	v45 =	vnsel vm13, $0x0, v11;
	v9 =	vadd.s32 v44, v9  }
0x34e: {  	vm6 =	vgt.u32 v1, $0xB;
	v17 =	vld [tilespmem:$0x35C0];
	v46 =	vnsel vm14, $0x0, v12;
	v9 =	vadd.s32 v45, v9  }
0x34f: {  	vm7 =	vgt.u32 v1, $0xC;
	v18 =	vld [tilespmem:$0x35D0];
	v47 =	vnsel vm15, $0x0, v13;
	v9 =	vadd.s32 v46, v9  }
0x350: {  	vm8 =	vgt.u32 v1, $0xD;
	v19 =	vld [tilespmem:$0x35E0];
	v48 =	vnsel vm4, $0x0, v14;
	v9 =	vadd.s32 v47, v9  }
0x351: {  	vm9 =	veq.s32 v1, $0xF;
	v49 =	vnsel vm5, $0x0, v15;
	v9 =	vadd.s32 v48, v9  }
0x352: {  	v55 =	vlaneseq.u32;
	v50 =	vnsel vm6, $0x0, v16;
	v9 =	vadd.s32 v49, v9  }
0x353: {  	v56 =	vor.u32 $0x10, v55;
	v51 =	vnsel vm7, $0x0, v17;
	v9 =	vadd.s32 v50, v9  }
0x354: {  	v20 =	vor.u32 $0x20, v55;
	v53 =	vnsel vm8, $0x0, v18;
	v52 =	vadd.s32 v51, v9  }
0x355: {  	v21 =	vor.u32 $0x30, v55;
	v54 =	vnsel vm9, $0x0, v19;
	v1 =	vadd.s32 v53, v52  }
0x356: {  	vm3 =	vgt.s32 v3, v21;
	vm10 =	vgt.s32 v3, v55;
	v1 =	vadd.s32 v54, v1  }
0x357: {  	vm11 =	vgt.s32 v3, v56;
	vm12 =	vgt.s32 v3, v20;
	v57 =	vadd.s32 v55, v1  }
0x358: {  	v9 =	vadd.s32 v56, v1;
	v58 =	vadd.s32 v20, v1;
	v3 =	vsel vm10, v57, v0  }
0x359: {  	v1 =	vadd.s32 v21, v1;
	v9 =	vsel vm11, v9, v0;
	vm0 =	vlt.s32 v3, $0x23F  }
0x35a: {  	v10 =	vsel vm12, v58, v0;
	vm13 =	vlt.s32 v9, $0x23F;
	v3 =	vnsel vm0, $0x23F, v3  }
0x35b: {  	v59 =	vld [tilespmem:$0x35F0];
	_ =	strace $0x80000066;
	v61 =	vsel vm3, v1, v0;
	vm14 =	vlt.s32 v10, $0x23F;
	v60 =	vnsel vm13, $0x23F, v9;
	[tilespmem:$0x2F80] =	vst v3  }
0x35c: {  	vm15 =	vlt.s32 v61, $0x23F;
	v62 =	vnsel vm14, $0x23F, v10;
	[tilespmem:$0x2F90] =	vst v60  }
0x35d: {  	v0 =	vnsel vm15, $0x23F, v61;
	[tilespmem:$0x2FA0] =	vst v62  }
0x35e: {  	s26 =	simm.s32 $0x40;
	s28 =	simm.s32 $0x2F80;
	s17 =	simm.s32 $0x2E80;
	[tilespmem:$0x2FB0] =	vst v0  }
0x35f: {  	[spmem:s12] =	stream.indirect.scatter [tilespmem:s17], [sflag:$0x2], $0x1, s28, s26, $0x2000b8;
	[tilespmem:$0x52F0] =	vst v63  }
0x360: {  	_ =	swait.ge [sflag:s24], $0x40  }
0x361: {  	[sflag:s24] =	ssyncset.done $0x0  }
0x362: {  	s29 =	simm.s32 $0x2F00;
	[sflag:s24] =	ssyncadd.s32 $0xFFFFFFC0  }
0x363: {  	v63 =	vadd.s32 v2, v4;
	[spmem:s11] =	stream.indirect.scatter [tilespmem:s29], [sflag:$0x2], $0x1, s28, s26, $0x2000b8;
	[tilespmem:$0x52F0] =	vst v63  }
0x364: {  	v0 =	vadd.s32 v5, v63;
	_ =	swait.ge [sflag:s24], $0x40  }
0x365: {  	v0 =	vadd.s32 v6, v0;
	[sflag:s24] =	ssyncset.done $0x0  }
0x366: {  	v0 =	vadd.s32 v7, v0;
	[sflag:s24] =	ssyncadd.s32 $0xFFFFFFC0  }
0x367: {  	s14 =	simm.s32 $0x3080;
	v0 =	vadd.s32 v8, v0;
	[bflag:$0x0] =	sbarrier.arrive $0xFFFF  }
0x368: {  	v0 =	vadd.s32 v11, v0;
	[tilespmem:s14], [sflag:$0x2] =	stream.linear.gather [spmem:s12], $0x200, $0x200038;
	[tilespmem:$0x52F0] =	vst v63  }
0x369: {  	v0 =	vadd.s32 v12, v0;
	_ =	swait.ge [sflag:s24], $0x200  }
0x36a: {  	v0 =	vadd.s32 v13, v0;
	[sflag:s24] =	ssyncset.done $0x0  }
0x36b: {  	v0 =	vadd.s32 v14, v0;
	s12 =	simm.s32 $0x3280;
	[sflag:s24] =	ssyncadd.s32 $0xFFFFFE00  }
0x36c: {  	v0 =	vadd.s32 v15, v0;
	[tilespmem:s12], [sflag:$0x2] =	stream.linear.gather [spmem:s11], $0x200, $0x200038;
	[tilespmem:$0x52F0] =	vst v63  }
0x36d: {  	v0 =	vadd.s32 v16, v0;
	_ =	swait.ge [sflag:s24], $0x200  }
0x36e: {  	v0 =	vadd.s32 v17, v0;
	[sflag:s24] =	ssyncset.done $0x0  }
0x36f: {  	v0 =	vadd.s32 v18, v0;
	[sflag:s24] =	ssyncadd.s32 $0xFFFFFE00  }
0x370: {  	v0 =	vadd.s32 v19, v0;
	_ =	strace $0x90000066  }
0x371: {  	(v2sf) =	vpush v0, $0x0  }
0x372: {  	(v2sf) =	vpush v59, $0x0;
	_ =	sdelay $0xd  }
0x373: {  	s30 =	spop (v2sf)  }
0x374: {  	s31 =	spop (v2sf)  }
0x375: {  	s11 =	sadd.s32 s31, s30  }
0x376: {  	p1 =	sle.s32 s11, s13  }
.Ltmp24:
0x377: {  	_ = 	snop;
	(pc) =	sbr.rel @p1 .LBB2_50-.Ltmp24, $2  }
0x378: {  	_ =	sdelay $0x2  }
0x379: {  	_ =	strace $0x80000067  }
0x37a: {  	p3 =	sne.s32 s11, $0x1  }
.Ltmp25:
0x37b: {  	_ = 	snop;
	(pc) =	sbr.rel @!p3 .LBB2_42-.Ltmp25, $3  }
0x37c: {  	_ =	sdelay $0x1  }
0x37d: {  	v1 =	vld [tilespmem:s13+$0x3080];
	s15 =	simm.s32 $0x0  }
0x37e: {  	v2 =	vld [tilespmem:s13+$0x3280];
	v0 =	vimm.s32 $0x0;
	s13 =	simm.s32 $0x1;
	p1 =	por $0x0, $0x0;
	p2 =	por $0x0, $0x0;
	v3 =	vmov s15  }
0x37f: {  	p3 =	sne.s32 s11, $0x2  }
.Ltmp26:
0x380: {  	_ = 	snop;
	(pc) =	sbr.rel @!p3 .LBB2_44-.Ltmp26, $3  }
0x381: {  	_ =	sdelay $0x1  }
0x382: {  	v7 =	vld.idx.msk [tilespmem:v3+s14+$0x0], $0xffff  }
0x383: {  	s15 =	simm.s32 $0x2;
	v8 =	vmov s13;
	v5 =	vld.idx.msk [tilespmem:v3+s12+$0x0], $0xffff;
	p1 =	por $0x1, $0x1  }
0x384: {  	p3 =	sne.s32 s11, $0x3  }
.Ltmp27:
0x385: {  	_ = 	snop;
	(pc) =	sbr.rel @!p3 .LBB2_46-.Ltmp27, $4  }
0x386: {  	_ = 	snop  }
0x387: {  	vm0 =	vgt.u32 v7, v1  }
0x388: {  	v4 =	vld.idx.msk [tilespmem:v8+s14+$0x0], $0xffff;
	vm1 =	veq.s32 v7, v1;
	vm2 =	vlt.s32 v5, v2;
	v6 =	vsel vm0, $0x1, v0  }
0x389: {  	s13 =	simm.s32 $0x3;
	v3 =	vmov s15;
	p2 =	por $0x1, $0x1;
	v5 =	vld.idx.msk [tilespmem:v8+s12+$0x0], $0xffff;
	vm0 =	vmand vm1, vm2;
	v6 =	vadd.s32 v6, v0  }
.LBB2_47:
0x38a: {  	s15 =	smov.u32 s13;
	s13 =	sadd.s32 $0x1, s13  }
0x38b: {  	v7 =	vsel vm0, $0x1, v0;
	p3 =	sne.s32 s11, s13  }
.Ltmp28:
0x38c: {  	v6 =	vadd.s32 v7, v6;
	(pc) =	sbr.rel @p3 .LBB2_47-.Ltmp28, $4  }
0x38d: {  	_ = 	snop  }
0x38e: {  	vm0 =	vgt.u32 v4, v1;
	vm1 =	veq.s32 v4, v1;
	v4 =	vld.idx.msk [tilespmem:v3+s14+$0x0], $0xffff  }
0x38f: {  	vm2 =	vlt.s32 v5, v2;
	v7 =	vsel vm0, $0x1, v0;
	v5 =	vld.idx.msk [tilespmem:v3+s12+$0x0], $0xffff;
	v3 =	vmov s15  }
0x390: {  	vm0 =	vmand vm1, vm2;
	v6 =	vadd.s32 v7, v6  }
0x391: {  	_ =	sdelay $0x1  }
0x392: {  	v7 =	vmov v4  }
.LBB2_49:
0x393: {  	_ =	sdelay $0x3  }
0x394: {  	v4 =	vsel @p2 vm0, $0x1, v0;
	v59 =	vld.idx.msk [tilespmem:v3+s14+$0x0], $0xffff;
	vm0 =	vgt.u32 @p1 v7, v1  }
0x395: {  	vm1 =	veq.s32 @p1 v7, v1;
	v60 =	vld.idx.msk [tilespmem:v3+s12+$0x0], $0xffff;
	vm2 =	vlt.s32 @p1 v5, v2;
	v4 =	vadd.s32 @p2 v4, v6  }
0x396: {  	v5 =	vsel @p1 vm0, $0x1, v0;
	vm0 =	vmand @p1 vm1, vm2;
	v4 =	vpsel p2, v4, v0  }
0x397: {  	vm0 =	vmmov @p1 vm0;
	v4 =	vadd.s32 @p1 v5, v4  }
0x398: {  	v5 =	vsel @p1 vm0, $0x1, v0;
	v4 =	vpsel p1, v4, v0  }
0x399: {  	v4 =	vadd.s32 @p1 v5, v4  }
0x39a: {  	vm11 =	vgt.u32 v59, v1;
	vm12 =	veq.s32 v59, v1;
	vm13 =	vlt.s32 v60, v2  }
0x39b: {  	v61 =	vsel vm11, $0x1, v0;
	vm14 =	vmand vm12, vm13;
	v62 =	vpsel p1, v4, v0  }
0x39c: {  	v1 =	vadd.s32 v61, v62;
	v63 =	vsel vm14, $0x1, v0  }
0x39d: {  	v0 =	vadd.s32 v63, v1  }
0x39e: {  	vm15 =	vlt.s32 v0, $0x47F  }
0x39f: {  	v0 =	vnsel vm15, $0x47F, v0  }
0x3a0: {  	s30 =	simm.s32 $0x10;
	s13 =	simm.s32 $0x3000;
	s31 =	simm.s32 $0x2;
	[tilespmem:$0x3000] =	vst v0  }
0x3a1: {  	[spmem:s3] =	stream.indirect.scatter [tilespmem:s10], [sflag:$0x2], $0x1, s13, s30, $0x2000b8;
	[tilespmem:$0x52F0] =	vst v63  }
0x3a2: {  	_ =	swait.ge [sflag:s31], $0x10  }
0x3a3: {  	[sflag:s31] =	ssyncset.done $0x0  }
0x3a4: {  	[sflag:s31] =	ssyncadd.s32 $0xFFFFFFF0  }
.LBB2_50:
0x3a5: {  	p1 =	sle.s32 s11, s9  }
.Ltmp29:
0x3a6: {  	_ = 	snop;
	(pc) =	sbr.rel @p1 .LBB2_60-.Ltmp29, $1  }
0x3a7: {  	_ =	sdelay $0x3  }
0x3a8: {  	p3 =	sne.s32 s11, $0x1  }
.Ltmp30:
0x3a9: {  	_ = 	snop;
	(pc) =	sbr.rel @!p3 .LBB2_52-.Ltmp30, $3  }
0x3aa: {  	_ =	sdelay $0x1  }
0x3ab: {  	s13 =	simm.s32 $0x0;
	v1 =	vld [tilespmem:s9+$0x3080];
	s12 =	simm.s32 $0x3080;
	s10 =	simm.s32 $0x3280  }
0x3ac: {  	v2 =	vld [tilespmem:s9+$0x3280];
	v0 =	vimm.s32 $0x0;
	s9 =	simm.s32 $0x1;
	p1 =	por $0x0, $0x0;
	p2 =	por $0x0, $0x0;
	v3 =	vmov s13  }
0x3ad: {  	p3 =	sne.s32 s11, $0x2  }
.Ltmp31:
0x3ae: {  	_ = 	snop;
	(pc) =	sbr.rel @!p3 .LBB2_54-.Ltmp31, $3  }
0x3af: {  	_ =	sdelay $0x1  }
0x3b0: {  	v7 =	vld.idx.msk [tilespmem:v3+s12+$0x0], $0xffff  }
0x3b1: {  	s13 =	simm.s32 $0x2;
	v8 =	vmov s9;
	v5 =	vld.idx.msk [tilespmem:v3+s10+$0x0], $0xffff;
	p1 =	por $0x1, $0x1  }
0x3b2: {  	p3 =	sne.s32 s11, $0x3  }
.Ltmp32:
0x3b3: {  	_ = 	snop;
	(pc) =	sbr.rel @!p3 .LBB2_56-.Ltmp32, $4  }
0x3b4: {  	_ = 	snop  }
0x3b5: {  	vm0 =	vgt.u32 v7, v1  }
0x3b6: {  	v4 =	vld.idx.msk [tilespmem:v8+s12+$0x0], $0xffff;
	vm1 =	veq.s32 v7, v1;
	vm2 =	vlt.s32 v5, v2;
	v6 =	vsel vm0, $0x1, v0  }
0x3b7: {  	s9 =	simm.s32 $0x3;
	v3 =	vmov s13;
	p2 =	por $0x1, $0x1;
	v5 =	vld.idx.msk [tilespmem:v8+s10+$0x0], $0xffff;
	vm0 =	vmand vm1, vm2;
	v6 =	vadd.s32 v6, v0  }
.LBB2_57:
0x3b8: {  	s13 =	smov.u32 s9;
	s9 =	sadd.s32 $0x1, s9  }
0x3b9: {  	v7 =	vsel vm0, $0x1, v0;
	p3 =	sne.s32 s11, s9  }
.Ltmp33:
0x3ba: {  	v6 =	vadd.s32 v7, v6;
	(pc) =	sbr.rel @p3 .LBB2_57-.Ltmp33, $4  }
0x3bb: {  	_ = 	snop  }
0x3bc: {  	vm0 =	vgt.u32 v4, v1;
	vm1 =	veq.s32 v4, v1;
	v4 =	vld.idx.msk [tilespmem:v3+s12+$0x0], $0xffff  }
0x3bd: {  	vm2 =	vlt.s32 v5, v2;
	v7 =	vsel vm0, $0x1, v0;
	v5 =	vld.idx.msk [tilespmem:v3+s10+$0x0], $0xffff;
	v3 =	vmov s13  }
0x3be: {  	vm0 =	vmand vm1, vm2;
	v6 =	vadd.s32 v7, v6  }
0x3bf: {  	_ =	sdelay $0x1  }
0x3c0: {  	v7 =	vmov v4  }
.LBB2_59:
0x3c1: {  	_ =	sdelay $0x3  }
0x3c2: {  	v4 =	vsel @p2 vm0, $0x1, v0;
	v59 =	vld.idx.msk [tilespmem:v3+s12+$0x0], $0xffff;
	vm0 =	vgt.u32 @p1 v7, v1  }
0x3c3: {  	vm1 =	veq.s32 @p1 v7, v1;
	v60 =	vld.idx.msk [tilespmem:v3+s10+$0x0], $0xffff;
	vm2 =	vlt.s32 @p1 v5, v2;
	v4 =	vadd.s32 @p2 v4, v6  }
0x3c4: {  	v5 =	vsel @p1 vm0, $0x1, v0;
	vm0 =	vmand @p1 vm1, vm2;
	v4 =	vpsel p2, v4, v0  }
0x3c5: {  	vm0 =	vmmov @p1 vm0;
	v4 =	vadd.s32 @p1 v5, v4  }
0x3c6: {  	v5 =	vsel @p1 vm0, $0x1, v0;
	v4 =	vpsel p1, v4, v0  }
0x3c7: {  	v4 =	vadd.s32 @p1 v5, v4  }
0x3c8: {  	vm11 =	vgt.u32 v59, v1;
	vm12 =	veq.s32 v59, v1;
	vm13 =	vlt.s32 v60, v2  }
0x3c9: {  	v61 =	vsel vm11, $0x1, v0;
	vm14 =	vmand vm12, vm13;
	v62 =	vpsel p1, v4, v0  }
0x3ca: {  	v1 =	vadd.s32 v61, v62;
	v63 =	vsel vm14, $0x1, v0  }
0x3cb: {  	v0 =	vadd.s32 v63, v1  }
0x3cc: {  	vm15 =	vlt.s32 v0, $0x47F  }
0x3cd: {  	v0 =	vnsel vm15, $0x47F, v0  }
0x3ce: {  	s9 =	simm.s32 $0x10;
	s30 =	simm.s32 $0x3000;
	s31 =	simm.s32 $0x2;
	[tilespmem:$0x3000] =	vst v0  }
0x3cf: {  	[spmem:s3] =	stream.indirect.scatter [tilespmem:s8], [sflag:$0x2], $0x1, s30, s9, $0x2000b8;
	[tilespmem:$0x52F0] =	vst v63  }
0x3d0: {  	_ =	swait.ge [sflag:s31], $0x10  }
0x3d1: {  	[sflag:s31] =	ssyncset.done $0x0  }
0x3d2: {  	[sflag:s31] =	ssyncadd.s32 $0xFFFFFFF0  }
.LBB2_60:
0x3d3: {  	_ =	strace $0x90000067  }
0x3d4: {  	_ =	strace $0x80000068  }
0x3d5: {  	[bflag:$0x0] =	sbarrier.arrive $0xFFFF  }
0x3d6: {  	_ =	strace $0x90000068  }
0x3d7: {  	s8 =	simm.s32 $0x3680;
	s30 =	simm.s32 $0x2;
	_ =	strace $0x80000069  }
0x3d8: {  	[tilespmem:s8], [sflag:$0x2] =	stream.linear.gather [spmem:s3], $0x100, $0x200038;
	[tilespmem:$0x52F0] =	vst v63  }
0x3d9: {  	_ =	swait.ge [sflag:s30], $0x100  }
0x3da: {  	[sflag:s30] =	ssyncset.done $0x0  }
0x3db: {  	[sflag:s30] =	ssyncadd.s32 $0xFFFFFF00  }
0x3dc: {  	_ =	strace $0x90000069  }
0x3dd: {  	_ =	strace $0x8000006A  }
0x3de: {  	v0 =	vld [tilespmem:$0x3680]  }
0x3df: {  	v1 =	vld [tilespmem:$0x3690]  }
0x3e0: {  	v2 =	vld [tilespmem:$0x36A0]  }
0x3e1: {  	v3 =	vld [tilespmem:$0x36B0]  }
0x3e2: {  	v5 =	vld [tilespmem:$0x36C0]  }
0x3e3: {  	v7 =	vld [tilespmem:$0x36D0]  }
0x3e4: {  	v43 =	vld [tilespmem:$0x36E0]  }
0x3e5: {  	v9 =	vld [tilespmem:$0x36F0]  }
0x3e6: {  	v10 =	vld [tilespmem:$0x3700]  }
0x3e7: {  	v48 =	vld [tilespmem:$0x3710];
	v4 =	vshll.u32 v0, $0x3;
	v6 =	vshll.u32 v1, $0x3;
	v0 =	vand.u32 $0x7F, v0  }
0x3e8: {  	v11 =	vld [tilespmem:$0x3720];
	v1 =	vand.u32 $0x7F, v1;
	v42 =	vshll.u32 v2, $0x3;
	v2 =	vand.u32 $0x7F, v2  }
0x3e9: {  	v8 =	vshll.u32 v3, $0x3;
	v45 =	vshll.u32 v5, $0x3;
	v3 =	vand.u32 $0x7F, v3  }
0x3ea: {  	v54 =	vld [tilespmem:$0x3740];
	v5 =	vand.u32 $0x7F, v5;
	v47 =	vshll.u32 v7, $0x3;
	v49 =	vand.u32 $0x7F, v7  }
0x3eb: {  	v50 =	vshll.u32 v43, $0x3;
	v51 =	vshll.u32 v9, $0x3;
	v52 =	vand.u32 $0x7F, v9  }
0x3ec: {  	v55 =	vand.u32 $0x7F, v10;
	v56 =	vshll.u32 v48, $0x3;
	v4 =	vand.u32 $0xFFFFFC00, v4  }
0x3ed: {  	v58 =	vshll.u32 v11, $0x3;
	v6 =	vand.u32 $0xFFFFFC00, v6;
	v0 =	vor.u32 v0, v4  }
0x3ee: {  	v59 =	vand.u32 $0x7F, v11;
	v44 =	vand.u32 $0xFFFFFC00, v8;
	v1 =	vor.u32 v1, v6;
	[tilespmem:$0x3680] =	vst v0  }
0x3ef: {  	v62 =	vshll.u32 v54, $0x3;
	v8 =	vand.u32 $0xFFFFFC00, v45;
	v3 =	vor.u32 v3, v44;
	[tilespmem:$0x3690] =	vst v1  }
0x3f0: {  	v53 =	vld [tilespmem:$0x3730];
	v4 =	vand.u32 $0xFFFFFC00, v42;
	v46 =	vor.u32 v5, v8;
	v5 =	vand.u32 $0xFFFFFC00, v51;
	[tilespmem:$0x36B0] =	vst v3  }
0x3f1: {  	v2 =	vor.u32 v2, v4;
	v0 =	vand.u32 $0xFFFFFC00, v47;
	v1 =	vand.u32 $0xFFFFFC00, v50;
	[tilespmem:$0x36C0] =	vst v46  }
0x3f2: {  	v57 =	vld [tilespmem:$0x3750];
	v3 =	vshll.u32 v10, $0x3;
	v0 =	vor.u32 v49, v0;
	[tilespmem:$0x36A0] =	vst v2;
	v2 =	vand.u32 $0x7F, v43  }
0x3f3: {  	v3 =	vand.u32 $0xFFFFFC00, v3;
	v1 =	vor.u32 v2, v1;
	v2 =	vor.u32 v52, v5;
	[tilespmem:$0x36D0] =	vst v0  }
0x3f4: {  	v60 =	vld [tilespmem:$0x3760];
	v0 =	vor.u32 v55, v3;
	v3 =	vand.u32 $0xFFFFFC00, v56;
	[tilespmem:$0x36E0] =	vst v1;
	v1 =	vand.u32 $0x7F, v48  }
0x3f5: {  	v61 =	vld [tilespmem:$0x3770];
	v4 =	vand.u32 $0xFFFFFC00, v58;
	[tilespmem:$0x36F0] =	vst v2;
	v1 =	vor.u32 v1, v3;
	v3 =	vshll.u32 v53, $0x3  }
0x3f6: {  	v2 =	vor.u32 v59, v4;
	[tilespmem:$0x3700] =	vst v0;
	v0 =	vand.u32 $0xFFFFFC00, v3;
	v3 =	vand.u32 $0x7F, v53  }
0x3f7: {  	v63 =	vand.u32 $0x7F, v57;
	[tilespmem:$0x3720] =	vst v2;
	v0 =	vor.u32 v3, v0;
	v3 =	vshll.u32 v57, $0x3  }
0x3f8: {  	v2 =	vand.u32 $0x7F, v54;
	[tilespmem:$0x3710] =	vst v1;
	v1 =	vand.u32 $0xFFFFFC00, v62;
	v3 =	vand.u32 $0xFFFFFC00, v3  }
0x3f9: {  	[tilespmem:$0x3730] =	vst v0;
	v0 =	vor.u32 v2, v1;
	v2 =	vshll.u32 v60, $0x3;
	v1 =	vor.u32 v63, v3  }
0x3fa: {  	s31 =	simm.s32 $0x0;
	[tilespmem:$0x3740] =	vst v0;
	v0 =	vand.u32 $0xFFFFFC00, v2;
	v2 =	vand.u32 $0x7F, v60;
	v3 =	vshll.u32 v61, $0x3  }
0x3fb: {  	s8 =	sor.u32 s7, s31;
	[tilespmem:$0x3750] =	vst v1;
	v0 =	vor.u32 v2, v0;
	v1 =	vand.u32 $0xFFFFFC00, v3;
	v2 =	vand.u32 $0x7F, v61  }
0x3fc: {  	p2 =	por $0x0, $0x0;
	s10 =	simm.s32 $0x0;
	p1 =	seq.s32 s8, $0x0;
	[tilespmem:$0x3760] =	vst v0;
	v0 =	vor.u32 v2, v1  }
0x3fd: {  	s13 =	sand.u32 $0xF0, s10;
	p1 =	por !p2, !p1;
	[tilespmem:$0x3770] =	vst v0  }
0x3fe: {  	s12 =	simm.s32 $0x1;
	p1 =	por !p1, !p1;
	v0 =	vld [tilespmem:s13+$0x3680]  }
0x3ff: {  	s9 =	simm.s32 $0x1;
	s12 =	simm.s32 @!p1 $0x0  }
0x400: {  	s11 =	simm.s32 $0x0;
	s8 =	simm.s32 $0x3880;
	s14 =	ssub.s32 s7, s12  }
0x401: {  	s12 =	simm.s32 $0x2;
	s13 =	sshll.u32 s14, $0x12;
	s14 =	simm.s32 $0x0  }
.LBB2_61:
0x402: {  	p1 =	sne.s32 s12, $0x7F;
	s15 =	sor.u32 s7, s11;
	s13 =	sadd.s32 s14, s13  }
0x403: {  	p3 =	sne.s32 s11, $0x0;
	s10 =	sadd.s32 $0x10, s10;
	p2 =	seq.s32 s15, $0x0;
	v0 =	vadd.s32 s13, v0  }
.Ltmp34:
0x404: {  	s13 =	sand.u32 $0xF0, s10;
	p2 =	por !p3, !p2;
	[tilespmem:s8+$0x0] =	vst v0;
	(pc) =	sbr.rel @p1 .LBB2_61-.Ltmp34, $4  }
0x405: {  	s14 =	smov.u32 s11;
	p2 =	por !p2, !p2;
	v0 =	vld [tilespmem:s13+$0x3680];
	s13 =	simm.s32 $0x1  }
0x406: {  	s13 =	simm.s32 @!p2 $0x0  }
0x407: {  	s11 =	sshrl.u32 s12, $0x4;
	s8 =	sadd.s32 $0x10, s8;
	s13 =	ssub.s32 s7, s13  }
0x408: {  	s12 =	sadd.s32 $0x1, s12;
	s14 =	sshll.u32 s14, $0x7;
	s13 =	sshll.u32 s13, $0x12  }
0x409: {  	s12 =	sor.u32 s7, s11;
	s13 =	sadd.s32 s14, s13  }
0x40a: {  	p2 =	sne.s32 s11, $0x0;
	s10 =	sadd.s32 $0x10, s10;
	p1 =	seq.s32 s12, $0x0;
	v0 =	vadd.s32 s13, v0  }
0x40b: {  	s10 =	sand.u32 $0xF0, s10;
	p1 =	por !p2, !p1;
	[tilespmem:s8+$0x0] =	vst v0  }
0x40c: {  	p1 =	por !p1, !p1;
	v0 =	vld [tilespmem:s10+$0x3680]  }
0x40d: {  	s9 =	simm.s32 @!p1 $0x0  }
0x40e: {  	s15 =	ssub.s32 s7, s9  }
0x40f: {  	s16 =	sshll.u32 s11, $0x7;
	s7 =	sshll.u32 s15, $0x12  }
0x410: {  	s7 =	sadd.s32 s16, s7  }
0x411: {  	s17 =	sadd.s32 $0x10, s8;
	v0 =	vadd.s32 s7, v0  }
0x412: {  	s18 =	simm.s32 $0x3880;
	[tilespmem:s17+$0x0] =	vst v0  }
0x413: {  	s19 =	simm.s32 $0x4080;
	s8 =	simm.s32 $0x80;
	_ =	strace $0x9000006A  }
0x414: {  	[tilespmem:s19], [sflag:$0x1] =	stream.indirect.gather [hbm4b:s6+s8], $0x1, s18, s8, $0xb8;
	[tilespmem:$0x52F0] =	vst v63  }
0x415: {  	s20 =	simm.s32 $0x3900;
	s7 =	simm.s32 $0x4100  }
0x416: {  	[tilespmem:s7], [sflag:$0x1] =	stream.indirect.gather [hbm4b:s6+s8], $0x1, s20, s8, $0xb8;
	[tilespmem:$0x52F0] =	vst v63  }
0x417: {  	s21 =	simm.s32 $0x3980;
	s22 =	simm.s32 $0x4180  }
0x418: {  	[tilespmem:s22], [sflag:$0x1] =	stream.indirect.gather [hbm4b:s6+s8], $0x1, s21, s8, $0xb8;
	[tilespmem:$0x52F0] =	vst v63  }
0x419: {  	s23 =	simm.s32 $0x3A00;
	s24 =	simm.s32 $0x4200  }
0x41a: {  	[tilespmem:s24], [sflag:$0x1] =	stream.indirect.gather [hbm4b:s6+s8], $0x1, s23, s8, $0xb8;
	[tilespmem:$0x52F0] =	vst v63  }
0x41b: {  	s25 =	simm.s32 $0x3A80;
	s26 =	simm.s32 $0x4280  }
0x41c: {  	[tilespmem:s26], [sflag:$0x1] =	stream.indirect.gather [hbm4b:s6+s8], $0x1, s25, s8, $0xb8;
	[tilespmem:$0x52F0] =	vst v63  }
0x41d: {  	s28 =	simm.s32 $0x3B00;
	s29 =	simm.s32 $0x4300  }
0x41e: {  	[tilespmem:s29], [sflag:$0x1] =	stream.indirect.gather [hbm4b:s6+s8], $0x1, s28, s8, $0xb8;
	[tilespmem:$0x52F0] =	vst v63  }
0x41f: {  	s30 =	simm.s32 $0x3B80;
	s31 =	simm.s32 $0x4380  }
0x420: {  	[tilespmem:s31], [sflag:$0x1] =	stream.indirect.gather [hbm4b:s6+s8], $0x1, s30, s8, $0xb8;
	[tilespmem:$0x52F0] =	vst v63  }
0x421: {  	s11 =	simm.s32 $0x4400;
	s10 =	simm.s32 $0x3C00  }
0x422: {  	[tilespmem:s11], [sflag:$0x1] =	stream.indirect.gather [hbm4b:s6+s8], $0x1, s10, s8, $0xb8;
	[tilespmem:$0x52F0] =	vst v63  }
0x423: {  	s12 =	simm.s32 $0x3C80;
	s13 =	simm.s32 $0x4480  }
0x424: {  	[tilespmem:s13], [sflag:$0x1] =	stream.indirect.gather [hbm4b:s6+s8], $0x1, s12, s8, $0xb8;
	[tilespmem:$0x52F0] =	vst v63  }
0x425: {  	s14 =	simm.s32 $0x3D00;
	s15 =	simm.s32 $0x4500  }
0x426: {  	[tilespmem:s15], [sflag:$0x1] =	stream.indirect.gather [hbm4b:s6+s8], $0x1, s14, s8, $0xb8;
	[tilespmem:$0x52F0] =	vst v63  }
0x427: {  	s16 =	simm.s32 $0x3D80;
	s17 =	simm.s32 $0x4580  }
0x428: {  	[tilespmem:s17], [sflag:$0x1] =	stream.indirect.gather [hbm4b:s6+s8], $0x1, s16, s8, $0xb8;
	[tilespmem:$0x52F0] =	vst v63  }
0x429: {  	s18 =	simm.s32 $0x3E00;
	s19 =	simm.s32 $0x4600  }
0x42a: {  	[tilespmem:s19], [sflag:$0x1] =	stream.indirect.gather [hbm4b:s6+s8], $0x1, s18, s8, $0xb8;
	[tilespmem:$0x52F0] =	vst v63  }
0x42b: {  	s20 =	simm.s32 $0x3E80;
	s21 =	simm.s32 $0x4680  }
0x42c: {  	[tilespmem:s21], [sflag:$0x1] =	stream.indirect.gather [hbm4b:s6+s8], $0x1, s20, s8, $0xb8;
	[tilespmem:$0x52F0] =	vst v63  }
0x42d: {  	s22 =	simm.s32 $0x3F00;
	s23 =	simm.s32 $0x4700  }
0x42e: {  	[tilespmem:s23], [sflag:$0x1] =	stream.indirect.gather [hbm4b:s6+s8], $0x1, s22, s8, $0xb8;
	[tilespmem:$0x52F0] =	vst v63  }
0x42f: {  	s24 =	simm.s32 $0x3F80;
	s25 =	simm.s32 $0x4780  }
0x430: {  	[tilespmem:s25], [sflag:$0x1] =	stream.indirect.gather [hbm4b:s6+s8], $0x1, s24, s8, $0xb8;
	[tilespmem:$0x52F0] =	vst v63  }
0x431: {  	s26 =	simm.s32 $0x4000;
	s28 =	simm.s32 $0x4800  }
0x432: {  	[tilespmem:s28], [sflag:$0x1] =	stream.indirect.gather [hbm4b:s6+s8], $0x1, s26, s8, $0xb8;
	[tilespmem:$0x52F0] =	vst v63  }
0x433: {  	s29 =	simm.s32 $0x1;
	_ =	strace $0x8000006B  }
0x434: {  	_ =	swait.ge [sflag:s29], $0x80  }
0x435: {  	[sflag:s29] =	ssyncset.done $0x0  }
0x436: {  	[sflag:s29] =	ssyncadd.s32 $0xFFFFFF80  }
0x437: {  	_ =	swait.ge [sflag:s29], $0x80  }
0x438: {  	[sflag:s29] =	ssyncset.done $0x0  }
0x439: {  	[sflag:s29] =	ssyncadd.s32 $0xFFFFFF80  }
0x43a: {  	_ =	swait.ge [sflag:s29], $0x80  }
0x43b: {  	[sflag:s29] =	ssyncset.done $0x0  }
0x43c: {  	[sflag:s29] =	ssyncadd.s32 $0xFFFFFF80  }
0x43d: {  	_ =	swait.ge [sflag:s29], $0x80  }
0x43e: {  	[sflag:s29] =	ssyncset.done $0x0  }
0x43f: {  	[sflag:s29] =	ssyncadd.s32 $0xFFFFFF80  }
0x440: {  	_ =	swait.ge [sflag:s29], $0x80  }
0x441: {  	[sflag:s29] =	ssyncset.done $0x0  }
0x442: {  	[sflag:s29] =	ssyncadd.s32 $0xFFFFFF80  }
0x443: {  	_ =	swait.ge [sflag:s29], $0x80  }
0x444: {  	[sflag:s29] =	ssyncset.done $0x0  }
0x445: {  	[sflag:s29] =	ssyncadd.s32 $0xFFFFFF80  }
0x446: {  	_ =	swait.ge [sflag:s29], $0x80  }
0x447: {  	[sflag:s29] =	ssyncset.done $0x0  }
0x448: {  	[sflag:s29] =	ssyncadd.s32 $0xFFFFFF80  }
0x449: {  	_ =	swait.ge [sflag:s29], $0x80  }
0x44a: {  	[sflag:s29] =	ssyncset.done $0x0  }
0x44b: {  	[sflag:s29] =	ssyncadd.s32 $0xFFFFFF80  }
0x44c: {  	_ =	swait.ge [sflag:s29], $0x80  }
0x44d: {  	[sflag:s29] =	ssyncset.done $0x0  }
0x44e: {  	[sflag:s29] =	ssyncadd.s32 $0xFFFFFF80  }
0x44f: {  	_ =	swait.ge [sflag:s29], $0x80  }
0x450: {  	[sflag:s29] =	ssyncset.done $0x0  }
0x451: {  	[sflag:s29] =	ssyncadd.s32 $0xFFFFFF80  }
0x452: {  	_ =	swait.ge [sflag:s29], $0x80  }
0x453: {  	[sflag:s29] =	ssyncset.done $0x0  }
0x454: {  	[sflag:s29] =	ssyncadd.s32 $0xFFFFFF80  }
0x455: {  	_ =	swait.ge [sflag:s29], $0x80  }
0x456: {  	[sflag:s29] =	ssyncset.done $0x0  }
0x457: {  	[sflag:s29] =	ssyncadd.s32 $0xFFFFFF80  }
0x458: {  	_ =	swait.ge [sflag:s29], $0x80  }
0x459: {  	[sflag:s29] =	ssyncset.done $0x0  }
0x45a: {  	[sflag:s29] =	ssyncadd.s32 $0xFFFFFF80  }
0x45b: {  	_ =	swait.ge [sflag:s29], $0x80  }
0x45c: {  	[sflag:s29] =	ssyncset.done $0x0  }
0x45d: {  	[sflag:s29] =	ssyncadd.s32 $0xFFFFFF80  }
0x45e: {  	_ =	swait.ge [sflag:s29], $0x80  }
0x45f: {  	[sflag:s29] =	ssyncset.done $0x0  }
0x460: {  	[sflag:s29] =	ssyncadd.s32 $0xFFFFFF80  }
0x461: {  	_ =	swait.ge [sflag:s29], $0x80  }
0x462: {  	[sflag:s29] =	ssyncset.done $0x0  }
0x463: {  	[sflag:s29] =	ssyncadd.s32 $0xFFFFFF80  }
0x464: {  	_ =	strace $0x9000006B  }
0x465: {  	_ =	strace $0x8000006C  }
0x466: {  	v15 =	vld [tilespmem:$0x3780]  }
0x467: {  	v14 =	vld [tilespmem:$0x3790]  }
0x468: {  	v13 =	vld [tilespmem:$0x37A0]  }
0x469: {  	v12 =	vld [tilespmem:$0x37B0]  }
0x46a: {  	v11 =	vld [tilespmem:$0x37C0]  }
0x46b: {  	v10 =	vld [tilespmem:$0x37D0]  }
0x46c: {  	v9 =	vld [tilespmem:$0x37E0]  }
0x46d: {  	v8 =	vld [tilespmem:$0x37F0]  }
0x46e: {  	v7 =	vld [tilespmem:$0x3800]  }
0x46f: {  	v6 =	vld [tilespmem:$0x3810]  }
0x470: {  	v5 =	vld [tilespmem:$0x3820]  }
0x471: {  	v4 =	vld [tilespmem:$0x3830]  }
0x472: {  	v16 =	vld [tilespmem:s7+$0xFFFFFF80]  }
0x473: {  	v3 =	vld [tilespmem:$0x3840]  }
0x474: {  	v17 =	vld [tilespmem:s7+$0xFFFFFF90]  }
0x475: {  	v2 =	vld [tilespmem:$0x3850]  }
0x476: {  	v18 =	vld [tilespmem:s7+$0xFFFFFFA0]  }
0x477: {  	v1 =	vld [tilespmem:$0x3860];
	v16 =	vmul.f32 v15, v16  }
0x478: {  	v19 =	vld [tilespmem:s7+$0xFFFFFFB0]  }
0x479: {  	v0 =	vld [tilespmem:$0x3870];
	v17 =	vmul.f32 v14, v17;
	v16 =	vadd.f32 $0.0e+00, v16  }
0x47a: {  	v20 =	vld [tilespmem:s7+$0xFFFFFFC0]  }
0x47b: {  	s30 =	simm.s32 $0x4200;
	v21 =	vld [tilespmem:s7+$0xFFFFFFD0];
	v16 =	vadd.f32 v17, v16;
	v17 =	vmul.f32 v13, v18  }
0x47c: {  	v24 =	vld [tilespmem:s30+$0xFFFFFF80]  }
0x47d: {  	v25 =	vld [tilespmem:s30+$0xFFFFFF90];
	v16 =	vadd.f32 v17, v16;
	v17 =	vmul.f32 v12, v19  }
0x47e: {  	v22 =	vld [tilespmem:s7+$0xFFFFFFE0]  }
0x47f: {  	v23 =	vld [tilespmem:s7+$0xFFFFFFF0];
	v16 =	vadd.f32 v17, v16;
	v17 =	vmul.f32 v11, v20  }
0x480: {  	v26 =	vld [tilespmem:s30+$0xFFFFFFA0]  }
0x481: {  	v24 =	vmul.f32 v15, v24;
	v18 =	vld [tilespmem:s7+$0x0];
	v16 =	vadd.f32 v17, v16;
	v17 =	vmul.f32 v10, v21  }
0x482: {  	v27 =	vld [tilespmem:s30+$0xFFFFFFB0];
	v25 =	vmul.f32 v14, v25  }
0x483: {  	v24 =	vadd.f32 $0.0e+00, v24;
	v19 =	vld [tilespmem:s7+$0x10];
	v16 =	vadd.f32 v17, v16;
	v17 =	vmul.f32 v9, v22  }
0x484: {  	v28 =	vld [tilespmem:s30+$0xFFFFFFC0];
	v23 =	vmul.f32 v8, v23  }
0x485: {  	v29 =	vld [tilespmem:s7+$0x60];
	v24 =	vadd.f32 v25, v24;
	v25 =	vmul.f32 v13, v26;
	v16 =	vadd.f32 v17, v16  }
0x486: {  	v20 =	vld [tilespmem:s7+$0x20];
	v18 =	vmul.f32 v7, v18  }
0x487: {  	v26 =	vld [tilespmem:s30+$0xFFFFFFD0];
	v16 =	vadd.f32 v23, v16;
	v23 =	vadd.f32 v25, v24;
	v24 =	vmul.f32 v12, v27  }
0x488: {  	v21 =	vld [tilespmem:s7+$0x30];
	v19 =	vmul.f32 v6, v19  }
0x489: {  	v22 =	vld [tilespmem:s7+$0x40];
	v16 =	vadd.f32 v18, v16;
	v18 =	vadd.f32 v24, v23;
	v23 =	vmul.f32 v11, v28  }
0x48a: {  	s6 =	simm.s32 $0x4300;
	v17 =	vld [tilespmem:s7+$0x50]  }
0x48b: {  	v20 =	vmul.f32 v5, v20;
	v16 =	vadd.f32 v19, v16;
	v18 =	vadd.f32 v23, v18;
	v23 =	vld [tilespmem:s6+$0xFFFFFF80]  }
0x48c: {  	v25 =	vld [tilespmem:s30+$0xFFFFFFE0]  }
0x48d: {  	v21 =	vmul.f32 v4, v21;
	v16 =	vadd.f32 v20, v16;
	v20 =	vld [tilespmem:s6+$0xFFFFFF90]  }
0x48e: {  	v19 =	vmul.f32 v10, v26;
	v26 =	vld [tilespmem:s30+$0x10]  }
0x48f: {  	v22 =	vmul.f32 v3, v22;
	v24 =	vld [tilespmem:s30+$0xFFFFFFF0];
	v16 =	vadd.f32 v21, v16  }
0x490: {  	v27 =	vld [tilespmem:s7+$0x70];
	v23 =	vmul.f32 v15, v23  }
0x491: {  	v17 =	vmul.f32 v2, v17;
	v18 =	vadd.f32 v19, v18;
	v16 =	vadd.f32 v22, v16  }
0x492: {  	v28 =	vld [tilespmem:s30+$0x0];
	v19 =	vmul.f32 v9, v25;
	v23 =	vadd.f32 $0.0e+00, v23;
	v20 =	vmul.f32 v14, v20  }
0x493: {  	v16 =	vadd.f32 v17, v16;
	v17 =	vmul.f32 v6, v26;
	v26 =	vmul.f32 v1, v29  }
0x494: {  	v18 =	vadd.f32 v19, v18;
	v19 =	vmul.f32 v8, v24  }
0x495: {  	v25 =	vld [tilespmem:s30+$0x20];
	v20 =	vadd.f32 v20, v23;
	v23 =	vmul.f32 v0, v27;
	v16 =	vadd.f32 v26, v16  }
0x496: {  	v21 =	vld [tilespmem:s6+$0xFFFFFFA0]  }
0x497: {  	v24 =	vld [tilespmem:s30+$0x30];
	v22 =	vmul.f32 v7, v28;
	v18 =	vadd.f32 v19, v18;
	v30 =	vadd.f32 v23, v16  }
0x498: {  	v19 =	vld [tilespmem:s6+$0xFFFFFFB0]  }
0x499: {  	v28 =	vld [tilespmem:s30+$0x40];
	v18 =	vadd.f32 v22, v18;
	(xrf2) =	vadd.scan.msk.f32 $0xffff, v30  }
0x49a: {  	v22 =	vld [tilespmem:s6+$0xFFFFFFC0]  }
0x49b: {  	v25 =	vmul.f32 v5, v25;
	v29 =	vld [tilespmem:s30+$0x50];
	v21 =	vmul.f32 v13, v21;
	v18 =	vadd.f32 v17, v18  }
0x49c: {  	v27 =	vld [tilespmem:s6+$0xFFFFFFD0];
	v24 =	vmul.f32 v4, v24  }
0x49d: {  	v20 =	vadd.f32 v21, v20;
	v19 =	vmul.f32 v12, v19;
	v21 =	vld [tilespmem:s30+$0x60];
	v26 =	vadd.f32 v25, v18  }
0x49e: {  	v28 =	vmul.f32 v3, v28;
	v25 =	vld [tilespmem:s6+$0xFFFFFFE0]  }
0x49f: {  	v18 =	vld [tilespmem:s30+$0x70];
	v19 =	vadd.f32 v19, v20;
	v22 =	vmul.f32 v11, v22;
	v31 =	vadd.f32 v24, v26  }
0x4a0: {  	v17 =	vimm.f32 $0.0e+00;
	v23 =	vld [tilespmem:s6+$0xFFFFFFF0];
	v20 =	vmul.f32 v2, v29  }
0x4a1: {  	s9 =	simm.s32 $0x2;
	s31 =	simm.s32 $0x0;
	s10 =	simm.s32 $0x4400;
	v27 =	vmul.f32 v10, v27;
	v24 =	vld [tilespmem:s6+$0x0];
	v26 =	vadd.f32 v22, v19;
	v22 =	vadd.f32 v28, v31  }
0x4a2: {  	s11 =	simm.s32 $0x4;
	s8 =	simm.s32 $0x1;
	s7 =	simm.s32 $0x3;
	v16 =	vlaneseq.u32;
	v19 =	vmov s31;
	v28 =	vld [tilespmem:s10+$0xFFFFFF80];
	v21 =	vmul.f32 v1, v21  }
.LBB2_63:
0x4a3: {  	p1 =	sne.s32 s11, $0x7;
	v26 =	vadd.f32 v27, v26;
	v25 =	vmul.f32 v9, v25;
	v27 =	vld [tilespmem:s6+$0x10];
	v20 =	vadd.f32 v20, v22;
	v22, _, _ =	vpop (xrf2);
	s12 =	smov.u32 s7;
	s7 =	smov.u32 s11  }
0x4a4: {  	vm0 =	veq.s32 v19, v16;
	v29 =	vld [tilespmem:s10+$0xFFFFFF90];
	v18 =	vmul.f32 v0, v18;
	v19 =	vbroadcast v22, $0xF  }
0x4a5: {  	v22 =	vadd.f32 v25, v26;
	v23 =	vmul.f32 v8, v23;
	v25 =	vld [tilespmem:s6+$0x20];
	v20 =	vadd.f32 v21, v20  }
0x4a6: {  	v21 =	vld [tilespmem:s10+$0xFFFFFFA0];
	v24 =	vmul.f32 v7, v24;
	v17 =	vsel vm0, v19, v17  }
0x4a7: {  	v19 =	vmul.f32 v15, v28;
	v22 =	vadd.f32 v23, v22;
	v23 =	vld [tilespmem:s6+$0x30];
	v18 =	vadd.f32 v18, v20  }
0x4a8: {  	v20 =	vld [tilespmem:s10+$0xFFFFFFB0];
	v26 =	vmul.f32 v6, v27  }
0x4a9: {  	v19 =	vadd.f32 $0.0e+00, v19;
	v27 =	vmul.f32 v14, v29;
	v22 =	vadd.f32 v24, v22;
	v24 =	vld [tilespmem:s6+$0x40];
	(xrf2) =	vadd.scan.msk.f32 $0xffff, v18  }
0x4aa: {  	v18 =	vld [tilespmem:s10+$0xFFFFFFC0];
	v25 =	vmul.f32 v5, v25  }
0x4ab: {  	v19 =	vadd.f32 v27, v19;
	v21 =	vmul.f32 v13, v21;
	v22 =	vadd.f32 v26, v22;
	v26 =	vld [tilespmem:s6+$0x50]  }
0x4ac: {  	v27 =	vld [tilespmem:s10+$0xFFFFFFD0];
	v23 =	vmul.f32 v4, v23  }
0x4ad: {  	v19 =	vadd.f32 v21, v19;
	v20 =	vmul.f32 v12, v20;
	v21 =	vadd.f32 v25, v22;
	v29 =	vld [tilespmem:s6+$0x60]  }
.Ltmp35:
0x4ae: {  	v25 =	vld [tilespmem:s10+$0xFFFFFFE0];
	v22 =	vmul.f32 v3, v24;
	(pc) =	sbr.rel @p1 .LBB2_63-.Ltmp35, $4  }
0x4af: {  	v19 =	vadd.f32 v20, v19;
	v24 =	vmul.f32 v11, v18;
	v21 =	vadd.f32 v23, v21;
	v18 =	vld [tilespmem:s6+$0x70];
	s6 =	smov.u32 s10  }
0x4b0: {  	v23 =	vld [tilespmem:s10+$0xFFFFFFF0];
	v20 =	vmul.f32 v2, v26  }
0x4b1: {  	s10 =	sadd.s32 $0x100, s10;
	v26 =	vadd.f32 v24, v19;
	v27 =	vmul.f32 v10, v27;
	v24 =	vld [tilespmem:s6+$0x0];
	v22 =	vadd.f32 v22, v21  }
0x4b2: {  	s11 =	sadd.s32 $0x1, s11;
	v19 =	vmov s8;
	s8 =	smov.u32 s9;
	s9 =	smov.u32 s12;
	v28 =	vld [tilespmem:s10+$0xFFFFFF80];
	v21 =	vmul.f32 v1, v29  }
0x4b3: {  	_ = 	snop  }
0x4b4: {  	v29 =	vld [tilespmem:s10+$0xFFFFFF90];
	_ =	sdelay $0x1  }
0x4b5: {  	v30 =	vld [tilespmem:s10+$0xFFFFFFA0]  }
0x4b6: {  	v15 =	vmul.f32 v15, v28  }
0x4b7: {  	v47 =	vld [tilespmem:s10+$0xFFFFFFB0]  }
0x4b8: {  	v14 =	vmul.f32 v14, v29;
	v15 =	vadd.f32 $0.0e+00, v15  }
0x4b9: {  	v48 =	vld [tilespmem:s10+$0xFFFFFFC0]  }
0x4ba: {  	v13 =	vmul.f32 v13, v30;
	v14 =	vadd.f32 v14, v15  }
0x4bb: {  	v49 =	vld [tilespmem:s10+$0xFFFFFFD0]  }
0x4bc: {  	v12 =	vmul.f32 v12, v47;
	v13 =	vadd.f32 v13, v14  }
0x4bd: {  	v50 =	vld [tilespmem:s10+$0xFFFFFFE0]  }
0x4be: {  	v11 =	vmul.f32 v11, v48;
	v12 =	vadd.f32 v12, v13  }
0x4bf: {  	v51 =	vld [tilespmem:s10+$0xFFFFFFF0]  }
0x4c0: {  	v10 =	vmul.f32 v10, v49;
	v11 =	vadd.f32 v11, v12  }
0x4c1: {  	v52 =	vadd.f32 v27, v26;
	v53 =	vmul.f32 v9, v25;
	v54 =	vld [tilespmem:s10+$0x0]  }
0x4c2: {  	v55 =	vld [tilespmem:s6+$0x10];
	v56 =	vmul.f32 v9, v50;
	v10 =	vadd.f32 v10, v11  }
0x4c3: {  	v59 =	vld [tilespmem:s10+$0x10];
	v57 =	vadd.f32 v53, v52;
	v58 =	vmul.f32 v8, v23  }
0x4c4: {  	v60 =	vld [tilespmem:s6+$0x20];
	v61 =	vmul.f32 v8, v51;
	v9 =	vadd.f32 v56, v10  }
0x4c5: {  	v63 =	vld [tilespmem:s10+$0x20];
	v62 =	vmul.f32 v7, v24;
	v11 =	vadd.f32 v58, v57  }
0x4c6: {  	v24 =	vld [tilespmem:s6+$0x30];
	v27 =	vmul.f32 v7, v54;
	v8 =	vadd.f32 v61, v9  }
0x4c7: {  	v28 =	vmul.f32 v6, v55;
	v29 =	vld [tilespmem:s10+$0x30];
	v10 =	vadd.f32 v62, v11  }
0x4c8: {  	v30 =	vld [tilespmem:s6+$0x40];
	v31 =	vmul.f32 v6, v59;
	v7 =	vadd.f32 v27, v8  }
0x4c9: {  	v33 =	vld [tilespmem:s10+$0x40];
	v32 =	vmul.f32 v5, v60;
	v9 =	vadd.f32 v28, v10  }
0x4ca: {  	v34 =	vld [tilespmem:s6+$0x50];
	v35 =	vmul.f32 v5, v63;
	v6 =	vadd.f32 v31, v7  }
0x4cb: {  	v37 =	vld [tilespmem:s10+$0x50];
	v36 =	vmul.f32 v4, v24;
	v8 =	vadd.f32 v32, v9  }
0x4cc: {  	v38 =	vld [tilespmem:s6+$0x60];
	v39 =	vmul.f32 v4, v29;
	v5 =	vadd.f32 v35, v6  }
0x4cd: {  	v41 =	vld [tilespmem:s10+$0x60];
	v40 =	vmul.f32 v3, v30;
	v7 =	vadd.f32 v36, v8  }
0x4ce: {  	v42 =	vld [tilespmem:s6+$0x70];
	v43 =	vmul.f32 v3, v33;
	v4 =	vadd.f32 v39, v5  }
0x4cf: {  	v46 =	vld [tilespmem:s10+$0x70];
	v45 =	vmul.f32 v2, v34;
	v6 =	vadd.f32 v40, v7  }
0x4d0: {  	v44 =	vadd.f32 v20, v22;
	v48 =	vmul.f32 v2, v37;
	v3 =	vadd.f32 v43, v4  }
0x4d1: {  	v47 =	vmul.f32 v0, v18;
	v50 =	vmul.f32 v1, v38;
	v6 =	vadd.f32 v45, v6  }
0x4d2: {  	v49 =	vadd.f32 v21, v44;
	v51 =	vmul.f32 v1, v41;
	v2 =	vadd.f32 v48, v3  }
0x4d3: {  	v53 =	vmul.f32 v0, v42;
	v5 =	vadd.f32 v50, v6  }
0x4d4: {  	v54 =	vmul.f32 v0, v46;
	v52 =	vadd.f32 v47, v49;
	v1 =	vadd.f32 v51, v2  }
0x4d5: {  	v55 =	vadd.f32 v53, v5  }
0x4d6: {  	(xrf2) =	vadd.scan.msk.f32 $0xffff, v52;
	v0 =	vadd.f32 v54, v1  }
0x4d7: {  	(xrf2) =	vadd.scan.msk.f32 $0xffff, v55  }
0x4d8: {  	(xrf2) =	vadd.scan.msk.f32 $0xffff, v0;
	_ =	sdelay $0x6  }
0x4d9: {  	v56, _, _ =	vpop (xrf2)  }
0x4da: {  	vm0 =	veq.s32 v19, v16;
	v60 =	vmov s9;
	v57, _, _ =	vpop (xrf2);
	v0 =	vbroadcast v56, $0xF  }
0x4db: {  	v63 =	vmov s7;
	v58 =	vmov s8;
	v1 =	vbroadcast v57, $0xF;
	v59, _, _ =	vpop (xrf2)  }
0x4dc: {  	vm13 =	veq.s32 v58, v16;
	v0 =	vsel vm0, v0, v17;
	v61 =	vbroadcast v59, $0xF;
	v62, _, _ =	vpop (xrf2)  }
0x4dd: {  	vm14 =	veq.s32 v60, v16;
	v0 =	vsel vm13, v1, v0;
	v3 =	vbroadcast v62, $0xF  }
0x4de: {  	vm15 =	veq.s32 v63, v16;
	v0 =	vsel vm14, v61, v0  }
0x4df: {  	v0 =	vsel vm15, v3, v0  }
0x4e0: {  	_ =	strace $0x9000006C;
	[tilespmem:$0x5180] =	vst v0  }
0x4e1: {  	s30 =	simm.s32 $0x5180;
	s31 =	simm.s32 $0x2;
	_ =	strace $0x8000006D  }
0x4e2: {  	[spmem:s5] =	stream.linear.scatter [tilespmem:s30], [sflag:$0x2], $0x8, $0x200038;
	[tilespmem:$0x52F0] =	vst v63  }
0x4e3: {  	_ =	swait.ge [sflag:s31], $0x8  }
0x4e4: {  	[sflag:s31] =	ssyncset.done $0x0  }
0x4e5: {  	[sflag:s31] =	ssyncadd.s32 $0xFFFFFFF8  }
0x4e6: {  	[bflag:$0x0] =	sbarrier.arrive $0xFFFF  }
0x4e7: {  	_ =	strace $0x9000006D  }
0x4e8: {  	_ =	sfence.sel @p0 $0x180000  }
0x4e9: {  	[bflag:$0x0] =	sbarrier.arrive @p0 $0xFFFF  }
0x4ea: {  	_ =	strace @p0 $0x90000047  }
0x4eb: {  	s4 =	sshrl.u32 @!p0 s4, $0x3;
	s5 =	simm.s32 @!p0 $0x1C02;
	[bflag:$0x2] =	sbarrier.arrive @p0 $0xFFFF  }
0x4ec: {  	[hbm:s2], [sflag:s5] =	dma.local @!p0 [spmem:s4], $0x10  }
0x4ed: {  	s2 =	simm.s32 @!p0 $0x2  }
0x4ee: {  	_ =	swait.ge @!p0 [sflag:s2], $0x10  }
0x4ef: {  	[sflag:s2] =	ssyncset.done @!p0 $0x0  }
0x4f0: {  	s3 =	sshrl.u32 @!p0 s3, $0x3;
	[sflag:s2] =	ssyncadd.s32 @!p0 $0xFFFFFFF0  }
0x4f1: {  	[hbm:s1], [sflag:s5] =	dma.local @!p0 [spmem:s3], $0x20  }
0x4f2: {  	_ =	swait.ge @!p0 [sflag:s2], $0x20  }
0x4f3: {  	[sflag:s2] =	ssyncset.done @!p0 $0x0  }
0x4f4: {  	[sflag:s2] =	ssyncadd.s32 @!p0 $0xFFFFFFE0  }
0x4f5: {  	_ =	sfence.sel @!p0 $0x180000  }
0x4f6: {  	[bflag:$0x0] =	sbarrier.arrive @!p0 $0xFFFF  }
0x4f7: {  	_ =	strace @!p0 $0x90000047  }
0x4f8: {  	s0 =	sadd.s32 @!p0 $0x100000, s0;
	[bflag:$0x2] =	sbarrier.arrive @!p0 $0xFFFF  }
0x4f9: {  	[sflag:s0] =	ssyncadd.tile.s32 @!p0 $0x1;
	_ =	shalt  }
.LBB2_42:
.Ltmp36:
0x4fa: {  	(pc) =	sbr.rel .LBB2_49-.Ltmp36, $2  }
0x4fb: {  	_ =	sdelay $0x2  }
0x4fc: {  	_ = 	snop  }
.LBB2_52:
.Ltmp37:
0x4fd: {  	(pc) =	sbr.rel .LBB2_59-.Ltmp37, $2  }
0x4fe: {  	_ =	sdelay $0x2  }
0x4ff: {  	_ = 	snop  }
.LBB2_44:
.Ltmp38:
0x500: {  	(pc) =	sbr.rel .LBB2_49-.Ltmp38, $2  }
0x501: {  	_ =	sdelay $0x2  }
0x502: {  	v3 =	vmov v8  }
.LBB2_54:
.Ltmp39:
0x503: {  	(pc) =	sbr.rel .LBB2_59-.Ltmp39, $2  }
0x504: {  	_ =	sdelay $0x2  }
0x505: {  	v3 =	vmov v8  }
.LBB2_46:
.Ltmp40:
0x506: {  	(pc) =	sbr.rel .LBB2_49-.Ltmp40, $2  }
0x507: {  	_ =	sdelay $0x2  }
0x508: {  	v7 =	vmov v4  }
.LBB2_56:
.Ltmp41:
0x509: {  	(pc) =	sbr.rel .LBB2_59-.Ltmp41, $2  }
0x50a: {  	_ =	sdelay $0x2  }
0x50b: {  	v7 =	vmov v4  }
.Lfunc_end2:
_tile_overlayer_lowered:
.L_overlay_start_2:
0x50c: {  	(tag) =	ssettag $0x2  }
0x50d: {  	s0 =	rddreg [dreg:$0x0];
	s2 =	stileid.u32  }
0x50e: {  	s1 =	rddreg [dreg:$0x1];
	p0 =	sne.s32 s2, $0x0  }
0x50f: {  	s3 =	rddreg [dreg:$0x2];
	[bflag:$0x3] =	sbarrier.arrive $0xFFFF;
	s2 =	simm.s32 @!p0 $0x1C02  }
0x510: {  	[timem:s3], [sflag:s2] =	dma.local @!p0 [hbm:s0], s1  }
0x511: {  	s0 =	simm.s32 @!p0 $0x2  }
0x512: {  	_ =	swait.ge @!p0 [sflag:s0], s1  }
0x513: {  	s1 =	ssub.s32 @!p0 $0x0, s1;
	[sflag:s0] =	ssyncset.done @!p0 $0x0  }
0x514: {  	[sflag:s0] =	ssyncadd.s32 @!p0 s1  }
0x515: {  	[bflag:$0x3] =	sbarrier.arrive $0xFFFF  }
0x516: {  	_ =	shalt  }

</sc_bundles>
